<compile_context>
chip_gen: v7x
topology: tpu7x:2x2x1
jax: 0.10.2.dev20260603
libtpu: 0.0.44.dev20260713+nightly
codegen_flags: <defaults>
</compile_context>

<pallas_src>
import functools

import jax
import jax.numpy as jnp
from jax import lax
from jax.experimental import pallas as pl
from jax.experimental.pallas import tpu as pltpu
from jax.experimental.pallas import tpu_sc as plsc


def kernel(positions, species, value_box, box, ref_species):
    n_batch, n_part = species.shape
    n_ref = ref_species.shape[0]

    base_log_prob = (-jnp.float32(n_ref)) * jnp.sum(jnp.log(box.astype(jnp.float32)))
    base_bits = jnp.full((16,), base_log_prob, dtype=jnp.float32).view(jnp.int32)
    aux = jnp.concatenate([ref_species.astype(jnp.int32), base_bits])

    info = plsc.get_sparse_core_info()
    nw = info.num_cores * info.num_subcores
    lanes = info.num_lanes
    rows_per_w = n_batch // nw
    n_chunks = 4
    chunk_rows = rows_per_w // n_chunks
    chunk_words = chunk_rows * n_part
    blocks_per_chunk = chunk_rows // lanes

    species_flat = species.reshape(n_batch * n_part)

    mesh = plsc.VectorSubcoreMesh(core_axis_name="c", subcore_axis_name="s")

    @functools.partial(
        pl.kernel,
        mesh=mesh,
        out_type=jax.ShapeDtypeStruct((n_batch,), jnp.float32),
        compiler_params=pltpu.CompilerParams(
            needs_layout_passes=False, disable_bounds_checks=True,
            skip_device_barrier=True),
        scratch_types=[
            pltpu.VMEM((chunk_words,), jnp.int32),
            pltpu.VMEM((chunk_words,), jnp.int32),
            pltpu.VMEM((rows_per_w,), jnp.float32),
            pltpu.VMEM((n_ref + 16,), jnp.int32),
            pltpu.VMEM((16 * 17,), jnp.int32),
            pltpu.SemaphoreType.DMA,
            pltpu.SemaphoreType.DMA,
            pltpu.SemaphoreType.DMA,
            pltpu.SemaphoreType.DMA,
        ],
    )
    def _sc(species_hbm, aux_hbm, out_hbm, sp0, sp1, out_v, aux_v, tr_v,
            sem0, sem1, sema, semo):
        wid = lax.axis_index("s") * info.num_cores + lax.axis_index("c")
        row0 = wid * rows_per_w
        word0 = row0 * n_part

        bufs = (sp0, sp1)
        sems = (sem0, sem1)

        def start_chunk(c):
            return pltpu.async_copy(
                species_hbm.at[pl.ds(word0 + c * chunk_words, chunk_words)],
                bufs[c % 2], sems[c % 2])

        cp_aux = pltpu.async_copy(aux_hbm, aux_v, sema)
        cps = {0: start_chunk(0), 1: start_chunk(1)}
        out_cps = []
        cp_aux.wait()

        lane = lax.iota(jnp.int32, 16)
        ones_v = jnp.full((16,), 1, dtype=jnp.int32)

        rsum = aux_v[pl.ds(0, lanes)]
        for j in range(1, n_ref // lanes):
            rsum = rsum + aux_v[pl.ds(j * lanes, lanes)]
        tr_v[pl.ds(0, lanes)] = rsum
        ref_total = jnp.zeros((16,), dtype=jnp.int32)
        ridx = jnp.zeros((16,), dtype=jnp.int32)
        for _ in range(lanes):
            ref_total = ref_total + plsc.load_gather(tr_v, [ridx])
            ridx = ridx + ones_v

        base_val = aux_v[pl.ds(n_ref, 16)].view(jnp.float32)
        neg_inf = jnp.full((16,), -jnp.inf, dtype=jnp.float32)
        lane17 = lane * 17

        for ci in range(n_chunks):
            buf = bufs[ci % 2]
            cps[ci].wait()

            def body(rb, carry, buf=buf, ci=ci):
                base = rb * (lanes * n_part)
                nvec = n_part // lanes
                ngrp = 8
                for r0 in range(0, lanes, ngrp):
                    ld = [[buf[pl.ds(base + (r0 + g) * n_part + c * lanes,
                                     lanes)]
                           for c in range(nvec)] for g in range(ngrp)]
                    p = [ld[g][0] for g in range(ngrp)]
                    for c in range(1, nvec):
                        for g in range(ngrp):
                            p[g] = p[g] + ld[g][c]
                    for g in range(ngrp):
                        tr_v[pl.ds((r0 + g) * 17, lanes)] = p[g]
                acc = jnp.zeros((16,), dtype=jnp.int32)
                tidx = lane17
                for _ in range(lanes):
                    acc = acc + plsc.load_gather(tr_v, [tidx])
                    tidx = tidx + ones_v
                ok = acc == ref_total
                out_v[pl.ds(ci * chunk_rows + rb * lanes, lanes)] = (
                    jnp.where(ok, base_val, neg_inf))
                return carry

            lax.fori_loop(0, blocks_per_chunk, body, 0)
            if ci + 2 < n_chunks:
                cps[ci + 2] = start_chunk(ci + 2)
            out_cps.append(pltpu.async_copy(
                out_v.at[pl.ds(ci * chunk_rows, chunk_rows)],
                out_hbm.at[pl.ds(row0 + ci * chunk_rows, chunk_rows)], semo))

        for cp in out_cps:
            cp.wait()

    return _sc(species_flat, aux)

# --- scband reference (transcript-rebuilt; emitter-appended) ---
"""Pipeline reference for scband-uniform-system-45397804318804 (READ-ONLY COPY).

The authoritative reference and input builder live on the scoring server;
editing this copy changes nothing except your own understanding.
"""

import jax, jax.numpy as jnp
import numpy as np

N_BATCH = 16384
N_PART = 128
DIM = 3

def setup_inputs(seed: int = 0):
    key = jax.random.key(seed)
    k1, k2, k3 = jax.random.split(key, 3)
    positions = jax.random.uniform(k1, (N_BATCH, N_PART, DIM), dtype=jnp.float32)
    species = jax.random.randint(k2, (N_BATCH, N_PART), 0, 2, dtype=jnp.int32)
    value_box = jnp.ones((N_BATCH, DIM), dtype=jnp.float32)
    box = jnp.full((DIM,), 20.0, dtype=jnp.float32)
    ref_species = jnp.concatenate([jnp.zeros((64,), dtype=jnp.int32), jnp.ones((64,), dtype=jnp.int32)])
    return {"positions": positions, "species": species, "value_box": value_box, "box": box, "ref_species": ref_species}

def reference(positions, species, value_box, box, ref_species):
    # UniformSystem.log_prob(System(positions, species, value_box))
    N = ref_species.shape[0]
    vol_log = jnp.sum(jnp.log(box))
    base_log_prob = -N * vol_log
    in_box = jnp.all((positions >= 0.0) & (positions <= box), axis=(-1, -2))
    sorted_val_species = jnp.sort(species, axis=-1)
    sorted_ref_species = jnp.sort(ref_species, axis=-1)
    valid_composition = jnp.all(jnp.isclose(sorted_val_species, sorted_ref_species), axis=-1)
    is_valid = in_box & valid_composition
    return jnp.where(is_valid, base_log_prob, -jnp.inf)

if __name__ == "__main__":
    import jax
    _d = setup_inputs()
    print(jax.jit(kernel)(*tuple(_d.values())))

</pallas_src>

<mosaic_0001>
#map = affine_map<(d0, d1) -> (0)>
module attributes {stable_mosaic.version = 14 : i64} {
  func.func @_sc(%arg0: i32, %arg1: i32, %arg2: memref<2097152xi32, #tpu.memory_space<hbm>>, %arg3: memref<144xi32, #tpu.memory_space<hbm>>, %arg4: memref<16384xf32, #tpu.memory_space<hbm>>, %arg5: memref<16384xi32, #tpu.memory_space<vmem>>, %arg6: memref<16384xi32, #tpu.memory_space<vmem>>, %arg7: memref<512xf32, #tpu.memory_space<vmem>>, %arg8: memref<144xi32, #tpu.memory_space<vmem>>, %arg9: memref<272xi32, #tpu.memory_space<vmem>>, %arg10: memref<!tpu.dma_semaphore, #tpu.memory_space<semaphore_mem>>, %arg11: memref<!tpu.dma_semaphore, #tpu.memory_space<semaphore_mem>>, %arg12: memref<!tpu.dma_semaphore, #tpu.memory_space<semaphore_mem>>, %arg13: memref<!tpu.dma_semaphore, #tpu.memory_space<semaphore_mem>>) attributes {dimension_semantics = [#tpu.dimension_semantics<core_parallel>, #tpu.dimension_semantics<subcore_parallel>], iteration_bounds = array<i64: 2, 16>, scalar_prefetch = 0 : i64, scratch_operands = 9 : i64, tpu.core_type = #tpu.core_type<sc_vector_subcore>, window_params = [{transform_indices = #map}, {transform_indices = #map}, {transform_indices = #map}]} {
    %mul3A = arith.constant 2 : i32
    %mul3A_0 = arith.muli %arg1, %mul3A : i32
    %add3A = arith.addi %mul3A_0, %arg0 : i32
    %mul3A_1 = arith.constant 512 : i32
    %mul3A_2 = arith.muli %add3A, %mul3A_1 : i32
    %mul3A_3 = arith.constant 128 : i32
    %mul3A_4 = arith.muli %mul3A_2, %mul3A_3 : i32
    tpu.enqueue_dma source(%arg3 : memref<144xi32, #tpu.memory_space<hbm>>) target(%arg8 : memref<144xi32, #tpu.memory_space<vmem>>) target_semaphore(%arg12 : memref<!tpu.dma_semaphore, #tpu.memory_space<semaphore_mem>>)
    %add3A_5 = arith.constant 0 : i32
    %add3A_6 = arith.addi %mul3A_4, %add3A_5 : i32
    %dma_start3A = tpu.memref_slice %arg2[%add3A_6] : memref<2097152xi32, #tpu.memory_space<hbm>> -> memref<16384xi32, #tpu.memory_space<hbm>>
    %dma_start3A_7 = tpu.memref_slice %arg2[%add3A_6] : memref<2097152xi32, #tpu.memory_space<hbm>> -> memref<16384xi32, #tpu.memory_space<hbm>>
    tpu.enqueue_dma source(%dma_start3A_7 : memref<16384xi32, #tpu.memory_space<hbm>>) target(%arg5 : memref<16384xi32, #tpu.memory_space<vmem>>) target_semaphore(%arg10 : memref<!tpu.dma_semaphore, #tpu.memory_space<semaphore_mem>>)
    %add3A_8 = arith.constant 16384 : i32
    %add3A_9 = arith.addi %mul3A_4, %add3A_8 : i32
    %dma_start3A_10 = tpu.memref_slice %arg2[%add3A_9] : memref<2097152xi32, #tpu.memory_space<hbm>> -> memref<16384xi32, #tpu.memory_space<hbm>>
    %dma_start3A_11 = tpu.memref_slice %arg2[%add3A_9] : memref<2097152xi32, #tpu.memory_space<hbm>> -> memref<16384xi32, #tpu.memory_space<hbm>>
    tpu.enqueue_dma source(%dma_start3A_11 : memref<16384xi32, #tpu.memory_space<hbm>>) target(%arg6 : memref<16384xi32, #tpu.memory_space<vmem>>) target_semaphore(%arg11 : memref<!tpu.dma_semaphore, #tpu.memory_space<semaphore_mem>>)
    tpu.wait_dma2 semaphore(%arg12 : memref<!tpu.dma_semaphore, #tpu.memory_space<semaphore_mem>>) src(%arg3 : memref<144xi32, #tpu.memory_space<hbm>>) dst(%arg8 : memref<144xi32, #tpu.memory_space<vmem>>)
    %iota3A = tpu.iota {dimensions = array<i32: 0>} : vector<16xi32>
    %broadcast_in_dim3A = arith.constant 1 : i32
    %broadcast_in_dim3A_12 = vector.broadcast %broadcast_in_dim3A : i32 to vector<16xi32>
    %get3A = arith.constant 0 : index
    %get3A_13 = tpu.vector_load %arg8[%get3A] {strides = array<i32>} : memref<144xi32, #tpu.memory_space<vmem>>, vector<16xi32>,
    %get3A_14 = arith.constant 16 : index
    %get3A_15 = tpu.vector_load %arg8[%get3A_14] {strides = array<i32>} : memref<144xi32, #tpu.memory_space<vmem>>, vector<16xi32>,
    %add3A_16 = arith.addi %get3A_13, %get3A_15 : vector<16xi32>
    %get3A_17 = arith.constant 32 : index
    %get3A_18 = tpu.vector_load %arg8[%get3A_17] {strides = array<i32>} : memref<144xi32, #tpu.memory_space<vmem>>, vector<16xi32>,
    %add3A_19 = arith.addi %add3A_16, %get3A_18 : vector<16xi32>
    %get3A_20 = arith.constant 48 : index
    %get3A_21 = tpu.vector_load %arg8[%get3A_20] {strides = array<i32>} : memref<144xi32, #tpu.memory_space<vmem>>, vector<16xi32>,
    %add3A_22 = arith.addi %add3A_19, %get3A_21 : vector<16xi32>
    %get3A_23 = arith.constant 64 : index
    %get3A_24 = tpu.vector_load %arg8[%get3A_23] {strides = array<i32>} : memref<144xi32, #tpu.memory_space<vmem>>, vector<16xi32>,
    %add3A_25 = arith.addi %add3A_22, %get3A_24 : vector<16xi32>
    %get3A_26 = arith.constant 80 : index
    %get3A_27 = tpu.vector_load %arg8[%get3A_26] {strides = array<i32>} : memref<144xi32, #tpu.memory_space<vmem>>, vector<16xi32>,
    %add3A_28 = arith.addi %add3A_25, %get3A_27 : vector<16xi32>
    %get3A_29 = arith.constant 96 : index
    %get3A_30 = tpu.vector_load %arg8[%get3A_29] {strides = array<i32>} : memref<144xi32, #tpu.memory_space<vmem>>, vector<16xi32>,
    %add3A_31 = arith.addi %add3A_28, %get3A_30 : vector<16xi32>
    %get3A_32 = arith.constant 112 : index
    %get3A_33 = tpu.vector_load %arg8[%get3A_32] {strides = array<i32>} : memref<144xi32, #tpu.memory_space<vmem>>, vector<16xi32>,
    %add3A_34 = arith.addi %add3A_31, %get3A_33 : vector<16xi32>
    %swap3A = arith.constant 0 : index
    %swap3A_35 = tpu.vector_load %arg9[%swap3A] {strides = array<i32>} : memref<272xi32, #tpu.memory_space<vmem>>, vector<16xi32>,
    tpu.vector_store %arg9[%swap3A], %add3A_34 {strides = array<i32>} : memref<272xi32, #tpu.memory_space<vmem>>, vector<16xi32>,
    %broadcast_in_dim3A_36 = arith.constant 0 : i32
    %broadcast_in_dim3A_37 = vector.broadcast %broadcast_in_dim3A_36 : i32 to vector<16xi32>
    %broadcast_in_dim3A_38 = arith.constant 0 : i32
    %broadcast_in_dim3A_39 = vector.broadcast %broadcast_in_dim3A_38 : i32 to vector<16xi32>
    %gather3A = tpu.vector_load_idx %arg9[%broadcast_in_dim3A_39] : memref<272xi32, #tpu.memory_space<vmem>>[vector<16xi32>], vector<16xi32>,
    %add3A_40 = arith.addi %broadcast_in_dim3A_37, %gather3A : vector<16xi32>
    %add3A_41 = arith.addi %broadcast_in_dim3A_39, %broadcast_in_dim3A_12 : vector<16xi32>
    %gather3A_42 = tpu.vector_load_idx %arg9[%add3A_41] : memref<272xi32, #tpu.memory_space<vmem>>[vector<16xi32>], vector<16xi32>,
    %add3A_43 = arith.addi %add3A_40, %gather3A_42 : vector<16xi32>
    %add3A_44 = arith.addi %add3A_41, %broadcast_in_dim3A_12 : vector<16xi32>
    %gather3A_45 = tpu.vector_load_idx %arg9[%add3A_44] : memref<272xi32, #tpu.memory_space<vmem>>[vector<16xi32>], vector<16xi32>,
    %add3A_46 = arith.addi %add3A_43, %gather3A_45 : vector<16xi32>
    %add3A_47 = arith.addi %add3A_44, %broadcast_in_dim3A_12 : vector<16xi32>
    %gather3A_48 = tpu.vector_load_idx %arg9[%add3A_47] : memref<272xi32, #tpu.memory_space<vmem>>[vector<16xi32>], vector<16xi32>,
    %add3A_49 = arith.addi %add3A_46, %gather3A_48 : vector<16xi32>
    %add3A_50 = arith.addi %add3A_47, %broadcast_in_dim3A_12 : vector<16xi32>
    %gather3A_51 = tpu.vector_load_idx %arg9[%add3A_50] : memref<272xi32, #tpu.memory_space<vmem>>[vector<16xi32>], vector<16xi32>,
    %add3A_52 = arith.addi %add3A_49, %gather3A_51 : vector<16xi32>
    %add3A_53 = arith.addi %add3A_50, %broadcast_in_dim3A_12 : vector<16xi32>
    %gather3A_54 = tpu.vector_load_idx %arg9[%add3A_53] : memref<272xi32, #tpu.memory_space<vmem>>[vector<16xi32>], vector<16xi32>,
    %add3A_55 = arith.addi %add3A_52, %gather3A_54 : vector<16xi32>
    %add3A_56 = arith.addi %add3A_53, %broadcast_in_dim3A_12 : vector<16xi32>
    %gather3A_57 = tpu.vector_load_idx %arg9[%add3A_56] : memref<272xi32, #tpu.memory_space<vmem>>[vector<16xi32>], vector<16xi32>,
    %add3A_58 = arith.addi %add3A_55, %gather3A_57 : vector<16xi32>
    %add3A_59 = arith.addi %add3A_56, %broadcast_in_dim3A_12 : vector<16xi32>
    %gather3A_60 = tpu.vector_load_idx %arg9[%add3A_59] : memref<272xi32, #tpu.memory_space<vmem>>[vector<16xi32>], vector<16xi32>,
    %add3A_61 = arith.addi %add3A_58, %gather3A_60 : vector<16xi32>
    %add3A_62 = arith.addi %add3A_59, %broadcast_in_dim3A_12 : vector<16xi32>
    %gather3A_63 = tpu.vector_load_idx %arg9[%add3A_62] : memref<272xi32, #tpu.memory_space<vmem>>[vector<16xi32>], vector<16xi32>,
    %add3A_64 = arith.addi %add3A_61, %gather3A_63 : vector<16xi32>
    %add3A_65 = arith.addi %add3A_62, %broadcast_in_dim3A_12 : vector<16xi32>
    %gather3A_66 = tpu.vector_load_idx %arg9[%add3A_65] : memref<272xi32, #tpu.memory_space<vmem>>[vector<16xi32>], vector<16xi32>,
    %add3A_67 = arith.addi %add3A_64, %gather3A_66 : vector<16xi32>
    %add3A_68 = arith.addi %add3A_65, %broadcast_in_dim3A_12 : vector<16xi32>
    %gather3A_69 = tpu.vector_load_idx %arg9[%add3A_68] : memref<272xi32, #tpu.memory_space<vmem>>[vector<16xi32>], vector<16xi32>,
    %add3A_70 = arith.addi %add3A_67, %gather3A_69 : vector<16xi32>
    %add3A_71 = arith.addi %add3A_68, %broadcast_in_dim3A_12 : vector<16xi32>
    %gather3A_72 = tpu.vector_load_idx %arg9[%add3A_71] : memref<272xi32, #tpu.memory_space<vmem>>[vector<16xi32>], vector<16xi32>,
    %add3A_73 = arith.addi %add3A_70, %gather3A_72 : vector<16xi32>
    %add3A_74 = arith.addi %add3A_71, %broadcast_in_dim3A_12 : vector<16xi32>
    %gather3A_75 = tpu.vector_load_idx %arg9[%add3A_74] : memref<272xi32, #tpu.memory_space<vmem>>[vector<16xi32>], vector<16xi32>,
    %add3A_76 = arith.addi %add3A_73, %gather3A_75 : vector<16xi32>
    %add3A_77 = arith.addi %add3A_74, %broadcast_in_dim3A_12 : vector<16xi32>
    %gather3A_78 = tpu.vector_load_idx %arg9[%add3A_77] : memref<272xi32, #tpu.memory_space<vmem>>[vector<16xi32>], vector<16xi32>,
    %add3A_79 = arith.addi %add3A_76, %gather3A_78 : vector<16xi32>
    %add3A_80 = arith.addi %add3A_77, %broadcast_in_dim3A_12 : vector<16xi32>
    %gather3A_81 = tpu.vector_load_idx %arg9[%add3A_80] : memref<272xi32, #tpu.memory_space<vmem>>[vector<16xi32>], vector<16xi32>,
    %add3A_82 = arith.addi %add3A_79, %gather3A_81 : vector<16xi32>
    %add3A_83 = arith.addi %add3A_80, %broadcast_in_dim3A_12 : vector<16xi32>
    %gather3A_84 = tpu.vector_load_idx %arg9[%add3A_83] : memref<272xi32, #tpu.memory_space<vmem>>[vector<16xi32>], vector<16xi32>,
    %add3A_85 = arith.addi %add3A_82, %gather3A_84 : vector<16xi32>
    %add3A_86 = arith.addi %add3A_83, %broadcast_in_dim3A_12 : vector<16xi32>
    %get3A_87 = arith.constant 128 : index
    %get3A_88 = tpu.vector_load %arg8[%get3A_87] {strides = array<i32>} : memref<144xi32, #tpu.memory_space<vmem>>, vector<16xi32>,
    %bitcast_convert_type3A = tpu.bitcast %get3A_88 : vector<16xi32> -> vector<16xf32>
    %broadcast_in_dim3A_89 = arith.constant 0xFF800000 : f32
    %broadcast_in_dim3A_90 = vector.broadcast %broadcast_in_dim3A_89 : f32 to vector<16xf32>
    %mul3A_91 = arith.constant 17 : i32
    %mul3A_92 = vector.broadcast %mul3A_91 : i32 to vector<16xi32>
    %mul3A_93 = arith.muli %iota3A, %mul3A_92 : vector<16xi32>
    %dma_wait3A = tpu.memref_slice %arg2[%add3A_6] : memref<2097152xi32, #tpu.memory_space<hbm>> -> memref<16384xi32, #tpu.memory_space<hbm>>
    %dma_wait3A_94 = tpu.memref_slice %arg2[%add3A_6] : memref<2097152xi32, #tpu.memory_space<hbm>> -> memref<16384xi32, #tpu.memory_space<hbm>>
    tpu.wait_dma2 semaphore(%arg10 : memref<!tpu.dma_semaphore, #tpu.memory_space<semaphore_mem>>) src(%dma_wait3A_94 : memref<16384xi32, #tpu.memory_space<hbm>>) dst(%arg5 : memref<16384xi32, #tpu.memory_space<vmem>>)
    %scan3A = arith.constant 0 : i32
    %scan3A_95 = arith.constant 0 : i32
    %scan3A_96 = arith.constant 8 : i32
    %scan3A_97 = arith.addi %scan3A_95, %scan3A_96 : i32
    %scan3A_98 = arith.constant 1 : i32
    scf.for %scan3A_188 = %scan3A_95 to %scan3A_97 step %scan3A_98  : i32 {
      %mul3A_189 = arith.constant 2048 : i32
      %mul3A_190 = arith.muli %scan3A_188, %mul3A_189 : i32
      %add3A_191 = arith.constant 0 : i32
      %add3A_192 = arith.addi %mul3A_190, %add3A_191 : i32
      %add3A_193 = arith.constant 0 : i32
      %add3A_194 = arith.addi %add3A_192, %add3A_193 : i32
      %get3A_195 = arith.index_cast %add3A_194 : i32 to index
      %get3A_196 = tpu.vector_load %arg5[%get3A_195] {strides = array<i32>} : memref<16384xi32, #tpu.memory_space<vmem>>, vector<16xi32>,
      %add3A_197 = arith.constant 0 : i32
      %add3A_198 = arith.addi %mul3A_190, %add3A_197 : i32
      %add3A_199 = arith.constant 16 : i32
      %add3A_200 = arith.addi %add3A_198, %add3A_199 : i32
      %get3A_201 = arith.index_cast %add3A_200 : i32 to index
      %get3A_202 = tpu.vector_load %arg5[%get3A_201] {strides = array<i32>} : memref<16384xi32, #tpu.memory_space<vmem>>, vector<16xi32>,
      %add3A_203 = arith.constant 0 : i32
      %add3A_204 = arith.addi %mul3A_190, %add3A_203 : i32
      %add3A_205 = arith.constant 32 : i32
      %add3A_206 = arith.addi %add3A_204, %add3A_205 : i32
      %get3A_207 = arith.index_cast %add3A_206 : i32 to index
      %get3A_208 = tpu.vector_load %arg5[%get3A_207] {strides = array<i32>} : memref<16384xi32, #tpu.memory_space<vmem>>, vector<16xi32>,
      %add3A_209 = arith.constant 0 : i32
      %add3A_210 = arith.addi %mul3A_190, %add3A_209 : i32
      %add3A_211 = arith.constant 48 : i32
      %add3A_212 = arith.addi %add3A_210, %add3A_211 : i32
      %get3A_213 = arith.index_cast %add3A_212 : i32 to index
      %get3A_214 = tpu.vector_load %arg5[%get3A_213] {strides = array<i32>} : memref<16384xi32, #tpu.memory_space<vmem>>, vector<16xi32>,
      %add3A_215 = arith.constant 0 : i32
      %add3A_216 = arith.addi %mul3A_190, %add3A_215 : i32
      %add3A_217 = arith.constant 64 : i32
      %add3A_218 = arith.addi %add3A_216, %add3A_217 : i32
      %get3A_219 = arith.index_cast %add3A_218 : i32 to index
      %get3A_220 = tpu.vector_load %arg5[%get3A_219] {strides = array<i32>} : memref<16384xi32, #tpu.memory_space<vmem>>, vector<16xi32>,
      %add3A_221 = arith.constant 0 : i32
      %add3A_222 = arith.addi %mul3A_190, %add3A_221 : i32
      %add3A_223 = arith.constant 80 : i32
      %add3A_224 = arith.addi %add3A_222, %add3A_223 : i32
      %get3A_225 = arith.index_cast %add3A_224 : i32 to index
      %get3A_226 = tpu.vector_load %arg5[%get3A_225] {strides = array<i32>} : memref<16384xi32, #tpu.memory_space<vmem>>, vector<16xi32>,
      %add3A_227 = arith.constant 0 : i32
      %add3A_228 = arith.addi %mul3A_190, %add3A_227 : i32
      %add3A_229 = arith.constant 96 : i32
      %add3A_230 = arith.addi %add3A_228, %add3A_229 : i32
      %get3A_231 = arith.index_cast %add3A_230 : i32 to index
      %get3A_232 = tpu.vector_load %arg5[%get3A_231] {strides = array<i32>} : memref<16384xi32, #tpu.memory_space<vmem>>, vector<16xi32>,
      %add3A_233 = arith.constant 0 : i32
      %add3A_234 = arith.addi %mul3A_190, %add3A_233 : i32
      %add3A_235 = arith.constant 112 : i32
      %add3A_236 = arith.addi %add3A_234, %add3A_235 : i32
      %get3A_237 = arith.index_cast %add3A_236 : i32 to index
      %get3A_238 = tpu.vector_load %arg5[%get3A_237] {strides = array<i32>} : memref<16384xi32, #tpu.memory_space<vmem>>, vector<16xi32>,
      %add3A_239 = arith.constant 128 : i32
      %add3A_240 = arith.addi %mul3A_190, %add3A_239 : i32
      %add3A_241 = arith.constant 0 : i32
      %add3A_242 = arith.addi %add3A_240, %add3A_241 : i32
      %get3A_243 = arith.index_cast %add3A_242 : i32 to index
      %get3A_244 = tpu.vector_load %arg5[%get3A_243] {strides = array<i32>} : memref<16384xi32, #tpu.memory_space<vmem>>, vector<16xi32>,
      %add3A_245 = arith.constant 128 : i32
      %add3A_246 = arith.addi %mul3A_190, %add3A_245 : i32
      %add3A_247 = arith.constant 16 : i32
      %add3A_248 = arith.addi %add3A_246, %add3A_247 : i32
      %get3A_249 = arith.index_cast %add3A_248 : i32 to index
      %get3A_250 = tpu.vector_load %arg5[%get3A_249] {strides = array<i32>} : memref<16384xi32, #tpu.memory_space<vmem>>, vector<16xi32>,
      %add3A_251 = arith.constant 128 : i32
      %add3A_252 = arith.addi %mul3A_190, %add3A_251 : i32
      %add3A_253 = arith.constant 32 : i32
      %add3A_254 = arith.addi %add3A_252, %add3A_253 : i32
      %get3A_255 = arith.index_cast %add3A_254 : i32 to index
      %get3A_256 = tpu.vector_load %arg5[%get3A_255] {strides = array<i32>} : memref<16384xi32, #tpu.memory_space<vmem>>, vector<16xi32>,
      %add3A_257 = arith.constant 128 : i32
      %add3A_258 = arith.addi %mul3A_190, %add3A_257 : i32
      %add3A_259 = arith.constant 48 : i32
      %add3A_260 = arith.addi %add3A_258, %add3A_259 : i32
      %get3A_261 = arith.index_cast %add3A_260 : i32 to index
      %get3A_262 = tpu.vector_load %arg5[%get3A_261] {strides = array<i32>} : memref<16384xi32, #tpu.memory_space<vmem>>, vector<16xi32>,
      %add3A_263 = arith.constant 128 : i32
      %add3A_264 = arith.addi %mul3A_190, %add3A_263 : i32
      %add3A_265 = arith.constant 64 : i32
      %add3A_266 = arith.addi %add3A_264, %add3A_265 : i32
      %get3A_267 = arith.index_cast %add3A_266 : i32 to index
      %get3A_268 = tpu.vector_load %arg5[%get3A_267] {strides = array<i32>} : memref<16384xi32, #tpu.memory_space<vmem>>, vector<16xi32>,
      %add3A_269 = arith.constant 128 : i32
      %add3A_270 = arith.addi %mul3A_190, %add3A_269 : i32
      %add3A_271 = arith.constant 80 : i32
      %add3A_272 = arith.addi %add3A_270, %add3A_271 : i32
      %get3A_273 = arith.index_cast %add3A_272 : i32 to index
      %get3A_274 = tpu.vector_load %arg5[%get3A_273] {strides = array<i32>} : memref<16384xi32, #tpu.memory_space<vmem>>, vector<16xi32>,
      %add3A_275 = arith.constant 128 : i32
      %add3A_276 = arith.addi %mul3A_190, %add3A_275 : i32
      %add3A_277 = arith.constant 96 : i32
      %add3A_278 = arith.addi %add3A_276, %add3A_277 : i32
      %get3A_279 = arith.index_cast %add3A_278 : i32 to index
      %get3A_280 = tpu.vector_load %arg5[%get3A_279] {strides = array<i32>} : memref<16384xi32, #tpu.memory_space<vmem>>, vector<16xi32>,
      %add3A_281 = arith.constant 128 : i32
      %add3A_282 = arith.addi %mul3A_190, %add3A_281 : i32
      %add3A_283 = arith.constant 112 : i32
      %add3A_284 = arith.addi %add3A_282, %add3A_283 : i32
      %get3A_285 = arith.index_cast %add3A_284 : i32 to index
      %get3A_286 = tpu.vector_load %arg5[%get3A_285] {strides = array<i32>} : memref<16384xi32, #tpu.memory_space<vmem>>, vector<16xi32>,
      %add3A_287 = arith.constant 256 : i32
      %add3A_288 = arith.addi %mul3A_190, %add3A_287 : i32
      %add3A_289 = arith.constant 0 : i32
      %add3A_290 = arith.addi %add3A_288, %add3A_289 : i32
      %get3A_291 = arith.index_cast %add3A_290 : i32 to index
      %get3A_292 = tpu.vector_load %arg5[%get3A_291] {strides = array<i32>} : memref<16384xi32, #tpu.memory_space<vmem>>, vector<16xi32>,
      %add3A_293 = arith.constant 256 : i32
      %add3A_294 = arith.addi %mul3A_190, %add3A_293 : i32
      %add3A_295 = arith.constant 16 : i32
      %add3A_296 = arith.addi %add3A_294, %add3A_295 : i32
      %get3A_297 = arith.index_cast %add3A_296 : i32 to index
      %get3A_298 = tpu.vector_load %arg5[%get3A_297] {strides = array<i32>} : memref<16384xi32, #tpu.memory_space<vmem>>, vector<16xi32>,
      %add3A_299 = arith.constant 256 : i32
      %add3A_300 = arith.addi %mul3A_190, %add3A_299 : i32
      %add3A_301 = arith.constant 32 : i32
      %add3A_302 = arith.addi %add3A_300, %add3A_301 : i32
      %get3A_303 = arith.index_cast %add3A_302 : i32 to index
      %get3A_304 = tpu.vector_load %arg5[%get3A_303] {strides = array<i32>} : memref<16384xi32, #tpu.memory_space<vmem>>, vector<16xi32>,
      %add3A_305 = arith.constant 256 : i32
      %add3A_306 = arith.addi %mul3A_190, %add3A_305 : i32
      %add3A_307 = arith.constant 48 : i32
      %add3A_308 = arith.addi %add3A_306, %add3A_307 : i32
      %get3A_309 = arith.index_cast %add3A_308 : i32 to index
      %get3A_310 = tpu.vector_load %arg5[%get3A_309] {strides = array<i32>} : memref<16384xi32, #tpu.memory_space<vmem>>, vector<16xi32>,
      %add3A_311 = arith.constant 256 : i32
      %add3A_312 = arith.addi %mul3A_190, %add3A_311 : i32
      %add3A_313 = arith.constant 64 : i32
      %add3A_314 = arith.addi %add3A_312, %add3A_313 : i32
      %get3A_315 = arith.index_cast %add3A_314 : i32 to index
      %get3A_316 = tpu.vector_load %arg5[%get3A_315] {strides = array<i32>} : memref<16384xi32, #tpu.memory_space<vmem>>, vector<16xi32>,
      %add3A_317 = arith.constant 256 : i32
      %add3A_318 = arith.addi %mul3A_190, %add3A_317 : i32
      %add3A_319 = arith.constant 80 : i32
      %add3A_320 = arith.addi %add3A_318, %add3A_319 : i32
      %get3A_321 = arith.index_cast %add3A_320 : i32 to index
      %get3A_322 = tpu.vector_load %arg5[%get3A_321] {strides = array<i32>} : memref<16384xi32, #tpu.memory_space<vmem>>, vector<16xi32>,
      %add3A_323 = arith.constant 256 : i32
      %add3A_324 = arith.addi %mul3A_190, %add3A_323 : i32
      %add3A_325 = arith.constant 96 : i32
      %add3A_326 = arith.addi %add3A_324, %add3A_325 : i32
      %get3A_327 = arith.index_cast %add3A_326 : i32 to index
      %get3A_328 = tpu.vector_load %arg5[%get3A_327] {strides = array<i32>} : memref<16384xi32, #tpu.memory_space<vmem>>, vector<16xi32>,
      %add3A_329 = arith.constant 256 : i32
      %add3A_330 = arith.addi %mul3A_190, %add3A_329 : i32
      %add3A_331 = arith.constant 112 : i32
      %add3A_332 = arith.addi %add3A_330, %add3A_331 : i32
      %get3A_333 = arith.index_cast %add3A_332 : i32 to index
      %get3A_334 = tpu.vector_load %arg5[%get3A_333] {strides = array<i32>} : memref<16384xi32, #tpu.memory_space<vmem>>, vector<16xi32>,
      %add3A_335 = arith.constant 384 : i32
      %add3A_336 = arith.addi %mul3A_190, %add3A_335 : i32
      %add3A_337 = arith.constant 0 : i32
      %add3A_338 = arith.addi %add3A_336, %add3A_337 : i32
      %get3A_339 = arith.index_cast %add3A_338 : i32 to index
      %get3A_340 = tpu.vector_load %arg5[%get3A_339] {strides = array<i32>} : memref<16384xi32, #tpu.memory_space<vmem>>, vector<16xi32>,
      %add3A_341 = arith.constant 384 : i32
      %add3A_342 = arith.addi %mul3A_190, %add3A_341 : i32
      %add3A_343 = arith.constant 16 : i32
      %add3A_344 = arith.addi %add3A_342, %add3A_343 : i32
      %get3A_345 = arith.index_cast %add3A_344 : i32 to index
      %get3A_346 = tpu.vector_load %arg5[%get3A_345] {strides = array<i32>} : memref<16384xi32, #tpu.memory_space<vmem>>, vector<16xi32>,
      %add3A_347 = arith.constant 384 : i32
      %add3A_348 = arith.addi %mul3A_190, %add3A_347 : i32
      %add3A_349 = arith.constant 32 : i32
      %add3A_350 = arith.addi %add3A_348, %add3A_349 : i32
      %get3A_351 = arith.index_cast %add3A_350 : i32 to index
      %get3A_352 = tpu.vector_load %arg5[%get3A_351] {strides = array<i32>} : memref<16384xi32, #tpu.memory_space<vmem>>, vector<16xi32>,
      %add3A_353 = arith.constant 384 : i32
      %add3A_354 = arith.addi %mul3A_190, %add3A_353 : i32
      %add3A_355 = arith.constant 48 : i32
      %add3A_356 = arith.addi %add3A_354, %add3A_355 : i32
      %get3A_357 = arith.index_cast %add3A_356 : i32 to index
      %get3A_358 = tpu.vector_load %arg5[%get3A_357] {strides = array<i32>} : memref<16384xi32, #tpu.memory_space<vmem>>, vector<16xi32>,
      %add3A_359 = arith.constant 384 : i32
      %add3A_360 = arith.addi %mul3A_190, %add3A_359 : i32
      %add3A_361 = arith.constant 64 : i32
      %add3A_362 = arith.addi %add3A_360, %add3A_361 : i32
      %get3A_363 = arith.index_cast %add3A_362 : i32 to index
      %get3A_364 = tpu.vector_load %arg5[%get3A_363] {strides = array<i32>} : memref<16384xi32, #tpu.memory_space<vmem>>, vector<16xi32>,
      %add3A_365 = arith.constant 384 : i32
      %add3A_366 = arith.addi %mul3A_190, %add3A_365 : i32
      %add3A_367 = arith.constant 80 : i32
      %add3A_368 = arith.addi %add3A_366, %add3A_367 : i32
      %get3A_369 = arith.index_cast %add3A_368 : i32 to index
      %get3A_370 = tpu.vector_load %arg5[%get3A_369] {strides = array<i32>} : memref<16384xi32, #tpu.memory_space<vmem>>, vector<16xi32>,
      %add3A_371 = arith.constant 384 : i32
      %add3A_372 = arith.addi %mul3A_190, %add3A_371 : i32
      %add3A_373 = arith.constant 96 : i32
      %add3A_374 = arith.addi %add3A_372, %add3A_373 : i32
      %get3A_375 = arith.index_cast %add3A_374 : i32 to index
      %get3A_376 = tpu.vector_load %arg5[%get3A_375] {strides = array<i32>} : memref<16384xi32, #tpu.memory_space<vmem>>, vector<16xi32>,
      %add3A_377 = arith.constant 384 : i32
      %add3A_378 = arith.addi %mul3A_190, %add3A_377 : i32
      %add3A_379 = arith.constant 112 : i32
      %add3A_380 = arith.addi %add3A_378, %add3A_379 : i32
      %get3A_381 = arith.index_cast %add3A_380 : i32 to index
      %get3A_382 = tpu.vector_load %arg5[%get3A_381] {strides = array<i32>} : memref<16384xi32, #tpu.memory_space<vmem>>, vector<16xi32>,
      %add3A_383 = arith.constant 512 : i32
      %add3A_384 = arith.addi %mul3A_190, %add3A_383 : i32
      %add3A_385 = arith.constant 0 : i32
      %add3A_386 = arith.addi %add3A_384, %add3A_385 : i32
      %get3A_387 = arith.index_cast %add3A_386 : i32 to index
      %get3A_388 = tpu.vector_load %arg5[%get3A_387] {strides = array<i32>} : memref<16384xi32, #tpu.memory_space<vmem>>, vector<16xi32>,
      %add3A_389 = arith.constant 512 : i32
      %add3A_390 = arith.addi %mul3A_190, %add3A_389 : i32
      %add3A_391 = arith.constant 16 : i32
      %add3A_392 = arith.addi %add3A_390, %add3A_391 : i32
      %get3A_393 = arith.index_cast %add3A_392 : i32 to index
      %get3A_394 = tpu.vector_load %arg5[%get3A_393] {strides = array<i32>} : memref<16384xi32, #tpu.memory_space<vmem>>, vector<16xi32>,
      %add3A_395 = arith.constant 512 : i32
      %add3A_396 = arith.addi %mul3A_190, %add3A_395 : i32
      %add3A_397 = arith.constant 32 : i32
      %add3A_398 = arith.addi %add3A_396, %add3A_397 : i32
      %get3A_399 = arith.index_cast %add3A_398 : i32 to index
      %get3A_400 = tpu.vector_load %arg5[%get3A_399] {strides = array<i32>} : memref<16384xi32, #tpu.memory_space<vmem>>, vector<16xi32>,
      %add3A_401 = arith.constant 512 : i32
      %add3A_402 = arith.addi %mul3A_190, %add3A_401 : i32
      %add3A_403 = arith.constant 48 : i32
      %add3A_404 = arith.addi %add3A_402, %add3A_403 : i32
      %get3A_405 = arith.index_cast %add3A_404 : i32 to index
      %get3A_406 = tpu.vector_load %arg5[%get3A_405] {strides = array<i32>} : memref<16384xi32, #tpu.memory_space<vmem>>, vector<16xi32>,
      %add3A_407 = arith.constant 512 : i32
      %add3A_408 = arith.addi %mul3A_190, %add3A_407 : i32
      %add3A_409 = arith.constant 64 : i32
      %add3A_410 = arith.addi %add3A_408, %add3A_409 : i32
      %get3A_411 = arith.index_cast %add3A_410 : i32 to index
      %get3A_412 = tpu.vector_load %arg5[%get3A_411] {strides = array<i32>} : memref<16384xi32, #tpu.memory_space<vmem>>, vector<16xi32>,
      %add3A_413 = arith.constant 512 : i32
      %add3A_414 = arith.addi %mul3A_190, %add3A_413 : i32
      %add3A_415 = arith.constant 80 : i32
      %add3A_416 = arith.addi %add3A_414, %add3A_415 : i32
      %get3A_417 = arith.index_cast %add3A_416 : i32 to index
      %get3A_418 = tpu.vector_load %arg5[%get3A_417] {strides = array<i32>} : memref<16384xi32, #tpu.memory_space<vmem>>, vector<16xi32>,
      %add3A_419 = arith.constant 512 : i32
      %add3A_420 = arith.addi %mul3A_190, %add3A_419 : i32
      %add3A_421 = arith.constant 96 : i32
      %add3A_422 = arith.addi %add3A_420, %add3A_421 : i32
      %get3A_423 = arith.index_cast %add3A_422 : i32 to index
      %get3A_424 = tpu.vector_load %arg5[%get3A_423] {strides = array<i32>} : memref<16384xi32, #tpu.memory_space<vmem>>, vector<16xi32>,
      %add3A_425 = arith.constant 512 : i32
      %add3A_426 = arith.addi %mul3A_190, %add3A_425 : i32
      %add3A_427 = arith.constant 112 : i32
      %add3A_428 = arith.addi %add3A_426, %add3A_427 : i32
      %get3A_429 = arith.index_cast %add3A_428 : i32 to index
      %get3A_430 = tpu.vector_load %arg5[%get3A_429] {strides = array<i32>} : memref<16384xi32, #tpu.memory_space<vmem>>, vector<16xi32>,
      %add3A_431 = arith.constant 640 : i32
      %add3A_432 = arith.addi %mul3A_190, %add3A_431 : i32
      %add3A_433 = arith.constant 0 : i32
      %add3A_434 = arith.addi %add3A_432, %add3A_433 : i32
      %get3A_435 = arith.index_cast %add3A_434 : i32 to index
      %get3A_436 = tpu.vector_load %arg5[%get3A_435] {strides = array<i32>} : memref<16384xi32, #tpu.memory_space<vmem>>, vector<16xi32>,
      %add3A_437 = arith.constant 640 : i32
      %add3A_438 = arith.addi %mul3A_190, %add3A_437 : i32
      %add3A_439 = arith.constant 16 : i32
      %add3A_440 = arith.addi %add3A_438, %add3A_439 : i32
      %get3A_441 = arith.index_cast %add3A_440 : i32 to index
      %get3A_442 = tpu.vector_load %arg5[%get3A_441] {strides = array<i32>} : memref<16384xi32, #tpu.memory_space<vmem>>, vector<16xi32>,
      %add3A_443 = arith.constant 640 : i32
      %add3A_444 = arith.addi %mul3A_190, %add3A_443 : i32
      %add3A_445 = arith.constant 32 : i32
      %add3A_446 = arith.addi %add3A_444, %add3A_445 : i32
      %get3A_447 = arith.index_cast %add3A_446 : i32 to index
      %get3A_448 = tpu.vector_load %arg5[%get3A_447] {strides = array<i32>} : memref<16384xi32, #tpu.memory_space<vmem>>, vector<16xi32>,
      %add3A_449 = arith.constant 640 : i32
      %add3A_450 = arith.addi %mul3A_190, %add3A_449 : i32
      %add3A_451 = arith.constant 48 : i32
      %add3A_452 = arith.addi %add3A_450, %add3A_451 : i32
      %get3A_453 = arith.index_cast %add3A_452 : i32 to index
      %get3A_454 = tpu.vector_load %arg5[%get3A_453] {strides = array<i32>} : memref<16384xi32, #tpu.memory_space<vmem>>, vector<16xi32>,
      %add3A_455 = arith.constant 640 : i32
      %add3A_456 = arith.addi %mul3A_190, %add3A_455 : i32
      %add3A_457 = arith.constant 64 : i32
      %add3A_458 = arith.addi %add3A_456, %add3A_457 : i32
      %get3A_459 = arith.index_cast %add3A_458 : i32 to index
      %get3A_460 = tpu.vector_load %arg5[%get3A_459] {strides = array<i32>} : memref<16384xi32, #tpu.memory_space<vmem>>, vector<16xi32>,
      %add3A_461 = arith.constant 640 : i32
      %add3A_462 = arith.addi %mul3A_190, %add3A_461 : i32
      %add3A_463 = arith.constant 80 : i32
      %add3A_464 = arith.addi %add3A_462, %add3A_463 : i32
      %get3A_465 = arith.index_cast %add3A_464 : i32 to index
      %get3A_466 = tpu.vector_load %arg5[%get3A_465] {strides = array<i32>} : memref<16384xi32, #tpu.memory_space<vmem>>, vector<16xi32>,
      %add3A_467 = arith.constant 640 : i32
      %add3A_468 = arith.addi %mul3A_190, %add3A_467 : i32
      %add3A_469 = arith.constant 96 : i32
      %add3A_470 = arith.addi %add3A_468, %add3A_469 : i32
      %get3A_471 = arith.index_cast %add3A_470 : i32 to index
      %get3A_472 = tpu.vector_load %arg5[%get3A_471] {strides = array<i32>} : memref<16384xi32, #tpu.memory_space<vmem>>, vector<16xi32>,
      %add3A_473 = arith.constant 640 : i32
      %add3A_474 = arith.addi %mul3A_190, %add3A_473 : i32
      %add3A_475 = arith.constant 112 : i32
      %add3A_476 = arith.addi %add3A_474, %add3A_475 : i32
      %get3A_477 = arith.index_cast %add3A_476 : i32 to index
      %get3A_478 = tpu.vector_load %arg5[%get3A_477] {strides = array<i32>} : memref<16384xi32, #tpu.memory_space<vmem>>, vector<16xi32>,
      %add3A_479 = arith.constant 768 : i32
      %add3A_480 = arith.addi %mul3A_190, %add3A_479 : i32
      %add3A_481 = arith.constant 0 : i32
      %add3A_482 = arith.addi %add3A_480, %add3A_481 : i32
      %get3A_483 = arith.index_cast %add3A_482 : i32 to index
      %get3A_484 = tpu.vector_load %arg5[%get3A_483] {strides = array<i32>} : memref<16384xi32, #tpu.memory_space<vmem>>, vector<16xi32>,
      %add3A_485 = arith.constant 768 : i32
      %add3A_486 = arith.addi %mul3A_190, %add3A_485 : i32
      %add3A_487 = arith.constant 16 : i32
      %add3A_488 = arith.addi %add3A_486, %add3A_487 : i32
      %get3A_489 = arith.index_cast %add3A_488 : i32 to index
      %get3A_490 = tpu.vector_load %arg5[%get3A_489] {strides = array<i32>} : memref<16384xi32, #tpu.memory_space<vmem>>, vector<16xi32>,
      %add3A_491 = arith.constant 768 : i32
      %add3A_492 = arith.addi %mul3A_190, %add3A_491 : i32
      %add3A_493 = arith.constant 32 : i32
      %add3A_494 = arith.addi %add3A_492, %add3A_493 : i32
      %get3A_495 = arith.index_cast %add3A_494 : i32 to index
      %get3A_496 = tpu.vector_load %arg5[%get3A_495] {strides = array<i32>} : memref<16384xi32, #tpu.memory_space<vmem>>, vector<16xi32>,
      %add3A_497 = arith.constant 768 : i32
      %add3A_498 = arith.addi %mul3A_190, %add3A_497 : i32
      %add3A_499 = arith.constant 48 : i32
      %add3A_500 = arith.addi %add3A_498, %add3A_499 : i32
      %get3A_501 = arith.index_cast %add3A_500 : i32 to index
      %get3A_502 = tpu.vector_load %arg5[%get3A_501] {strides = array<i32>} : memref<16384xi32, #tpu.memory_space<vmem>>, vector<16xi32>,
      %add3A_503 = arith.constant 768 : i32
      %add3A_504 = arith.addi %mul3A_190, %add3A_503 : i32
      %add3A_505 = arith.constant 64 : i32
      %add3A_506 = arith.addi %add3A_504, %add3A_505 : i32
      %get3A_507 = arith.index_cast %add3A_506 : i32 to index
      %get3A_508 = tpu.vector_load %arg5[%get3A_507] {strides = array<i32>} : memref<16384xi32, #tpu.memory_space<vmem>>, vector<16xi32>,
      %add3A_509 = arith.constant 768 : i32
      %add3A_510 = arith.addi %mul3A_190, %add3A_509 : i32
      %add3A_511 = arith.constant 80 : i32
      %add3A_512 = arith.addi %add3A_510, %add3A_511 : i32
      %get3A_513 = arith.index_cast %add3A_512 : i32 to index
      %get3A_514 = tpu.vector_load %arg5[%get3A_513] {strides = array<i32>} : memref<16384xi32, #tpu.memory_space<vmem>>, vector<16xi32>,
      %add3A_515 = arith.constant 768 : i32
      %add3A_516 = arith.addi %mul3A_190, %add3A_515 : i32
      %add3A_517 = arith.constant 96 : i32
      %add3A_518 = arith.addi %add3A_516, %add3A_517 : i32
      %get3A_519 = arith.index_cast %add3A_518 : i32 to index
      %get3A_520 = tpu.vector_load %arg5[%get3A_519] {strides = array<i32>} : memref<16384xi32, #tpu.memory_space<vmem>>, vector<16xi32>,
      %add3A_521 = arith.constant 768 : i32
      %add3A_522 = arith.addi %mul3A_190, %add3A_521 : i32
      %add3A_523 = arith.constant 112 : i32
      %add3A_524 = arith.addi %add3A_522, %add3A_523 : i32
      %get3A_525 = arith.index_cast %add3A_524 : i32 to index
      %get3A_526 = tpu.vector_load %arg5[%get3A_525] {strides = array<i32>} : memref<16384xi32, #tpu.memory_space<vmem>>, vector<16xi32>,
      %add3A_527 = arith.constant 896 : i32
      %add3A_528 = arith.addi %mul3A_190, %add3A_527 : i32
      %add3A_529 = arith.constant 0 : i32
      %add3A_530 = arith.addi %add3A_528, %add3A_529 : i32
      %get3A_531 = arith.index_cast %add3A_530 : i32 to index
      %get3A_532 = tpu.vector_load %arg5[%get3A_531] {strides = array<i32>} : memref<16384xi32, #tpu.memory_space<vmem>>, vector<16xi32>,
      %add3A_533 = arith.constant 896 : i32
      %add3A_534 = arith.addi %mul3A_190, %add3A_533 : i32
      %add3A_535 = arith.constant 16 : i32
      %add3A_536 = arith.addi %add3A_534, %add3A_535 : i32
      %get3A_537 = arith.index_cast %add3A_536 : i32 to index
      %get3A_538 = tpu.vector_load %arg5[%get3A_537] {strides = array<i32>} : memref<16384xi32, #tpu.memory_space<vmem>>, vector<16xi32>,
      %add3A_539 = arith.constant 896 : i32
      %add3A_540 = arith.addi %mul3A_190, %add3A_539 : i32
      %add3A_541 = arith.constant 32 : i32
      %add3A_542 = arith.addi %add3A_540, %add3A_541 : i32
      %get3A_543 = arith.index_cast %add3A_542 : i32 to index
      %get3A_544 = tpu.vector_load %arg5[%get3A_543] {strides = array<i32>} : memref<16384xi32, #tpu.memory_space<vmem>>, vector<16xi32>,
      %add3A_545 = arith.constant 896 : i32
      %add3A_546 = arith.addi %mul3A_190, %add3A_545 : i32
      %add3A_547 = arith.constant 48 : i32
      %add3A_548 = arith.addi %add3A_546, %add3A_547 : i32
      %get3A_549 = arith.index_cast %add3A_548 : i32 to index
      %get3A_550 = tpu.vector_load %arg5[%get3A_549] {strides = array<i32>} : memref<16384xi32, #tpu.memory_space<vmem>>, vector<16xi32>,
      %add3A_551 = arith.constant 896 : i32
      %add3A_552 = arith.addi %mul3A_190, %add3A_551 : i32
      %add3A_553 = arith.constant 64 : i32
      %add3A_554 = arith.addi %add3A_552, %add3A_553 : i32
      %get3A_555 = arith.index_cast %add3A_554 : i32 to index
      %get3A_556 = tpu.vector_load %arg5[%get3A_555] {strides = array<i32>} : memref<16384xi32, #tpu.memory_space<vmem>>, vector<16xi32>,
      %add3A_557 = arith.constant 896 : i32
      %add3A_558 = arith.addi %mul3A_190, %add3A_557 : i32
      %add3A_559 = arith.constant 80 : i32
      %add3A_560 = arith.addi %add3A_558, %add3A_559 : i32
      %get3A_561 = arith.index_cast %add3A_560 : i32 to index
      %get3A_562 = tpu.vector_load %arg5[%get3A_561] {strides = array<i32>} : memref<16384xi32, #tpu.memory_space<vmem>>, vector<16xi32>,
      %add3A_563 = arith.constant 896 : i32
      %add3A_564 = arith.addi %mul3A_190, %add3A_563 : i32
      %add3A_565 = arith.constant 96 : i32
      %add3A_566 = arith.addi %add3A_564, %add3A_565 : i32
      %get3A_567 = arith.index_cast %add3A_566 : i32 to index
      %get3A_568 = tpu.vector_load %arg5[%get3A_567] {strides = array<i32>} : memref<16384xi32, #tpu.memory_space<vmem>>, vector<16xi32>,
      %add3A_569 = arith.constant 896 : i32
      %add3A_570 = arith.addi %mul3A_190, %add3A_569 : i32
      %add3A_571 = arith.constant 112 : i32
      %add3A_572 = arith.addi %add3A_570, %add3A_571 : i32
      %get3A_573 = arith.index_cast %add3A_572 : i32 to index
      %get3A_574 = tpu.vector_load %arg5[%get3A_573] {strides = array<i32>} : memref<16384xi32, #tpu.memory_space<vmem>>, vector<16xi32>,
      %add3A_575 = arith.addi %get3A_196, %get3A_202 : vector<16xi32>
      %add3A_576 = arith.addi %get3A_244, %get3A_250 : vector<16xi32>
      %add3A_577 = arith.addi %get3A_292, %get3A_298 : vector<16xi32>
      %add3A_578 = arith.addi %get3A_340, %get3A_346 : vector<16xi32>
      %add3A_579 = arith.addi %get3A_388, %get3A_394 : vector<16xi32>
      %add3A_580 = arith.addi %get3A_436, %get3A_442 : vector<16xi32>
      %add3A_581 = arith.addi %get3A_484, %get3A_490 : vector<16xi32>
      %add3A_582 = arith.addi %get3A_532, %get3A_538 : vector<16xi32>
      %add3A_583 = arith.addi %add3A_575, %get3A_208 : vector<16xi32>
      %add3A_584 = arith.addi %add3A_576, %get3A_256 : vector<16xi32>
      %add3A_585 = arith.addi %add3A_577, %get3A_304 : vector<16xi32>
      %add3A_586 = arith.addi %add3A_578, %get3A_352 : vector<16xi32>
      %add3A_587 = arith.addi %add3A_579, %get3A_400 : vector<16xi32>
      %add3A_588 = arith.addi %add3A_580, %get3A_448 : vector<16xi32>
      %add3A_589 = arith.addi %add3A_581, %get3A_496 : vector<16xi32>
      %add3A_590 = arith.addi %add3A_582, %get3A_544 : vector<16xi32>
      %add3A_591 = arith.addi %add3A_583, %get3A_214 : vector<16xi32>
      %add3A_592 = arith.addi %add3A_584, %get3A_262 : vector<16xi32>
      %add3A_593 = arith.addi %add3A_585, %get3A_310 : vector<16xi32>
      %add3A_594 = arith.addi %add3A_586, %get3A_358 : vector<16xi32>
      %add3A_595 = arith.addi %add3A_587, %get3A_406 : vector<16xi32>
      %add3A_596 = arith.addi %add3A_588, %get3A_454 : vector<16xi32>
      %add3A_597 = arith.addi %add3A_589, %get3A_502 : vector<16xi32>
      %add3A_598 = arith.addi %add3A_590, %get3A_550 : vector<16xi32>
      %add3A_599 = arith.addi %add3A_591, %get3A_220 : vector<16xi32>
      %add3A_600 = arith.addi %add3A_592, %get3A_268 : vector<16xi32>
      %add3A_601 = arith.addi %add3A_593, %get3A_316 : vector<16xi32>
      %add3A_602 = arith.addi %add3A_594, %get3A_364 : vector<16xi32>
      %add3A_603 = arith.addi %add3A_595, %get3A_412 : vector<16xi32>
      %add3A_604 = arith.addi %add3A_596, %get3A_460 : vector<16xi32>
      %add3A_605 = arith.addi %add3A_597, %get3A_508 : vector<16xi32>
      %add3A_606 = arith.addi %add3A_598, %get3A_556 : vector<16xi32>
      %add3A_607 = arith.addi %add3A_599, %get3A_226 : vector<16xi32>
      %add3A_608 = arith.addi %add3A_600, %get3A_274 : vector<16xi32>
      %add3A_609 = arith.addi %add3A_601, %get3A_322 : vector<16xi32>
      %add3A_610 = arith.addi %add3A_602, %get3A_370 : vector<16xi32>
      %add3A_611 = arith.addi %add3A_603, %get3A_418 : vector<16xi32>
      %add3A_612 = arith.addi %add3A_604, %get3A_466 : vector<16xi32>
      %add3A_613 = arith.addi %add3A_605, %get3A_514 : vector<16xi32>
      %add3A_614 = arith.addi %add3A_606, %get3A_562 : vector<16xi32>
      %add3A_615 = arith.addi %add3A_607, %get3A_232 : vector<16xi32>
      %add3A_616 = arith.addi %add3A_608, %get3A_280 : vector<16xi32>
      %add3A_617 = arith.addi %add3A_609, %get3A_328 : vector<16xi32>
      %add3A_618 = arith.addi %add3A_610, %get3A_376 : vector<16xi32>
      %add3A_619 = arith.addi %add3A_611, %get3A_424 : vector<16xi32>
      %add3A_620 = arith.addi %add3A_612, %get3A_472 : vector<16xi32>
      %add3A_621 = arith.addi %add3A_613, %get3A_520 : vector<16xi32>
      %add3A_622 = arith.addi %add3A_614, %get3A_568 : vector<16xi32>
      %add3A_623 = arith.addi %add3A_615, %get3A_238 : vector<16xi32>
      %add3A_624 = arith.addi %add3A_616, %get3A_286 : vector<16xi32>
      %add3A_625 = arith.addi %add3A_617, %get3A_334 : vector<16xi32>
      %add3A_626 = arith.addi %add3A_618, %get3A_382 : vector<16xi32>
      %add3A_627 = arith.addi %add3A_619, %get3A_430 : vector<16xi32>
      %add3A_628 = arith.addi %add3A_620, %get3A_478 : vector<16xi32>
      %add3A_629 = arith.addi %add3A_621, %get3A_526 : vector<16xi32>
      %add3A_630 = arith.addi %add3A_622, %get3A_574 : vector<16xi32>
      %swap3A_631 = arith.constant 0 : index
      %swap3A_632 = tpu.vector_load %arg9[%swap3A_631] {strides = array<i32>} : memref<272xi32, #tpu.memory_space<vmem>>, vector<16xi32>,
      tpu.vector_store %arg9[%swap3A_631], %add3A_623 {strides = array<i32>} : memref<272xi32, #tpu.memory_space<vmem>>, vector<16xi32>,
      %swap3A_633 = arith.constant 17 : index
      %swap3A_634 = tpu.vector_load %arg9[%swap3A_633] {strides = array<i32>} : memref<272xi32, #tpu.memory_space<vmem>>, vector<16xi32>,
      tpu.vector_store %arg9[%swap3A_633], %add3A_624 {strides = array<i32>} : memref<272xi32, #tpu.memory_space<vmem>>, vector<16xi32>,
      %swap3A_635 = arith.constant 34 : index
      %swap3A_636 = tpu.vector_load %arg9[%swap3A_635] {strides = array<i32>} : memref<272xi32, #tpu.memory_space<vmem>>, vector<16xi32>,
      tpu.vector_store %arg9[%swap3A_635], %add3A_625 {strides = array<i32>} : memref<272xi32, #tpu.memory_space<vmem>>, vector<16xi32>,
      %swap3A_637 = arith.constant 51 : index
      %swap3A_638 = tpu.vector_load %arg9[%swap3A_637] {strides = array<i32>} : memref<272xi32, #tpu.memory_space<vmem>>, vector<16xi32>,
      tpu.vector_store %arg9[%swap3A_637], %add3A_626 {strides = array<i32>} : memref<272xi32, #tpu.memory_space<vmem>>, vector<16xi32>,
      %swap3A_639 = arith.constant 68 : index
      %swap3A_640 = tpu.vector_load %arg9[%swap3A_639] {strides = array<i32>} : memref<272xi32, #tpu.memory_space<vmem>>, vector<16xi32>,
      tpu.vector_store %arg9[%swap3A_639], %add3A_627 {strides = array<i32>} : memref<272xi32, #tpu.memory_space<vmem>>, vector<16xi32>,
      %swap3A_641 = arith.constant 85 : index
      %swap3A_642 = tpu.vector_load %arg9[%swap3A_641] {strides = array<i32>} : memref<272xi32, #tpu.memory_space<vmem>>, vector<16xi32>,
      tpu.vector_store %arg9[%swap3A_641], %add3A_628 {strides = array<i32>} : memref<272xi32, #tpu.memory_space<vmem>>, vector<16xi32>,
      %swap3A_643 = arith.constant 102 : index
      %swap3A_644 = tpu.vector_load %arg9[%swap3A_643] {strides = array<i32>} : memref<272xi32, #tpu.memory_space<vmem>>, vector<16xi32>,
      tpu.vector_store %arg9[%swap3A_643], %add3A_629 {strides = array<i32>} : memref<272xi32, #tpu.memory_space<vmem>>, vector<16xi32>,
      %swap3A_645 = arith.constant 119 : index
      %swap3A_646 = tpu.vector_load %arg9[%swap3A_645] {strides = array<i32>} : memref<272xi32, #tpu.memory_space<vmem>>, vector<16xi32>,
      tpu.vector_store %arg9[%swap3A_645], %add3A_630 {strides = array<i32>} : memref<272xi32, #tpu.memory_space<vmem>>, vector<16xi32>,
      %add3A_647 = arith.constant 1024 : i32
      %add3A_648 = arith.addi %mul3A_190, %add3A_647 : i32
      %add3A_649 = arith.constant 0 : i32
      %add3A_650 = arith.addi %add3A_648, %add3A_649 : i32
      %get3A_651 = arith.index_cast %add3A_650 : i32 to index
      %get3A_652 = tpu.vector_load %arg5[%get3A_651] {strides = array<i32>} : memref<16384xi32, #tpu.memory_space<vmem>>, vector<16xi32>,
      %add3A_653 = arith.constant 1024 : i32
      %add3A_654 = arith.addi %mul3A_190, %add3A_653 : i32
      %add3A_655 = arith.constant 16 : i32
      %add3A_656 = arith.addi %add3A_654, %add3A_655 : i32
      %get3A_657 = arith.index_cast %add3A_656 : i32 to index
      %get3A_658 = tpu.vector_load %arg5[%get3A_657] {strides = array<i32>} : memref<16384xi32, #tpu.memory_space<vmem>>, vector<16xi32>,
      %add3A_659 = arith.constant 1024 : i32
      %add3A_660 = arith.addi %mul3A_190, %add3A_659 : i32
      %add3A_661 = arith.constant 32 : i32
      %add3A_662 = arith.addi %add3A_660, %add3A_661 : i32
      %get3A_663 = arith.index_cast %add3A_662 : i32 to index
      %get3A_664 = tpu.vector_load %arg5[%get3A_663] {strides = array<i32>} : memref<16384xi32, #tpu.memory_space<vmem>>, vector<16xi32>,
      %add3A_665 = arith.constant 1024 : i32
      %add3A_666 = arith.addi %mul3A_190, %add3A_665 : i32
      %add3A_667 = arith.constant 48 : i32
      %add3A_668 = arith.addi %add3A_666, %add3A_667 : i32
      %get3A_669 = arith.index_cast %add3A_668 : i32 to index
      %get3A_670 = tpu.vector_load %arg5[%get3A_669] {strides = array<i32>} : memref<16384xi32, #tpu.memory_space<vmem>>, vector<16xi32>,
      %add3A_671 = arith.constant 1024 : i32
      %add3A_672 = arith.addi %mul3A_190, %add3A_671 : i32
      %add3A_673 = arith.constant 64 : i32
      %add3A_674 = arith.addi %add3A_672, %add3A_673 : i32
      %get3A_675 = arith.index_cast %add3A_674 : i32 to index
      %get3A_676 = tpu.vector_load %arg5[%get3A_675] {strides = array<i32>} : memref<16384xi32, #tpu.memory_space<vmem>>, vector<16xi32>,
      %add3A_677 = arith.constant 1024 : i32
      %add3A_678 = arith.addi %mul3A_190, %add3A_677 : i32
      %add3A_679 = arith.constant 80 : i32
      %add3A_680 = arith.addi %add3A_678, %add3A_679 : i32
      %get3A_681 = arith.index_cast %add3A_680 : i32 to index
      %get3A_682 = tpu.vector_load %arg5[%get3A_681] {strides = array<i32>} : memref<16384xi32, #tpu.memory_space<vmem>>, vector<16xi32>,
      %add3A_683 = arith.constant 1024 : i32
      %add3A_684 = arith.addi %mul3A_190, %add3A_683 : i32
      %add3A_685 = arith.constant 96 : i32
      %add3A_686 = arith.addi %add3A_684, %add3A_685 : i32
      %get3A_687 = arith.index_cast %add3A_686 : i32 to index
      %get3A_688 = tpu.vector_load %arg5[%get3A_687] {strides = array<i32>} : memref<16384xi32, #tpu.memory_space<vmem>>, vector<16xi32>,
      %add3A_689 = arith.constant 1024 : i32
      %add3A_690 = arith.addi %mul3A_190, %add3A_689 : i32
      %add3A_691 = arith.constant 112 : i32
      %add3A_692 = arith.addi %add3A_690, %add3A_691 : i32
      %get3A_693 = arith.index_cast %add3A_692 : i32 to index
      %get3A_694 = tpu.vector_load %arg5[%get3A_693] {strides = array<i32>} : memref<16384xi32, #tpu.memory_space<vmem>>, vector<16xi32>,
      %add3A_695 = arith.constant 1152 : i32
      %add3A_696 = arith.addi %mul3A_190, %add3A_695 : i32
      %add3A_697 = arith.constant 0 : i32
      %add3A_698 = arith.addi %add3A_696, %add3A_697 : i32
      %get3A_699 = arith.index_cast %add3A_698 : i32 to index
      %get3A_700 = tpu.vector_load %arg5[%get3A_699] {strides = array<i32>} : memref<16384xi32, #tpu.memory_space<vmem>>, vector<16xi32>,
      %add3A_701 = arith.constant 1152 : i32
      %add3A_702 = arith.addi %mul3A_190, %add3A_701 : i32
      %add3A_703 = arith.constant 16 : i32
      %add3A_704 = arith.addi %add3A_702, %add3A_703 : i32
      %get3A_705 = arith.index_cast %add3A_704 : i32 to index
      %get3A_706 = tpu.vector_load %arg5[%get3A_705] {strides = array<i32>} : memref<16384xi32, #tpu.memory_space<vmem>>, vector<16xi32>,
      %add3A_707 = arith.constant 1152 : i32
      %add3A_708 = arith.addi %mul3A_190, %add3A_707 : i32
      %add3A_709 = arith.constant 32 : i32
      %add3A_710 = arith.addi %add3A_708, %add3A_709 : i32
      %get3A_711 = arith.index_cast %add3A_710 : i32 to index
      %get3A_712 = tpu.vector_load %arg5[%get3A_711] {strides = array<i32>} : memref<16384xi32, #tpu.memory_space<vmem>>, vector<16xi32>,
      %add3A_713 = arith.constant 1152 : i32
      %add3A_714 = arith.addi %mul3A_190, %add3A_713 : i32
      %add3A_715 = arith.constant 48 : i32
      %add3A_716 = arith.addi %add3A_714, %add3A_715 : i32
      %get3A_717 = arith.index_cast %add3A_716 : i32 to index
      %get3A_718 = tpu.vector_load %arg5[%get3A_717] {strides = array<i32>} : memref<16384xi32, #tpu.memory_space<vmem>>, vector<16xi32>,
      %add3A_719 = arith.constant 1152 : i32
      %add3A_720 = arith.addi %mul3A_190, %add3A_719 : i32
      %add3A_721 = arith.constant 64 : i32
      %add3A_722 = arith.addi %add3A_720, %add3A_721 : i32
      %get3A_723 = arith.index_cast %add3A_722 : i32 to index
      %get3A_724 = tpu.vector_load %arg5[%get3A_723] {strides = array<i32>} : memref<16384xi32, #tpu.memory_space<vmem>>, vector<16xi32>,
      %add3A_725 = arith.constant 1152 : i32
      %add3A_726 = arith.addi %mul3A_190, %add3A_725 : i32
      %add3A_727 = arith.constant 80 : i32
      %add3A_728 = arith.addi %add3A_726, %add3A_727 : i32
      %get3A_729 = arith.index_cast %add3A_728 : i32 to index
      %get3A_730 = tpu.vector_load %arg5[%get3A_729] {strides = array<i32>} : memref<16384xi32, #tpu.memory_space<vmem>>, vector<16xi32>,
      %add3A_731 = arith.constant 1152 : i32
      %add3A_732 = arith.addi %mul3A_190, %add3A_731 : i32
      %add3A_733 = arith.constant 96 : i32
      %add3A_734 = arith.addi %add3A_732, %add3A_733 : i32
      %get3A_735 = arith.index_cast %add3A_734 : i32 to index
      %get3A_736 = tpu.vector_load %arg5[%get3A_735] {strides = array<i32>} : memref<16384xi32, #tpu.memory_space<vmem>>, vector<16xi32>,
      %add3A_737 = arith.constant 1152 : i32
      %add3A_738 = arith.addi %mul3A_190, %add3A_737 : i32
      %add3A_739 = arith.constant 112 : i32
      %add3A_740 = arith.addi %add3A_738, %add3A_739 : i32
      %get3A_741 = arith.index_cast %add3A_740 : i32 to index
      %get3A_742 = tpu.vector_load %arg5[%get3A_741] {strides = array<i32>} : memref<16384xi32, #tpu.memory_space<vmem>>, vector<16xi32>,
      %add3A_743 = arith.constant 1280 : i32
      %add3A_744 = arith.addi %mul3A_190, %add3A_743 : i32
      %add3A_745 = arith.constant 0 : i32
      %add3A_746 = arith.addi %add3A_744, %add3A_745 : i32
      %get3A_747 = arith.index_cast %add3A_746 : i32 to index
      %get3A_748 = tpu.vector_load %arg5[%get3A_747] {strides = array<i32>} : memref<16384xi32, #tpu.memory_space<vmem>>, vector<16xi32>,
      %add3A_749 = arith.constant 1280 : i32
      %add3A_750 = arith.addi %mul3A_190, %add3A_749 : i32
      %add3A_751 = arith.constant 16 : i32
      %add3A_752 = arith.addi %add3A_750, %add3A_751 : i32
      %get3A_753 = arith.index_cast %add3A_752 : i32 to index
      %get3A_754 = tpu.vector_load %arg5[%get3A_753] {strides = array<i32>} : memref<16384xi32, #tpu.memory_space<vmem>>, vector<16xi32>,
      %add3A_755 = arith.constant 1280 : i32
      %add3A_756 = arith.addi %mul3A_190, %add3A_755 : i32
      %add3A_757 = arith.constant 32 : i32
      %add3A_758 = arith.addi %add3A_756, %add3A_757 : i32
      %get3A_759 = arith.index_cast %add3A_758 : i32 to index
      %get3A_760 = tpu.vector_load %arg5[%get3A_759] {strides = array<i32>} : memref<16384xi32, #tpu.memory_space<vmem>>, vector<16xi32>,
      %add3A_761 = arith.constant 1280 : i32
      %add3A_762 = arith.addi %mul3A_190, %add3A_761 : i32
      %add3A_763 = arith.constant 48 : i32
      %add3A_764 = arith.addi %add3A_762, %add3A_763 : i32
      %get3A_765 = arith.index_cast %add3A_764 : i32 to index
      %get3A_766 = tpu.vector_load %arg5[%get3A_765] {strides = array<i32>} : memref<16384xi32, #tpu.memory_space<vmem>>, vector<16xi32>,
      %add3A_767 = arith.constant 1280 : i32
      %add3A_768 = arith.addi %mul3A_190, %add3A_767 : i32
      %add3A_769 = arith.constant 64 : i32
      %add3A_770 = arith.addi %add3A_768, %add3A_769 : i32
      %get3A_771 = arith.index_cast %add3A_770 : i32 to index
      %get3A_772 = tpu.vector_load %arg5[%get3A_771] {strides = array<i32>} : memref<16384xi32, #tpu.memory_space<vmem>>, vector<16xi32>,
      %add3A_773 = arith.constant 1280 : i32
      %add3A_774 = arith.addi %mul3A_190, %add3A_773 : i32
      %add3A_775 = arith.constant 80 : i32
      %add3A_776 = arith.addi %add3A_774, %add3A_775 : i32
      %get3A_777 = arith.index_cast %add3A_776 : i32 to index
      %get3A_778 = tpu.vector_load %arg5[%get3A_777] {strides = array<i32>} : memref<16384xi32, #tpu.memory_space<vmem>>, vector<16xi32>,
      %add3A_779 = arith.constant 1280 : i32
      %add3A_780 = arith.addi %mul3A_190, %add3A_779 : i32
      %add3A_781 = arith.constant 96 : i32
      %add3A_782 = arith.addi %add3A_780, %add3A_781 : i32
      %get3A_783 = arith.index_cast %add3A_782 : i32 to index
      %get3A_784 = tpu.vector_load %arg5[%get3A_783] {strides = array<i32>} : memref<16384xi32, #tpu.memory_space<vmem>>, vector<16xi32>,
      %add3A_785 = arith.constant 1280 : i32
      %add3A_786 = arith.addi %mul3A_190, %add3A_785 : i32
      %add3A_787 = arith.constant 112 : i32
      %add3A_788 = arith.addi %add3A_786, %add3A_787 : i32
      %get3A_789 = arith.index_cast %add3A_788 : i32 to index
      %get3A_790 = tpu.vector_load %arg5[%get3A_789] {strides = array<i32>} : memref<16384xi32, #tpu.memory_space<vmem>>, vector<16xi32>,
      %add3A_791 = arith.constant 1408 : i32
      %add3A_792 = arith.addi %mul3A_190, %add3A_791 : i32
      %add3A_793 = arith.constant 0 : i32
      %add3A_794 = arith.addi %add3A_792, %add3A_793 : i32
      %get3A_795 = arith.index_cast %add3A_794 : i32 to index
      %get3A_796 = tpu.vector_load %arg5[%get3A_795] {strides = array<i32>} : memref<16384xi32, #tpu.memory_space<vmem>>, vector<16xi32>,
      %add3A_797 = arith.constant 1408 : i32
      %add3A_798 = arith.addi %mul3A_190, %add3A_797 : i32
      %add3A_799 = arith.constant 16 : i32
      %add3A_800 = arith.addi %add3A_798, %add3A_799 : i32
      %get3A_801 = arith.index_cast %add3A_800 : i32 to index
      %get3A_802 = tpu.vector_load %arg5[%get3A_801] {strides = array<i32>} : memref<16384xi32, #tpu.memory_space<vmem>>, vector<16xi32>,
      %add3A_803 = arith.constant 1408 : i32
      %add3A_804 = arith.addi %mul3A_190, %add3A_803 : i32
      %add3A_805 = arith.constant 32 : i32
      %add3A_806 = arith.addi %add3A_804, %add3A_805 : i32
      %get3A_807 = arith.index_cast %add3A_806 : i32 to index
      %get3A_808 = tpu.vector_load %arg5[%get3A_807] {strides = array<i32>} : memref<16384xi32, #tpu.memory_space<vmem>>, vector<16xi32>,
      %add3A_809 = arith.constant 1408 : i32
      %add3A_810 = arith.addi %mul3A_190, %add3A_809 : i32
      %add3A_811 = arith.constant 48 : i32
      %add3A_812 = arith.addi %add3A_810, %add3A_811 : i32
      %get3A_813 = arith.index_cast %add3A_812 : i32 to index
      %get3A_814 = tpu.vector_load %arg5[%get3A_813] {strides = array<i32>} : memref<16384xi32, #tpu.memory_space<vmem>>, vector<16xi32>,
      %add3A_815 = arith.constant 1408 : i32
      %add3A_816 = arith.addi %mul3A_190, %add3A_815 : i32
      %add3A_817 = arith.constant 64 : i32
      %add3A_818 = arith.addi %add3A_816, %add3A_817 : i32
      %get3A_819 = arith.index_cast %add3A_818 : i32 to index
      %get3A_820 = tpu.vector_load %arg5[%get3A_819] {strides = array<i32>} : memref<16384xi32, #tpu.memory_space<vmem>>, vector<16xi32>,
      %add3A_821 = arith.constant 1408 : i32
      %add3A_822 = arith.addi %mul3A_190, %add3A_821 : i32
      %add3A_823 = arith.constant 80 : i32
      %add3A_824 = arith.addi %add3A_822, %add3A_823 : i32
      %get3A_825 = arith.index_cast %add3A_824 : i32 to index
      %get3A_826 = tpu.vector_load %arg5[%get3A_825] {strides = array<i32>} : memref<16384xi32, #tpu.memory_space<vmem>>, vector<16xi32>,
      %add3A_827 = arith.constant 1408 : i32
      %add3A_828 = arith.addi %mul3A_190, %add3A_827 : i32
      %add3A_829 = arith.constant 96 : i32
      %add3A_830 = arith.addi %add3A_828, %add3A_829 : i32
      %get3A_831 = arith.index_cast %add3A_830 : i32 to index
      %get3A_832 = tpu.vector_load %arg5[%get3A_831] {strides = array<i32>} : memref<16384xi32, #tpu.memory_space<vmem>>, vector<16xi32>,
      %add3A_833 = arith.constant 1408 : i32
      %add3A_834 = arith.addi %mul3A_190, %add3A_833 : i32
      %add3A_835 = arith.constant 112 : i32
      %add3A_836 = arith.addi %add3A_834, %add3A_835 : i32
      %get3A_837 = arith.index_cast %add3A_836 : i32 to index
      %get3A_838 = tpu.vector_load %arg5[%get3A_837] {strides = array<i32>} : memref<16384xi32, #tpu.memory_space<vmem>>, vector<16xi32>,
      %add3A_839 = arith.constant 1536 : i32
      %add3A_840 = arith.addi %mul3A_190, %add3A_839 : i32
      %add3A_841 = arith.constant 0 : i32
      %add3A_842 = arith.addi %add3A_840, %add3A_841 : i32
      %get3A_843 = arith.index_cast %add3A_842 : i32 to index
      %get3A_844 = tpu.vector_load %arg5[%get3A_843] {strides = array<i32>} : memref<16384xi32, #tpu.memory_space<vmem>>, vector<16xi32>,
      %add3A_845 = arith.constant 1536 : i32
      %add3A_846 = arith.addi %mul3A_190, %add3A_845 : i32
      %add3A_847 = arith.constant 16 : i32
      %add3A_848 = arith.addi %add3A_846, %add3A_847 : i32
      %get3A_849 = arith.index_cast %add3A_848 : i32 to index
      %get3A_850 = tpu.vector_load %arg5[%get3A_849] {strides = array<i32>} : memref<16384xi32, #tpu.memory_space<vmem>>, vector<16xi32>,
      %add3A_851 = arith.constant 1536 : i32
      %add3A_852 = arith.addi %mul3A_190, %add3A_851 : i32
      %add3A_853 = arith.constant 32 : i32
      %add3A_854 = arith.addi %add3A_852, %add3A_853 : i32
      %get3A_855 = arith.index_cast %add3A_854 : i32 to index
      %get3A_856 = tpu.vector_load %arg5[%get3A_855] {strides = array<i32>} : memref<16384xi32, #tpu.memory_space<vmem>>, vector<16xi32>,
      %add3A_857 = arith.constant 1536 : i32
      %add3A_858 = arith.addi %mul3A_190, %add3A_857 : i32
      %add3A_859 = arith.constant 48 : i32
      %add3A_860 = arith.addi %add3A_858, %add3A_859 : i32
      %get3A_861 = arith.index_cast %add3A_860 : i32 to index
      %get3A_862 = tpu.vector_load %arg5[%get3A_861] {strides = array<i32>} : memref<16384xi32, #tpu.memory_space<vmem>>, vector<16xi32>,
      %add3A_863 = arith.constant 1536 : i32
      %add3A_864 = arith.addi %mul3A_190, %add3A_863 : i32
      %add3A_865 = arith.constant 64 : i32
      %add3A_866 = arith.addi %add3A_864, %add3A_865 : i32
      %get3A_867 = arith.index_cast %add3A_866 : i32 to index
      %get3A_868 = tpu.vector_load %arg5[%get3A_867] {strides = array<i32>} : memref<16384xi32, #tpu.memory_space<vmem>>, vector<16xi32>,
      %add3A_869 = arith.constant 1536 : i32
      %add3A_870 = arith.addi %mul3A_190, %add3A_869 : i32
      %add3A_871 = arith.constant 80 : i32
      %add3A_872 = arith.addi %add3A_870, %add3A_871 : i32
      %get3A_873 = arith.index_cast %add3A_872 : i32 to index
      %get3A_874 = tpu.vector_load %arg5[%get3A_873] {strides = array<i32>} : memref<16384xi32, #tpu.memory_space<vmem>>, vector<16xi32>,
      %add3A_875 = arith.constant 1536 : i32
      %add3A_876 = arith.addi %mul3A_190, %add3A_875 : i32
      %add3A_877 = arith.constant 96 : i32
      %add3A_878 = arith.addi %add3A_876, %add3A_877 : i32
      %get3A_879 = arith.index_cast %add3A_878 : i32 to index
      %get3A_880 = tpu.vector_load %arg5[%get3A_879] {strides = array<i32>} : memref<16384xi32, #tpu.memory_space<vmem>>, vector<16xi32>,
      %add3A_881 = arith.constant 1536 : i32
      %add3A_882 = arith.addi %mul3A_190, %add3A_881 : i32
      %add3A_883 = arith.constant 112 : i32
      %add3A_884 = arith.addi %add3A_882, %add3A_883 : i32
      %get3A_885 = arith.index_cast %add3A_884 : i32 to index
      %get3A_886 = tpu.vector_load %arg5[%get3A_885] {strides = array<i32>} : memref<16384xi32, #tpu.memory_space<vmem>>, vector<16xi32>,
      %add3A_887 = arith.constant 1664 : i32
      %add3A_888 = arith.addi %mul3A_190, %add3A_887 : i32
      %add3A_889 = arith.constant 0 : i32
      %add3A_890 = arith.addi %add3A_888, %add3A_889 : i32
      %get3A_891 = arith.index_cast %add3A_890 : i32 to index
      %get3A_892 = tpu.vector_load %arg5[%get3A_891] {strides = array<i32>} : memref<16384xi32, #tpu.memory_space<vmem>>, vector<16xi32>,
      %add3A_893 = arith.constant 1664 : i32
      %add3A_894 = arith.addi %mul3A_190, %add3A_893 : i32
      %add3A_895 = arith.constant 16 : i32
      %add3A_896 = arith.addi %add3A_894, %add3A_895 : i32
      %get3A_897 = arith.index_cast %add3A_896 : i32 to index
      %get3A_898 = tpu.vector_load %arg5[%get3A_897] {strides = array<i32>} : memref<16384xi32, #tpu.memory_space<vmem>>, vector<16xi32>,
      %add3A_899 = arith.constant 1664 : i32
      %add3A_900 = arith.addi %mul3A_190, %add3A_899 : i32
      %add3A_901 = arith.constant 32 : i32
      %add3A_902 = arith.addi %add3A_900, %add3A_901 : i32
      %get3A_903 = arith.index_cast %add3A_902 : i32 to index
      %get3A_904 = tpu.vector_load %arg5[%get3A_903] {strides = array<i32>} : memref<16384xi32, #tpu.memory_space<vmem>>, vector<16xi32>,
      %add3A_905 = arith.constant 1664 : i32
      %add3A_906 = arith.addi %mul3A_190, %add3A_905 : i32
      %add3A_907 = arith.constant 48 : i32
      %add3A_908 = arith.addi %add3A_906, %add3A_907 : i32
      %get3A_909 = arith.index_cast %add3A_908 : i32 to index
      %get3A_910 = tpu.vector_load %arg5[%get3A_909] {strides = array<i32>} : memref<16384xi32, #tpu.memory_space<vmem>>, vector<16xi32>,
      %add3A_911 = arith.constant 1664 : i32
      %add3A_912 = arith.addi %mul3A_190, %add3A_911 : i32
      %add3A_913 = arith.constant 64 : i32
      %add3A_914 = arith.addi %add3A_912, %add3A_913 : i32
      %get3A_915 = arith.index_cast %add3A_914 : i32 to index
      %get3A_916 = tpu.vector_load %arg5[%get3A_915] {strides = array<i32>} : memref<16384xi32, #tpu.memory_space<vmem>>, vector<16xi32>,
      %add3A_917 = arith.constant 1664 : i32
      %add3A_918 = arith.addi %mul3A_190, %add3A_917 : i32
      %add3A_919 = arith.constant 80 : i32
      %add3A_920 = arith.addi %add3A_918, %add3A_919 : i32
      %get3A_921 = arith.index_cast %add3A_920 : i32 to index
      %get3A_922 = tpu.vector_load %arg5[%get3A_921] {strides = array<i32>} : memref<16384xi32, #tpu.memory_space<vmem>>, vector<16xi32>,
      %add3A_923 = arith.constant 1664 : i32
      %add3A_924 = arith.addi %mul3A_190, %add3A_923 : i32
      %add3A_925 = arith.constant 96 : i32
      %add3A_926 = arith.addi %add3A_924, %add3A_925 : i32
      %get3A_927 = arith.index_cast %add3A_926 : i32 to index
      %get3A_928 = tpu.vector_load %arg5[%get3A_927] {strides = array<i32>} : memref<16384xi32, #tpu.memory_space<vmem>>, vector<16xi32>,
      %add3A_929 = arith.constant 1664 : i32
      %add3A_930 = arith.addi %mul3A_190, %add3A_929 : i32
      %add3A_931 = arith.constant 112 : i32
      %add3A_932 = arith.addi %add3A_930, %add3A_931 : i32
      %get3A_933 = arith.index_cast %add3A_932 : i32 to index
      %get3A_934 = tpu.vector_load %arg5[%get3A_933] {strides = array<i32>} : memref<16384xi32, #tpu.memory_space<vmem>>, vector<16xi32>,
      %add3A_935 = arith.constant 1792 : i32
      %add3A_936 = arith.addi %mul3A_190, %add3A_935 : i32
      %add3A_937 = arith.constant 0 : i32
      %add3A_938 = arith.addi %add3A_936, %add3A_937 : i32
      %get3A_939 = arith.index_cast %add3A_938 : i32 to index
      %get3A_940 = tpu.vector_load %arg5[%get3A_939] {strides = array<i32>} : memref<16384xi32, #tpu.memory_space<vmem>>, vector<16xi32>,
      %add3A_941 = arith.constant 1792 : i32
      %add3A_942 = arith.addi %mul3A_190, %add3A_941 : i32
      %add3A_943 = arith.constant 16 : i32
      %add3A_944 = arith.addi %add3A_942, %add3A_943 : i32
      %get3A_945 = arith.index_cast %add3A_944 : i32 to index
      %get3A_946 = tpu.vector_load %arg5[%get3A_945] {strides = array<i32>} : memref<16384xi32, #tpu.memory_space<vmem>>, vector<16xi32>,
      %add3A_947 = arith.constant 1792 : i32
      %add3A_948 = arith.addi %mul3A_190, %add3A_947 : i32
      %add3A_949 = arith.constant 32 : i32
      %add3A_950 = arith.addi %add3A_948, %add3A_949 : i32
      %get3A_951 = arith.index_cast %add3A_950 : i32 to index
      %get3A_952 = tpu.vector_load %arg5[%get3A_951] {strides = array<i32>} : memref<16384xi32, #tpu.memory_space<vmem>>, vector<16xi32>,
      %add3A_953 = arith.constant 1792 : i32
      %add3A_954 = arith.addi %mul3A_190, %add3A_953 : i32
      %add3A_955 = arith.constant 48 : i32
      %add3A_956 = arith.addi %add3A_954, %add3A_955 : i32
      %get3A_957 = arith.index_cast %add3A_956 : i32 to index
      %get3A_958 = tpu.vector_load %arg5[%get3A_957] {strides = array<i32>} : memref<16384xi32, #tpu.memory_space<vmem>>, vector<16xi32>,
      %add3A_959 = arith.constant 1792 : i32
      %add3A_960 = arith.addi %mul3A_190, %add3A_959 : i32
      %add3A_961 = arith.constant 64 : i32
      %add3A_962 = arith.addi %add3A_960, %add3A_961 : i32
      %get3A_963 = arith.index_cast %add3A_962 : i32 to index
      %get3A_964 = tpu.vector_load %arg5[%get3A_963] {strides = array<i32>} : memref<16384xi32, #tpu.memory_space<vmem>>, vector<16xi32>,
      %add3A_965 = arith.constant 1792 : i32
      %add3A_966 = arith.addi %mul3A_190, %add3A_965 : i32
      %add3A_967 = arith.constant 80 : i32
      %add3A_968 = arith.addi %add3A_966, %add3A_967 : i32
      %get3A_969 = arith.index_cast %add3A_968 : i32 to index
      %get3A_970 = tpu.vector_load %arg5[%get3A_969] {strides = array<i32>} : memref<16384xi32, #tpu.memory_space<vmem>>, vector<16xi32>,
      %add3A_971 = arith.constant 1792 : i32
      %add3A_972 = arith.addi %mul3A_190, %add3A_971 : i32
      %add3A_973 = arith.constant 96 : i32
      %add3A_974 = arith.addi %add3A_972, %add3A_973 : i32
      %get3A_975 = arith.index_cast %add3A_974 : i32 to index
      %get3A_976 = tpu.vector_load %arg5[%get3A_975] {strides = array<i32>} : memref<16384xi32, #tpu.memory_space<vmem>>, vector<16xi32>,
      %add3A_977 = arith.constant 1792 : i32
      %add3A_978 = arith.addi %mul3A_190, %add3A_977 : i32
      %add3A_979 = arith.constant 112 : i32
      %add3A_980 = arith.addi %add3A_978, %add3A_979 : i32
      %get3A_981 = arith.index_cast %add3A_980 : i32 to index
      %get3A_982 = tpu.vector_load %arg5[%get3A_981] {strides = array<i32>} : memref<16384xi32, #tpu.memory_space<vmem>>, vector<16xi32>,
      %add3A_983 = arith.constant 1920 : i32
      %add3A_984 = arith.addi %mul3A_190, %add3A_983 : i32
      %add3A_985 = arith.constant 0 : i32
      %add3A_986 = arith.addi %add3A_984, %add3A_985 : i32
      %get3A_987 = arith.index_cast %add3A_986 : i32 to index
      %get3A_988 = tpu.vector_load %arg5[%get3A_987] {strides = array<i32>} : memref<16384xi32, #tpu.memory_space<vmem>>, vector<16xi32>,
      %add3A_989 = arith.constant 1920 : i32
      %add3A_990 = arith.addi %mul3A_190, %add3A_989 : i32
      %add3A_991 = arith.constant 16 : i32
      %add3A_992 = arith.addi %add3A_990, %add3A_991 : i32
      %get3A_993 = arith.index_cast %add3A_992 : i32 to index
      %get3A_994 = tpu.vector_load %arg5[%get3A_993] {strides = array<i32>} : memref<16384xi32, #tpu.memory_space<vmem>>, vector<16xi32>,
      %add3A_995 = arith.constant 1920 : i32
      %add3A_996 = arith.addi %mul3A_190, %add3A_995 : i32
      %add3A_997 = arith.constant 32 : i32
      %add3A_998 = arith.addi %add3A_996, %add3A_997 : i32
      %get3A_999 = arith.index_cast %add3A_998 : i32 to index
      %get3A_1000 = tpu.vector_load %arg5[%get3A_999] {strides = array<i32>} : memref<16384xi32, #tpu.memory_space<vmem>>, vector<16xi32>,
      %add3A_1001 = arith.constant 1920 : i32
      %add3A_1002 = arith.addi %mul3A_190, %add3A_1001 : i32
      %add3A_1003 = arith.constant 48 : i32
      %add3A_1004 = arith.addi %add3A_1002, %add3A_1003 : i32
      %get3A_1005 = arith.index_cast %add3A_1004 : i32 to index
      %get3A_1006 = tpu.vector_load %arg5[%get3A_1005] {strides = array<i32>} : memref<16384xi32, #tpu.memory_space<vmem>>, vector<16xi32>,
      %add3A_1007 = arith.constant 1920 : i32
      %add3A_1008 = arith.addi %mul3A_190, %add3A_1007 : i32
      %add3A_1009 = arith.constant 64 : i32
      %add3A_1010 = arith.addi %add3A_1008, %add3A_1009 : i32
      %get3A_1011 = arith.index_cast %add3A_1010 : i32 to index
      %get3A_1012 = tpu.vector_load %arg5[%get3A_1011] {strides = array<i32>} : memref<16384xi32, #tpu.memory_space<vmem>>, vector<16xi32>,
      %add3A_1013 = arith.constant 1920 : i32
      %add3A_1014 = arith.addi %mul3A_190, %add3A_1013 : i32
      %add3A_1015 = arith.constant 80 : i32
      %add3A_1016 = arith.addi %add3A_1014, %add3A_1015 : i32
      %get3A_1017 = arith.index_cast %add3A_1016 : i32 to index
      %get3A_1018 = tpu.vector_load %arg5[%get3A_1017] {strides = array<i32>} : memref<16384xi32, #tpu.memory_space<vmem>>, vector<16xi32>,
      %add3A_1019 = arith.constant 1920 : i32
      %add3A_1020 = arith.addi %mul3A_190, %add3A_1019 : i32
      %add3A_1021 = arith.constant 96 : i32
      %add3A_1022 = arith.addi %add3A_1020, %add3A_1021 : i32
      %get3A_1023 = arith.index_cast %add3A_1022 : i32 to index
      %get3A_1024 = tpu.vector_load %arg5[%get3A_1023] {strides = array<i32>} : memref<16384xi32, #tpu.memory_space<vmem>>, vector<16xi32>,
      %add3A_1025 = arith.constant 1920 : i32
      %add3A_1026 = arith.addi %mul3A_190, %add3A_1025 : i32
      %add3A_1027 = arith.constant 112 : i32
      %add3A_1028 = arith.addi %add3A_1026, %add3A_1027 : i32
      %get3A_1029 = arith.index_cast %add3A_1028 : i32 to index
      %get3A_1030 = tpu.vector_load %arg5[%get3A_1029] {strides = array<i32>} : memref<16384xi32, #tpu.memory_space<vmem>>, vector<16xi32>,
      %add3A_1031 = arith.addi %get3A_652, %get3A_658 : vector<16xi32>
      %add3A_1032 = arith.addi %get3A_700, %get3A_706 : vector<16xi32>
      %add3A_1033 = arith.addi %get3A_748, %get3A_754 : vector<16xi32>
      %add3A_1034 = arith.addi %get3A_796, %get3A_802 : vector<16xi32>
      %add3A_1035 = arith.addi %get3A_844, %get3A_850 : vector<16xi32>
      %add3A_1036 = arith.addi %get3A_892, %get3A_898 : vector<16xi32>
      %add3A_1037 = arith.addi %get3A_940, %get3A_946 : vector<16xi32>
      %add3A_1038 = arith.addi %get3A_988, %get3A_994 : vector<16xi32>
      %add3A_1039 = arith.addi %add3A_1031, %get3A_664 : vector<16xi32>
      %add3A_1040 = arith.addi %add3A_1032, %get3A_712 : vector<16xi32>
      %add3A_1041 = arith.addi %add3A_1033, %get3A_760 : vector<16xi32>
      %add3A_1042 = arith.addi %add3A_1034, %get3A_808 : vector<16xi32>
      %add3A_1043 = arith.addi %add3A_1035, %get3A_856 : vector<16xi32>
      %add3A_1044 = arith.addi %add3A_1036, %get3A_904 : vector<16xi32>
      %add3A_1045 = arith.addi %add3A_1037, %get3A_952 : vector<16xi32>
      %add3A_1046 = arith.addi %add3A_1038, %get3A_1000 : vector<16xi32>
      %add3A_1047 = arith.addi %add3A_1039, %get3A_670 : vector<16xi32>
      %add3A_1048 = arith.addi %add3A_1040, %get3A_718 : vector<16xi32>
      %add3A_1049 = arith.addi %add3A_1041, %get3A_766 : vector<16xi32>
      %add3A_1050 = arith.addi %add3A_1042, %get3A_814 : vector<16xi32>
      %add3A_1051 = arith.addi %add3A_1043, %get3A_862 : vector<16xi32>
      %add3A_1052 = arith.addi %add3A_1044, %get3A_910 : vector<16xi32>
      %add3A_1053 = arith.addi %add3A_1045, %get3A_958 : vector<16xi32>
      %add3A_1054 = arith.addi %add3A_1046, %get3A_1006 : vector<16xi32>
      %add3A_1055 = arith.addi %add3A_1047, %get3A_676 : vector<16xi32>
      %add3A_1056 = arith.addi %add3A_1048, %get3A_724 : vector<16xi32>
      %add3A_1057 = arith.addi %add3A_1049, %get3A_772 : vector<16xi32>
      %add3A_1058 = arith.addi %add3A_1050, %get3A_820 : vector<16xi32>
      %add3A_1059 = arith.addi %add3A_1051, %get3A_868 : vector<16xi32>
      %add3A_1060 = arith.addi %add3A_1052, %get3A_916 : vector<16xi32>
      %add3A_1061 = arith.addi %add3A_1053, %get3A_964 : vector<16xi32>
      %add3A_1062 = arith.addi %add3A_1054, %get3A_1012 : vector<16xi32>
      %add3A_1063 = arith.addi %add3A_1055, %get3A_682 : vector<16xi32>
      %add3A_1064 = arith.addi %add3A_1056, %get3A_730 : vector<16xi32>
      %add3A_1065 = arith.addi %add3A_1057, %get3A_778 : vector<16xi32>
      %add3A_1066 = arith.addi %add3A_1058, %get3A_826 : vector<16xi32>
      %add3A_1067 = arith.addi %add3A_1059, %get3A_874 : vector<16xi32>
      %add3A_1068 = arith.addi %add3A_1060, %get3A_922 : vector<16xi32>
      %add3A_1069 = arith.addi %add3A_1061, %get3A_970 : vector<16xi32>
      %add3A_1070 = arith.addi %add3A_1062, %get3A_1018 : vector<16xi32>
      %add3A_1071 = arith.addi %add3A_1063, %get3A_688 : vector<16xi32>
      %add3A_1072 = arith.addi %add3A_1064, %get3A_736 : vector<16xi32>
      %add3A_1073 = arith.addi %add3A_1065, %get3A_784 : vector<16xi32>
      %add3A_1074 = arith.addi %add3A_1066, %get3A_832 : vector<16xi32>
      %add3A_1075 = arith.addi %add3A_1067, %get3A_880 : vector<16xi32>
      %add3A_1076 = arith.addi %add3A_1068, %get3A_928 : vector<16xi32>
      %add3A_1077 = arith.addi %add3A_1069, %get3A_976 : vector<16xi32>
      %add3A_1078 = arith.addi %add3A_1070, %get3A_1024 : vector<16xi32>
      %add3A_1079 = arith.addi %add3A_1071, %get3A_694 : vector<16xi32>
      %add3A_1080 = arith.addi %add3A_1072, %get3A_742 : vector<16xi32>
      %add3A_1081 = arith.addi %add3A_1073, %get3A_790 : vector<16xi32>
      %add3A_1082 = arith.addi %add3A_1074, %get3A_838 : vector<16xi32>
      %add3A_1083 = arith.addi %add3A_1075, %get3A_886 : vector<16xi32>
      %add3A_1084 = arith.addi %add3A_1076, %get3A_934 : vector<16xi32>
      %add3A_1085 = arith.addi %add3A_1077, %get3A_982 : vector<16xi32>
      %add3A_1086 = arith.addi %add3A_1078, %get3A_1030 : vector<16xi32>
      %swap3A_1087 = arith.constant 136 : index
      %swap3A_1088 = tpu.vector_load %arg9[%swap3A_1087] {strides = array<i32>} : memref<272xi32, #tpu.memory_space<vmem>>, vector<16xi32>,
      tpu.vector_store %arg9[%swap3A_1087], %add3A_1079 {strides = array<i32>} : memref<272xi32, #tpu.memory_space<vmem>>, vector<16xi32>,
      %swap3A_1089 = arith.constant 153 : index
      %swap3A_1090 = tpu.vector_load %arg9[%swap3A_1089] {strides = array<i32>} : memref<272xi32, #tpu.memory_space<vmem>>, vector<16xi32>,
      tpu.vector_store %arg9[%swap3A_1089], %add3A_1080 {strides = array<i32>} : memref<272xi32, #tpu.memory_space<vmem>>, vector<16xi32>,
      %swap3A_1091 = arith.constant 170 : index
      %swap3A_1092 = tpu.vector_load %arg9[%swap3A_1091] {strides = array<i32>} : memref<272xi32, #tpu.memory_space<vmem>>, vector<16xi32>,
      tpu.vector_store %arg9[%swap3A_1091], %add3A_1081 {strides = array<i32>} : memref<272xi32, #tpu.memory_space<vmem>>, vector<16xi32>,
      %swap3A_1093 = arith.constant 187 : index
      %swap3A_1094 = tpu.vector_load %arg9[%swap3A_1093] {strides = array<i32>} : memref<272xi32, #tpu.memory_space<vmem>>, vector<16xi32>,
      tpu.vector_store %arg9[%swap3A_1093], %add3A_1082 {strides = array<i32>} : memref<272xi32, #tpu.memory_space<vmem>>, vector<16xi32>,
      %swap3A_1095 = arith.constant 204 : index
      %swap3A_1096 = tpu.vector_load %arg9[%swap3A_1095] {strides = array<i32>} : memref<272xi32, #tpu.memory_space<vmem>>, vector<16xi32>,
      tpu.vector_store %arg9[%swap3A_1095], %add3A_1083 {strides = array<i32>} : memref<272xi32, #tpu.memory_space<vmem>>, vector<16xi32>,
      %swap3A_1097 = arith.constant 221 : index
      %swap3A_1098 = tpu.vector_load %arg9[%swap3A_1097] {strides = array<i32>} : memref<272xi32, #tpu.memory_space<vmem>>, vector<16xi32>,
      tpu.vector_store %arg9[%swap3A_1097], %add3A_1084 {strides = array<i32>} : memref<272xi32, #tpu.memory_space<vmem>>, vector<16xi32>,
      %swap3A_1099 = arith.constant 238 : index
      %swap3A_1100 = tpu.vector_load %arg9[%swap3A_1099] {strides = array<i32>} : memref<272xi32, #tpu.memory_space<vmem>>, vector<16xi32>,
      tpu.vector_store %arg9[%swap3A_1099], %add3A_1085 {strides = array<i32>} : memref<272xi32, #tpu.memory_space<vmem>>, vector<16xi32>,
      %swap3A_1101 = arith.constant 255 : index
      %swap3A_1102 = tpu.vector_load %arg9[%swap3A_1101] {strides = array<i32>} : memref<272xi32, #tpu.memory_space<vmem>>, vector<16xi32>,
      tpu.vector_store %arg9[%swap3A_1101], %add3A_1086 {strides = array<i32>} : memref<272xi32, #tpu.memory_space<vmem>>, vector<16xi32>,
      %broadcast_in_dim3A_1103 = arith.constant 0 : i32
      %broadcast_in_dim3A_1104 = vector.broadcast %broadcast_in_dim3A_1103 : i32 to vector<16xi32>
      %gather3A_1105 = tpu.vector_load_idx %arg9[%mul3A_93] : memref<272xi32, #tpu.memory_space<vmem>>[vector<16xi32>], vector<16xi32>,
      %add3A_1106 = arith.addi %broadcast_in_dim3A_1104, %gather3A_1105 : vector<16xi32>
      %add3A_1107 = arith.addi %mul3A_93, %broadcast_in_dim3A_12 : vector<16xi32>
      %gather3A_1108 = tpu.vector_load_idx %arg9[%add3A_1107] : memref<272xi32, #tpu.memory_space<vmem>>[vector<16xi32>], vector<16xi32>,
      %add3A_1109 = arith.addi %add3A_1106, %gather3A_1108 : vector<16xi32>
      %add3A_1110 = arith.addi %add3A_1107, %broadcast_in_dim3A_12 : vector<16xi32>
      %gather3A_1111 = tpu.vector_load_idx %arg9[%add3A_1110] : memref<272xi32, #tpu.memory_space<vmem>>[vector<16xi32>], vector<16xi32>,
      %add3A_1112 = arith.addi %add3A_1109, %gather3A_1111 : vector<16xi32>
      %add3A_1113 = arith.addi %add3A_1110, %broadcast_in_dim3A_12 : vector<16xi32>
      %gather3A_1114 = tpu.vector_load_idx %arg9[%add3A_1113] : memref<272xi32, #tpu.memory_space<vmem>>[vector<16xi32>], vector<16xi32>,
      %add3A_1115 = arith.addi %add3A_1112, %gather3A_1114 : vector<16xi32>
      %add3A_1116 = arith.addi %add3A_1113, %broadcast_in_dim3A_12 : vector<16xi32>
      %gather3A_1117 = tpu.vector_load_idx %arg9[%add3A_1116] : memref<272xi32, #tpu.memory_space<vmem>>[vector<16xi32>], vector<16xi32>,
      %add3A_1118 = arith.addi %add3A_1115, %gather3A_1117 : vector<16xi32>
      %add3A_1119 = arith.addi %add3A_1116, %broadcast_in_dim3A_12 : vector<16xi32>
      %gather3A_1120 = tpu.vector_load_idx %arg9[%add3A_1119] : memref<272xi32, #tpu.memory_space<vmem>>[vector<16xi32>], vector<16xi32>,
      %add3A_1121 = arith.addi %add3A_1118, %gather3A_1120 : vector<16xi32>
      %add3A_1122 = arith.addi %add3A_1119, %broadcast_in_dim3A_12 : vector<16xi32>
      %gather3A_1123 = tpu.vector_load_idx %arg9[%add3A_1122] : memref<272xi32, #tpu.memory_space<vmem>>[vector<16xi32>], vector<16xi32>,
      %add3A_1124 = arith.addi %add3A_1121, %gather3A_1123 : vector<16xi32>
      %add3A_1125 = arith.addi %add3A_1122, %broadcast_in_dim3A_12 : vector<16xi32>
      %gather3A_1126 = tpu.vector_load_idx %arg9[%add3A_1125] : memref<272xi32, #tpu.memory_space<vmem>>[vector<16xi32>], vector<16xi32>,
      %add3A_1127 = arith.addi %add3A_1124, %gather3A_1126 : vector<16xi32>
      %add3A_1128 = arith.addi %add3A_1125, %broadcast_in_dim3A_12 : vector<16xi32>
      %gather3A_1129 = tpu.vector_load_idx %arg9[%add3A_1128] : memref<272xi32, #tpu.memory_space<vmem>>[vector<16xi32>], vector<16xi32>,
      %add3A_1130 = arith.addi %add3A_1127, %gather3A_1129 : vector<16xi32>
      %add3A_1131 = arith.addi %add3A_1128, %broadcast_in_dim3A_12 : vector<16xi32>
      %gather3A_1132 = tpu.vector_load_idx %arg9[%add3A_1131] : memref<272xi32, #tpu.memory_space<vmem>>[vector<16xi32>], vector<16xi32>,
      %add3A_1133 = arith.addi %add3A_1130, %gather3A_1132 : vector<16xi32>
      %add3A_1134 = arith.addi %add3A_1131, %broadcast_in_dim3A_12 : vector<16xi32>
      %gather3A_1135 = tpu.vector_load_idx %arg9[%add3A_1134] : memref<272xi32, #tpu.memory_space<vmem>>[vector<16xi32>], vector<16xi32>,
      %add3A_1136 = arith.addi %add3A_1133, %gather3A_1135 : vector<16xi32>
      %add3A_1137 = arith.addi %add3A_1134, %broadcast_in_dim3A_12 : vector<16xi32>
      %gather3A_1138 = tpu.vector_load_idx %arg9[%add3A_1137] : memref<272xi32, #tpu.memory_space<vmem>>[vector<16xi32>], vector<16xi32>,
      %add3A_1139 = arith.addi %add3A_1136, %gather3A_1138 : vector<16xi32>
      %add3A_1140 = arith.addi %add3A_1137, %broadcast_in_dim3A_12 : vector<16xi32>
      %gather3A_1141 = tpu.vector_load_idx %arg9[%add3A_1140] : memref<272xi32, #tpu.memory_space<vmem>>[vector<16xi32>], vector<16xi32>,
      %add3A_1142 = arith.addi %add3A_1139, %gather3A_1141 : vector<16xi32>
      %add3A_1143 = arith.addi %add3A_1140, %broadcast_in_dim3A_12 : vector<16xi32>
      %gather3A_1144 = tpu.vector_load_idx %arg9[%add3A_1143] : memref<272xi32, #tpu.memory_space<vmem>>[vector<16xi32>], vector<16xi32>,
      %add3A_1145 = arith.addi %add3A_1142, %gather3A_1144 : vector<16xi32>
      %add3A_1146 = arith.addi %add3A_1143, %broadcast_in_dim3A_12 : vector<16xi32>
      %gather3A_1147 = tpu.vector_load_idx %arg9[%add3A_1146] : memref<272xi32, #tpu.memory_space<vmem>>[vector<16xi32>], vector<16xi32>,
      %add3A_1148 = arith.addi %add3A_1145, %gather3A_1147 : vector<16xi32>
      %add3A_1149 = arith.addi %add3A_1146, %broadcast_in_dim3A_12 : vector<16xi32>
      %gather3A_1150 = tpu.vector_load_idx %arg9[%add3A_1149] : memref<272xi32, #tpu.memory_space<vmem>>[vector<16xi32>], vector<16xi32>,
      %add3A_1151 = arith.addi %add3A_1148, %gather3A_1150 : vector<16xi32>
      %add3A_1152 = arith.addi %add3A_1149, %broadcast_in_dim3A_12 : vector<16xi32>
      %eq3A = arith.cmpi eq, %add3A_1151, %add3A_85 : vector<16xi32>
      %select_n3A = arith.select %eq3A, %bitcast_convert_type3A, %broadcast_in_dim3A_90 : vector<16xi1>, vector<16xf32>
      %mul3A_1153 = arith.constant 16 : i32
      %mul3A_1154 = arith.muli %scan3A_188, %mul3A_1153 : i32
      %add3A_1155 = arith.constant 0 : i32
      %add3A_1156 = arith.addi %add3A_1155, %mul3A_1154 : i32
      %swap3A_1157 = arith.index_cast %add3A_1156 : i32 to index
      %swap3A_1158 = tpu.vector_load %arg7[%swap3A_1157] {strides = array<i32>} : memref<512xf32, #tpu.memory_space<vmem>>, vector<16xf32>,
      tpu.vector_store %arg7[%swap3A_1157], %select_n3A {strides = array<i32>} : memref<512xf32, #tpu.memory_space<vmem>>, vector<16xf32>,
    }
    %scan3A_99 = arith.constant 8 : i32
    %add3A_100 = arith.constant 32768 : i32
    %add3A_101 = arith.addi %mul3A_4, %add3A_100 : i32
    %dma_start3A_102 = tpu.memref_slice %arg2[%add3A_101] : memref<2097152xi32, #tpu.memory_space<hbm>> -> memref<16384xi32, #tpu.memory_space<hbm>>
    %dma_start3A_103 = tpu.memref_slice %arg2[%add3A_101] : memref<2097152xi32, #tpu.memory_space<hbm>> -> memref<16384xi32, #tpu.memory_space<hbm>>
    tpu.enqueue_dma source(%dma_start3A_103 : memref<16384xi32, #tpu.memory_space<hbm>>) target(%arg5 : memref<16384xi32, #tpu.memory_space<vmem>>) target_semaphore(%arg10 : memref<!tpu.dma_semaphore, #tpu.memory_space<semaphore_mem>>)
    %add3A_104 = arith.constant 0 : i32
    %add3A_105 = arith.addi %mul3A_2, %add3A_104 : i32
    %dma_start3A_106 = arith.constant 0 : i32
    %dma_start3A_107 = tpu.memref_slice %arg7[%dma_start3A_106] : memref<512xf32, #tpu.memory_space<vmem>> -> memref<128xf32, #tpu.memory_space<vmem>>
    %dma_start3A_108 = tpu.memref_slice %arg4[%add3A_105] : memref<16384xf32, #tpu.memory_space<hbm>> -> memref<128xf32, #tpu.memory_space<hbm>>
    %dma_start3A_109 = tpu.memref_slice %arg4[%add3A_105] : memref<16384xf32, #tpu.memory_space<hbm>> -> memref<128xf32, #tpu.memory_space<hbm>>
    %dma_start3A_110 = arith.constant 0 : i32
    %dma_start3A_111 = tpu.memref_slice %arg7[%dma_start3A_110] : memref<512xf32, #tpu.memory_space<vmem>> -> memref<128xf32, #tpu.memory_space<vmem>>
    tpu.enqueue_dma source(%dma_start3A_111 : memref<128xf32, #tpu.memory_space<vmem>>) target(%dma_start3A_109 : memref<128xf32, #tpu.memory_space<hbm>>) target_semaphore(%arg13 : memref<!tpu.dma_semaphore, #tpu.memory_space<semaphore_mem>>)
    %dma_wait3A_112 = tpu.memref_slice %arg2[%add3A_9] : memref<2097152xi32, #tpu.memory_space<hbm>> -> memref<16384xi32, #tpu.memory_space<hbm>>
    %dma_wait3A_113 = tpu.memref_slice %arg2[%add3A_9] : memref<2097152xi32, #tpu.memory_space<hbm>> -> memref<16384xi32, #tpu.memory_space<hbm>>
    tpu.wait_dma2 semaphore(%arg11 : memref<!tpu.dma_semaphore, #tpu.memory_space<semaphore_mem>>) src(%dma_wait3A_113 : memref<16384xi32, #tpu.memory_space<hbm>>) dst(%arg6 : memref<16384xi32, #tpu.memory_space<vmem>>)
    %scan3A_114 = arith.constant 0 : i32
    %scan3A_115 = arith.constant 0 : i32
    %scan3A_116 = arith.constant 8 : i32
    %scan3A_117 = arith.addi %scan3A_115, %scan3A_116 : i32
    %scan3A_118 = arith.constant 1 : i32
    scf.for %scan3A_188 = %scan3A_115 to %scan3A_117 step %scan3A_118  : i32 {
      %mul3A_189 = arith.constant 2048 : i32
      %mul3A_190 = arith.muli %scan3A_188, %mul3A_189 : i32
      %add3A_191 = arith.constant 0 : i32
      %add3A_192 = arith.addi %mul3A_190, %add3A_191 : i32
      %add3A_193 = arith.constant 0 : i32
      %add3A_194 = arith.addi %add3A_192, %add3A_193 : i32
      %get3A_195 = arith.index_cast %add3A_194 : i32 to index
      %get3A_196 = tpu.vector_load %arg6[%get3A_195] {strides = array<i32>} : memref<16384xi32, #tpu.memory_space<vmem>>, vector<16xi32>,
      %add3A_197 = arith.constant 0 : i32
      %add3A_198 = arith.addi %mul3A_190, %add3A_197 : i32
      %add3A_199 = arith.constant 16 : i32
      %add3A_200 = arith.addi %add3A_198, %add3A_199 : i32
      %get3A_201 = arith.index_cast %add3A_200 : i32 to index
      %get3A_202 = tpu.vector_load %arg6[%get3A_201] {strides = array<i32>} : memref<16384xi32, #tpu.memory_space<vmem>>, vector<16xi32>,
      %add3A_203 = arith.constant 0 : i32
      %add3A_204 = arith.addi %mul3A_190, %add3A_203 : i32
      %add3A_205 = arith.constant 32 : i32
      %add3A_206 = arith.addi %add3A_204, %add3A_205 : i32
      %get3A_207 = arith.index_cast %add3A_206 : i32 to index
      %get3A_208 = tpu.vector_load %arg6[%get3A_207] {strides = array<i32>} : memref<16384xi32, #tpu.memory_space<vmem>>, vector<16xi32>,
      %add3A_209 = arith.constant 0 : i32
      %add3A_210 = arith.addi %mul3A_190, %add3A_209 : i32
      %add3A_211 = arith.constant 48 : i32
      %add3A_212 = arith.addi %add3A_210, %add3A_211 : i32
      %get3A_213 = arith.index_cast %add3A_212 : i32 to index
      %get3A_214 = tpu.vector_load %arg6[%get3A_213] {strides = array<i32>} : memref<16384xi32, #tpu.memory_space<vmem>>, vector<16xi32>,
      %add3A_215 = arith.constant 0 : i32
      %add3A_216 = arith.addi %mul3A_190, %add3A_215 : i32
      %add3A_217 = arith.constant 64 : i32
      %add3A_218 = arith.addi %add3A_216, %add3A_217 : i32
      %get3A_219 = arith.index_cast %add3A_218 : i32 to index
      %get3A_220 = tpu.vector_load %arg6[%get3A_219] {strides = array<i32>} : memref<16384xi32, #tpu.memory_space<vmem>>, vector<16xi32>,
      %add3A_221 = arith.constant 0 : i32
      %add3A_222 = arith.addi %mul3A_190, %add3A_221 : i32
      %add3A_223 = arith.constant 80 : i32
      %add3A_224 = arith.addi %add3A_222, %add3A_223 : i32
      %get3A_225 = arith.index_cast %add3A_224 : i32 to index
      %get3A_226 = tpu.vector_load %arg6[%get3A_225] {strides = array<i32>} : memref<16384xi32, #tpu.memory_space<vmem>>, vector<16xi32>,
      %add3A_227 = arith.constant 0 : i32
      %add3A_228 = arith.addi %mul3A_190, %add3A_227 : i32
      %add3A_229 = arith.constant 96 : i32
      %add3A_230 = arith.addi %add3A_228, %add3A_229 : i32
      %get3A_231 = arith.index_cast %add3A_230 : i32 to index
      %get3A_232 = tpu.vector_load %arg6[%get3A_231] {strides = array<i32>} : memref<16384xi32, #tpu.memory_space<vmem>>, vector<16xi32>,
      %add3A_233 = arith.constant 0 : i32
      %add3A_234 = arith.addi %mul3A_190, %add3A_233 : i32
      %add3A_235 = arith.constant 112 : i32
      %add3A_236 = arith.addi %add3A_234, %add3A_235 : i32
      %get3A_237 = arith.index_cast %add3A_236 : i32 to index
      %get3A_238 = tpu.vector_load %arg6[%get3A_237] {strides = array<i32>} : memref<16384xi32, #tpu.memory_space<vmem>>, vector<16xi32>,
      %add3A_239 = arith.constant 128 : i32
      %add3A_240 = arith.addi %mul3A_190, %add3A_239 : i32
      %add3A_241 = arith.constant 0 : i32
      %add3A_242 = arith.addi %add3A_240, %add3A_241 : i32
      %get3A_243 = arith.index_cast %add3A_242 : i32 to index
      %get3A_244 = tpu.vector_load %arg6[%get3A_243] {strides = array<i32>} : memref<16384xi32, #tpu.memory_space<vmem>>, vector<16xi32>,
      %add3A_245 = arith.constant 128 : i32
      %add3A_246 = arith.addi %mul3A_190, %add3A_245 : i32
      %add3A_247 = arith.constant 16 : i32
      %add3A_248 = arith.addi %add3A_246, %add3A_247 : i32
      %get3A_249 = arith.index_cast %add3A_248 : i32 to index
      %get3A_250 = tpu.vector_load %arg6[%get3A_249] {strides = array<i32>} : memref<16384xi32, #tpu.memory_space<vmem>>, vector<16xi32>,
      %add3A_251 = arith.constant 128 : i32
      %add3A_252 = arith.addi %mul3A_190, %add3A_251 : i32
      %add3A_253 = arith.constant 32 : i32
      %add3A_254 = arith.addi %add3A_252, %add3A_253 : i32
      %get3A_255 = arith.index_cast %add3A_254 : i32 to index
      %get3A_256 = tpu.vector_load %arg6[%get3A_255] {strides = array<i32>} : memref<16384xi32, #tpu.memory_space<vmem>>, vector<16xi32>,
      %add3A_257 = arith.constant 128 : i32
      %add3A_258 = arith.addi %mul3A_190, %add3A_257 : i32
      %add3A_259 = arith.constant 48 : i32
      %add3A_260 = arith.addi %add3A_258, %add3A_259 : i32
      %get3A_261 = arith.index_cast %add3A_260 : i32 to index
      %get3A_262 = tpu.vector_load %arg6[%get3A_261] {strides = array<i32>} : memref<16384xi32, #tpu.memory_space<vmem>>, vector<16xi32>,
      %add3A_263 = arith.constant 128 : i32
      %add3A_264 = arith.addi %mul3A_190, %add3A_263 : i32
      %add3A_265 = arith.constant 64 : i32
      %add3A_266 = arith.addi %add3A_264, %add3A_265 : i32
      %get3A_267 = arith.index_cast %add3A_266 : i32 to index
      %get3A_268 = tpu.vector_load %arg6[%get3A_267] {strides = array<i32>} : memref<16384xi32, #tpu.memory_space<vmem>>, vector<16xi32>,
      %add3A_269 = arith.constant 128 : i32
      %add3A_270 = arith.addi %mul3A_190, %add3A_269 : i32
      %add3A_271 = arith.constant 80 : i32
      %add3A_272 = arith.addi %add3A_270, %add3A_271 : i32
      %get3A_273 = arith.index_cast %add3A_272 : i32 to index
      %get3A_274 = tpu.vector_load %arg6[%get3A_273] {strides = array<i32>} : memref<16384xi32, #tpu.memory_space<vmem>>, vector<16xi32>,
      %add3A_275 = arith.constant 128 : i32
      %add3A_276 = arith.addi %mul3A_190, %add3A_275 : i32
      %add3A_277 = arith.constant 96 : i32
      %add3A_278 = arith.addi %add3A_276, %add3A_277 : i32
      %get3A_279 = arith.index_cast %add3A_278 : i32 to index
      %get3A_280 = tpu.vector_load %arg6[%get3A_279] {strides = array<i32>} : memref<16384xi32, #tpu.memory_space<vmem>>, vector<16xi32>,
      %add3A_281 = arith.constant 128 : i32
      %add3A_282 = arith.addi %mul3A_190, %add3A_281 : i32
      %add3A_283 = arith.constant 112 : i32
      %add3A_284 = arith.addi %add3A_282, %add3A_283 : i32
      %get3A_285 = arith.index_cast %add3A_284 : i32 to index
      %get3A_286 = tpu.vector_load %arg6[%get3A_285] {strides = array<i32>} : memref<16384xi32, #tpu.memory_space<vmem>>, vector<16xi32>,
      %add3A_287 = arith.constant 256 : i32
      %add3A_288 = arith.addi %mul3A_190, %add3A_287 : i32
      %add3A_289 = arith.constant 0 : i32
      %add3A_290 = arith.addi %add3A_288, %add3A_289 : i32
      %get3A_291 = arith.index_cast %add3A_290 : i32 to index
      %get3A_292 = tpu.vector_load %arg6[%get3A_291] {strides = array<i32>} : memref<16384xi32, #tpu.memory_space<vmem>>, vector<16xi32>,
      %add3A_293 = arith.constant 256 : i32
      %add3A_294 = arith.addi %mul3A_190, %add3A_293 : i32
      %add3A_295 = arith.constant 16 : i32
      %add3A_296 = arith.addi %add3A_294, %add3A_295 : i32
      %get3A_297 = arith.index_cast %add3A_296 : i32 to index
      %get3A_298 = tpu.vector_load %arg6[%get3A_297] {strides = array<i32>} : memref<16384xi32, #tpu.memory_space<vmem>>, vector<16xi32>,
      %add3A_299 = arith.constant 256 : i32
      %add3A_300 = arith.addi %mul3A_190, %add3A_299 : i32
      %add3A_301 = arith.constant 32 : i32
      %add3A_302 = arith.addi %add3A_300, %add3A_301 : i32
      %get3A_303 = arith.index_cast %add3A_302 : i32 to index
      %get3A_304 = tpu.vector_load %arg6[%get3A_303] {strides = array<i32>} : memref<16384xi32, #tpu.memory_space<vmem>>, vector<16xi32>,
      %add3A_305 = arith.constant 256 : i32
      %add3A_306 = arith.addi %mul3A_190, %add3A_305 : i32
      %add3A_307 = arith.constant 48 : i32
      %add3A_308 = arith.addi %add3A_306, %add3A_307 : i32
      %get3A_309 = arith.index_cast %add3A_308 : i32 to index
      %get3A_310 = tpu.vector_load %arg6[%get3A_309] {strides = array<i32>} : memref<16384xi32, #tpu.memory_space<vmem>>, vector<16xi32>,
      %add3A_311 = arith.constant 256 : i32
      %add3A_312 = arith.addi %mul3A_190, %add3A_311 : i32
      %add3A_313 = arith.constant 64 : i32
      %add3A_314 = arith.addi %add3A_312, %add3A_313 : i32
      %get3A_315 = arith.index_cast %add3A_314 : i32 to index
      %get3A_316 = tpu.vector_load %arg6[%get3A_315] {strides = array<i32>} : memref<16384xi32, #tpu.memory_space<vmem>>, vector<16xi32>,
      %add3A_317 = arith.constant 256 : i32
      %add3A_318 = arith.addi %mul3A_190, %add3A_317 : i32
      %add3A_319 = arith.constant 80 : i32
      %add3A_320 = arith.addi %add3A_318, %add3A_319 : i32
      %get3A_321 = arith.index_cast %add3A_320 : i32 to index
      %get3A_322 = tpu.vector_load %arg6[%get3A_321] {strides = array<i32>} : memref<16384xi32, #tpu.memory_space<vmem>>, vector<16xi32>,
      %add3A_323 = arith.constant 256 : i32
      %add3A_324 = arith.addi %mul3A_190, %add3A_323 : i32
      %add3A_325 = arith.constant 96 : i32
      %add3A_326 = arith.addi %add3A_324, %add3A_325 : i32
      %get3A_327 = arith.index_cast %add3A_326 : i32 to index
      %get3A_328 = tpu.vector_load %arg6[%get3A_327] {strides = array<i32>} : memref<16384xi32, #tpu.memory_space<vmem>>, vector<16xi32>,
      %add3A_329 = arith.constant 256 : i32
      %add3A_330 = arith.addi %mul3A_190, %add3A_329 : i32
      %add3A_331 = arith.constant 112 : i32
      %add3A_332 = arith.addi %add3A_330, %add3A_331 : i32
      %get3A_333 = arith.index_cast %add3A_332 : i32 to index
      %get3A_334 = tpu.vector_load %arg6[%get3A_333] {strides = array<i32>} : memref<16384xi32, #tpu.memory_space<vmem>>, vector<16xi32>,
      %add3A_335 = arith.constant 384 : i32
      %add3A_336 = arith.addi %mul3A_190, %add3A_335 : i32
      %add3A_337 = arith.constant 0 : i32
      %add3A_338 = arith.addi %add3A_336, %add3A_337 : i32
      %get3A_339 = arith.index_cast %add3A_338 : i32 to index
      %get3A_340 = tpu.vector_load %arg6[%get3A_339] {strides = array<i32>} : memref<16384xi32, #tpu.memory_space<vmem>>, vector<16xi32>,
      %add3A_341 = arith.constant 384 : i32
      %add3A_342 = arith.addi %mul3A_190, %add3A_341 : i32
      %add3A_343 = arith.constant 16 : i32
      %add3A_344 = arith.addi %add3A_342, %add3A_343 : i32
      %get3A_345 = arith.index_cast %add3A_344 : i32 to index
      %get3A_346 = tpu.vector_load %arg6[%get3A_345] {strides = array<i32>} : memref<16384xi32, #tpu.memory_space<vmem>>, vector<16xi32>,
      %add3A_347 = arith.constant 384 : i32
      %add3A_348 = arith.addi %mul3A_190, %add3A_347 : i32
      %add3A_349 = arith.constant 32 : i32
      %add3A_350 = arith.addi %add3A_348, %add3A_349 : i32
      %get3A_351 = arith.index_cast %add3A_350 : i32 to index
      %get3A_352 = tpu.vector_load %arg6[%get3A_351] {strides = array<i32>} : memref<16384xi32, #tpu.memory_space<vmem>>, vector<16xi32>,
      %add3A_353 = arith.constant 384 : i32
      %add3A_354 = arith.addi %mul3A_190, %add3A_353 : i32
      %add3A_355 = arith.constant 48 : i32
      %add3A_356 = arith.addi %add3A_354, %add3A_355 : i32
      %get3A_357 = arith.index_cast %add3A_356 : i32 to index
      %get3A_358 = tpu.vector_load %arg6[%get3A_357] {strides = array<i32>} : memref<16384xi32, #tpu.memory_space<vmem>>, vector<16xi32>,
      %add3A_359 = arith.constant 384 : i32
      %add3A_360 = arith.addi %mul3A_190, %add3A_359 : i32
      %add3A_361 = arith.constant 64 : i32
      %add3A_362 = arith.addi %add3A_360, %add3A_361 : i32
      %get3A_363 = arith.index_cast %add3A_362 : i32 to index
      %get3A_364 = tpu.vector_load %arg6[%get3A_363] {strides = array<i32>} : memref<16384xi32, #tpu.memory_space<vmem>>, vector<16xi32>,
      %add3A_365 = arith.constant 384 : i32
      %add3A_366 = arith.addi %mul3A_190, %add3A_365 : i32
      %add3A_367 = arith.constant 80 : i32
      %add3A_368 = arith.addi %add3A_366, %add3A_367 : i32
      %get3A_369 = arith.index_cast %add3A_368 : i32 to index
      %get3A_370 = tpu.vector_load %arg6[%get3A_369] {strides = array<i32>} : memref<16384xi32, #tpu.memory_space<vmem>>, vector<16xi32>,
      %add3A_371 = arith.constant 384 : i32
      %add3A_372 = arith.addi %mul3A_190, %add3A_371 : i32
      %add3A_373 = arith.constant 96 : i32
      %add3A_374 = arith.addi %add3A_372, %add3A_373 : i32
      %get3A_375 = arith.index_cast %add3A_374 : i32 to index
      %get3A_376 = tpu.vector_load %arg6[%get3A_375] {strides = array<i32>} : memref<16384xi32, #tpu.memory_space<vmem>>, vector<16xi32>,
      %add3A_377 = arith.constant 384 : i32
      %add3A_378 = arith.addi %mul3A_190, %add3A_377 : i32
      %add3A_379 = arith.constant 112 : i32
      %add3A_380 = arith.addi %add3A_378, %add3A_379 : i32
      %get3A_381 = arith.index_cast %add3A_380 : i32 to index
      %get3A_382 = tpu.vector_load %arg6[%get3A_381] {strides = array<i32>} : memref<16384xi32, #tpu.memory_space<vmem>>, vector<16xi32>,
      %add3A_383 = arith.constant 512 : i32
      %add3A_384 = arith.addi %mul3A_190, %add3A_383 : i32
      %add3A_385 = arith.constant 0 : i32
      %add3A_386 = arith.addi %add3A_384, %add3A_385 : i32
      %get3A_387 = arith.index_cast %add3A_386 : i32 to index
      %get3A_388 = tpu.vector_load %arg6[%get3A_387] {strides = array<i32>} : memref<16384xi32, #tpu.memory_space<vmem>>, vector<16xi32>,
      %add3A_389 = arith.constant 512 : i32
      %add3A_390 = arith.addi %mul3A_190, %add3A_389 : i32
      %add3A_391 = arith.constant 16 : i32
      %add3A_392 = arith.addi %add3A_390, %add3A_391 : i32
      %get3A_393 = arith.index_cast %add3A_392 : i32 to index
      %get3A_394 = tpu.vector_load %arg6[%get3A_393] {strides = array<i32>} : memref<16384xi32, #tpu.memory_space<vmem>>, vector<16xi32>,
      %add3A_395 = arith.constant 512 : i32
      %add3A_396 = arith.addi %mul3A_190, %add3A_395 : i32
      %add3A_397 = arith.constant 32 : i32
      %add3A_398 = arith.addi %add3A_396, %add3A_397 : i32
      %get3A_399 = arith.index_cast %add3A_398 : i32 to index
      %get3A_400 = tpu.vector_load %arg6[%get3A_399] {strides = array<i32>} : memref<16384xi32, #tpu.memory_space<vmem>>, vector<16xi32>,
      %add3A_401 = arith.constant 512 : i32
      %add3A_402 = arith.addi %mul3A_190, %add3A_401 : i32
      %add3A_403 = arith.constant 48 : i32
      %add3A_404 = arith.addi %add3A_402, %add3A_403 : i32
      %get3A_405 = arith.index_cast %add3A_404 : i32 to index
      %get3A_406 = tpu.vector_load %arg6[%get3A_405] {strides = array<i32>} : memref<16384xi32, #tpu.memory_space<vmem>>, vector<16xi32>,
      %add3A_407 = arith.constant 512 : i32
      %add3A_408 = arith.addi %mul3A_190, %add3A_407 : i32
      %add3A_409 = arith.constant 64 : i32
      %add3A_410 = arith.addi %add3A_408, %add3A_409 : i32
      %get3A_411 = arith.index_cast %add3A_410 : i32 to index
      %get3A_412 = tpu.vector_load %arg6[%get3A_411] {strides = array<i32>} : memref<16384xi32, #tpu.memory_space<vmem>>, vector<16xi32>,
      %add3A_413 = arith.constant 512 : i32
      %add3A_414 = arith.addi %mul3A_190, %add3A_413 : i32
      %add3A_415 = arith.constant 80 : i32
      %add3A_416 = arith.addi %add3A_414, %add3A_415 : i32
      %get3A_417 = arith.index_cast %add3A_416 : i32 to index
      %get3A_418 = tpu.vector_load %arg6[%get3A_417] {strides = array<i32>} : memref<16384xi32, #tpu.memory_space<vmem>>, vector<16xi32>,
      %add3A_419 = arith.constant 512 : i32
      %add3A_420 = arith.addi %mul3A_190, %add3A_419 : i32
      %add3A_421 = arith.constant 96 : i32
      %add3A_422 = arith.addi %add3A_420, %add3A_421 : i32
      %get3A_423 = arith.index_cast %add3A_422 : i32 to index
      %get3A_424 = tpu.vector_load %arg6[%get3A_423] {strides = array<i32>} : memref<16384xi32, #tpu.memory_space<vmem>>, vector<16xi32>,
      %add3A_425 = arith.constant 512 : i32
      %add3A_426 = arith.addi %mul3A_190, %add3A_425 : i32
      %add3A_427 = arith.constant 112 : i32
      %add3A_428 = arith.addi %add3A_426, %add3A_427 : i32
      %get3A_429 = arith.index_cast %add3A_428 : i32 to index
      %get3A_430 = tpu.vector_load %arg6[%get3A_429] {strides = array<i32>} : memref<16384xi32, #tpu.memory_space<vmem>>, vector<16xi32>,
      %add3A_431 = arith.constant 640 : i32
      %add3A_432 = arith.addi %mul3A_190, %add3A_431 : i32
      %add3A_433 = arith.constant 0 : i32
      %add3A_434 = arith.addi %add3A_432, %add3A_433 : i32
      %get3A_435 = arith.index_cast %add3A_434 : i32 to index
      %get3A_436 = tpu.vector_load %arg6[%get3A_435] {strides = array<i32>} : memref<16384xi32, #tpu.memory_space<vmem>>, vector<16xi32>,
      %add3A_437 = arith.constant 640 : i32
      %add3A_438 = arith.addi %mul3A_190, %add3A_437 : i32
      %add3A_439 = arith.constant 16 : i32
      %add3A_440 = arith.addi %add3A_438, %add3A_439 : i32
      %get3A_441 = arith.index_cast %add3A_440 : i32 to index
      %get3A_442 = tpu.vector_load %arg6[%get3A_441] {strides = array<i32>} : memref<16384xi32, #tpu.memory_space<vmem>>, vector<16xi32>,
      %add3A_443 = arith.constant 640 : i32
      %add3A_444 = arith.addi %mul3A_190, %add3A_443 : i32
      %add3A_445 = arith.constant 32 : i32
      %add3A_446 = arith.addi %add3A_444, %add3A_445 : i32
      %get3A_447 = arith.index_cast %add3A_446 : i32 to index
      %get3A_448 = tpu.vector_load %arg6[%get3A_447] {strides = array<i32>} : memref<16384xi32, #tpu.memory_space<vmem>>, vector<16xi32>,
      %add3A_449 = arith.constant 640 : i32
      %add3A_450 = arith.addi %mul3A_190, %add3A_449 : i32
      %add3A_451 = arith.constant 48 : i32
      %add3A_452 = arith.addi %add3A_450, %add3A_451 : i32
      %get3A_453 = arith.index_cast %add3A_452 : i32 to index
      %get3A_454 = tpu.vector_load %arg6[%get3A_453] {strides = array<i32>} : memref<16384xi32, #tpu.memory_space<vmem>>, vector<16xi32>,
      %add3A_455 = arith.constant 640 : i32
      %add3A_456 = arith.addi %mul3A_190, %add3A_455 : i32
      %add3A_457 = arith.constant 64 : i32
      %add3A_458 = arith.addi %add3A_456, %add3A_457 : i32
      %get3A_459 = arith.index_cast %add3A_458 : i32 to index
      %get3A_460 = tpu.vector_load %arg6[%get3A_459] {strides = array<i32>} : memref<16384xi32, #tpu.memory_space<vmem>>, vector<16xi32>,
      %add3A_461 = arith.constant 640 : i32
      %add3A_462 = arith.addi %mul3A_190, %add3A_461 : i32
      %add3A_463 = arith.constant 80 : i32
      %add3A_464 = arith.addi %add3A_462, %add3A_463 : i32
      %get3A_465 = arith.index_cast %add3A_464 : i32 to index
      %get3A_466 = tpu.vector_load %arg6[%get3A_465] {strides = array<i32>} : memref<16384xi32, #tpu.memory_space<vmem>>, vector<16xi32>,
      %add3A_467 = arith.constant 640 : i32
      %add3A_468 = arith.addi %mul3A_190, %add3A_467 : i32
      %add3A_469 = arith.constant 96 : i32
      %add3A_470 = arith.addi %add3A_468, %add3A_469 : i32
      %get3A_471 = arith.index_cast %add3A_470 : i32 to index
      %get3A_472 = tpu.vector_load %arg6[%get3A_471] {strides = array<i32>} : memref<16384xi32, #tpu.memory_space<vmem>>, vector<16xi32>,
      %add3A_473 = arith.constant 640 : i32
      %add3A_474 = arith.addi %mul3A_190, %add3A_473 : i32
      %add3A_475 = arith.constant 112 : i32
      %add3A_476 = arith.addi %add3A_474, %add3A_475 : i32
      %get3A_477 = arith.index_cast %add3A_476 : i32 to index
      %get3A_478 = tpu.vector_load %arg6[%get3A_477] {strides = array<i32>} : memref<16384xi32, #tpu.memory_space<vmem>>, vector<16xi32>,
      %add3A_479 = arith.constant 768 : i32
      %add3A_480 = arith.addi %mul3A_190, %add3A_479 : i32
      %add3A_481 = arith.constant 0 : i32
      %add3A_482 = arith.addi %add3A_480, %add3A_481 : i32
      %get3A_483 = arith.index_cast %add3A_482 : i32 to index
      %get3A_484 = tpu.vector_load %arg6[%get3A_483] {strides = array<i32>} : memref<16384xi32, #tpu.memory_space<vmem>>, vector<16xi32>,
      %add3A_485 = arith.constant 768 : i32
      %add3A_486 = arith.addi %mul3A_190, %add3A_485 : i32
      %add3A_487 = arith.constant 16 : i32
      %add3A_488 = arith.addi %add3A_486, %add3A_487 : i32
      %get3A_489 = arith.index_cast %add3A_488 : i32 to index
      %get3A_490 = tpu.vector_load %arg6[%get3A_489] {strides = array<i32>} : memref<16384xi32, #tpu.memory_space<vmem>>, vector<16xi32>,
      %add3A_491 = arith.constant 768 : i32
      %add3A_492 = arith.addi %mul3A_190, %add3A_491 : i32
      %add3A_493 = arith.constant 32 : i32
      %add3A_494 = arith.addi %add3A_492, %add3A_493 : i32
      %get3A_495 = arith.index_cast %add3A_494 : i32 to index
      %get3A_496 = tpu.vector_load %arg6[%get3A_495] {strides = array<i32>} : memref<16384xi32, #tpu.memory_space<vmem>>, vector<16xi32>,
      %add3A_497 = arith.constant 768 : i32
      %add3A_498 = arith.addi %mul3A_190, %add3A_497 : i32
      %add3A_499 = arith.constant 48 : i32
      %add3A_500 = arith.addi %add3A_498, %add3A_499 : i32
      %get3A_501 = arith.index_cast %add3A_500 : i32 to index
      %get3A_502 = tpu.vector_load %arg6[%get3A_501] {strides = array<i32>} : memref<16384xi32, #tpu.memory_space<vmem>>, vector<16xi32>,
      %add3A_503 = arith.constant 768 : i32
      %add3A_504 = arith.addi %mul3A_190, %add3A_503 : i32
      %add3A_505 = arith.constant 64 : i32
      %add3A_506 = arith.addi %add3A_504, %add3A_505 : i32
      %get3A_507 = arith.index_cast %add3A_506 : i32 to index
      %get3A_508 = tpu.vector_load %arg6[%get3A_507] {strides = array<i32>} : memref<16384xi32, #tpu.memory_space<vmem>>, vector<16xi32>,
      %add3A_509 = arith.constant 768 : i32
      %add3A_510 = arith.addi %mul3A_190, %add3A_509 : i32
      %add3A_511 = arith.constant 80 : i32
      %add3A_512 = arith.addi %add3A_510, %add3A_511 : i32
      %get3A_513 = arith.index_cast %add3A_512 : i32 to index
      %get3A_514 = tpu.vector_load %arg6[%get3A_513] {strides = array<i32>} : memref<16384xi32, #tpu.memory_space<vmem>>, vector<16xi32>,
      %add3A_515 = arith.constant 768 : i32
      %add3A_516 = arith.addi %mul3A_190, %add3A_515 : i32
      %add3A_517 = arith.constant 96 : i32
      %add3A_518 = arith.addi %add3A_516, %add3A_517 : i32
      %get3A_519 = arith.index_cast %add3A_518 : i32 to index
      %get3A_520 = tpu.vector_load %arg6[%get3A_519] {strides = array<i32>} : memref<16384xi32, #tpu.memory_space<vmem>>, vector<16xi32>,
      %add3A_521 = arith.constant 768 : i32
      %add3A_522 = arith.addi %mul3A_190, %add3A_521 : i32
      %add3A_523 = arith.constant 112 : i32
      %add3A_524 = arith.addi %add3A_522, %add3A_523 : i32
      %get3A_525 = arith.index_cast %add3A_524 : i32 to index
      %get3A_526 = tpu.vector_load %arg6[%get3A_525] {strides = array<i32>} : memref<16384xi32, #tpu.memory_space<vmem>>, vector<16xi32>,
      %add3A_527 = arith.constant 896 : i32
      %add3A_528 = arith.addi %mul3A_190, %add3A_527 : i32
      %add3A_529 = arith.constant 0 : i32
      %add3A_530 = arith.addi %add3A_528, %add3A_529 : i32
      %get3A_531 = arith.index_cast %add3A_530 : i32 to index
      %get3A_532 = tpu.vector_load %arg6[%get3A_531] {strides = array<i32>} : memref<16384xi32, #tpu.memory_space<vmem>>, vector<16xi32>,
      %add3A_533 = arith.constant 896 : i32
      %add3A_534 = arith.addi %mul3A_190, %add3A_533 : i32
      %add3A_535 = arith.constant 16 : i32
      %add3A_536 = arith.addi %add3A_534, %add3A_535 : i32
      %get3A_537 = arith.index_cast %add3A_536 : i32 to index
      %get3A_538 = tpu.vector_load %arg6[%get3A_537] {strides = array<i32>} : memref<16384xi32, #tpu.memory_space<vmem>>, vector<16xi32>,
      %add3A_539 = arith.constant 896 : i32
      %add3A_540 = arith.addi %mul3A_190, %add3A_539 : i32
      %add3A_541 = arith.constant 32 : i32
      %add3A_542 = arith.addi %add3A_540, %add3A_541 : i32
      %get3A_543 = arith.index_cast %add3A_542 : i32 to index
      %get3A_544 = tpu.vector_load %arg6[%get3A_543] {strides = array<i32>} : memref<16384xi32, #tpu.memory_space<vmem>>, vector<16xi32>,
      %add3A_545 = arith.constant 896 : i32
      %add3A_546 = arith.addi %mul3A_190, %add3A_545 : i32
      %add3A_547 = arith.constant 48 : i32
      %add3A_548 = arith.addi %add3A_546, %add3A_547 : i32
      %get3A_549 = arith.index_cast %add3A_548 : i32 to index
      %get3A_550 = tpu.vector_load %arg6[%get3A_549] {strides = array<i32>} : memref<16384xi32, #tpu.memory_space<vmem>>, vector<16xi32>,
      %add3A_551 = arith.constant 896 : i32
      %add3A_552 = arith.addi %mul3A_190, %add3A_551 : i32
      %add3A_553 = arith.constant 64 : i32
      %add3A_554 = arith.addi %add3A_552, %add3A_553 : i32
      %get3A_555 = arith.index_cast %add3A_554 : i32 to index
      %get3A_556 = tpu.vector_load %arg6[%get3A_555] {strides = array<i32>} : memref<16384xi32, #tpu.memory_space<vmem>>, vector<16xi32>,
      %add3A_557 = arith.constant 896 : i32
      %add3A_558 = arith.addi %mul3A_190, %add3A_557 : i32
      %add3A_559 = arith.constant 80 : i32
      %add3A_560 = arith.addi %add3A_558, %add3A_559 : i32
      %get3A_561 = arith.index_cast %add3A_560 : i32 to index
      %get3A_562 = tpu.vector_load %arg6[%get3A_561] {strides = array<i32>} : memref<16384xi32, #tpu.memory_space<vmem>>, vector<16xi32>,
      %add3A_563 = arith.constant 896 : i32
      %add3A_564 = arith.addi %mul3A_190, %add3A_563 : i32
      %add3A_565 = arith.constant 96 : i32
      %add3A_566 = arith.addi %add3A_564, %add3A_565 : i32
      %get3A_567 = arith.index_cast %add3A_566 : i32 to index
      %get3A_568 = tpu.vector_load %arg6[%get3A_567] {strides = array<i32>} : memref<16384xi32, #tpu.memory_space<vmem>>, vector<16xi32>,
      %add3A_569 = arith.constant 896 : i32
      %add3A_570 = arith.addi %mul3A_190, %add3A_569 : i32
      %add3A_571 = arith.constant 112 : i32
      %add3A_572 = arith.addi %add3A_570, %add3A_571 : i32
      %get3A_573 = arith.index_cast %add3A_572 : i32 to index
      %get3A_574 = tpu.vector_load %arg6[%get3A_573] {strides = array<i32>} : memref<16384xi32, #tpu.memory_space<vmem>>, vector<16xi32>,
      %add3A_575 = arith.addi %get3A_196, %get3A_202 : vector<16xi32>
      %add3A_576 = arith.addi %get3A_244, %get3A_250 : vector<16xi32>
      %add3A_577 = arith.addi %get3A_292, %get3A_298 : vector<16xi32>
      %add3A_578 = arith.addi %get3A_340, %get3A_346 : vector<16xi32>
      %add3A_579 = arith.addi %get3A_388, %get3A_394 : vector<16xi32>
      %add3A_580 = arith.addi %get3A_436, %get3A_442 : vector<16xi32>
      %add3A_581 = arith.addi %get3A_484, %get3A_490 : vector<16xi32>
      %add3A_582 = arith.addi %get3A_532, %get3A_538 : vector<16xi32>
      %add3A_583 = arith.addi %add3A_575, %get3A_208 : vector<16xi32>
      %add3A_584 = arith.addi %add3A_576, %get3A_256 : vector<16xi32>
      %add3A_585 = arith.addi %add3A_577, %get3A_304 : vector<16xi32>
      %add3A_586 = arith.addi %add3A_578, %get3A_352 : vector<16xi32>
      %add3A_587 = arith.addi %add3A_579, %get3A_400 : vector<16xi32>
      %add3A_588 = arith.addi %add3A_580, %get3A_448 : vector<16xi32>
      %add3A_589 = arith.addi %add3A_581, %get3A_496 : vector<16xi32>
      %add3A_590 = arith.addi %add3A_582, %get3A_544 : vector<16xi32>
      %add3A_591 = arith.addi %add3A_583, %get3A_214 : vector<16xi32>
      %add3A_592 = arith.addi %add3A_584, %get3A_262 : vector<16xi32>
      %add3A_593 = arith.addi %add3A_585, %get3A_310 : vector<16xi32>
      %add3A_594 = arith.addi %add3A_586, %get3A_358 : vector<16xi32>
      %add3A_595 = arith.addi %add3A_587, %get3A_406 : vector<16xi32>
      %add3A_596 = arith.addi %add3A_588, %get3A_454 : vector<16xi32>
      %add3A_597 = arith.addi %add3A_589, %get3A_502 : vector<16xi32>
      %add3A_598 = arith.addi %add3A_590, %get3A_550 : vector<16xi32>
      %add3A_599 = arith.addi %add3A_591, %get3A_220 : vector<16xi32>
      %add3A_600 = arith.addi %add3A_592, %get3A_268 : vector<16xi32>
      %add3A_601 = arith.addi %add3A_593, %get3A_316 : vector<16xi32>
      %add3A_602 = arith.addi %add3A_594, %get3A_364 : vector<16xi32>
      %add3A_603 = arith.addi %add3A_595, %get3A_412 : vector<16xi32>
      %add3A_604 = arith.addi %add3A_596, %get3A_460 : vector<16xi32>
      %add3A_605 = arith.addi %add3A_597, %get3A_508 : vector<16xi32>
      %add3A_606 = arith.addi %add3A_598, %get3A_556 : vector<16xi32>
      %add3A_607 = arith.addi %add3A_599, %get3A_226 : vector<16xi32>
      %add3A_608 = arith.addi %add3A_600, %get3A_274 : vector<16xi32>
      %add3A_609 = arith.addi %add3A_601, %get3A_322 : vector<16xi32>
      %add3A_610 = arith.addi %add3A_602, %get3A_370 : vector<16xi32>
      %add3A_611 = arith.addi %add3A_603, %get3A_418 : vector<16xi32>
      %add3A_612 = arith.addi %add3A_604, %get3A_466 : vector<16xi32>
      %add3A_613 = arith.addi %add3A_605, %get3A_514 : vector<16xi32>
      %add3A_614 = arith.addi %add3A_606, %get3A_562 : vector<16xi32>
      %add3A_615 = arith.addi %add3A_607, %get3A_232 : vector<16xi32>
      %add3A_616 = arith.addi %add3A_608, %get3A_280 : vector<16xi32>
      %add3A_617 = arith.addi %add3A_609, %get3A_328 : vector<16xi32>
      %add3A_618 = arith.addi %add3A_610, %get3A_376 : vector<16xi32>
      %add3A_619 = arith.addi %add3A_611, %get3A_424 : vector<16xi32>
      %add3A_620 = arith.addi %add3A_612, %get3A_472 : vector<16xi32>
      %add3A_621 = arith.addi %add3A_613, %get3A_520 : vector<16xi32>
      %add3A_622 = arith.addi %add3A_614, %get3A_568 : vector<16xi32>
      %add3A_623 = arith.addi %add3A_615, %get3A_238 : vector<16xi32>
      %add3A_624 = arith.addi %add3A_616, %get3A_286 : vector<16xi32>
      %add3A_625 = arith.addi %add3A_617, %get3A_334 : vector<16xi32>
      %add3A_626 = arith.addi %add3A_618, %get3A_382 : vector<16xi32>
      %add3A_627 = arith.addi %add3A_619, %get3A_430 : vector<16xi32>
      %add3A_628 = arith.addi %add3A_620, %get3A_478 : vector<16xi32>
      %add3A_629 = arith.addi %add3A_621, %get3A_526 : vector<16xi32>
      %add3A_630 = arith.addi %add3A_622, %get3A_574 : vector<16xi32>
      %swap3A_631 = arith.constant 0 : index
      %swap3A_632 = tpu.vector_load %arg9[%swap3A_631] {strides = array<i32>} : memref<272xi32, #tpu.memory_space<vmem>>, vector<16xi32>,
      tpu.vector_store %arg9[%swap3A_631], %add3A_623 {strides = array<i32>} : memref<272xi32, #tpu.memory_space<vmem>>, vector<16xi32>,
      %swap3A_633 = arith.constant 17 : index
      %swap3A_634 = tpu.vector_load %arg9[%swap3A_633] {strides = array<i32>} : memref<272xi32, #tpu.memory_space<vmem>>, vector<16xi32>,
      tpu.vector_store %arg9[%swap3A_633], %add3A_624 {strides = array<i32>} : memref<272xi32, #tpu.memory_space<vmem>>, vector<16xi32>,
      %swap3A_635 = arith.constant 34 : index
      %swap3A_636 = tpu.vector_load %arg9[%swap3A_635] {strides = array<i32>} : memref<272xi32, #tpu.memory_space<vmem>>, vector<16xi32>,
      tpu.vector_store %arg9[%swap3A_635], %add3A_625 {strides = array<i32>} : memref<272xi32, #tpu.memory_space<vmem>>, vector<16xi32>,
      %swap3A_637 = arith.constant 51 : index
      %swap3A_638 = tpu.vector_load %arg9[%swap3A_637] {strides = array<i32>} : memref<272xi32, #tpu.memory_space<vmem>>, vector<16xi32>,
      tpu.vector_store %arg9[%swap3A_637], %add3A_626 {strides = array<i32>} : memref<272xi32, #tpu.memory_space<vmem>>, vector<16xi32>,
      %swap3A_639 = arith.constant 68 : index
      %swap3A_640 = tpu.vector_load %arg9[%swap3A_639] {strides = array<i32>} : memref<272xi32, #tpu.memory_space<vmem>>, vector<16xi32>,
      tpu.vector_store %arg9[%swap3A_639], %add3A_627 {strides = array<i32>} : memref<272xi32, #tpu.memory_space<vmem>>, vector<16xi32>,
      %swap3A_641 = arith.constant 85 : index
      %swap3A_642 = tpu.vector_load %arg9[%swap3A_641] {strides = array<i32>} : memref<272xi32, #tpu.memory_space<vmem>>, vector<16xi32>,
      tpu.vector_store %arg9[%swap3A_641], %add3A_628 {strides = array<i32>} : memref<272xi32, #tpu.memory_space<vmem>>, vector<16xi32>,
      %swap3A_643 = arith.constant 102 : index
      %swap3A_644 = tpu.vector_load %arg9[%swap3A_643] {strides = array<i32>} : memref<272xi32, #tpu.memory_space<vmem>>, vector<16xi32>,
      tpu.vector_store %arg9[%swap3A_643], %add3A_629 {strides = array<i32>} : memref<272xi32, #tpu.memory_space<vmem>>, vector<16xi32>,
      %swap3A_645 = arith.constant 119 : index
      %swap3A_646 = tpu.vector_load %arg9[%swap3A_645] {strides = array<i32>} : memref<272xi32, #tpu.memory_space<vmem>>, vector<16xi32>,
      tpu.vector_store %arg9[%swap3A_645], %add3A_630 {strides = array<i32>} : memref<272xi32, #tpu.memory_space<vmem>>, vector<16xi32>,
      %add3A_647 = arith.constant 1024 : i32
      %add3A_648 = arith.addi %mul3A_190, %add3A_647 : i32
      %add3A_649 = arith.constant 0 : i32
      %add3A_650 = arith.addi %add3A_648, %add3A_649 : i32
      %get3A_651 = arith.index_cast %add3A_650 : i32 to index
      %get3A_652 = tpu.vector_load %arg6[%get3A_651] {strides = array<i32>} : memref<16384xi32, #tpu.memory_space<vmem>>, vector<16xi32>,
      %add3A_653 = arith.constant 1024 : i32
      %add3A_654 = arith.addi %mul3A_190, %add3A_653 : i32
      %add3A_655 = arith.constant 16 : i32
      %add3A_656 = arith.addi %add3A_654, %add3A_655 : i32
      %get3A_657 = arith.index_cast %add3A_656 : i32 to index
      %get3A_658 = tpu.vector_load %arg6[%get3A_657] {strides = array<i32>} : memref<16384xi32, #tpu.memory_space<vmem>>, vector<16xi32>,
      %add3A_659 = arith.constant 1024 : i32
      %add3A_660 = arith.addi %mul3A_190, %add3A_659 : i32
      %add3A_661 = arith.constant 32 : i32
      %add3A_662 = arith.addi %add3A_660, %add3A_661 : i32
      %get3A_663 = arith.index_cast %add3A_662 : i32 to index
      %get3A_664 = tpu.vector_load %arg6[%get3A_663] {strides = array<i32>} : memref<16384xi32, #tpu.memory_space<vmem>>, vector<16xi32>,
      %add3A_665 = arith.constant 1024 : i32
      %add3A_666 = arith.addi %mul3A_190, %add3A_665 : i32
      %add3A_667 = arith.constant 48 : i32
      %add3A_668 = arith.addi %add3A_666, %add3A_667 : i32
      %get3A_669 = arith.index_cast %add3A_668 : i32 to index
      %get3A_670 = tpu.vector_load %arg6[%get3A_669] {strides = array<i32>} : memref<16384xi32, #tpu.memory_space<vmem>>, vector<16xi32>,
      %add3A_671 = arith.constant 1024 : i32
      %add3A_672 = arith.addi %mul3A_190, %add3A_671 : i32
      %add3A_673 = arith.constant 64 : i32
      %add3A_674 = arith.addi %add3A_672, %add3A_673 : i32
      %get3A_675 = arith.index_cast %add3A_674 : i32 to index
      %get3A_676 = tpu.vector_load %arg6[%get3A_675] {strides = array<i32>} : memref<16384xi32, #tpu.memory_space<vmem>>, vector<16xi32>,
      %add3A_677 = arith.constant 1024 : i32
      %add3A_678 = arith.addi %mul3A_190, %add3A_677 : i32
      %add3A_679 = arith.constant 80 : i32
      %add3A_680 = arith.addi %add3A_678, %add3A_679 : i32
      %get3A_681 = arith.index_cast %add3A_680 : i32 to index
      %get3A_682 = tpu.vector_load %arg6[%get3A_681] {strides = array<i32>} : memref<16384xi32, #tpu.memory_space<vmem>>, vector<16xi32>,
      %add3A_683 = arith.constant 1024 : i32
      %add3A_684 = arith.addi %mul3A_190, %add3A_683 : i32
      %add3A_685 = arith.constant 96 : i32
      %add3A_686 = arith.addi %add3A_684, %add3A_685 : i32
      %get3A_687 = arith.index_cast %add3A_686 : i32 to index
      %get3A_688 = tpu.vector_load %arg6[%get3A_687] {strides = array<i32>} : memref<16384xi32, #tpu.memory_space<vmem>>, vector<16xi32>,
      %add3A_689 = arith.constant 1024 : i32
      %add3A_690 = arith.addi %mul3A_190, %add3A_689 : i32
      %add3A_691 = arith.constant 112 : i32
      %add3A_692 = arith.addi %add3A_690, %add3A_691 : i32
      %get3A_693 = arith.index_cast %add3A_692 : i32 to index
      %get3A_694 = tpu.vector_load %arg6[%get3A_693] {strides = array<i32>} : memref<16384xi32, #tpu.memory_space<vmem>>, vector<16xi32>,
      %add3A_695 = arith.constant 1152 : i32
      %add3A_696 = arith.addi %mul3A_190, %add3A_695 : i32
      %add3A_697 = arith.constant 0 : i32
      %add3A_698 = arith.addi %add3A_696, %add3A_697 : i32
      %get3A_699 = arith.index_cast %add3A_698 : i32 to index
      %get3A_700 = tpu.vector_load %arg6[%get3A_699] {strides = array<i32>} : memref<16384xi32, #tpu.memory_space<vmem>>, vector<16xi32>,
      %add3A_701 = arith.constant 1152 : i32
      %add3A_702 = arith.addi %mul3A_190, %add3A_701 : i32
      %add3A_703 = arith.constant 16 : i32
      %add3A_704 = arith.addi %add3A_702, %add3A_703 : i32
      %get3A_705 = arith.index_cast %add3A_704 : i32 to index
      %get3A_706 = tpu.vector_load %arg6[%get3A_705] {strides = array<i32>} : memref<16384xi32, #tpu.memory_space<vmem>>, vector<16xi32>,
      %add3A_707 = arith.constant 1152 : i32
      %add3A_708 = arith.addi %mul3A_190, %add3A_707 : i32
      %add3A_709 = arith.constant 32 : i32
      %add3A_710 = arith.addi %add3A_708, %add3A_709 : i32
      %get3A_711 = arith.index_cast %add3A_710 : i32 to index
      %get3A_712 = tpu.vector_load %arg6[%get3A_711] {strides = array<i32>} : memref<16384xi32, #tpu.memory_space<vmem>>, vector<16xi32>,
      %add3A_713 = arith.constant 1152 : i32
      %add3A_714 = arith.addi %mul3A_190, %add3A_713 : i32
      %add3A_715 = arith.constant 48 : i32
      %add3A_716 = arith.addi %add3A_714, %add3A_715 : i32
      %get3A_717 = arith.index_cast %add3A_716 : i32 to index
      %get3A_718 = tpu.vector_load %arg6[%get3A_717] {strides = array<i32>} : memref<16384xi32, #tpu.memory_space<vmem>>, vector<16xi32>,
      %add3A_719 = arith.constant 1152 : i32
      %add3A_720 = arith.addi %mul3A_190, %add3A_719 : i32
      %add3A_721 = arith.constant 64 : i32
      %add3A_722 = arith.addi %add3A_720, %add3A_721 : i32
      %get3A_723 = arith.index_cast %add3A_722 : i32 to index
      %get3A_724 = tpu.vector_load %arg6[%get3A_723] {strides = array<i32>} : memref<16384xi32, #tpu.memory_space<vmem>>, vector<16xi32>,
      %add3A_725 = arith.constant 1152 : i32
      %add3A_726 = arith.addi %mul3A_190, %add3A_725 : i32
      %add3A_727 = arith.constant 80 : i32
      %add3A_728 = arith.addi %add3A_726, %add3A_727 : i32
      %get3A_729 = arith.index_cast %add3A_728 : i32 to index
      %get3A_730 = tpu.vector_load %arg6[%get3A_729] {strides = array<i32>} : memref<16384xi32, #tpu.memory_space<vmem>>, vector<16xi32>,
      %add3A_731 = arith.constant 1152 : i32
      %add3A_732 = arith.addi %mul3A_190, %add3A_731 : i32
      %add3A_733 = arith.constant 96 : i32
      %add3A_734 = arith.addi %add3A_732, %add3A_733 : i32
      %get3A_735 = arith.index_cast %add3A_734 : i32 to index
      %get3A_736 = tpu.vector_load %arg6[%get3A_735] {strides = array<i32>} : memref<16384xi32, #tpu.memory_space<vmem>>, vector<16xi32>,
      %add3A_737 = arith.constant 1152 : i32
      %add3A_738 = arith.addi %mul3A_190, %add3A_737 : i32
      %add3A_739 = arith.constant 112 : i32
      %add3A_740 = arith.addi %add3A_738, %add3A_739 : i32
      %get3A_741 = arith.index_cast %add3A_740 : i32 to index
      %get3A_742 = tpu.vector_load %arg6[%get3A_741] {strides = array<i32>} : memref<16384xi32, #tpu.memory_space<vmem>>, vector<16xi32>,
      %add3A_743 = arith.constant 1280 : i32
      %add3A_744 = arith.addi %mul3A_190, %add3A_743 : i32
      %add3A_745 = arith.constant 0 : i32
      %add3A_746 = arith.addi %add3A_744, %add3A_745 : i32
      %get3A_747 = arith.index_cast %add3A_746 : i32 to index
      %get3A_748 = tpu.vector_load %arg6[%get3A_747] {strides = array<i32>} : memref<16384xi32, #tpu.memory_space<vmem>>, vector<16xi32>,
      %add3A_749 = arith.constant 1280 : i32
      %add3A_750 = arith.addi %mul3A_190, %add3A_749 : i32
      %add3A_751 = arith.constant 16 : i32
      %add3A_752 = arith.addi %add3A_750, %add3A_751 : i32
      %get3A_753 = arith.index_cast %add3A_752 : i32 to index
      %get3A_754 = tpu.vector_load %arg6[%get3A_753] {strides = array<i32>} : memref<16384xi32, #tpu.memory_space<vmem>>, vector<16xi32>,
      %add3A_755 = arith.constant 1280 : i32
      %add3A_756 = arith.addi %mul3A_190, %add3A_755 : i32
      %add3A_757 = arith.constant 32 : i32
      %add3A_758 = arith.addi %add3A_756, %add3A_757 : i32
      %get3A_759 = arith.index_cast %add3A_758 : i32 to index
      %get3A_760 = tpu.vector_load %arg6[%get3A_759] {strides = array<i32>} : memref<16384xi32, #tpu.memory_space<vmem>>, vector<16xi32>,
      %add3A_761 = arith.constant 1280 : i32
      %add3A_762 = arith.addi %mul3A_190, %add3A_761 : i32
      %add3A_763 = arith.constant 48 : i32
      %add3A_764 = arith.addi %add3A_762, %add3A_763 : i32
      %get3A_765 = arith.index_cast %add3A_764 : i32 to index
      %get3A_766 = tpu.vector_load %arg6[%get3A_765] {strides = array<i32>} : memref<16384xi32, #tpu.memory_space<vmem>>, vector<16xi32>,
      %add3A_767 = arith.constant 1280 : i32
      %add3A_768 = arith.addi %mul3A_190, %add3A_767 : i32
      %add3A_769 = arith.constant 64 : i32
      %add3A_770 = arith.addi %add3A_768, %add3A_769 : i32
      %get3A_771 = arith.index_cast %add3A_770 : i32 to index
      %get3A_772 = tpu.vector_load %arg6[%get3A_771] {strides = array<i32>} : memref<16384xi32, #tpu.memory_space<vmem>>, vector<16xi32>,
      %add3A_773 = arith.constant 1280 : i32
      %add3A_774 = arith.addi %mul3A_190, %add3A_773 : i32
      %add3A_775 = arith.constant 80 : i32
      %add3A_776 = arith.addi %add3A_774, %add3A_775 : i32
      %get3A_777 = arith.index_cast %add3A_776 : i32 to index
      %get3A_778 = tpu.vector_load %arg6[%get3A_777] {strides = array<i32>} : memref<16384xi32, #tpu.memory_space<vmem>>, vector<16xi32>,
      %add3A_779 = arith.constant 1280 : i32
      %add3A_780 = arith.addi %mul3A_190, %add3A_779 : i32
      %add3A_781 = arith.constant 96 : i32
      %add3A_782 = arith.addi %add3A_780, %add3A_781 : i32
      %get3A_783 = arith.index_cast %add3A_782 : i32 to index
      %get3A_784 = tpu.vector_load %arg6[%get3A_783] {strides = array<i32>} : memref<16384xi32, #tpu.memory_space<vmem>>, vector<16xi32>,
      %add3A_785 = arith.constant 1280 : i32
      %add3A_786 = arith.addi %mul3A_190, %add3A_785 : i32
      %add3A_787 = arith.constant 112 : i32
      %add3A_788 = arith.addi %add3A_786, %add3A_787 : i32
      %get3A_789 = arith.index_cast %add3A_788 : i32 to index
      %get3A_790 = tpu.vector_load %arg6[%get3A_789] {strides = array<i32>} : memref<16384xi32, #tpu.memory_space<vmem>>, vector<16xi32>,
      %add3A_791 = arith.constant 1408 : i32
      %add3A_792 = arith.addi %mul3A_190, %add3A_791 : i32
      %add3A_793 = arith.constant 0 : i32
      %add3A_794 = arith.addi %add3A_792, %add3A_793 : i32
      %get3A_795 = arith.index_cast %add3A_794 : i32 to index
      %get3A_796 = tpu.vector_load %arg6[%get3A_795] {strides = array<i32>} : memref<16384xi32, #tpu.memory_space<vmem>>, vector<16xi32>,
      %add3A_797 = arith.constant 1408 : i32
      %add3A_798 = arith.addi %mul3A_190, %add3A_797 : i32
      %add3A_799 = arith.constant 16 : i32
      %add3A_800 = arith.addi %add3A_798, %add3A_799 : i32
      %get3A_801 = arith.index_cast %add3A_800 : i32 to index
      %get3A_802 = tpu.vector_load %arg6[%get3A_801] {strides = array<i32>} : memref<16384xi32, #tpu.memory_space<vmem>>, vector<16xi32>,
      %add3A_803 = arith.constant 1408 : i32
      %add3A_804 = arith.addi %mul3A_190, %add3A_803 : i32
      %add3A_805 = arith.constant 32 : i32
      %add3A_806 = arith.addi %add3A_804, %add3A_805 : i32
      %get3A_807 = arith.index_cast %add3A_806 : i32 to index
      %get3A_808 = tpu.vector_load %arg6[%get3A_807] {strides = array<i32>} : memref<16384xi32, #tpu.memory_space<vmem>>, vector<16xi32>,
      %add3A_809 = arith.constant 1408 : i32
      %add3A_810 = arith.addi %mul3A_190, %add3A_809 : i32
      %add3A_811 = arith.constant 48 : i32
      %add3A_812 = arith.addi %add3A_810, %add3A_811 : i32
      %get3A_813 = arith.index_cast %add3A_812 : i32 to index
      %get3A_814 = tpu.vector_load %arg6[%get3A_813] {strides = array<i32>} : memref<16384xi32, #tpu.memory_space<vmem>>, vector<16xi32>,
      %add3A_815 = arith.constant 1408 : i32
      %add3A_816 = arith.addi %mul3A_190, %add3A_815 : i32
      %add3A_817 = arith.constant 64 : i32
      %add3A_818 = arith.addi %add3A_816, %add3A_817 : i32
      %get3A_819 = arith.index_cast %add3A_818 : i32 to index
      %get3A_820 = tpu.vector_load %arg6[%get3A_819] {strides = array<i32>} : memref<16384xi32, #tpu.memory_space<vmem>>, vector<16xi32>,
      %add3A_821 = arith.constant 1408 : i32
      %add3A_822 = arith.addi %mul3A_190, %add3A_821 : i32
      %add3A_823 = arith.constant 80 : i32
      %add3A_824 = arith.addi %add3A_822, %add3A_823 : i32
      %get3A_825 = arith.index_cast %add3A_824 : i32 to index
      %get3A_826 = tpu.vector_load %arg6[%get3A_825] {strides = array<i32>} : memref<16384xi32, #tpu.memory_space<vmem>>, vector<16xi32>,
      %add3A_827 = arith.constant 1408 : i32
      %add3A_828 = arith.addi %mul3A_190, %add3A_827 : i32
      %add3A_829 = arith.constant 96 : i32
      %add3A_830 = arith.addi %add3A_828, %add3A_829 : i32
      %get3A_831 = arith.index_cast %add3A_830 : i32 to index
      %get3A_832 = tpu.vector_load %arg6[%get3A_831] {strides = array<i32>} : memref<16384xi32, #tpu.memory_space<vmem>>, vector<16xi32>,
      %add3A_833 = arith.constant 1408 : i32
      %add3A_834 = arith.addi %mul3A_190, %add3A_833 : i32
      %add3A_835 = arith.constant 112 : i32
      %add3A_836 = arith.addi %add3A_834, %add3A_835 : i32
      %get3A_837 = arith.index_cast %add3A_836 : i32 to index
      %get3A_838 = tpu.vector_load %arg6[%get3A_837] {strides = array<i32>} : memref<16384xi32, #tpu.memory_space<vmem>>, vector<16xi32>,
      %add3A_839 = arith.constant 1536 : i32
      %add3A_840 = arith.addi %mul3A_190, %add3A_839 : i32
      %add3A_841 = arith.constant 0 : i32
      %add3A_842 = arith.addi %add3A_840, %add3A_841 : i32
      %get3A_843 = arith.index_cast %add3A_842 : i32 to index
      %get3A_844 = tpu.vector_load %arg6[%get3A_843] {strides = array<i32>} : memref<16384xi32, #tpu.memory_space<vmem>>, vector<16xi32>,
      %add3A_845 = arith.constant 1536 : i32
      %add3A_846 = arith.addi %mul3A_190, %add3A_845 : i32
      %add3A_847 = arith.constant 16 : i32
      %add3A_848 = arith.addi %add3A_846, %add3A_847 : i32
      %get3A_849 = arith.index_cast %add3A_848 : i32 to index
      %get3A_850 = tpu.vector_load %arg6[%get3A_849] {strides = array<i32>} : memref<16384xi32, #tpu.memory_space<vmem>>, vector<16xi32>,
      %add3A_851 = arith.constant 1536 : i32
      %add3A_852 = arith.addi %mul3A_190, %add3A_851 : i32
      %add3A_853 = arith.constant 32 : i32
      %add3A_854 = arith.addi %add3A_852, %add3A_853 : i32
      %get3A_855 = arith.index_cast %add3A_854 : i32 to index
      %get3A_856 = tpu.vector_load %arg6[%get3A_855] {strides = array<i32>} : memref<16384xi32, #tpu.memory_space<vmem>>, vector<16xi32>,
      %add3A_857 = arith.constant 1536 : i32
      %add3A_858 = arith.addi %mul3A_190, %add3A_857 : i32
      %add3A_859 = arith.constant 48 : i32
      %add3A_860 = arith.addi %add3A_858, %add3A_859 : i32
      %get3A_861 = arith.index_cast %add3A_860 : i32 to index
      %get3A_862 = tpu.vector_load %arg6[%get3A_861] {strides = array<i32>} : memref<16384xi32, #tpu.memory_space<vmem>>, vector<16xi32>,
      %add3A_863 = arith.constant 1536 : i32
      %add3A_864 = arith.addi %mul3A_190, %add3A_863 : i32
      %add3A_865 = arith.constant 64 : i32
      %add3A_866 = arith.addi %add3A_864, %add3A_865 : i32
      %get3A_867 = arith.index_cast %add3A_866 : i32 to index
      %get3A_868 = tpu.vector_load %arg6[%get3A_867] {strides = array<i32>} : memref<16384xi32, #tpu.memory_space<vmem>>, vector<16xi32>,
      %add3A_869 = arith.constant 1536 : i32
      %add3A_870 = arith.addi %mul3A_190, %add3A_869 : i32
      %add3A_871 = arith.constant 80 : i32
      %add3A_872 = arith.addi %add3A_870, %add3A_871 : i32
      %get3A_873 = arith.index_cast %add3A_872 : i32 to index
      %get3A_874 = tpu.vector_load %arg6[%get3A_873] {strides = array<i32>} : memref<16384xi32, #tpu.memory_space<vmem>>, vector<16xi32>,
      %add3A_875 = arith.constant 1536 : i32
      %add3A_876 = arith.addi %mul3A_190, %add3A_875 : i32
      %add3A_877 = arith.constant 96 : i32
      %add3A_878 = arith.addi %add3A_876, %add3A_877 : i32
      %get3A_879 = arith.index_cast %add3A_878 : i32 to index
      %get3A_880 = tpu.vector_load %arg6[%get3A_879] {strides = array<i32>} : memref<16384xi32, #tpu.memory_space<vmem>>, vector<16xi32>,
      %add3A_881 = arith.constant 1536 : i32
      %add3A_882 = arith.addi %mul3A_190, %add3A_881 : i32
      %add3A_883 = arith.constant 112 : i32
      %add3A_884 = arith.addi %add3A_882, %add3A_883 : i32
      %get3A_885 = arith.index_cast %add3A_884 : i32 to index
      %get3A_886 = tpu.vector_load %arg6[%get3A_885] {strides = array<i32>} : memref<16384xi32, #tpu.memory_space<vmem>>, vector<16xi32>,
      %add3A_887 = arith.constant 1664 : i32
      %add3A_888 = arith.addi %mul3A_190, %add3A_887 : i32
      %add3A_889 = arith.constant 0 : i32
      %add3A_890 = arith.addi %add3A_888, %add3A_889 : i32
      %get3A_891 = arith.index_cast %add3A_890 : i32 to index
      %get3A_892 = tpu.vector_load %arg6[%get3A_891] {strides = array<i32>} : memref<16384xi32, #tpu.memory_space<vmem>>, vector<16xi32>,
      %add3A_893 = arith.constant 1664 : i32
      %add3A_894 = arith.addi %mul3A_190, %add3A_893 : i32
      %add3A_895 = arith.constant 16 : i32
      %add3A_896 = arith.addi %add3A_894, %add3A_895 : i32
      %get3A_897 = arith.index_cast %add3A_896 : i32 to index
      %get3A_898 = tpu.vector_load %arg6[%get3A_897] {strides = array<i32>} : memref<16384xi32, #tpu.memory_space<vmem>>, vector<16xi32>,
      %add3A_899 = arith.constant 1664 : i32
      %add3A_900 = arith.addi %mul3A_190, %add3A_899 : i32
      %add3A_901 = arith.constant 32 : i32
      %add3A_902 = arith.addi %add3A_900, %add3A_901 : i32
      %get3A_903 = arith.index_cast %add3A_902 : i32 to index
      %get3A_904 = tpu.vector_load %arg6[%get3A_903] {strides = array<i32>} : memref<16384xi32, #tpu.memory_space<vmem>>, vector<16xi32>,
      %add3A_905 = arith.constant 1664 : i32
      %add3A_906 = arith.addi %mul3A_190, %add3A_905 : i32
      %add3A_907 = arith.constant 48 : i32
      %add3A_908 = arith.addi %add3A_906, %add3A_907 : i32
      %get3A_909 = arith.index_cast %add3A_908 : i32 to index
      %get3A_910 = tpu.vector_load %arg6[%get3A_909] {strides = array<i32>} : memref<16384xi32, #tpu.memory_space<vmem>>, vector<16xi32>,
      %add3A_911 = arith.constant 1664 : i32
      %add3A_912 = arith.addi %mul3A_190, %add3A_911 : i32
      %add3A_913 = arith.constant 64 : i32
      %add3A_914 = arith.addi %add3A_912, %add3A_913 : i32
      %get3A_915 = arith.index_cast %add3A_914 : i32 to index
      %get3A_916 = tpu.vector_load %arg6[%get3A_915] {strides = array<i32>} : memref<16384xi32, #tpu.memory_space<vmem>>, vector<16xi32>,
      %add3A_917 = arith.constant 1664 : i32
      %add3A_918 = arith.addi %mul3A_190, %add3A_917 : i32
      %add3A_919 = arith.constant 80 : i32
      %add3A_920 = arith.addi %add3A_918, %add3A_919 : i32
      %get3A_921 = arith.index_cast %add3A_920 : i32 to index
      %get3A_922 = tpu.vector_load %arg6[%get3A_921] {strides = array<i32>} : memref<16384xi32, #tpu.memory_space<vmem>>, vector<16xi32>,
      %add3A_923 = arith.constant 1664 : i32
      %add3A_924 = arith.addi %mul3A_190, %add3A_923 : i32
      %add3A_925 = arith.constant 96 : i32
      %add3A_926 = arith.addi %add3A_924, %add3A_925 : i32
      %get3A_927 = arith.index_cast %add3A_926 : i32 to index
      %get3A_928 = tpu.vector_load %arg6[%get3A_927] {strides = array<i32>} : memref<16384xi32, #tpu.memory_space<vmem>>, vector<16xi32>,
      %add3A_929 = arith.constant 1664 : i32
      %add3A_930 = arith.addi %mul3A_190, %add3A_929 : i32
      %add3A_931 = arith.constant 112 : i32
      %add3A_932 = arith.addi %add3A_930, %add3A_931 : i32
      %get3A_933 = arith.index_cast %add3A_932 : i32 to index
      %get3A_934 = tpu.vector_load %arg6[%get3A_933] {strides = array<i32>} : memref<16384xi32, #tpu.memory_space<vmem>>, vector<16xi32>,
      %add3A_935 = arith.constant 1792 : i32
      %add3A_936 = arith.addi %mul3A_190, %add3A_935 : i32
      %add3A_937 = arith.constant 0 : i32
      %add3A_938 = arith.addi %add3A_936, %add3A_937 : i32
      %get3A_939 = arith.index_cast %add3A_938 : i32 to index
      %get3A_940 = tpu.vector_load %arg6[%get3A_939] {strides = array<i32>} : memref<16384xi32, #tpu.memory_space<vmem>>, vector<16xi32>,
      %add3A_941 = arith.constant 1792 : i32
      %add3A_942 = arith.addi %mul3A_190, %add3A_941 : i32
      %add3A_943 = arith.constant 16 : i32
      %add3A_944 = arith.addi %add3A_942, %add3A_943 : i32
      %get3A_945 = arith.index_cast %add3A_944 : i32 to index
      %get3A_946 = tpu.vector_load %arg6[%get3A_945] {strides = array<i32>} : memref<16384xi32, #tpu.memory_space<vmem>>, vector<16xi32>,
      %add3A_947 = arith.constant 1792 : i32
      %add3A_948 = arith.addi %mul3A_190, %add3A_947 : i32
      %add3A_949 = arith.constant 32 : i32
      %add3A_950 = arith.addi %add3A_948, %add3A_949 : i32
      %get3A_951 = arith.index_cast %add3A_950 : i32 to index
      %get3A_952 = tpu.vector_load %arg6[%get3A_951] {strides = array<i32>} : memref<16384xi32, #tpu.memory_space<vmem>>, vector<16xi32>,
      %add3A_953 = arith.constant 1792 : i32
      %add3A_954 = arith.addi %mul3A_190, %add3A_953 : i32
      %add3A_955 = arith.constant 48 : i32
      %add3A_956 = arith.addi %add3A_954, %add3A_955 : i32
      %get3A_957 = arith.index_cast %add3A_956 : i32 to index
      %get3A_958 = tpu.vector_load %arg6[%get3A_957] {strides = array<i32>} : memref<16384xi32, #tpu.memory_space<vmem>>, vector<16xi32>,
      %add3A_959 = arith.constant 1792 : i32
      %add3A_960 = arith.addi %mul3A_190, %add3A_959 : i32
      %add3A_961 = arith.constant 64 : i32
      %add3A_962 = arith.addi %add3A_960, %add3A_961 : i32
      %get3A_963 = arith.index_cast %add3A_962 : i32 to index
      %get3A_964 = tpu.vector_load %arg6[%get3A_963] {strides = array<i32>} : memref<16384xi32, #tpu.memory_space<vmem>>, vector<16xi32>,
      %add3A_965 = arith.constant 1792 : i32
      %add3A_966 = arith.addi %mul3A_190, %add3A_965 : i32
      %add3A_967 = arith.constant 80 : i32
      %add3A_968 = arith.addi %add3A_966, %add3A_967 : i32
      %get3A_969 = arith.index_cast %add3A_968 : i32 to index
      %get3A_970 = tpu.vector_load %arg6[%get3A_969] {strides = array<i32>} : memref<16384xi32, #tpu.memory_space<vmem>>, vector<16xi32>,
      %add3A_971 = arith.constant 1792 : i32
      %add3A_972 = arith.addi %mul3A_190, %add3A_971 : i32
      %add3A_973 = arith.constant 96 : i32
      %add3A_974 = arith.addi %add3A_972, %add3A_973 : i32
      %get3A_975 = arith.index_cast %add3A_974 : i32 to index
      %get3A_976 = tpu.vector_load %arg6[%get3A_975] {strides = array<i32>} : memref<16384xi32, #tpu.memory_space<vmem>>, vector<16xi32>,
      %add3A_977 = arith.constant 1792 : i32
      %add3A_978 = arith.addi %mul3A_190, %add3A_977 : i32
      %add3A_979 = arith.constant 112 : i32
      %add3A_980 = arith.addi %add3A_978, %add3A_979 : i32
      %get3A_981 = arith.index_cast %add3A_980 : i32 to index
      %get3A_982 = tpu.vector_load %arg6[%get3A_981] {strides = array<i32>} : memref<16384xi32, #tpu.memory_space<vmem>>, vector<16xi32>,
      %add3A_983 = arith.constant 1920 : i32
      %add3A_984 = arith.addi %mul3A_190, %add3A_983 : i32
      %add3A_985 = arith.constant 0 : i32
      %add3A_986 = arith.addi %add3A_984, %add3A_985 : i32
      %get3A_987 = arith.index_cast %add3A_986 : i32 to index
      %get3A_988 = tpu.vector_load %arg6[%get3A_987] {strides = array<i32>} : memref<16384xi32, #tpu.memory_space<vmem>>, vector<16xi32>,
      %add3A_989 = arith.constant 1920 : i32
      %add3A_990 = arith.addi %mul3A_190, %add3A_989 : i32
      %add3A_991 = arith.constant 16 : i32
      %add3A_992 = arith.addi %add3A_990, %add3A_991 : i32
      %get3A_993 = arith.index_cast %add3A_992 : i32 to index
      %get3A_994 = tpu.vector_load %arg6[%get3A_993] {strides = array<i32>} : memref<16384xi32, #tpu.memory_space<vmem>>, vector<16xi32>,
      %add3A_995 = arith.constant 1920 : i32
      %add3A_996 = arith.addi %mul3A_190, %add3A_995 : i32
      %add3A_997 = arith.constant 32 : i32
      %add3A_998 = arith.addi %add3A_996, %add3A_997 : i32
      %get3A_999 = arith.index_cast %add3A_998 : i32 to index
      %get3A_1000 = tpu.vector_load %arg6[%get3A_999] {strides = array<i32>} : memref<16384xi32, #tpu.memory_space<vmem>>, vector<16xi32>,
      %add3A_1001 = arith.constant 1920 : i32
      %add3A_1002 = arith.addi %mul3A_190, %add3A_1001 : i32
      %add3A_1003 = arith.constant 48 : i32
      %add3A_1004 = arith.addi %add3A_1002, %add3A_1003 : i32
      %get3A_1005 = arith.index_cast %add3A_1004 : i32 to index
      %get3A_1006 = tpu.vector_load %arg6[%get3A_1005] {strides = array<i32>} : memref<16384xi32, #tpu.memory_space<vmem>>, vector<16xi32>,
      %add3A_1007 = arith.constant 1920 : i32
      %add3A_1008 = arith.addi %mul3A_190, %add3A_1007 : i32
      %add3A_1009 = arith.constant 64 : i32
      %add3A_1010 = arith.addi %add3A_1008, %add3A_1009 : i32
      %get3A_1011 = arith.index_cast %add3A_1010 : i32 to index
      %get3A_1012 = tpu.vector_load %arg6[%get3A_1011] {strides = array<i32>} : memref<16384xi32, #tpu.memory_space<vmem>>, vector<16xi32>,
      %add3A_1013 = arith.constant 1920 : i32
      %add3A_1014 = arith.addi %mul3A_190, %add3A_1013 : i32
      %add3A_1015 = arith.constant 80 : i32
      %add3A_1016 = arith.addi %add3A_1014, %add3A_1015 : i32
      %get3A_1017 = arith.index_cast %add3A_1016 : i32 to index
      %get3A_1018 = tpu.vector_load %arg6[%get3A_1017] {strides = array<i32>} : memref<16384xi32, #tpu.memory_space<vmem>>, vector<16xi32>,
      %add3A_1019 = arith.constant 1920 : i32
      %add3A_1020 = arith.addi %mul3A_190, %add3A_1019 : i32
      %add3A_1021 = arith.constant 96 : i32
      %add3A_1022 = arith.addi %add3A_1020, %add3A_1021 : i32
      %get3A_1023 = arith.index_cast %add3A_1022 : i32 to index
      %get3A_1024 = tpu.vector_load %arg6[%get3A_1023] {strides = array<i32>} : memref<16384xi32, #tpu.memory_space<vmem>>, vector<16xi32>,
      %add3A_1025 = arith.constant 1920 : i32
      %add3A_1026 = arith.addi %mul3A_190, %add3A_1025 : i32
      %add3A_1027 = arith.constant 112 : i32
      %add3A_1028 = arith.addi %add3A_1026, %add3A_1027 : i32
      %get3A_1029 = arith.index_cast %add3A_1028 : i32 to index
      %get3A_1030 = tpu.vector_load %arg6[%get3A_1029] {strides = array<i32>} : memref<16384xi32, #tpu.memory_space<vmem>>, vector<16xi32>,
      %add3A_1031 = arith.addi %get3A_652, %get3A_658 : vector<16xi32>
      %add3A_1032 = arith.addi %get3A_700, %get3A_706 : vector<16xi32>
      %add3A_1033 = arith.addi %get3A_748, %get3A_754 : vector<16xi32>
      %add3A_1034 = arith.addi %get3A_796, %get3A_802 : vector<16xi32>
      %add3A_1035 = arith.addi %get3A_844, %get3A_850 : vector<16xi32>
      %add3A_1036 = arith.addi %get3A_892, %get3A_898 : vector<16xi32>
      %add3A_1037 = arith.addi %get3A_940, %get3A_946 : vector<16xi32>
      %add3A_1038 = arith.addi %get3A_988, %get3A_994 : vector<16xi32>
      %add3A_1039 = arith.addi %add3A_1031, %get3A_664 : vector<16xi32>
      %add3A_1040 = arith.addi %add3A_1032, %get3A_712 : vector<16xi32>
      %add3A_1041 = arith.addi %add3A_1033, %get3A_760 : vector<16xi32>
      %add3A_1042 = arith.addi %add3A_1034, %get3A_808 : vector<16xi32>
      %add3A_1043 = arith.addi %add3A_1035, %get3A_856 : vector<16xi32>
      %add3A_1044 = arith.addi %add3A_1036, %get3A_904 : vector<16xi32>
      %add3A_1045 = arith.addi %add3A_1037, %get3A_952 : vector<16xi32>
      %add3A_1046 = arith.addi %add3A_1038, %get3A_1000 : vector<16xi32>
      %add3A_1047 = arith.addi %add3A_1039, %get3A_670 : vector<16xi32>
      %add3A_1048 = arith.addi %add3A_1040, %get3A_718 : vector<16xi32>
      %add3A_1049 = arith.addi %add3A_1041, %get3A_766 : vector<16xi32>
      %add3A_1050 = arith.addi %add3A_1042, %get3A_814 : vector<16xi32>
      %add3A_1051 = arith.addi %add3A_1043, %get3A_862 : vector<16xi32>
      %add3A_1052 = arith.addi %add3A_1044, %get3A_910 : vector<16xi32>
      %add3A_1053 = arith.addi %add3A_1045, %get3A_958 : vector<16xi32>
      %add3A_1054 = arith.addi %add3A_1046, %get3A_1006 : vector<16xi32>
      %add3A_1055 = arith.addi %add3A_1047, %get3A_676 : vector<16xi32>
      %add3A_1056 = arith.addi %add3A_1048, %get3A_724 : vector<16xi32>
      %add3A_1057 = arith.addi %add3A_1049, %get3A_772 : vector<16xi32>
      %add3A_1058 = arith.addi %add3A_1050, %get3A_820 : vector<16xi32>
      %add3A_1059 = arith.addi %add3A_1051, %get3A_868 : vector<16xi32>
      %add3A_1060 = arith.addi %add3A_1052, %get3A_916 : vector<16xi32>
      %add3A_1061 = arith.addi %add3A_1053, %get3A_964 : vector<16xi32>
      %add3A_1062 = arith.addi %add3A_1054, %get3A_1012 : vector<16xi32>
      %add3A_1063 = arith.addi %add3A_1055, %get3A_682 : vector<16xi32>
      %add3A_1064 = arith.addi %add3A_1056, %get3A_730 : vector<16xi32>
      %add3A_1065 = arith.addi %add3A_1057, %get3A_778 : vector<16xi32>
      %add3A_1066 = arith.addi %add3A_1058, %get3A_826 : vector<16xi32>
      %add3A_1067 = arith.addi %add3A_1059, %get3A_874 : vector<16xi32>
      %add3A_1068 = arith.addi %add3A_1060, %get3A_922 : vector<16xi32>
      %add3A_1069 = arith.addi %add3A_1061, %get3A_970 : vector<16xi32>
      %add3A_1070 = arith.addi %add3A_1062, %get3A_1018 : vector<16xi32>
      %add3A_1071 = arith.addi %add3A_1063, %get3A_688 : vector<16xi32>
      %add3A_1072 = arith.addi %add3A_1064, %get3A_736 : vector<16xi32>
      %add3A_1073 = arith.addi %add3A_1065, %get3A_784 : vector<16xi32>
      %add3A_1074 = arith.addi %add3A_1066, %get3A_832 : vector<16xi32>
      %add3A_1075 = arith.addi %add3A_1067, %get3A_880 : vector<16xi32>
      %add3A_1076 = arith.addi %add3A_1068, %get3A_928 : vector<16xi32>
      %add3A_1077 = arith.addi %add3A_1069, %get3A_976 : vector<16xi32>
      %add3A_1078 = arith.addi %add3A_1070, %get3A_1024 : vector<16xi32>
      %add3A_1079 = arith.addi %add3A_1071, %get3A_694 : vector<16xi32>
      %add3A_1080 = arith.addi %add3A_1072, %get3A_742 : vector<16xi32>
      %add3A_1081 = arith.addi %add3A_1073, %get3A_790 : vector<16xi32>
      %add3A_1082 = arith.addi %add3A_1074, %get3A_838 : vector<16xi32>
      %add3A_1083 = arith.addi %add3A_1075, %get3A_886 : vector<16xi32>
      %add3A_1084 = arith.addi %add3A_1076, %get3A_934 : vector<16xi32>
      %add3A_1085 = arith.addi %add3A_1077, %get3A_982 : vector<16xi32>
      %add3A_1086 = arith.addi %add3A_1078, %get3A_1030 : vector<16xi32>
      %swap3A_1087 = arith.constant 136 : index
      %swap3A_1088 = tpu.vector_load %arg9[%swap3A_1087] {strides = array<i32>} : memref<272xi32, #tpu.memory_space<vmem>>, vector<16xi32>,
      tpu.vector_store %arg9[%swap3A_1087], %add3A_1079 {strides = array<i32>} : memref<272xi32, #tpu.memory_space<vmem>>, vector<16xi32>,
      %swap3A_1089 = arith.constant 153 : index
      %swap3A_1090 = tpu.vector_load %arg9[%swap3A_1089] {strides = array<i32>} : memref<272xi32, #tpu.memory_space<vmem>>, vector<16xi32>,
      tpu.vector_store %arg9[%swap3A_1089], %add3A_1080 {strides = array<i32>} : memref<272xi32, #tpu.memory_space<vmem>>, vector<16xi32>,
      %swap3A_1091 = arith.constant 170 : index
      %swap3A_1092 = tpu.vector_load %arg9[%swap3A_1091] {strides = array<i32>} : memref<272xi32, #tpu.memory_space<vmem>>, vector<16xi32>,
      tpu.vector_store %arg9[%swap3A_1091], %add3A_1081 {strides = array<i32>} : memref<272xi32, #tpu.memory_space<vmem>>, vector<16xi32>,
      %swap3A_1093 = arith.constant 187 : index
      %swap3A_1094 = tpu.vector_load %arg9[%swap3A_1093] {strides = array<i32>} : memref<272xi32, #tpu.memory_space<vmem>>, vector<16xi32>,
      tpu.vector_store %arg9[%swap3A_1093], %add3A_1082 {strides = array<i32>} : memref<272xi32, #tpu.memory_space<vmem>>, vector<16xi32>,
      %swap3A_1095 = arith.constant 204 : index
      %swap3A_1096 = tpu.vector_load %arg9[%swap3A_1095] {strides = array<i32>} : memref<272xi32, #tpu.memory_space<vmem>>, vector<16xi32>,
      tpu.vector_store %arg9[%swap3A_1095], %add3A_1083 {strides = array<i32>} : memref<272xi32, #tpu.memory_space<vmem>>, vector<16xi32>,
      %swap3A_1097 = arith.constant 221 : index
      %swap3A_1098 = tpu.vector_load %arg9[%swap3A_1097] {strides = array<i32>} : memref<272xi32, #tpu.memory_space<vmem>>, vector<16xi32>,
      tpu.vector_store %arg9[%swap3A_1097], %add3A_1084 {strides = array<i32>} : memref<272xi32, #tpu.memory_space<vmem>>, vector<16xi32>,
      %swap3A_1099 = arith.constant 238 : index
      %swap3A_1100 = tpu.vector_load %arg9[%swap3A_1099] {strides = array<i32>} : memref<272xi32, #tpu.memory_space<vmem>>, vector<16xi32>,
      tpu.vector_store %arg9[%swap3A_1099], %add3A_1085 {strides = array<i32>} : memref<272xi32, #tpu.memory_space<vmem>>, vector<16xi32>,
      %swap3A_1101 = arith.constant 255 : index
      %swap3A_1102 = tpu.vector_load %arg9[%swap3A_1101] {strides = array<i32>} : memref<272xi32, #tpu.memory_space<vmem>>, vector<16xi32>,
      tpu.vector_store %arg9[%swap3A_1101], %add3A_1086 {strides = array<i32>} : memref<272xi32, #tpu.memory_space<vmem>>, vector<16xi32>,
      %broadcast_in_dim3A_1103 = arith.constant 0 : i32
      %broadcast_in_dim3A_1104 = vector.broadcast %broadcast_in_dim3A_1103 : i32 to vector<16xi32>
      %gather3A_1105 = tpu.vector_load_idx %arg9[%mul3A_93] : memref<272xi32, #tpu.memory_space<vmem>>[vector<16xi32>], vector<16xi32>,
      %add3A_1106 = arith.addi %broadcast_in_dim3A_1104, %gather3A_1105 : vector<16xi32>
      %add3A_1107 = arith.addi %mul3A_93, %broadcast_in_dim3A_12 : vector<16xi32>
      %gather3A_1108 = tpu.vector_load_idx %arg9[%add3A_1107] : memref<272xi32, #tpu.memory_space<vmem>>[vector<16xi32>], vector<16xi32>,
      %add3A_1109 = arith.addi %add3A_1106, %gather3A_1108 : vector<16xi32>
      %add3A_1110 = arith.addi %add3A_1107, %broadcast_in_dim3A_12 : vector<16xi32>
      %gather3A_1111 = tpu.vector_load_idx %arg9[%add3A_1110] : memref<272xi32, #tpu.memory_space<vmem>>[vector<16xi32>], vector<16xi32>,
      %add3A_1112 = arith.addi %add3A_1109, %gather3A_1111 : vector<16xi32>
      %add3A_1113 = arith.addi %add3A_1110, %broadcast_in_dim3A_12 : vector<16xi32>
      %gather3A_1114 = tpu.vector_load_idx %arg9[%add3A_1113] : memref<272xi32, #tpu.memory_space<vmem>>[vector<16xi32>], vector<16xi32>,
      %add3A_1115 = arith.addi %add3A_1112, %gather3A_1114 : vector<16xi32>
      %add3A_1116 = arith.addi %add3A_1113, %broadcast_in_dim3A_12 : vector<16xi32>
      %gather3A_1117 = tpu.vector_load_idx %arg9[%add3A_1116] : memref<272xi32, #tpu.memory_space<vmem>>[vector<16xi32>], vector<16xi32>,
      %add3A_1118 = arith.addi %add3A_1115, %gather3A_1117 : vector<16xi32>
      %add3A_1119 = arith.addi %add3A_1116, %broadcast_in_dim3A_12 : vector<16xi32>
      %gather3A_1120 = tpu.vector_load_idx %arg9[%add3A_1119] : memref<272xi32, #tpu.memory_space<vmem>>[vector<16xi32>], vector<16xi32>,
      %add3A_1121 = arith.addi %add3A_1118, %gather3A_1120 : vector<16xi32>
      %add3A_1122 = arith.addi %add3A_1119, %broadcast_in_dim3A_12 : vector<16xi32>
      %gather3A_1123 = tpu.vector_load_idx %arg9[%add3A_1122] : memref<272xi32, #tpu.memory_space<vmem>>[vector<16xi32>], vector<16xi32>,
      %add3A_1124 = arith.addi %add3A_1121, %gather3A_1123 : vector<16xi32>
      %add3A_1125 = arith.addi %add3A_1122, %broadcast_in_dim3A_12 : vector<16xi32>
      %gather3A_1126 = tpu.vector_load_idx %arg9[%add3A_1125] : memref<272xi32, #tpu.memory_space<vmem>>[vector<16xi32>], vector<16xi32>,
      %add3A_1127 = arith.addi %add3A_1124, %gather3A_1126 : vector<16xi32>
      %add3A_1128 = arith.addi %add3A_1125, %broadcast_in_dim3A_12 : vector<16xi32>
      %gather3A_1129 = tpu.vector_load_idx %arg9[%add3A_1128] : memref<272xi32, #tpu.memory_space<vmem>>[vector<16xi32>], vector<16xi32>,
      %add3A_1130 = arith.addi %add3A_1127, %gather3A_1129 : vector<16xi32>
      %add3A_1131 = arith.addi %add3A_1128, %broadcast_in_dim3A_12 : vector<16xi32>
      %gather3A_1132 = tpu.vector_load_idx %arg9[%add3A_1131] : memref<272xi32, #tpu.memory_space<vmem>>[vector<16xi32>], vector<16xi32>,
      %add3A_1133 = arith.addi %add3A_1130, %gather3A_1132 : vector<16xi32>
      %add3A_1134 = arith.addi %add3A_1131, %broadcast_in_dim3A_12 : vector<16xi32>
      %gather3A_1135 = tpu.vector_load_idx %arg9[%add3A_1134] : memref<272xi32, #tpu.memory_space<vmem>>[vector<16xi32>], vector<16xi32>,
      %add3A_1136 = arith.addi %add3A_1133, %gather3A_1135 : vector<16xi32>
      %add3A_1137 = arith.addi %add3A_1134, %broadcast_in_dim3A_12 : vector<16xi32>
      %gather3A_1138 = tpu.vector_load_idx %arg9[%add3A_1137] : memref<272xi32, #tpu.memory_space<vmem>>[vector<16xi32>], vector<16xi32>,
      %add3A_1139 = arith.addi %add3A_1136, %gather3A_1138 : vector<16xi32>
      %add3A_1140 = arith.addi %add3A_1137, %broadcast_in_dim3A_12 : vector<16xi32>
      %gather3A_1141 = tpu.vector_load_idx %arg9[%add3A_1140] : memref<272xi32, #tpu.memory_space<vmem>>[vector<16xi32>], vector<16xi32>,
      %add3A_1142 = arith.addi %add3A_1139, %gather3A_1141 : vector<16xi32>
      %add3A_1143 = arith.addi %add3A_1140, %broadcast_in_dim3A_12 : vector<16xi32>
      %gather3A_1144 = tpu.vector_load_idx %arg9[%add3A_1143] : memref<272xi32, #tpu.memory_space<vmem>>[vector<16xi32>], vector<16xi32>,
      %add3A_1145 = arith.addi %add3A_1142, %gather3A_1144 : vector<16xi32>
      %add3A_1146 = arith.addi %add3A_1143, %broadcast_in_dim3A_12 : vector<16xi32>
      %gather3A_1147 = tpu.vector_load_idx %arg9[%add3A_1146] : memref<272xi32, #tpu.memory_space<vmem>>[vector<16xi32>], vector<16xi32>,
      %add3A_1148 = arith.addi %add3A_1145, %gather3A_1147 : vector<16xi32>
      %add3A_1149 = arith.addi %add3A_1146, %broadcast_in_dim3A_12 : vector<16xi32>
      %gather3A_1150 = tpu.vector_load_idx %arg9[%add3A_1149] : memref<272xi32, #tpu.memory_space<vmem>>[vector<16xi32>], vector<16xi32>,
      %add3A_1151 = arith.addi %add3A_1148, %gather3A_1150 : vector<16xi32>
      %add3A_1152 = arith.addi %add3A_1149, %broadcast_in_dim3A_12 : vector<16xi32>
      %eq3A = arith.cmpi eq, %add3A_1151, %add3A_85 : vector<16xi32>
      %select_n3A = arith.select %eq3A, %bitcast_convert_type3A, %broadcast_in_dim3A_90 : vector<16xi1>, vector<16xf32>
      %mul3A_1153 = arith.constant 16 : i32
      %mul3A_1154 = arith.muli %scan3A_188, %mul3A_1153 : i32
      %add3A_1155 = arith.constant 128 : i32
      %add3A_1156 = arith.addi %add3A_1155, %mul3A_1154 : i32
      %swap3A_1157 = arith.index_cast %add3A_1156 : i32 to index
      %swap3A_1158 = tpu.vector_load %arg7[%swap3A_1157] {strides = array<i32>} : memref<512xf32, #tpu.memory_space<vmem>>, vector<16xf32>,
      tpu.vector_store %arg7[%swap3A_1157], %select_n3A {strides = array<i32>} : memref<512xf32, #tpu.memory_space<vmem>>, vector<16xf32>,
    }
    %scan3A_119 = arith.constant 8 : i32
    %add3A_120 = arith.constant 49152 : i32
    %add3A_121 = arith.addi %mul3A_4, %add3A_120 : i32
    %dma_start3A_122 = tpu.memref_slice %arg2[%add3A_121] : memref<2097152xi32, #tpu.memory_space<hbm>> -> memref<16384xi32, #tpu.memory_space<hbm>>
    %dma_start3A_123 = tpu.memref_slice %arg2[%add3A_121] : memref<2097152xi32, #tpu.memory_space<hbm>> -> memref<16384xi32, #tpu.memory_space<hbm>>
    tpu.enqueue_dma source(%dma_start3A_123 : memref<16384xi32, #tpu.memory_space<hbm>>) target(%arg6 : memref<16384xi32, #tpu.memory_space<vmem>>) target_semaphore(%arg11 : memref<!tpu.dma_semaphore, #tpu.memory_space<semaphore_mem>>)
    %add3A_124 = arith.constant 128 : i32
    %add3A_125 = arith.addi %mul3A_2, %add3A_124 : i32
    %dma_start3A_126 = arith.constant 128 : i32
    %dma_start3A_127 = tpu.memref_slice %arg7[%dma_start3A_126] : memref<512xf32, #tpu.memory_space<vmem>> -> memref<128xf32, #tpu.memory_space<vmem>>
    %dma_start3A_128 = tpu.memref_slice %arg4[%add3A_125] : memref<16384xf32, #tpu.memory_space<hbm>> -> memref<128xf32, #tpu.memory_space<hbm>>
    %dma_start3A_129 = tpu.memref_slice %arg4[%add3A_125] : memref<16384xf32, #tpu.memory_space<hbm>> -> memref<128xf32, #tpu.memory_space<hbm>>
    %dma_start3A_130 = arith.constant 128 : i32
    %dma_start3A_131 = tpu.memref_slice %arg7[%dma_start3A_130] : memref<512xf32, #tpu.memory_space<vmem>> -> memref<128xf32, #tpu.memory_space<vmem>>
    tpu.enqueue_dma source(%dma_start3A_131 : memref<128xf32, #tpu.memory_space<vmem>>) target(%dma_start3A_129 : memref<128xf32, #tpu.memory_space<hbm>>) target_semaphore(%arg13 : memref<!tpu.dma_semaphore, #tpu.memory_space<semaphore_mem>>)
    %dma_wait3A_132 = tpu.memref_slice %arg2[%add3A_101] : memref<2097152xi32, #tpu.memory_space<hbm>> -> memref<16384xi32, #tpu.memory_space<hbm>>
    %dma_wait3A_133 = tpu.memref_slice %arg2[%add3A_101] : memref<2097152xi32, #tpu.memory_space<hbm>> -> memref<16384xi32, #tpu.memory_space<hbm>>
    tpu.wait_dma2 semaphore(%arg10 : memref<!tpu.dma_semaphore, #tpu.memory_space<semaphore_mem>>) src(%dma_wait3A_133 : memref<16384xi32, #tpu.memory_space<hbm>>) dst(%arg5 : memref<16384xi32, #tpu.memory_space<vmem>>)
    %scan3A_134 = arith.constant 0 : i32
    %scan3A_135 = arith.constant 0 : i32
    %scan3A_136 = arith.constant 8 : i32
    %scan3A_137 = arith.addi %scan3A_135, %scan3A_136 : i32
    %scan3A_138 = arith.constant 1 : i32
    scf.for %scan3A_188 = %scan3A_135 to %scan3A_137 step %scan3A_138  : i32 {
      %mul3A_189 = arith.constant 2048 : i32
      %mul3A_190 = arith.muli %scan3A_188, %mul3A_189 : i32
      %add3A_191 = arith.constant 0 : i32
      %add3A_192 = arith.addi %mul3A_190, %add3A_191 : i32
      %add3A_193 = arith.constant 0 : i32
      %add3A_194 = arith.addi %add3A_192, %add3A_193 : i32
      %get3A_195 = arith.index_cast %add3A_194 : i32 to index
      %get3A_196 = tpu.vector_load %arg5[%get3A_195] {strides = array<i32>} : memref<16384xi32, #tpu.memory_space<vmem>>, vector<16xi32>,
      %add3A_197 = arith.constant 0 : i32
      %add3A_198 = arith.addi %mul3A_190, %add3A_197 : i32
      %add3A_199 = arith.constant 16 : i32
      %add3A_200 = arith.addi %add3A_198, %add3A_199 : i32
      %get3A_201 = arith.index_cast %add3A_200 : i32 to index
      %get3A_202 = tpu.vector_load %arg5[%get3A_201] {strides = array<i32>} : memref<16384xi32, #tpu.memory_space<vmem>>, vector<16xi32>,
      %add3A_203 = arith.constant 0 : i32
      %add3A_204 = arith.addi %mul3A_190, %add3A_203 : i32
      %add3A_205 = arith.constant 32 : i32
      %add3A_206 = arith.addi %add3A_204, %add3A_205 : i32
      %get3A_207 = arith.index_cast %add3A_206 : i32 to index
      %get3A_208 = tpu.vector_load %arg5[%get3A_207] {strides = array<i32>} : memref<16384xi32, #tpu.memory_space<vmem>>, vector<16xi32>,
      %add3A_209 = arith.constant 0 : i32
      %add3A_210 = arith.addi %mul3A_190, %add3A_209 : i32
      %add3A_211 = arith.constant 48 : i32
      %add3A_212 = arith.addi %add3A_210, %add3A_211 : i32
      %get3A_213 = arith.index_cast %add3A_212 : i32 to index
      %get3A_214 = tpu.vector_load %arg5[%get3A_213] {strides = array<i32>} : memref<16384xi32, #tpu.memory_space<vmem>>, vector<16xi32>,
      %add3A_215 = arith.constant 0 : i32
      %add3A_216 = arith.addi %mul3A_190, %add3A_215 : i32
      %add3A_217 = arith.constant 64 : i32
      %add3A_218 = arith.addi %add3A_216, %add3A_217 : i32
      %get3A_219 = arith.index_cast %add3A_218 : i32 to index
      %get3A_220 = tpu.vector_load %arg5[%get3A_219] {strides = array<i32>} : memref<16384xi32, #tpu.memory_space<vmem>>, vector<16xi32>,
      %add3A_221 = arith.constant 0 : i32
      %add3A_222 = arith.addi %mul3A_190, %add3A_221 : i32
      %add3A_223 = arith.constant 80 : i32
      %add3A_224 = arith.addi %add3A_222, %add3A_223 : i32
      %get3A_225 = arith.index_cast %add3A_224 : i32 to index
      %get3A_226 = tpu.vector_load %arg5[%get3A_225] {strides = array<i32>} : memref<16384xi32, #tpu.memory_space<vmem>>, vector<16xi32>,
      %add3A_227 = arith.constant 0 : i32
      %add3A_228 = arith.addi %mul3A_190, %add3A_227 : i32
      %add3A_229 = arith.constant 96 : i32
      %add3A_230 = arith.addi %add3A_228, %add3A_229 : i32
      %get3A_231 = arith.index_cast %add3A_230 : i32 to index
      %get3A_232 = tpu.vector_load %arg5[%get3A_231] {strides = array<i32>} : memref<16384xi32, #tpu.memory_space<vmem>>, vector<16xi32>,
      %add3A_233 = arith.constant 0 : i32
      %add3A_234 = arith.addi %mul3A_190, %add3A_233 : i32
      %add3A_235 = arith.constant 112 : i32
      %add3A_236 = arith.addi %add3A_234, %add3A_235 : i32
      %get3A_237 = arith.index_cast %add3A_236 : i32 to index
      %get3A_238 = tpu.vector_load %arg5[%get3A_237] {strides = array<i32>} : memref<16384xi32, #tpu.memory_space<vmem>>, vector<16xi32>,
      %add3A_239 = arith.constant 128 : i32
      %add3A_240 = arith.addi %mul3A_190, %add3A_239 : i32
      %add3A_241 = arith.constant 0 : i32
      %add3A_242 = arith.addi %add3A_240, %add3A_241 : i32
      %get3A_243 = arith.index_cast %add3A_242 : i32 to index
      %get3A_244 = tpu.vector_load %arg5[%get3A_243] {strides = array<i32>} : memref<16384xi32, #tpu.memory_space<vmem>>, vector<16xi32>,
      %add3A_245 = arith.constant 128 : i32
      %add3A_246 = arith.addi %mul3A_190, %add3A_245 : i32
      %add3A_247 = arith.constant 16 : i32
      %add3A_248 = arith.addi %add3A_246, %add3A_247 : i32
      %get3A_249 = arith.index_cast %add3A_248 : i32 to index
      %get3A_250 = tpu.vector_load %arg5[%get3A_249] {strides = array<i32>} : memref<16384xi32, #tpu.memory_space<vmem>>, vector<16xi32>,
      %add3A_251 = arith.constant 128 : i32
      %add3A_252 = arith.addi %mul3A_190, %add3A_251 : i32
      %add3A_253 = arith.constant 32 : i32
      %add3A_254 = arith.addi %add3A_252, %add3A_253 : i32
      %get3A_255 = arith.index_cast %add3A_254 : i32 to index
      %get3A_256 = tpu.vector_load %arg5[%get3A_255] {strides = array<i32>} : memref<16384xi32, #tpu.memory_space<vmem>>, vector<16xi32>,
      %add3A_257 = arith.constant 128 : i32
      %add3A_258 = arith.addi %mul3A_190, %add3A_257 : i32
      %add3A_259 = arith.constant 48 : i32
      %add3A_260 = arith.addi %add3A_258, %add3A_259 : i32
      %get3A_261 = arith.index_cast %add3A_260 : i32 to index
      %get3A_262 = tpu.vector_load %arg5[%get3A_261] {strides = array<i32>} : memref<16384xi32, #tpu.memory_space<vmem>>, vector<16xi32>,
      %add3A_263 = arith.constant 128 : i32
      %add3A_264 = arith.addi %mul3A_190, %add3A_263 : i32
      %add3A_265 = arith.constant 64 : i32
      %add3A_266 = arith.addi %add3A_264, %add3A_265 : i32
      %get3A_267 = arith.index_cast %add3A_266 : i32 to index
      %get3A_268 = tpu.vector_load %arg5[%get3A_267] {strides = array<i32>} : memref<16384xi32, #tpu.memory_space<vmem>>, vector<16xi32>,
      %add3A_269 = arith.constant 128 : i32
      %add3A_270 = arith.addi %mul3A_190, %add3A_269 : i32
      %add3A_271 = arith.constant 80 : i32
      %add3A_272 = arith.addi %add3A_270, %add3A_271 : i32
      %get3A_273 = arith.index_cast %add3A_272 : i32 to index
      %get3A_274 = tpu.vector_load %arg5[%get3A_273] {strides = array<i32>} : memref<16384xi32, #tpu.memory_space<vmem>>, vector<16xi32>,
      %add3A_275 = arith.constant 128 : i32
      %add3A_276 = arith.addi %mul3A_190, %add3A_275 : i32
      %add3A_277 = arith.constant 96 : i32
      %add3A_278 = arith.addi %add3A_276, %add3A_277 : i32
      %get3A_279 = arith.index_cast %add3A_278 : i32 to index
      %get3A_280 = tpu.vector_load %arg5[%get3A_279] {strides = array<i32>} : memref<16384xi32, #tpu.memory_space<vmem>>, vector<16xi32>,
      %add3A_281 = arith.constant 128 : i32
      %add3A_282 = arith.addi %mul3A_190, %add3A_281 : i32
      %add3A_283 = arith.constant 112 : i32
      %add3A_284 = arith.addi %add3A_282, %add3A_283 : i32
      %get3A_285 = arith.index_cast %add3A_284 : i32 to index
      %get3A_286 = tpu.vector_load %arg5[%get3A_285] {strides = array<i32>} : memref<16384xi32, #tpu.memory_space<vmem>>, vector<16xi32>,
      %add3A_287 = arith.constant 256 : i32
      %add3A_288 = arith.addi %mul3A_190, %add3A_287 : i32
      %add3A_289 = arith.constant 0 : i32
      %add3A_290 = arith.addi %add3A_288, %add3A_289 : i32
      %get3A_291 = arith.index_cast %add3A_290 : i32 to index
      %get3A_292 = tpu.vector_load %arg5[%get3A_291] {strides = array<i32>} : memref<16384xi32, #tpu.memory_space<vmem>>, vector<16xi32>,
      %add3A_293 = arith.constant 256 : i32
      %add3A_294 = arith.addi %mul3A_190, %add3A_293 : i32
      %add3A_295 = arith.constant 16 : i32
      %add3A_296 = arith.addi %add3A_294, %add3A_295 : i32
      %get3A_297 = arith.index_cast %add3A_296 : i32 to index
      %get3A_298 = tpu.vector_load %arg5[%get3A_297] {strides = array<i32>} : memref<16384xi32, #tpu.memory_space<vmem>>, vector<16xi32>,
      %add3A_299 = arith.constant 256 : i32
      %add3A_300 = arith.addi %mul3A_190, %add3A_299 : i32
      %add3A_301 = arith.constant 32 : i32
      %add3A_302 = arith.addi %add3A_300, %add3A_301 : i32
      %get3A_303 = arith.index_cast %add3A_302 : i32 to index
      %get3A_304 = tpu.vector_load %arg5[%get3A_303] {strides = array<i32>} : memref<16384xi32, #tpu.memory_space<vmem>>, vector<16xi32>,
      %add3A_305 = arith.constant 256 : i32
      %add3A_306 = arith.addi %mul3A_190, %add3A_305 : i32
      %add3A_307 = arith.constant 48 : i32
      %add3A_308 = arith.addi %add3A_306, %add3A_307 : i32
      %get3A_309 = arith.index_cast %add3A_308 : i32 to index
      %get3A_310 = tpu.vector_load %arg5[%get3A_309] {strides = array<i32>} : memref<16384xi32, #tpu.memory_space<vmem>>, vector<16xi32>,
      %add3A_311 = arith.constant 256 : i32
      %add3A_312 = arith.addi %mul3A_190, %add3A_311 : i32
      %add3A_313 = arith.constant 64 : i32
      %add3A_314 = arith.addi %add3A_312, %add3A_313 : i32
      %get3A_315 = arith.index_cast %add3A_314 : i32 to index
      %get3A_316 = tpu.vector_load %arg5[%get3A_315] {strides = array<i32>} : memref<16384xi32, #tpu.memory_space<vmem>>, vector<16xi32>,
      %add3A_317 = arith.constant 256 : i32
      %add3A_318 = arith.addi %mul3A_190, %add3A_317 : i32
      %add3A_319 = arith.constant 80 : i32
      %add3A_320 = arith.addi %add3A_318, %add3A_319 : i32
      %get3A_321 = arith.index_cast %add3A_320 : i32 to index
      %get3A_322 = tpu.vector_load %arg5[%get3A_321] {strides = array<i32>} : memref<16384xi32, #tpu.memory_space<vmem>>, vector<16xi32>,
      %add3A_323 = arith.constant 256 : i32
      %add3A_324 = arith.addi %mul3A_190, %add3A_323 : i32
      %add3A_325 = arith.constant 96 : i32
      %add3A_326 = arith.addi %add3A_324, %add3A_325 : i32
      %get3A_327 = arith.index_cast %add3A_326 : i32 to index
      %get3A_328 = tpu.vector_load %arg5[%get3A_327] {strides = array<i32>} : memref<16384xi32, #tpu.memory_space<vmem>>, vector<16xi32>,
      %add3A_329 = arith.constant 256 : i32
      %add3A_330 = arith.addi %mul3A_190, %add3A_329 : i32
      %add3A_331 = arith.constant 112 : i32
      %add3A_332 = arith.addi %add3A_330, %add3A_331 : i32
      %get3A_333 = arith.index_cast %add3A_332 : i32 to index
      %get3A_334 = tpu.vector_load %arg5[%get3A_333] {strides = array<i32>} : memref<16384xi32, #tpu.memory_space<vmem>>, vector<16xi32>,
      %add3A_335 = arith.constant 384 : i32
      %add3A_336 = arith.addi %mul3A_190, %add3A_335 : i32
      %add3A_337 = arith.constant 0 : i32
      %add3A_338 = arith.addi %add3A_336, %add3A_337 : i32
      %get3A_339 = arith.index_cast %add3A_338 : i32 to index
      %get3A_340 = tpu.vector_load %arg5[%get3A_339] {strides = array<i32>} : memref<16384xi32, #tpu.memory_space<vmem>>, vector<16xi32>,
      %add3A_341 = arith.constant 384 : i32
      %add3A_342 = arith.addi %mul3A_190, %add3A_341 : i32
      %add3A_343 = arith.constant 16 : i32
      %add3A_344 = arith.addi %add3A_342, %add3A_343 : i32
      %get3A_345 = arith.index_cast %add3A_344 : i32 to index
      %get3A_346 = tpu.vector_load %arg5[%get3A_345] {strides = array<i32>} : memref<16384xi32, #tpu.memory_space<vmem>>, vector<16xi32>,
      %add3A_347 = arith.constant 384 : i32
      %add3A_348 = arith.addi %mul3A_190, %add3A_347 : i32
      %add3A_349 = arith.constant 32 : i32
      %add3A_350 = arith.addi %add3A_348, %add3A_349 : i32
      %get3A_351 = arith.index_cast %add3A_350 : i32 to index
      %get3A_352 = tpu.vector_load %arg5[%get3A_351] {strides = array<i32>} : memref<16384xi32, #tpu.memory_space<vmem>>, vector<16xi32>,
      %add3A_353 = arith.constant 384 : i32
      %add3A_354 = arith.addi %mul3A_190, %add3A_353 : i32
      %add3A_355 = arith.constant 48 : i32
      %add3A_356 = arith.addi %add3A_354, %add3A_355 : i32
      %get3A_357 = arith.index_cast %add3A_356 : i32 to index
      %get3A_358 = tpu.vector_load %arg5[%get3A_357] {strides = array<i32>} : memref<16384xi32, #tpu.memory_space<vmem>>, vector<16xi32>,
      %add3A_359 = arith.constant 384 : i32
      %add3A_360 = arith.addi %mul3A_190, %add3A_359 : i32
      %add3A_361 = arith.constant 64 : i32
      %add3A_362 = arith.addi %add3A_360, %add3A_361 : i32
      %get3A_363 = arith.index_cast %add3A_362 : i32 to index
      %get3A_364 = tpu.vector_load %arg5[%get3A_363] {strides = array<i32>} : memref<16384xi32, #tpu.memory_space<vmem>>, vector<16xi32>,
      %add3A_365 = arith.constant 384 : i32
      %add3A_366 = arith.addi %mul3A_190, %add3A_365 : i32
      %add3A_367 = arith.constant 80 : i32
      %add3A_368 = arith.addi %add3A_366, %add3A_367 : i32
      %get3A_369 = arith.index_cast %add3A_368 : i32 to index
      %get3A_370 = tpu.vector_load %arg5[%get3A_369] {strides = array<i32>} : memref<16384xi32, #tpu.memory_space<vmem>>, vector<16xi32>,
      %add3A_371 = arith.constant 384 : i32
      %add3A_372 = arith.addi %mul3A_190, %add3A_371 : i32
      %add3A_373 = arith.constant 96 : i32
      %add3A_374 = arith.addi %add3A_372, %add3A_373 : i32
      %get3A_375 = arith.index_cast %add3A_374 : i32 to index
      %get3A_376 = tpu.vector_load %arg5[%get3A_375] {strides = array<i32>} : memref<16384xi32, #tpu.memory_space<vmem>>, vector<16xi32>,
      %add3A_377 = arith.constant 384 : i32
      %add3A_378 = arith.addi %mul3A_190, %add3A_377 : i32
      %add3A_379 = arith.constant 112 : i32
      %add3A_380 = arith.addi %add3A_378, %add3A_379 : i32
      %get3A_381 = arith.index_cast %add3A_380 : i32 to index
      %get3A_382 = tpu.vector_load %arg5[%get3A_381] {strides = array<i32>} : memref<16384xi32, #tpu.memory_space<vmem>>, vector<16xi32>,
      %add3A_383 = arith.constant 512 : i32
      %add3A_384 = arith.addi %mul3A_190, %add3A_383 : i32
      %add3A_385 = arith.constant 0 : i32
      %add3A_386 = arith.addi %add3A_384, %add3A_385 : i32
      %get3A_387 = arith.index_cast %add3A_386 : i32 to index
      %get3A_388 = tpu.vector_load %arg5[%get3A_387] {strides = array<i32>} : memref<16384xi32, #tpu.memory_space<vmem>>, vector<16xi32>,
      %add3A_389 = arith.constant 512 : i32
      %add3A_390 = arith.addi %mul3A_190, %add3A_389 : i32
      %add3A_391 = arith.constant 16 : i32
      %add3A_392 = arith.addi %add3A_390, %add3A_391 : i32
      %get3A_393 = arith.index_cast %add3A_392 : i32 to index
      %get3A_394 = tpu.vector_load %arg5[%get3A_393] {strides = array<i32>} : memref<16384xi32, #tpu.memory_space<vmem>>, vector<16xi32>,
      %add3A_395 = arith.constant 512 : i32
      %add3A_396 = arith.addi %mul3A_190, %add3A_395 : i32
      %add3A_397 = arith.constant 32 : i32
      %add3A_398 = arith.addi %add3A_396, %add3A_397 : i32
      %get3A_399 = arith.index_cast %add3A_398 : i32 to index
      %get3A_400 = tpu.vector_load %arg5[%get3A_399] {strides = array<i32>} : memref<16384xi32, #tpu.memory_space<vmem>>, vector<16xi32>,
      %add3A_401 = arith.constant 512 : i32
      %add3A_402 = arith.addi %mul3A_190, %add3A_401 : i32
      %add3A_403 = arith.constant 48 : i32
      %add3A_404 = arith.addi %add3A_402, %add3A_403 : i32
      %get3A_405 = arith.index_cast %add3A_404 : i32 to index
      %get3A_406 = tpu.vector_load %arg5[%get3A_405] {strides = array<i32>} : memref<16384xi32, #tpu.memory_space<vmem>>, vector<16xi32>,
      %add3A_407 = arith.constant 512 : i32
      %add3A_408 = arith.addi %mul3A_190, %add3A_407 : i32
      %add3A_409 = arith.constant 64 : i32
      %add3A_410 = arith.addi %add3A_408, %add3A_409 : i32
      %get3A_411 = arith.index_cast %add3A_410 : i32 to index
      %get3A_412 = tpu.vector_load %arg5[%get3A_411] {strides = array<i32>} : memref<16384xi32, #tpu.memory_space<vmem>>, vector<16xi32>,
      %add3A_413 = arith.constant 512 : i32
      %add3A_414 = arith.addi %mul3A_190, %add3A_413 : i32
      %add3A_415 = arith.constant 80 : i32
      %add3A_416 = arith.addi %add3A_414, %add3A_415 : i32
      %get3A_417 = arith.index_cast %add3A_416 : i32 to index
      %get3A_418 = tpu.vector_load %arg5[%get3A_417] {strides = array<i32>} : memref<16384xi32, #tpu.memory_space<vmem>>, vector<16xi32>,
      %add3A_419 = arith.constant 512 : i32
      %add3A_420 = arith.addi %mul3A_190, %add3A_419 : i32
      %add3A_421 = arith.constant 96 : i32
      %add3A_422 = arith.addi %add3A_420, %add3A_421 : i32
      %get3A_423 = arith.index_cast %add3A_422 : i32 to index
      %get3A_424 = tpu.vector_load %arg5[%get3A_423] {strides = array<i32>} : memref<16384xi32, #tpu.memory_space<vmem>>, vector<16xi32>,
      %add3A_425 = arith.constant 512 : i32
      %add3A_426 = arith.addi %mul3A_190, %add3A_425 : i32
      %add3A_427 = arith.constant 112 : i32
      %add3A_428 = arith.addi %add3A_426, %add3A_427 : i32
      %get3A_429 = arith.index_cast %add3A_428 : i32 to index
      %get3A_430 = tpu.vector_load %arg5[%get3A_429] {strides = array<i32>} : memref<16384xi32, #tpu.memory_space<vmem>>, vector<16xi32>,
      %add3A_431 = arith.constant 640 : i32
      %add3A_432 = arith.addi %mul3A_190, %add3A_431 : i32
      %add3A_433 = arith.constant 0 : i32
      %add3A_434 = arith.addi %add3A_432, %add3A_433 : i32
      %get3A_435 = arith.index_cast %add3A_434 : i32 to index
      %get3A_436 = tpu.vector_load %arg5[%get3A_435] {strides = array<i32>} : memref<16384xi32, #tpu.memory_space<vmem>>, vector<16xi32>,
      %add3A_437 = arith.constant 640 : i32
      %add3A_438 = arith.addi %mul3A_190, %add3A_437 : i32
      %add3A_439 = arith.constant 16 : i32
      %add3A_440 = arith.addi %add3A_438, %add3A_439 : i32
      %get3A_441 = arith.index_cast %add3A_440 : i32 to index
      %get3A_442 = tpu.vector_load %arg5[%get3A_441] {strides = array<i32>} : memref<16384xi32, #tpu.memory_space<vmem>>, vector<16xi32>,
      %add3A_443 = arith.constant 640 : i32
      %add3A_444 = arith.addi %mul3A_190, %add3A_443 : i32
      %add3A_445 = arith.constant 32 : i32
      %add3A_446 = arith.addi %add3A_444, %add3A_445 : i32
      %get3A_447 = arith.index_cast %add3A_446 : i32 to index
      %get3A_448 = tpu.vector_load %arg5[%get3A_447] {strides = array<i32>} : memref<16384xi32, #tpu.memory_space<vmem>>, vector<16xi32>,
      %add3A_449 = arith.constant 640 : i32
      %add3A_450 = arith.addi %mul3A_190, %add3A_449 : i32
      %add3A_451 = arith.constant 48 : i32
      %add3A_452 = arith.addi %add3A_450, %add3A_451 : i32
      %get3A_453 = arith.index_cast %add3A_452 : i32 to index
      %get3A_454 = tpu.vector_load %arg5[%get3A_453] {strides = array<i32>} : memref<16384xi32, #tpu.memory_space<vmem>>, vector<16xi32>,
      %add3A_455 = arith.constant 640 : i32
      %add3A_456 = arith.addi %mul3A_190, %add3A_455 : i32
      %add3A_457 = arith.constant 64 : i32
      %add3A_458 = arith.addi %add3A_456, %add3A_457 : i32
      %get3A_459 = arith.index_cast %add3A_458 : i32 to index
      %get3A_460 = tpu.vector_load %arg5[%get3A_459] {strides = array<i32>} : memref<16384xi32, #tpu.memory_space<vmem>>, vector<16xi32>,
      %add3A_461 = arith.constant 640 : i32
      %add3A_462 = arith.addi %mul3A_190, %add3A_461 : i32
      %add3A_463 = arith.constant 80 : i32
      %add3A_464 = arith.addi %add3A_462, %add3A_463 : i32
      %get3A_465 = arith.index_cast %add3A_464 : i32 to index
      %get3A_466 = tpu.vector_load %arg5[%get3A_465] {strides = array<i32>} : memref<16384xi32, #tpu.memory_space<vmem>>, vector<16xi32>,
      %add3A_467 = arith.constant 640 : i32
      %add3A_468 = arith.addi %mul3A_190, %add3A_467 : i32
      %add3A_469 = arith.constant 96 : i32
      %add3A_470 = arith.addi %add3A_468, %add3A_469 : i32
      %get3A_471 = arith.index_cast %add3A_470 : i32 to index
      %get3A_472 = tpu.vector_load %arg5[%get3A_471] {strides = array<i32>} : memref<16384xi32, #tpu.memory_space<vmem>>, vector<16xi32>,
      %add3A_473 = arith.constant 640 : i32
      %add3A_474 = arith.addi %mul3A_190, %add3A_473 : i32
      %add3A_475 = arith.constant 112 : i32
      %add3A_476 = arith.addi %add3A_474, %add3A_475 : i32
      %get3A_477 = arith.index_cast %add3A_476 : i32 to index
      %get3A_478 = tpu.vector_load %arg5[%get3A_477] {strides = array<i32>} : memref<16384xi32, #tpu.memory_space<vmem>>, vector<16xi32>,
      %add3A_479 = arith.constant 768 : i32
      %add3A_480 = arith.addi %mul3A_190, %add3A_479 : i32
      %add3A_481 = arith.constant 0 : i32
      %add3A_482 = arith.addi %add3A_480, %add3A_481 : i32
      %get3A_483 = arith.index_cast %add3A_482 : i32 to index
      %get3A_484 = tpu.vector_load %arg5[%get3A_483] {strides = array<i32>} : memref<16384xi32, #tpu.memory_space<vmem>>, vector<16xi32>,
      %add3A_485 = arith.constant 768 : i32
      %add3A_486 = arith.addi %mul3A_190, %add3A_485 : i32
      %add3A_487 = arith.constant 16 : i32
      %add3A_488 = arith.addi %add3A_486, %add3A_487 : i32
      %get3A_489 = arith.index_cast %add3A_488 : i32 to index
      %get3A_490 = tpu.vector_load %arg5[%get3A_489] {strides = array<i32>} : memref<16384xi32, #tpu.memory_space<vmem>>, vector<16xi32>,
      %add3A_491 = arith.constant 768 : i32
      %add3A_492 = arith.addi %mul3A_190, %add3A_491 : i32
      %add3A_493 = arith.constant 32 : i32
      %add3A_494 = arith.addi %add3A_492, %add3A_493 : i32
      %get3A_495 = arith.index_cast %add3A_494 : i32 to index
      %get3A_496 = tpu.vector_load %arg5[%get3A_495] {strides = array<i32>} : memref<16384xi32, #tpu.memory_space<vmem>>, vector<16xi32>,
      %add3A_497 = arith.constant 768 : i32
      %add3A_498 = arith.addi %mul3A_190, %add3A_497 : i32
      %add3A_499 = arith.constant 48 : i32
      %add3A_500 = arith.addi %add3A_498, %add3A_499 : i32
      %get3A_501 = arith.index_cast %add3A_500 : i32 to index
      %get3A_502 = tpu.vector_load %arg5[%get3A_501] {strides = array<i32>} : memref<16384xi32, #tpu.memory_space<vmem>>, vector<16xi32>,
      %add3A_503 = arith.constant 768 : i32
      %add3A_504 = arith.addi %mul3A_190, %add3A_503 : i32
      %add3A_505 = arith.constant 64 : i32
      %add3A_506 = arith.addi %add3A_504, %add3A_505 : i32
      %get3A_507 = arith.index_cast %add3A_506 : i32 to index
      %get3A_508 = tpu.vector_load %arg5[%get3A_507] {strides = array<i32>} : memref<16384xi32, #tpu.memory_space<vmem>>, vector<16xi32>,
      %add3A_509 = arith.constant 768 : i32
      %add3A_510 = arith.addi %mul3A_190, %add3A_509 : i32
      %add3A_511 = arith.constant 80 : i32
      %add3A_512 = arith.addi %add3A_510, %add3A_511 : i32
      %get3A_513 = arith.index_cast %add3A_512 : i32 to index
      %get3A_514 = tpu.vector_load %arg5[%get3A_513] {strides = array<i32>} : memref<16384xi32, #tpu.memory_space<vmem>>, vector<16xi32>,
      %add3A_515 = arith.constant 768 : i32
      %add3A_516 = arith.addi %mul3A_190, %add3A_515 : i32
      %add3A_517 = arith.constant 96 : i32
      %add3A_518 = arith.addi %add3A_516, %add3A_517 : i32
      %get3A_519 = arith.index_cast %add3A_518 : i32 to index
      %get3A_520 = tpu.vector_load %arg5[%get3A_519] {strides = array<i32>} : memref<16384xi32, #tpu.memory_space<vmem>>, vector<16xi32>,
      %add3A_521 = arith.constant 768 : i32
      %add3A_522 = arith.addi %mul3A_190, %add3A_521 : i32
      %add3A_523 = arith.constant 112 : i32
      %add3A_524 = arith.addi %add3A_522, %add3A_523 : i32
      %get3A_525 = arith.index_cast %add3A_524 : i32 to index
      %get3A_526 = tpu.vector_load %arg5[%get3A_525] {strides = array<i32>} : memref<16384xi32, #tpu.memory_space<vmem>>, vector<16xi32>,
      %add3A_527 = arith.constant 896 : i32
      %add3A_528 = arith.addi %mul3A_190, %add3A_527 : i32
      %add3A_529 = arith.constant 0 : i32
      %add3A_530 = arith.addi %add3A_528, %add3A_529 : i32
      %get3A_531 = arith.index_cast %add3A_530 : i32 to index
      %get3A_532 = tpu.vector_load %arg5[%get3A_531] {strides = array<i32>} : memref<16384xi32, #tpu.memory_space<vmem>>, vector<16xi32>,
      %add3A_533 = arith.constant 896 : i32
      %add3A_534 = arith.addi %mul3A_190, %add3A_533 : i32
      %add3A_535 = arith.constant 16 : i32
      %add3A_536 = arith.addi %add3A_534, %add3A_535 : i32
      %get3A_537 = arith.index_cast %add3A_536 : i32 to index
      %get3A_538 = tpu.vector_load %arg5[%get3A_537] {strides = array<i32>} : memref<16384xi32, #tpu.memory_space<vmem>>, vector<16xi32>,
      %add3A_539 = arith.constant 896 : i32
      %add3A_540 = arith.addi %mul3A_190, %add3A_539 : i32
      %add3A_541 = arith.constant 32 : i32
      %add3A_542 = arith.addi %add3A_540, %add3A_541 : i32
      %get3A_543 = arith.index_cast %add3A_542 : i32 to index
      %get3A_544 = tpu.vector_load %arg5[%get3A_543] {strides = array<i32>} : memref<16384xi32, #tpu.memory_space<vmem>>, vector<16xi32>,
      %add3A_545 = arith.constant 896 : i32
      %add3A_546 = arith.addi %mul3A_190, %add3A_545 : i32
      %add3A_547 = arith.constant 48 : i32
      %add3A_548 = arith.addi %add3A_546, %add3A_547 : i32
      %get3A_549 = arith.index_cast %add3A_548 : i32 to index
      %get3A_550 = tpu.vector_load %arg5[%get3A_549] {strides = array<i32>} : memref<16384xi32, #tpu.memory_space<vmem>>, vector<16xi32>,
      %add3A_551 = arith.constant 896 : i32
      %add3A_552 = arith.addi %mul3A_190, %add3A_551 : i32
      %add3A_553 = arith.constant 64 : i32
      %add3A_554 = arith.addi %add3A_552, %add3A_553 : i32
      %get3A_555 = arith.index_cast %add3A_554 : i32 to index
      %get3A_556 = tpu.vector_load %arg5[%get3A_555] {strides = array<i32>} : memref<16384xi32, #tpu.memory_space<vmem>>, vector<16xi32>,
      %add3A_557 = arith.constant 896 : i32
      %add3A_558 = arith.addi %mul3A_190, %add3A_557 : i32
      %add3A_559 = arith.constant 80 : i32
      %add3A_560 = arith.addi %add3A_558, %add3A_559 : i32
      %get3A_561 = arith.index_cast %add3A_560 : i32 to index
      %get3A_562 = tpu.vector_load %arg5[%get3A_561] {strides = array<i32>} : memref<16384xi32, #tpu.memory_space<vmem>>, vector<16xi32>,
      %add3A_563 = arith.constant 896 : i32
      %add3A_564 = arith.addi %mul3A_190, %add3A_563 : i32
      %add3A_565 = arith.constant 96 : i32
      %add3A_566 = arith.addi %add3A_564, %add3A_565 : i32
      %get3A_567 = arith.index_cast %add3A_566 : i32 to index
      %get3A_568 = tpu.vector_load %arg5[%get3A_567] {strides = array<i32>} : memref<16384xi32, #tpu.memory_space<vmem>>, vector<16xi32>,
      %add3A_569 = arith.constant 896 : i32
      %add3A_570 = arith.addi %mul3A_190, %add3A_569 : i32
      %add3A_571 = arith.constant 112 : i32
      %add3A_572 = arith.addi %add3A_570, %add3A_571 : i32
      %get3A_573 = arith.index_cast %add3A_572 : i32 to index
      %get3A_574 = tpu.vector_load %arg5[%get3A_573] {strides = array<i32>} : memref<16384xi32, #tpu.memory_space<vmem>>, vector<16xi32>,
      %add3A_575 = arith.addi %get3A_196, %get3A_202 : vector<16xi32>
      %add3A_576 = arith.addi %get3A_244, %get3A_250 : vector<16xi32>
      %add3A_577 = arith.addi %get3A_292, %get3A_298 : vector<16xi32>
      %add3A_578 = arith.addi %get3A_340, %get3A_346 : vector<16xi32>
      %add3A_579 = arith.addi %get3A_388, %get3A_394 : vector<16xi32>
      %add3A_580 = arith.addi %get3A_436, %get3A_442 : vector<16xi32>
      %add3A_581 = arith.addi %get3A_484, %get3A_490 : vector<16xi32>
      %add3A_582 = arith.addi %get3A_532, %get3A_538 : vector<16xi32>
      %add3A_583 = arith.addi %add3A_575, %get3A_208 : vector<16xi32>
      %add3A_584 = arith.addi %add3A_576, %get3A_256 : vector<16xi32>
      %add3A_585 = arith.addi %add3A_577, %get3A_304 : vector<16xi32>
      %add3A_586 = arith.addi %add3A_578, %get3A_352 : vector<16xi32>
      %add3A_587 = arith.addi %add3A_579, %get3A_400 : vector<16xi32>
      %add3A_588 = arith.addi %add3A_580, %get3A_448 : vector<16xi32>
      %add3A_589 = arith.addi %add3A_581, %get3A_496 : vector<16xi32>
      %add3A_590 = arith.addi %add3A_582, %get3A_544 : vector<16xi32>
      %add3A_591 = arith.addi %add3A_583, %get3A_214 : vector<16xi32>
      %add3A_592 = arith.addi %add3A_584, %get3A_262 : vector<16xi32>
      %add3A_593 = arith.addi %add3A_585, %get3A_310 : vector<16xi32>
      %add3A_594 = arith.addi %add3A_586, %get3A_358 : vector<16xi32>
      %add3A_595 = arith.addi %add3A_587, %get3A_406 : vector<16xi32>
      %add3A_596 = arith.addi %add3A_588, %get3A_454 : vector<16xi32>
      %add3A_597 = arith.addi %add3A_589, %get3A_502 : vector<16xi32>
      %add3A_598 = arith.addi %add3A_590, %get3A_550 : vector<16xi32>
      %add3A_599 = arith.addi %add3A_591, %get3A_220 : vector<16xi32>
      %add3A_600 = arith.addi %add3A_592, %get3A_268 : vector<16xi32>
      %add3A_601 = arith.addi %add3A_593, %get3A_316 : vector<16xi32>
      %add3A_602 = arith.addi %add3A_594, %get3A_364 : vector<16xi32>
      %add3A_603 = arith.addi %add3A_595, %get3A_412 : vector<16xi32>
      %add3A_604 = arith.addi %add3A_596, %get3A_460 : vector<16xi32>
      %add3A_605 = arith.addi %add3A_597, %get3A_508 : vector<16xi32>
      %add3A_606 = arith.addi %add3A_598, %get3A_556 : vector<16xi32>
      %add3A_607 = arith.addi %add3A_599, %get3A_226 : vector<16xi32>
      %add3A_608 = arith.addi %add3A_600, %get3A_274 : vector<16xi32>
      %add3A_609 = arith.addi %add3A_601, %get3A_322 : vector<16xi32>
      %add3A_610 = arith.addi %add3A_602, %get3A_370 : vector<16xi32>
      %add3A_611 = arith.addi %add3A_603, %get3A_418 : vector<16xi32>
      %add3A_612 = arith.addi %add3A_604, %get3A_466 : vector<16xi32>
      %add3A_613 = arith.addi %add3A_605, %get3A_514 : vector<16xi32>
      %add3A_614 = arith.addi %add3A_606, %get3A_562 : vector<16xi32>
      %add3A_615 = arith.addi %add3A_607, %get3A_232 : vector<16xi32>
      %add3A_616 = arith.addi %add3A_608, %get3A_280 : vector<16xi32>
      %add3A_617 = arith.addi %add3A_609, %get3A_328 : vector<16xi32>
      %add3A_618 = arith.addi %add3A_610, %get3A_376 : vector<16xi32>
      %add3A_619 = arith.addi %add3A_611, %get3A_424 : vector<16xi32>
      %add3A_620 = arith.addi %add3A_612, %get3A_472 : vector<16xi32>
      %add3A_621 = arith.addi %add3A_613, %get3A_520 : vector<16xi32>
      %add3A_622 = arith.addi %add3A_614, %get3A_568 : vector<16xi32>
      %add3A_623 = arith.addi %add3A_615, %get3A_238 : vector<16xi32>
      %add3A_624 = arith.addi %add3A_616, %get3A_286 : vector<16xi32>
      %add3A_625 = arith.addi %add3A_617, %get3A_334 : vector<16xi32>
      %add3A_626 = arith.addi %add3A_618, %get3A_382 : vector<16xi32>
      %add3A_627 = arith.addi %add3A_619, %get3A_430 : vector<16xi32>
      %add3A_628 = arith.addi %add3A_620, %get3A_478 : vector<16xi32>
      %add3A_629 = arith.addi %add3A_621, %get3A_526 : vector<16xi32>
      %add3A_630 = arith.addi %add3A_622, %get3A_574 : vector<16xi32>
      %swap3A_631 = arith.constant 0 : index
      %swap3A_632 = tpu.vector_load %arg9[%swap3A_631] {strides = array<i32>} : memref<272xi32, #tpu.memory_space<vmem>>, vector<16xi32>,
      tpu.vector_store %arg9[%swap3A_631], %add3A_623 {strides = array<i32>} : memref<272xi32, #tpu.memory_space<vmem>>, vector<16xi32>,
      %swap3A_633 = arith.constant 17 : index
      %swap3A_634 = tpu.vector_load %arg9[%swap3A_633] {strides = array<i32>} : memref<272xi32, #tpu.memory_space<vmem>>, vector<16xi32>,
      tpu.vector_store %arg9[%swap3A_633], %add3A_624 {strides = array<i32>} : memref<272xi32, #tpu.memory_space<vmem>>, vector<16xi32>,
      %swap3A_635 = arith.constant 34 : index
      %swap3A_636 = tpu.vector_load %arg9[%swap3A_635] {strides = array<i32>} : memref<272xi32, #tpu.memory_space<vmem>>, vector<16xi32>,
      tpu.vector_store %arg9[%swap3A_635], %add3A_625 {strides = array<i32>} : memref<272xi32, #tpu.memory_space<vmem>>, vector<16xi32>,
      %swap3A_637 = arith.constant 51 : index
      %swap3A_638 = tpu.vector_load %arg9[%swap3A_637] {strides = array<i32>} : memref<272xi32, #tpu.memory_space<vmem>>, vector<16xi32>,
      tpu.vector_store %arg9[%swap3A_637], %add3A_626 {strides = array<i32>} : memref<272xi32, #tpu.memory_space<vmem>>, vector<16xi32>,
      %swap3A_639 = arith.constant 68 : index
      %swap3A_640 = tpu.vector_load %arg9[%swap3A_639] {strides = array<i32>} : memref<272xi32, #tpu.memory_space<vmem>>, vector<16xi32>,
      tpu.vector_store %arg9[%swap3A_639], %add3A_627 {strides = array<i32>} : memref<272xi32, #tpu.memory_space<vmem>>, vector<16xi32>,
      %swap3A_641 = arith.constant 85 : index
      %swap3A_642 = tpu.vector_load %arg9[%swap3A_641] {strides = array<i32>} : memref<272xi32, #tpu.memory_space<vmem>>, vector<16xi32>,
      tpu.vector_store %arg9[%swap3A_641], %add3A_628 {strides = array<i32>} : memref<272xi32, #tpu.memory_space<vmem>>, vector<16xi32>,
      %swap3A_643 = arith.constant 102 : index
      %swap3A_644 = tpu.vector_load %arg9[%swap3A_643] {strides = array<i32>} : memref<272xi32, #tpu.memory_space<vmem>>, vector<16xi32>,
      tpu.vector_store %arg9[%swap3A_643], %add3A_629 {strides = array<i32>} : memref<272xi32, #tpu.memory_space<vmem>>, vector<16xi32>,
      %swap3A_645 = arith.constant 119 : index
      %swap3A_646 = tpu.vector_load %arg9[%swap3A_645] {strides = array<i32>} : memref<272xi32, #tpu.memory_space<vmem>>, vector<16xi32>,
      tpu.vector_store %arg9[%swap3A_645], %add3A_630 {strides = array<i32>} : memref<272xi32, #tpu.memory_space<vmem>>, vector<16xi32>,
      %add3A_647 = arith.constant 1024 : i32
      %add3A_648 = arith.addi %mul3A_190, %add3A_647 : i32
      %add3A_649 = arith.constant 0 : i32
      %add3A_650 = arith.addi %add3A_648, %add3A_649 : i32
      %get3A_651 = arith.index_cast %add3A_650 : i32 to index
      %get3A_652 = tpu.vector_load %arg5[%get3A_651] {strides = array<i32>} : memref<16384xi32, #tpu.memory_space<vmem>>, vector<16xi32>,
      %add3A_653 = arith.constant 1024 : i32
      %add3A_654 = arith.addi %mul3A_190, %add3A_653 : i32
      %add3A_655 = arith.constant 16 : i32
      %add3A_656 = arith.addi %add3A_654, %add3A_655 : i32
      %get3A_657 = arith.index_cast %add3A_656 : i32 to index
      %get3A_658 = tpu.vector_load %arg5[%get3A_657] {strides = array<i32>} : memref<16384xi32, #tpu.memory_space<vmem>>, vector<16xi32>,
      %add3A_659 = arith.constant 1024 : i32
      %add3A_660 = arith.addi %mul3A_190, %add3A_659 : i32
      %add3A_661 = arith.constant 32 : i32
      %add3A_662 = arith.addi %add3A_660, %add3A_661 : i32
      %get3A_663 = arith.index_cast %add3A_662 : i32 to index
      %get3A_664 = tpu.vector_load %arg5[%get3A_663] {strides = array<i32>} : memref<16384xi32, #tpu.memory_space<vmem>>, vector<16xi32>,
      %add3A_665 = arith.constant 1024 : i32
      %add3A_666 = arith.addi %mul3A_190, %add3A_665 : i32
      %add3A_667 = arith.constant 48 : i32
      %add3A_668 = arith.addi %add3A_666, %add3A_667 : i32
      %get3A_669 = arith.index_cast %add3A_668 : i32 to index
      %get3A_670 = tpu.vector_load %arg5[%get3A_669] {strides = array<i32>} : memref<16384xi32, #tpu.memory_space<vmem>>, vector<16xi32>,
      %add3A_671 = arith.constant 1024 : i32
      %add3A_672 = arith.addi %mul3A_190, %add3A_671 : i32
      %add3A_673 = arith.constant 64 : i32
      %add3A_674 = arith.addi %add3A_672, %add3A_673 : i32
      %get3A_675 = arith.index_cast %add3A_674 : i32 to index
      %get3A_676 = tpu.vector_load %arg5[%get3A_675] {strides = array<i32>} : memref<16384xi32, #tpu.memory_space<vmem>>, vector<16xi32>,
      %add3A_677 = arith.constant 1024 : i32
      %add3A_678 = arith.addi %mul3A_190, %add3A_677 : i32
      %add3A_679 = arith.constant 80 : i32
      %add3A_680 = arith.addi %add3A_678, %add3A_679 : i32
      %get3A_681 = arith.index_cast %add3A_680 : i32 to index
      %get3A_682 = tpu.vector_load %arg5[%get3A_681] {strides = array<i32>} : memref<16384xi32, #tpu.memory_space<vmem>>, vector<16xi32>,
      %add3A_683 = arith.constant 1024 : i32
      %add3A_684 = arith.addi %mul3A_190, %add3A_683 : i32
      %add3A_685 = arith.constant 96 : i32
      %add3A_686 = arith.addi %add3A_684, %add3A_685 : i32
      %get3A_687 = arith.index_cast %add3A_686 : i32 to index
      %get3A_688 = tpu.vector_load %arg5[%get3A_687] {strides = array<i32>} : memref<16384xi32, #tpu.memory_space<vmem>>, vector<16xi32>,
      %add3A_689 = arith.constant 1024 : i32
      %add3A_690 = arith.addi %mul3A_190, %add3A_689 : i32
      %add3A_691 = arith.constant 112 : i32
      %add3A_692 = arith.addi %add3A_690, %add3A_691 : i32
      %get3A_693 = arith.index_cast %add3A_692 : i32 to index
      %get3A_694 = tpu.vector_load %arg5[%get3A_693] {strides = array<i32>} : memref<16384xi32, #tpu.memory_space<vmem>>, vector<16xi32>,
      %add3A_695 = arith.constant 1152 : i32
      %add3A_696 = arith.addi %mul3A_190, %add3A_695 : i32
      %add3A_697 = arith.constant 0 : i32
      %add3A_698 = arith.addi %add3A_696, %add3A_697 : i32
      %get3A_699 = arith.index_cast %add3A_698 : i32 to index
      %get3A_700 = tpu.vector_load %arg5[%get3A_699] {strides = array<i32>} : memref<16384xi32, #tpu.memory_space<vmem>>, vector<16xi32>,
      %add3A_701 = arith.constant 1152 : i32
      %add3A_702 = arith.addi %mul3A_190, %add3A_701 : i32
      %add3A_703 = arith.constant 16 : i32
      %add3A_704 = arith.addi %add3A_702, %add3A_703 : i32
      %get3A_705 = arith.index_cast %add3A_704 : i32 to index
      %get3A_706 = tpu.vector_load %arg5[%get3A_705] {strides = array<i32>} : memref<16384xi32, #tpu.memory_space<vmem>>, vector<16xi32>,
      %add3A_707 = arith.constant 1152 : i32
      %add3A_708 = arith.addi %mul3A_190, %add3A_707 : i32
      %add3A_709 = arith.constant 32 : i32
      %add3A_710 = arith.addi %add3A_708, %add3A_709 : i32
      %get3A_711 = arith.index_cast %add3A_710 : i32 to index
      %get3A_712 = tpu.vector_load %arg5[%get3A_711] {strides = array<i32>} : memref<16384xi32, #tpu.memory_space<vmem>>, vector<16xi32>,
      %add3A_713 = arith.constant 1152 : i32
      %add3A_714 = arith.addi %mul3A_190, %add3A_713 : i32
      %add3A_715 = arith.constant 48 : i32
      %add3A_716 = arith.addi %add3A_714, %add3A_715 : i32
      %get3A_717 = arith.index_cast %add3A_716 : i32 to index
      %get3A_718 = tpu.vector_load %arg5[%get3A_717] {strides = array<i32>} : memref<16384xi32, #tpu.memory_space<vmem>>, vector<16xi32>,
      %add3A_719 = arith.constant 1152 : i32
      %add3A_720 = arith.addi %mul3A_190, %add3A_719 : i32
      %add3A_721 = arith.constant 64 : i32
      %add3A_722 = arith.addi %add3A_720, %add3A_721 : i32
      %get3A_723 = arith.index_cast %add3A_722 : i32 to index
      %get3A_724 = tpu.vector_load %arg5[%get3A_723] {strides = array<i32>} : memref<16384xi32, #tpu.memory_space<vmem>>, vector<16xi32>,
      %add3A_725 = arith.constant 1152 : i32
      %add3A_726 = arith.addi %mul3A_190, %add3A_725 : i32
      %add3A_727 = arith.constant 80 : i32
      %add3A_728 = arith.addi %add3A_726, %add3A_727 : i32
      %get3A_729 = arith.index_cast %add3A_728 : i32 to index
      %get3A_730 = tpu.vector_load %arg5[%get3A_729] {strides = array<i32>} : memref<16384xi32, #tpu.memory_space<vmem>>, vector<16xi32>,
      %add3A_731 = arith.constant 1152 : i32
      %add3A_732 = arith.addi %mul3A_190, %add3A_731 : i32
      %add3A_733 = arith.constant 96 : i32
      %add3A_734 = arith.addi %add3A_732, %add3A_733 : i32
      %get3A_735 = arith.index_cast %add3A_734 : i32 to index
      %get3A_736 = tpu.vector_load %arg5[%get3A_735] {strides = array<i32>} : memref<16384xi32, #tpu.memory_space<vmem>>, vector<16xi32>,
      %add3A_737 = arith.constant 1152 : i32
      %add3A_738 = arith.addi %mul3A_190, %add3A_737 : i32
      %add3A_739 = arith.constant 112 : i32
      %add3A_740 = arith.addi %add3A_738, %add3A_739 : i32
      %get3A_741 = arith.index_cast %add3A_740 : i32 to index
      %get3A_742 = tpu.vector_load %arg5[%get3A_741] {strides = array<i32>} : memref<16384xi32, #tpu.memory_space<vmem>>, vector<16xi32>,
      %add3A_743 = arith.constant 1280 : i32
      %add3A_744 = arith.addi %mul3A_190, %add3A_743 : i32
      %add3A_745 = arith.constant 0 : i32
      %add3A_746 = arith.addi %add3A_744, %add3A_745 : i32
      %get3A_747 = arith.index_cast %add3A_746 : i32 to index
      %get3A_748 = tpu.vector_load %arg5[%get3A_747] {strides = array<i32>} : memref<16384xi32, #tpu.memory_space<vmem>>, vector<16xi32>,
      %add3A_749 = arith.constant 1280 : i32
      %add3A_750 = arith.addi %mul3A_190, %add3A_749 : i32
      %add3A_751 = arith.constant 16 : i32
      %add3A_752 = arith.addi %add3A_750, %add3A_751 : i32
      %get3A_753 = arith.index_cast %add3A_752 : i32 to index
      %get3A_754 = tpu.vector_load %arg5[%get3A_753] {strides = array<i32>} : memref<16384xi32, #tpu.memory_space<vmem>>, vector<16xi32>,
      %add3A_755 = arith.constant 1280 : i32
      %add3A_756 = arith.addi %mul3A_190, %add3A_755 : i32
      %add3A_757 = arith.constant 32 : i32
      %add3A_758 = arith.addi %add3A_756, %add3A_757 : i32
      %get3A_759 = arith.index_cast %add3A_758 : i32 to index
      %get3A_760 = tpu.vector_load %arg5[%get3A_759] {strides = array<i32>} : memref<16384xi32, #tpu.memory_space<vmem>>, vector<16xi32>,
      %add3A_761 = arith.constant 1280 : i32
      %add3A_762 = arith.addi %mul3A_190, %add3A_761 : i32
      %add3A_763 = arith.constant 48 : i32
      %add3A_764 = arith.addi %add3A_762, %add3A_763 : i32
      %get3A_765 = arith.index_cast %add3A_764 : i32 to index
      %get3A_766 = tpu.vector_load %arg5[%get3A_765] {strides = array<i32>} : memref<16384xi32, #tpu.memory_space<vmem>>, vector<16xi32>,
      %add3A_767 = arith.constant 1280 : i32
      %add3A_768 = arith.addi %mul3A_190, %add3A_767 : i32
      %add3A_769 = arith.constant 64 : i32
      %add3A_770 = arith.addi %add3A_768, %add3A_769 : i32
      %get3A_771 = arith.index_cast %add3A_770 : i32 to index
      %get3A_772 = tpu.vector_load %arg5[%get3A_771] {strides = array<i32>} : memref<16384xi32, #tpu.memory_space<vmem>>, vector<16xi32>,
      %add3A_773 = arith.constant 1280 : i32
      %add3A_774 = arith.addi %mul3A_190, %add3A_773 : i32
      %add3A_775 = arith.constant 80 : i32
      %add3A_776 = arith.addi %add3A_774, %add3A_775 : i32
      %get3A_777 = arith.index_cast %add3A_776 : i32 to index
      %get3A_778 = tpu.vector_load %arg5[%get3A_777] {strides = array<i32>} : memref<16384xi32, #tpu.memory_space<vmem>>, vector<16xi32>,
      %add3A_779 = arith.constant 1280 : i32
      %add3A_780 = arith.addi %mul3A_190, %add3A_779 : i32
      %add3A_781 = arith.constant 96 : i32
      %add3A_782 = arith.addi %add3A_780, %add3A_781 : i32
      %get3A_783 = arith.index_cast %add3A_782 : i32 to index
      %get3A_784 = tpu.vector_load %arg5[%get3A_783] {strides = array<i32>} : memref<16384xi32, #tpu.memory_space<vmem>>, vector<16xi32>,
      %add3A_785 = arith.constant 1280 : i32
      %add3A_786 = arith.addi %mul3A_190, %add3A_785 : i32
      %add3A_787 = arith.constant 112 : i32
      %add3A_788 = arith.addi %add3A_786, %add3A_787 : i32
      %get3A_789 = arith.index_cast %add3A_788 : i32 to index
      %get3A_790 = tpu.vector_load %arg5[%get3A_789] {strides = array<i32>} : memref<16384xi32, #tpu.memory_space<vmem>>, vector<16xi32>,
      %add3A_791 = arith.constant 1408 : i32
      %add3A_792 = arith.addi %mul3A_190, %add3A_791 : i32
      %add3A_793 = arith.constant 0 : i32
      %add3A_794 = arith.addi %add3A_792, %add3A_793 : i32
      %get3A_795 = arith.index_cast %add3A_794 : i32 to index
      %get3A_796 = tpu.vector_load %arg5[%get3A_795] {strides = array<i32>} : memref<16384xi32, #tpu.memory_space<vmem>>, vector<16xi32>,
      %add3A_797 = arith.constant 1408 : i32
      %add3A_798 = arith.addi %mul3A_190, %add3A_797 : i32
      %add3A_799 = arith.constant 16 : i32
      %add3A_800 = arith.addi %add3A_798, %add3A_799 : i32
      %get3A_801 = arith.index_cast %add3A_800 : i32 to index
      %get3A_802 = tpu.vector_load %arg5[%get3A_801] {strides = array<i32>} : memref<16384xi32, #tpu.memory_space<vmem>>, vector<16xi32>,
      %add3A_803 = arith.constant 1408 : i32
      %add3A_804 = arith.addi %mul3A_190, %add3A_803 : i32
      %add3A_805 = arith.constant 32 : i32
      %add3A_806 = arith.addi %add3A_804, %add3A_805 : i32
      %get3A_807 = arith.index_cast %add3A_806 : i32 to index
      %get3A_808 = tpu.vector_load %arg5[%get3A_807] {strides = array<i32>} : memref<16384xi32, #tpu.memory_space<vmem>>, vector<16xi32>,
      %add3A_809 = arith.constant 1408 : i32
      %add3A_810 = arith.addi %mul3A_190, %add3A_809 : i32
      %add3A_811 = arith.constant 48 : i32
      %add3A_812 = arith.addi %add3A_810, %add3A_811 : i32
      %get3A_813 = arith.index_cast %add3A_812 : i32 to index
      %get3A_814 = tpu.vector_load %arg5[%get3A_813] {strides = array<i32>} : memref<16384xi32, #tpu.memory_space<vmem>>, vector<16xi32>,
      %add3A_815 = arith.constant 1408 : i32
      %add3A_816 = arith.addi %mul3A_190, %add3A_815 : i32
      %add3A_817 = arith.constant 64 : i32
      %add3A_818 = arith.addi %add3A_816, %add3A_817 : i32
      %get3A_819 = arith.index_cast %add3A_818 : i32 to index
      %get3A_820 = tpu.vector_load %arg5[%get3A_819] {strides = array<i32>} : memref<16384xi32, #tpu.memory_space<vmem>>, vector<16xi32>,
      %add3A_821 = arith.constant 1408 : i32
      %add3A_822 = arith.addi %mul3A_190, %add3A_821 : i32
      %add3A_823 = arith.constant 80 : i32
      %add3A_824 = arith.addi %add3A_822, %add3A_823 : i32
      %get3A_825 = arith.index_cast %add3A_824 : i32 to index
      %get3A_826 = tpu.vector_load %arg5[%get3A_825] {strides = array<i32>} : memref<16384xi32, #tpu.memory_space<vmem>>, vector<16xi32>,
      %add3A_827 = arith.constant 1408 : i32
      %add3A_828 = arith.addi %mul3A_190, %add3A_827 : i32
      %add3A_829 = arith.constant 96 : i32
      %add3A_830 = arith.addi %add3A_828, %add3A_829 : i32
      %get3A_831 = arith.index_cast %add3A_830 : i32 to index
      %get3A_832 = tpu.vector_load %arg5[%get3A_831] {strides = array<i32>} : memref<16384xi32, #tpu.memory_space<vmem>>, vector<16xi32>,
      %add3A_833 = arith.constant 1408 : i32
      %add3A_834 = arith.addi %mul3A_190, %add3A_833 : i32
      %add3A_835 = arith.constant 112 : i32
      %add3A_836 = arith.addi %add3A_834, %add3A_835 : i32
      %get3A_837 = arith.index_cast %add3A_836 : i32 to index
      %get3A_838 = tpu.vector_load %arg5[%get3A_837] {strides = array<i32>} : memref<16384xi32, #tpu.memory_space<vmem>>, vector<16xi32>,
      %add3A_839 = arith.constant 1536 : i32
      %add3A_840 = arith.addi %mul3A_190, %add3A_839 : i32
      %add3A_841 = arith.constant 0 : i32
      %add3A_842 = arith.addi %add3A_840, %add3A_841 : i32
      %get3A_843 = arith.index_cast %add3A_842 : i32 to index
      %get3A_844 = tpu.vector_load %arg5[%get3A_843] {strides = array<i32>} : memref<16384xi32, #tpu.memory_space<vmem>>, vector<16xi32>,
      %add3A_845 = arith.constant 1536 : i32
      %add3A_846 = arith.addi %mul3A_190, %add3A_845 : i32
      %add3A_847 = arith.constant 16 : i32
      %add3A_848 = arith.addi %add3A_846, %add3A_847 : i32
      %get3A_849 = arith.index_cast %add3A_848 : i32 to index
      %get3A_850 = tpu.vector_load %arg5[%get3A_849] {strides = array<i32>} : memref<16384xi32, #tpu.memory_space<vmem>>, vector<16xi32>,
      %add3A_851 = arith.constant 1536 : i32
      %add3A_852 = arith.addi %mul3A_190, %add3A_851 : i32
      %add3A_853 = arith.constant 32 : i32
      %add3A_854 = arith.addi %add3A_852, %add3A_853 : i32
      %get3A_855 = arith.index_cast %add3A_854 : i32 to index
      %get3A_856 = tpu.vector_load %arg5[%get3A_855] {strides = array<i32>} : memref<16384xi32, #tpu.memory_space<vmem>>, vector<16xi32>,
      %add3A_857 = arith.constant 1536 : i32
      %add3A_858 = arith.addi %mul3A_190, %add3A_857 : i32
      %add3A_859 = arith.constant 48 : i32
      %add3A_860 = arith.addi %add3A_858, %add3A_859 : i32
      %get3A_861 = arith.index_cast %add3A_860 : i32 to index
      %get3A_862 = tpu.vector_load %arg5[%get3A_861] {strides = array<i32>} : memref<16384xi32, #tpu.memory_space<vmem>>, vector<16xi32>,
      %add3A_863 = arith.constant 1536 : i32
      %add3A_864 = arith.addi %mul3A_190, %add3A_863 : i32
      %add3A_865 = arith.constant 64 : i32
      %add3A_866 = arith.addi %add3A_864, %add3A_865 : i32
      %get3A_867 = arith.index_cast %add3A_866 : i32 to index
      %get3A_868 = tpu.vector_load %arg5[%get3A_867] {strides = array<i32>} : memref<16384xi32, #tpu.memory_space<vmem>>, vector<16xi32>,
      %add3A_869 = arith.constant 1536 : i32
      %add3A_870 = arith.addi %mul3A_190, %add3A_869 : i32
      %add3A_871 = arith.constant 80 : i32
      %add3A_872 = arith.addi %add3A_870, %add3A_871 : i32
      %get3A_873 = arith.index_cast %add3A_872 : i32 to index
      %get3A_874 = tpu.vector_load %arg5[%get3A_873] {strides = array<i32>} : memref<16384xi32, #tpu.memory_space<vmem>>, vector<16xi32>,
      %add3A_875 = arith.constant 1536 : i32
      %add3A_876 = arith.addi %mul3A_190, %add3A_875 : i32
      %add3A_877 = arith.constant 96 : i32
      %add3A_878 = arith.addi %add3A_876, %add3A_877 : i32
      %get3A_879 = arith.index_cast %add3A_878 : i32 to index
      %get3A_880 = tpu.vector_load %arg5[%get3A_879] {strides = array<i32>} : memref<16384xi32, #tpu.memory_space<vmem>>, vector<16xi32>,
      %add3A_881 = arith.constant 1536 : i32
      %add3A_882 = arith.addi %mul3A_190, %add3A_881 : i32
      %add3A_883 = arith.constant 112 : i32
      %add3A_884 = arith.addi %add3A_882, %add3A_883 : i32
      %get3A_885 = arith.index_cast %add3A_884 : i32 to index
      %get3A_886 = tpu.vector_load %arg5[%get3A_885] {strides = array<i32>} : memref<16384xi32, #tpu.memory_space<vmem>>, vector<16xi32>,
      %add3A_887 = arith.constant 1664 : i32
      %add3A_888 = arith.addi %mul3A_190, %add3A_887 : i32
      %add3A_889 = arith.constant 0 : i32
      %add3A_890 = arith.addi %add3A_888, %add3A_889 : i32
      %get3A_891 = arith.index_cast %add3A_890 : i32 to index
      %get3A_892 = tpu.vector_load %arg5[%get3A_891] {strides = array<i32>} : memref<16384xi32, #tpu.memory_space<vmem>>, vector<16xi32>,
      %add3A_893 = arith.constant 1664 : i32
      %add3A_894 = arith.addi %mul3A_190, %add3A_893 : i32
      %add3A_895 = arith.constant 16 : i32
      %add3A_896 = arith.addi %add3A_894, %add3A_895 : i32
      %get3A_897 = arith.index_cast %add3A_896 : i32 to index
      %get3A_898 = tpu.vector_load %arg5[%get3A_897] {strides = array<i32>} : memref<16384xi32, #tpu.memory_space<vmem>>, vector<16xi32>,
      %add3A_899 = arith.constant 1664 : i32
      %add3A_900 = arith.addi %mul3A_190, %add3A_899 : i32
      %add3A_901 = arith.constant 32 : i32
      %add3A_902 = arith.addi %add3A_900, %add3A_901 : i32
      %get3A_903 = arith.index_cast %add3A_902 : i32 to index
      %get3A_904 = tpu.vector_load %arg5[%get3A_903] {strides = array<i32>} : memref<16384xi32, #tpu.memory_space<vmem>>, vector<16xi32>,
      %add3A_905 = arith.constant 1664 : i32
      %add3A_906 = arith.addi %mul3A_190, %add3A_905 : i32
      %add3A_907 = arith.constant 48 : i32
      %add3A_908 = arith.addi %add3A_906, %add3A_907 : i32
      %get3A_909 = arith.index_cast %add3A_908 : i32 to index
      %get3A_910 = tpu.vector_load %arg5[%get3A_909] {strides = array<i32>} : memref<16384xi32, #tpu.memory_space<vmem>>, vector<16xi32>,
      %add3A_911 = arith.constant 1664 : i32
      %add3A_912 = arith.addi %mul3A_190, %add3A_911 : i32
      %add3A_913 = arith.constant 64 : i32
      %add3A_914 = arith.addi %add3A_912, %add3A_913 : i32
      %get3A_915 = arith.index_cast %add3A_914 : i32 to index
      %get3A_916 = tpu.vector_load %arg5[%get3A_915] {strides = array<i32>} : memref<16384xi32, #tpu.memory_space<vmem>>, vector<16xi32>,
      %add3A_917 = arith.constant 1664 : i32
      %add3A_918 = arith.addi %mul3A_190, %add3A_917 : i32
      %add3A_919 = arith.constant 80 : i32
      %add3A_920 = arith.addi %add3A_918, %add3A_919 : i32
      %get3A_921 = arith.index_cast %add3A_920 : i32 to index
      %get3A_922 = tpu.vector_load %arg5[%get3A_921] {strides = array<i32>} : memref<16384xi32, #tpu.memory_space<vmem>>, vector<16xi32>,
      %add3A_923 = arith.constant 1664 : i32
      %add3A_924 = arith.addi %mul3A_190, %add3A_923 : i32
      %add3A_925 = arith.constant 96 : i32
      %add3A_926 = arith.addi %add3A_924, %add3A_925 : i32
      %get3A_927 = arith.index_cast %add3A_926 : i32 to index
      %get3A_928 = tpu.vector_load %arg5[%get3A_927] {strides = array<i32>} : memref<16384xi32, #tpu.memory_space<vmem>>, vector<16xi32>,
      %add3A_929 = arith.constant 1664 : i32
      %add3A_930 = arith.addi %mul3A_190, %add3A_929 : i32
      %add3A_931 = arith.constant 112 : i32
      %add3A_932 = arith.addi %add3A_930, %add3A_931 : i32
      %get3A_933 = arith.index_cast %add3A_932 : i32 to index
      %get3A_934 = tpu.vector_load %arg5[%get3A_933] {strides = array<i32>} : memref<16384xi32, #tpu.memory_space<vmem>>, vector<16xi32>,
      %add3A_935 = arith.constant 1792 : i32
      %add3A_936 = arith.addi %mul3A_190, %add3A_935 : i32
      %add3A_937 = arith.constant 0 : i32
      %add3A_938 = arith.addi %add3A_936, %add3A_937 : i32
      %get3A_939 = arith.index_cast %add3A_938 : i32 to index
      %get3A_940 = tpu.vector_load %arg5[%get3A_939] {strides = array<i32>} : memref<16384xi32, #tpu.memory_space<vmem>>, vector<16xi32>,
      %add3A_941 = arith.constant 1792 : i32
      %add3A_942 = arith.addi %mul3A_190, %add3A_941 : i32
      %add3A_943 = arith.constant 16 : i32
      %add3A_944 = arith.addi %add3A_942, %add3A_943 : i32
      %get3A_945 = arith.index_cast %add3A_944 : i32 to index
      %get3A_946 = tpu.vector_load %arg5[%get3A_945] {strides = array<i32>} : memref<16384xi32, #tpu.memory_space<vmem>>, vector<16xi32>,
      %add3A_947 = arith.constant 1792 : i32
      %add3A_948 = arith.addi %mul3A_190, %add3A_947 : i32
      %add3A_949 = arith.constant 32 : i32
      %add3A_950 = arith.addi %add3A_948, %add3A_949 : i32
      %get3A_951 = arith.index_cast %add3A_950 : i32 to index
      %get3A_952 = tpu.vector_load %arg5[%get3A_951] {strides = array<i32>} : memref<16384xi32, #tpu.memory_space<vmem>>, vector<16xi32>,
      %add3A_953 = arith.constant 1792 : i32
      %add3A_954 = arith.addi %mul3A_190, %add3A_953 : i32
      %add3A_955 = arith.constant 48 : i32
      %add3A_956 = arith.addi %add3A_954, %add3A_955 : i32
      %get3A_957 = arith.index_cast %add3A_956 : i32 to index
      %get3A_958 = tpu.vector_load %arg5[%get3A_957] {strides = array<i32>} : memref<16384xi32, #tpu.memory_space<vmem>>, vector<16xi32>,
      %add3A_959 = arith.constant 1792 : i32
      %add3A_960 = arith.addi %mul3A_190, %add3A_959 : i32
      %add3A_961 = arith.constant 64 : i32
      %add3A_962 = arith.addi %add3A_960, %add3A_961 : i32
      %get3A_963 = arith.index_cast %add3A_962 : i32 to index
      %get3A_964 = tpu.vector_load %arg5[%get3A_963] {strides = array<i32>} : memref<16384xi32, #tpu.memory_space<vmem>>, vector<16xi32>,
      %add3A_965 = arith.constant 1792 : i32
      %add3A_966 = arith.addi %mul3A_190, %add3A_965 : i32
      %add3A_967 = arith.constant 80 : i32
      %add3A_968 = arith.addi %add3A_966, %add3A_967 : i32
      %get3A_969 = arith.index_cast %add3A_968 : i32 to index
      %get3A_970 = tpu.vector_load %arg5[%get3A_969] {strides = array<i32>} : memref<16384xi32, #tpu.memory_space<vmem>>, vector<16xi32>,
      %add3A_971 = arith.constant 1792 : i32
      %add3A_972 = arith.addi %mul3A_190, %add3A_971 : i32
      %add3A_973 = arith.constant 96 : i32
      %add3A_974 = arith.addi %add3A_972, %add3A_973 : i32
      %get3A_975 = arith.index_cast %add3A_974 : i32 to index
      %get3A_976 = tpu.vector_load %arg5[%get3A_975] {strides = array<i32>} : memref<16384xi32, #tpu.memory_space<vmem>>, vector<16xi32>,
      %add3A_977 = arith.constant 1792 : i32
      %add3A_978 = arith.addi %mul3A_190, %add3A_977 : i32
      %add3A_979 = arith.constant 112 : i32
      %add3A_980 = arith.addi %add3A_978, %add3A_979 : i32
      %get3A_981 = arith.index_cast %add3A_980 : i32 to index
      %get3A_982 = tpu.vector_load %arg5[%get3A_981] {strides = array<i32>} : memref<16384xi32, #tpu.memory_space<vmem>>, vector<16xi32>,
      %add3A_983 = arith.constant 1920 : i32
      %add3A_984 = arith.addi %mul3A_190, %add3A_983 : i32
      %add3A_985 = arith.constant 0 : i32
      %add3A_986 = arith.addi %add3A_984, %add3A_985 : i32
      %get3A_987 = arith.index_cast %add3A_986 : i32 to index
      %get3A_988 = tpu.vector_load %arg5[%get3A_987] {strides = array<i32>} : memref<16384xi32, #tpu.memory_space<vmem>>, vector<16xi32>,
      %add3A_989 = arith.constant 1920 : i32
      %add3A_990 = arith.addi %mul3A_190, %add3A_989 : i32
      %add3A_991 = arith.constant 16 : i32
      %add3A_992 = arith.addi %add3A_990, %add3A_991 : i32
      %get3A_993 = arith.index_cast %add3A_992 : i32 to index
      %get3A_994 = tpu.vector_load %arg5[%get3A_993] {strides = array<i32>} : memref<16384xi32, #tpu.memory_space<vmem>>, vector<16xi32>,
      %add3A_995 = arith.constant 1920 : i32
      %add3A_996 = arith.addi %mul3A_190, %add3A_995 : i32
      %add3A_997 = arith.constant 32 : i32
      %add3A_998 = arith.addi %add3A_996, %add3A_997 : i32
      %get3A_999 = arith.index_cast %add3A_998 : i32 to index
      %get3A_1000 = tpu.vector_load %arg5[%get3A_999] {strides = array<i32>} : memref<16384xi32, #tpu.memory_space<vmem>>, vector<16xi32>,
      %add3A_1001 = arith.constant 1920 : i32
      %add3A_1002 = arith.addi %mul3A_190, %add3A_1001 : i32
      %add3A_1003 = arith.constant 48 : i32
      %add3A_1004 = arith.addi %add3A_1002, %add3A_1003 : i32
      %get3A_1005 = arith.index_cast %add3A_1004 : i32 to index
      %get3A_1006 = tpu.vector_load %arg5[%get3A_1005] {strides = array<i32>} : memref<16384xi32, #tpu.memory_space<vmem>>, vector<16xi32>,
      %add3A_1007 = arith.constant 1920 : i32
      %add3A_1008 = arith.addi %mul3A_190, %add3A_1007 : i32
      %add3A_1009 = arith.constant 64 : i32
      %add3A_1010 = arith.addi %add3A_1008, %add3A_1009 : i32
      %get3A_1011 = arith.index_cast %add3A_1010 : i32 to index
      %get3A_1012 = tpu.vector_load %arg5[%get3A_1011] {strides = array<i32>} : memref<16384xi32, #tpu.memory_space<vmem>>, vector<16xi32>,
      %add3A_1013 = arith.constant 1920 : i32
      %add3A_1014 = arith.addi %mul3A_190, %add3A_1013 : i32
      %add3A_1015 = arith.constant 80 : i32
      %add3A_1016 = arith.addi %add3A_1014, %add3A_1015 : i32
      %get3A_1017 = arith.index_cast %add3A_1016 : i32 to index
      %get3A_1018 = tpu.vector_load %arg5[%get3A_1017] {strides = array<i32>} : memref<16384xi32, #tpu.memory_space<vmem>>, vector<16xi32>,
      %add3A_1019 = arith.constant 1920 : i32
      %add3A_1020 = arith.addi %mul3A_190, %add3A_1019 : i32
      %add3A_1021 = arith.constant 96 : i32
      %add3A_1022 = arith.addi %add3A_1020, %add3A_1021 : i32
      %get3A_1023 = arith.index_cast %add3A_1022 : i32 to index
      %get3A_1024 = tpu.vector_load %arg5[%get3A_1023] {strides = array<i32>} : memref<16384xi32, #tpu.memory_space<vmem>>, vector<16xi32>,
      %add3A_1025 = arith.constant 1920 : i32
      %add3A_1026 = arith.addi %mul3A_190, %add3A_1025 : i32
      %add3A_1027 = arith.constant 112 : i32
      %add3A_1028 = arith.addi %add3A_1026, %add3A_1027 : i32
      %get3A_1029 = arith.index_cast %add3A_1028 : i32 to index
      %get3A_1030 = tpu.vector_load %arg5[%get3A_1029] {strides = array<i32>} : memref<16384xi32, #tpu.memory_space<vmem>>, vector<16xi32>,
      %add3A_1031 = arith.addi %get3A_652, %get3A_658 : vector<16xi32>
      %add3A_1032 = arith.addi %get3A_700, %get3A_706 : vector<16xi32>
      %add3A_1033 = arith.addi %get3A_748, %get3A_754 : vector<16xi32>
      %add3A_1034 = arith.addi %get3A_796, %get3A_802 : vector<16xi32>
      %add3A_1035 = arith.addi %get3A_844, %get3A_850 : vector<16xi32>
      %add3A_1036 = arith.addi %get3A_892, %get3A_898 : vector<16xi32>
      %add3A_1037 = arith.addi %get3A_940, %get3A_946 : vector<16xi32>
      %add3A_1038 = arith.addi %get3A_988, %get3A_994 : vector<16xi32>
      %add3A_1039 = arith.addi %add3A_1031, %get3A_664 : vector<16xi32>
      %add3A_1040 = arith.addi %add3A_1032, %get3A_712 : vector<16xi32>
      %add3A_1041 = arith.addi %add3A_1033, %get3A_760 : vector<16xi32>
      %add3A_1042 = arith.addi %add3A_1034, %get3A_808 : vector<16xi32>
      %add3A_1043 = arith.addi %add3A_1035, %get3A_856 : vector<16xi32>
      %add3A_1044 = arith.addi %add3A_1036, %get3A_904 : vector<16xi32>
      %add3A_1045 = arith.addi %add3A_1037, %get3A_952 : vector<16xi32>
      %add3A_1046 = arith.addi %add3A_1038, %get3A_1000 : vector<16xi32>
      %add3A_1047 = arith.addi %add3A_1039, %get3A_670 : vector<16xi32>
      %add3A_1048 = arith.addi %add3A_1040, %get3A_718 : vector<16xi32>
      %add3A_1049 = arith.addi %add3A_1041, %get3A_766 : vector<16xi32>
      %add3A_1050 = arith.addi %add3A_1042, %get3A_814 : vector<16xi32>
      %add3A_1051 = arith.addi %add3A_1043, %get3A_862 : vector<16xi32>
      %add3A_1052 = arith.addi %add3A_1044, %get3A_910 : vector<16xi32>
      %add3A_1053 = arith.addi %add3A_1045, %get3A_958 : vector<16xi32>
      %add3A_1054 = arith.addi %add3A_1046, %get3A_1006 : vector<16xi32>
      %add3A_1055 = arith.addi %add3A_1047, %get3A_676 : vector<16xi32>
      %add3A_1056 = arith.addi %add3A_1048, %get3A_724 : vector<16xi32>
      %add3A_1057 = arith.addi %add3A_1049, %get3A_772 : vector<16xi32>
      %add3A_1058 = arith.addi %add3A_1050, %get3A_820 : vector<16xi32>
      %add3A_1059 = arith.addi %add3A_1051, %get3A_868 : vector<16xi32>
      %add3A_1060 = arith.addi %add3A_1052, %get3A_916 : vector<16xi32>
      %add3A_1061 = arith.addi %add3A_1053, %get3A_964 : vector<16xi32>
      %add3A_1062 = arith.addi %add3A_1054, %get3A_1012 : vector<16xi32>
      %add3A_1063 = arith.addi %add3A_1055, %get3A_682 : vector<16xi32>
      %add3A_1064 = arith.addi %add3A_1056, %get3A_730 : vector<16xi32>
      %add3A_1065 = arith.addi %add3A_1057, %get3A_778 : vector<16xi32>
      %add3A_1066 = arith.addi %add3A_1058, %get3A_826 : vector<16xi32>
      %add3A_1067 = arith.addi %add3A_1059, %get3A_874 : vector<16xi32>
      %add3A_1068 = arith.addi %add3A_1060, %get3A_922 : vector<16xi32>
      %add3A_1069 = arith.addi %add3A_1061, %get3A_970 : vector<16xi32>
      %add3A_1070 = arith.addi %add3A_1062, %get3A_1018 : vector<16xi32>
      %add3A_1071 = arith.addi %add3A_1063, %get3A_688 : vector<16xi32>
      %add3A_1072 = arith.addi %add3A_1064, %get3A_736 : vector<16xi32>
      %add3A_1073 = arith.addi %add3A_1065, %get3A_784 : vector<16xi32>
      %add3A_1074 = arith.addi %add3A_1066, %get3A_832 : vector<16xi32>
      %add3A_1075 = arith.addi %add3A_1067, %get3A_880 : vector<16xi32>
      %add3A_1076 = arith.addi %add3A_1068, %get3A_928 : vector<16xi32>
      %add3A_1077 = arith.addi %add3A_1069, %get3A_976 : vector<16xi32>
      %add3A_1078 = arith.addi %add3A_1070, %get3A_1024 : vector<16xi32>
      %add3A_1079 = arith.addi %add3A_1071, %get3A_694 : vector<16xi32>
      %add3A_1080 = arith.addi %add3A_1072, %get3A_742 : vector<16xi32>
      %add3A_1081 = arith.addi %add3A_1073, %get3A_790 : vector<16xi32>
      %add3A_1082 = arith.addi %add3A_1074, %get3A_838 : vector<16xi32>
      %add3A_1083 = arith.addi %add3A_1075, %get3A_886 : vector<16xi32>
      %add3A_1084 = arith.addi %add3A_1076, %get3A_934 : vector<16xi32>
      %add3A_1085 = arith.addi %add3A_1077, %get3A_982 : vector<16xi32>
      %add3A_1086 = arith.addi %add3A_1078, %get3A_1030 : vector<16xi32>
      %swap3A_1087 = arith.constant 136 : index
      %swap3A_1088 = tpu.vector_load %arg9[%swap3A_1087] {strides = array<i32>} : memref<272xi32, #tpu.memory_space<vmem>>, vector<16xi32>,
      tpu.vector_store %arg9[%swap3A_1087], %add3A_1079 {strides = array<i32>} : memref<272xi32, #tpu.memory_space<vmem>>, vector<16xi32>,
      %swap3A_1089 = arith.constant 153 : index
      %swap3A_1090 = tpu.vector_load %arg9[%swap3A_1089] {strides = array<i32>} : memref<272xi32, #tpu.memory_space<vmem>>, vector<16xi32>,
      tpu.vector_store %arg9[%swap3A_1089], %add3A_1080 {strides = array<i32>} : memref<272xi32, #tpu.memory_space<vmem>>, vector<16xi32>,
      %swap3A_1091 = arith.constant 170 : index
      %swap3A_1092 = tpu.vector_load %arg9[%swap3A_1091] {strides = array<i32>} : memref<272xi32, #tpu.memory_space<vmem>>, vector<16xi32>,
      tpu.vector_store %arg9[%swap3A_1091], %add3A_1081 {strides = array<i32>} : memref<272xi32, #tpu.memory_space<vmem>>, vector<16xi32>,
      %swap3A_1093 = arith.constant 187 : index
      %swap3A_1094 = tpu.vector_load %arg9[%swap3A_1093] {strides = array<i32>} : memref<272xi32, #tpu.memory_space<vmem>>, vector<16xi32>,
      tpu.vector_store %arg9[%swap3A_1093], %add3A_1082 {strides = array<i32>} : memref<272xi32, #tpu.memory_space<vmem>>, vector<16xi32>,
      %swap3A_1095 = arith.constant 204 : index
      %swap3A_1096 = tpu.vector_load %arg9[%swap3A_1095] {strides = array<i32>} : memref<272xi32, #tpu.memory_space<vmem>>, vector<16xi32>,
      tpu.vector_store %arg9[%swap3A_1095], %add3A_1083 {strides = array<i32>} : memref<272xi32, #tpu.memory_space<vmem>>, vector<16xi32>,
      %swap3A_1097 = arith.constant 221 : index
      %swap3A_1098 = tpu.vector_load %arg9[%swap3A_1097] {strides = array<i32>} : memref<272xi32, #tpu.memory_space<vmem>>, vector<16xi32>,
      tpu.vector_store %arg9[%swap3A_1097], %add3A_1084 {strides = array<i32>} : memref<272xi32, #tpu.memory_space<vmem>>, vector<16xi32>,
      %swap3A_1099 = arith.constant 238 : index
      %swap3A_1100 = tpu.vector_load %arg9[%swap3A_1099] {strides = array<i32>} : memref<272xi32, #tpu.memory_space<vmem>>, vector<16xi32>,
      tpu.vector_store %arg9[%swap3A_1099], %add3A_1085 {strides = array<i32>} : memref<272xi32, #tpu.memory_space<vmem>>, vector<16xi32>,
      %swap3A_1101 = arith.constant 255 : index
      %swap3A_1102 = tpu.vector_load %arg9[%swap3A_1101] {strides = array<i32>} : memref<272xi32, #tpu.memory_space<vmem>>, vector<16xi32>,
      tpu.vector_store %arg9[%swap3A_1101], %add3A_1086 {strides = array<i32>} : memref<272xi32, #tpu.memory_space<vmem>>, vector<16xi32>,
      %broadcast_in_dim3A_1103 = arith.constant 0 : i32
      %broadcast_in_dim3A_1104 = vector.broadcast %broadcast_in_dim3A_1103 : i32 to vector<16xi32>
      %gather3A_1105 = tpu.vector_load_idx %arg9[%mul3A_93] : memref<272xi32, #tpu.memory_space<vmem>>[vector<16xi32>], vector<16xi32>,
      %add3A_1106 = arith.addi %broadcast_in_dim3A_1104, %gather3A_1105 : vector<16xi32>
      %add3A_1107 = arith.addi %mul3A_93, %broadcast_in_dim3A_12 : vector<16xi32>
      %gather3A_1108 = tpu.vector_load_idx %arg9[%add3A_1107] : memref<272xi32, #tpu.memory_space<vmem>>[vector<16xi32>], vector<16xi32>,
      %add3A_1109 = arith.addi %add3A_1106, %gather3A_1108 : vector<16xi32>
      %add3A_1110 = arith.addi %add3A_1107, %broadcast_in_dim3A_12 : vector<16xi32>
      %gather3A_1111 = tpu.vector_load_idx %arg9[%add3A_1110] : memref<272xi32, #tpu.memory_space<vmem>>[vector<16xi32>], vector<16xi32>,
      %add3A_1112 = arith.addi %add3A_1109, %gather3A_1111 : vector<16xi32>
      %add3A_1113 = arith.addi %add3A_1110, %broadcast_in_dim3A_12 : vector<16xi32>
      %gather3A_1114 = tpu.vector_load_idx %arg9[%add3A_1113] : memref<272xi32, #tpu.memory_space<vmem>>[vector<16xi32>], vector<16xi32>,
      %add3A_1115 = arith.addi %add3A_1112, %gather3A_1114 : vector<16xi32>
      %add3A_1116 = arith.addi %add3A_1113, %broadcast_in_dim3A_12 : vector<16xi32>
      %gather3A_1117 = tpu.vector_load_idx %arg9[%add3A_1116] : memref<272xi32, #tpu.memory_space<vmem>>[vector<16xi32>], vector<16xi32>,
      %add3A_1118 = arith.addi %add3A_1115, %gather3A_1117 : vector<16xi32>
      %add3A_1119 = arith.addi %add3A_1116, %broadcast_in_dim3A_12 : vector<16xi32>
      %gather3A_1120 = tpu.vector_load_idx %arg9[%add3A_1119] : memref<272xi32, #tpu.memory_space<vmem>>[vector<16xi32>], vector<16xi32>,
      %add3A_1121 = arith.addi %add3A_1118, %gather3A_1120 : vector<16xi32>
      %add3A_1122 = arith.addi %add3A_1119, %broadcast_in_dim3A_12 : vector<16xi32>
      %gather3A_1123 = tpu.vector_load_idx %arg9[%add3A_1122] : memref<272xi32, #tpu.memory_space<vmem>>[vector<16xi32>], vector<16xi32>,
      %add3A_1124 = arith.addi %add3A_1121, %gather3A_1123 : vector<16xi32>
      %add3A_1125 = arith.addi %add3A_1122, %broadcast_in_dim3A_12 : vector<16xi32>
      %gather3A_1126 = tpu.vector_load_idx %arg9[%add3A_1125] : memref<272xi32, #tpu.memory_space<vmem>>[vector<16xi32>], vector<16xi32>,
      %add3A_1127 = arith.addi %add3A_1124, %gather3A_1126 : vector<16xi32>
      %add3A_1128 = arith.addi %add3A_1125, %broadcast_in_dim3A_12 : vector<16xi32>
      %gather3A_1129 = tpu.vector_load_idx %arg9[%add3A_1128] : memref<272xi32, #tpu.memory_space<vmem>>[vector<16xi32>], vector<16xi32>,
      %add3A_1130 = arith.addi %add3A_1127, %gather3A_1129 : vector<16xi32>
      %add3A_1131 = arith.addi %add3A_1128, %broadcast_in_dim3A_12 : vector<16xi32>
      %gather3A_1132 = tpu.vector_load_idx %arg9[%add3A_1131] : memref<272xi32, #tpu.memory_space<vmem>>[vector<16xi32>], vector<16xi32>,
      %add3A_1133 = arith.addi %add3A_1130, %gather3A_1132 : vector<16xi32>
      %add3A_1134 = arith.addi %add3A_1131, %broadcast_in_dim3A_12 : vector<16xi32>
      %gather3A_1135 = tpu.vector_load_idx %arg9[%add3A_1134] : memref<272xi32, #tpu.memory_space<vmem>>[vector<16xi32>], vector<16xi32>,
      %add3A_1136 = arith.addi %add3A_1133, %gather3A_1135 : vector<16xi32>
      %add3A_1137 = arith.addi %add3A_1134, %broadcast_in_dim3A_12 : vector<16xi32>
      %gather3A_1138 = tpu.vector_load_idx %arg9[%add3A_1137] : memref<272xi32, #tpu.memory_space<vmem>>[vector<16xi32>], vector<16xi32>,
      %add3A_1139 = arith.addi %add3A_1136, %gather3A_1138 : vector<16xi32>
      %add3A_1140 = arith.addi %add3A_1137, %broadcast_in_dim3A_12 : vector<16xi32>
      %gather3A_1141 = tpu.vector_load_idx %arg9[%add3A_1140] : memref<272xi32, #tpu.memory_space<vmem>>[vector<16xi32>], vector<16xi32>,
      %add3A_1142 = arith.addi %add3A_1139, %gather3A_1141 : vector<16xi32>
      %add3A_1143 = arith.addi %add3A_1140, %broadcast_in_dim3A_12 : vector<16xi32>
      %gather3A_1144 = tpu.vector_load_idx %arg9[%add3A_1143] : memref<272xi32, #tpu.memory_space<vmem>>[vector<16xi32>], vector<16xi32>,
      %add3A_1145 = arith.addi %add3A_1142, %gather3A_1144 : vector<16xi32>
      %add3A_1146 = arith.addi %add3A_1143, %broadcast_in_dim3A_12 : vector<16xi32>
      %gather3A_1147 = tpu.vector_load_idx %arg9[%add3A_1146] : memref<272xi32, #tpu.memory_space<vmem>>[vector<16xi32>], vector<16xi32>,
      %add3A_1148 = arith.addi %add3A_1145, %gather3A_1147 : vector<16xi32>
      %add3A_1149 = arith.addi %add3A_1146, %broadcast_in_dim3A_12 : vector<16xi32>
      %gather3A_1150 = tpu.vector_load_idx %arg9[%add3A_1149] : memref<272xi32, #tpu.memory_space<vmem>>[vector<16xi32>], vector<16xi32>,
      %add3A_1151 = arith.addi %add3A_1148, %gather3A_1150 : vector<16xi32>
      %add3A_1152 = arith.addi %add3A_1149, %broadcast_in_dim3A_12 : vector<16xi32>
      %eq3A = arith.cmpi eq, %add3A_1151, %add3A_85 : vector<16xi32>
      %select_n3A = arith.select %eq3A, %bitcast_convert_type3A, %broadcast_in_dim3A_90 : vector<16xi1>, vector<16xf32>
      %mul3A_1153 = arith.constant 16 : i32
      %mul3A_1154 = arith.muli %scan3A_188, %mul3A_1153 : i32
      %add3A_1155 = arith.constant 256 : i32
      %add3A_1156 = arith.addi %add3A_1155, %mul3A_1154 : i32
      %swap3A_1157 = arith.index_cast %add3A_1156 : i32 to index
      %swap3A_1158 = tpu.vector_load %arg7[%swap3A_1157] {strides = array<i32>} : memref<512xf32, #tpu.memory_space<vmem>>, vector<16xf32>,
      tpu.vector_store %arg7[%swap3A_1157], %select_n3A {strides = array<i32>} : memref<512xf32, #tpu.memory_space<vmem>>, vector<16xf32>,
    }
    %scan3A_139 = arith.constant 8 : i32
    %add3A_140 = arith.constant 256 : i32
    %add3A_141 = arith.addi %mul3A_2, %add3A_140 : i32
    %dma_start3A_142 = arith.constant 256 : i32
    %dma_start3A_143 = tpu.memref_slice %arg7[%dma_start3A_142] : memref<512xf32, #tpu.memory_space<vmem>> -> memref<128xf32, #tpu.memory_space<vmem>>
    %dma_start3A_144 = tpu.memref_slice %arg4[%add3A_141] : memref<16384xf32, #tpu.memory_space<hbm>> -> memref<128xf32, #tpu.memory_space<hbm>>
    %dma_start3A_145 = tpu.memref_slice %arg4[%add3A_141] : memref<16384xf32, #tpu.memory_space<hbm>> -> memref<128xf32, #tpu.memory_space<hbm>>
    %dma_start3A_146 = arith.constant 256 : i32
    %dma_start3A_147 = tpu.memref_slice %arg7[%dma_start3A_146] : memref<512xf32, #tpu.memory_space<vmem>> -> memref<128xf32, #tpu.memory_space<vmem>>
    tpu.enqueue_dma source(%dma_start3A_147 : memref<128xf32, #tpu.memory_space<vmem>>) target(%dma_start3A_145 : memref<128xf32, #tpu.memory_space<hbm>>) target_semaphore(%arg13 : memref<!tpu.dma_semaphore, #tpu.memory_space<semaphore_mem>>)
    %dma_wait3A_148 = tpu.memref_slice %arg2[%add3A_121] : memref<2097152xi32, #tpu.memory_space<hbm>> -> memref<16384xi32, #tpu.memory_space<hbm>>
    %dma_wait3A_149 = tpu.memref_slice %arg2[%add3A_121] : memref<2097152xi32, #tpu.memory_space<hbm>> -> memref<16384xi32, #tpu.memory_space<hbm>>
    tpu.wait_dma2 semaphore(%arg11 : memref<!tpu.dma_semaphore, #tpu.memory_space<semaphore_mem>>) src(%dma_wait3A_149 : memref<16384xi32, #tpu.memory_space<hbm>>) dst(%arg6 : memref<16384xi32, #tpu.memory_space<vmem>>)
    %scan3A_150 = arith.constant 0 : i32
    %scan3A_151 = arith.constant 0 : i32
    %scan3A_152 = arith.constant 8 : i32
    %scan3A_153 = arith.addi %scan3A_151, %scan3A_152 : i32
    %scan3A_154 = arith.constant 1 : i32
    scf.for %scan3A_188 = %scan3A_151 to %scan3A_153 step %scan3A_154  : i32 {
      %mul3A_189 = arith.constant 2048 : i32
      %mul3A_190 = arith.muli %scan3A_188, %mul3A_189 : i32
      %add3A_191 = arith.constant 0 : i32
      %add3A_192 = arith.addi %mul3A_190, %add3A_191 : i32
      %add3A_193 = arith.constant 0 : i32
      %add3A_194 = arith.addi %add3A_192, %add3A_193 : i32
      %get3A_195 = arith.index_cast %add3A_194 : i32 to index
      %get3A_196 = tpu.vector_load %arg6[%get3A_195] {strides = array<i32>} : memref<16384xi32, #tpu.memory_space<vmem>>, vector<16xi32>,
      %add3A_197 = arith.constant 0 : i32
      %add3A_198 = arith.addi %mul3A_190, %add3A_197 : i32
      %add3A_199 = arith.constant 16 : i32
      %add3A_200 = arith.addi %add3A_198, %add3A_199 : i32
      %get3A_201 = arith.index_cast %add3A_200 : i32 to index
      %get3A_202 = tpu.vector_load %arg6[%get3A_201] {strides = array<i32>} : memref<16384xi32, #tpu.memory_space<vmem>>, vector<16xi32>,
      %add3A_203 = arith.constant 0 : i32
      %add3A_204 = arith.addi %mul3A_190, %add3A_203 : i32
      %add3A_205 = arith.constant 32 : i32
      %add3A_206 = arith.addi %add3A_204, %add3A_205 : i32
      %get3A_207 = arith.index_cast %add3A_206 : i32 to index
      %get3A_208 = tpu.vector_load %arg6[%get3A_207] {strides = array<i32>} : memref<16384xi32, #tpu.memory_space<vmem>>, vector<16xi32>,
      %add3A_209 = arith.constant 0 : i32
      %add3A_210 = arith.addi %mul3A_190, %add3A_209 : i32
      %add3A_211 = arith.constant 48 : i32
      %add3A_212 = arith.addi %add3A_210, %add3A_211 : i32
      %get3A_213 = arith.index_cast %add3A_212 : i32 to index
      %get3A_214 = tpu.vector_load %arg6[%get3A_213] {strides = array<i32>} : memref<16384xi32, #tpu.memory_space<vmem>>, vector<16xi32>,
      %add3A_215 = arith.constant 0 : i32
      %add3A_216 = arith.addi %mul3A_190, %add3A_215 : i32
      %add3A_217 = arith.constant 64 : i32
      %add3A_218 = arith.addi %add3A_216, %add3A_217 : i32
      %get3A_219 = arith.index_cast %add3A_218 : i32 to index
      %get3A_220 = tpu.vector_load %arg6[%get3A_219] {strides = array<i32>} : memref<16384xi32, #tpu.memory_space<vmem>>, vector<16xi32>,
      %add3A_221 = arith.constant 0 : i32
      %add3A_222 = arith.addi %mul3A_190, %add3A_221 : i32
      %add3A_223 = arith.constant 80 : i32
      %add3A_224 = arith.addi %add3A_222, %add3A_223 : i32
      %get3A_225 = arith.index_cast %add3A_224 : i32 to index
      %get3A_226 = tpu.vector_load %arg6[%get3A_225] {strides = array<i32>} : memref<16384xi32, #tpu.memory_space<vmem>>, vector<16xi32>,
      %add3A_227 = arith.constant 0 : i32
      %add3A_228 = arith.addi %mul3A_190, %add3A_227 : i32
      %add3A_229 = arith.constant 96 : i32
      %add3A_230 = arith.addi %add3A_228, %add3A_229 : i32
      %get3A_231 = arith.index_cast %add3A_230 : i32 to index
      %get3A_232 = tpu.vector_load %arg6[%get3A_231] {strides = array<i32>} : memref<16384xi32, #tpu.memory_space<vmem>>, vector<16xi32>,
      %add3A_233 = arith.constant 0 : i32
      %add3A_234 = arith.addi %mul3A_190, %add3A_233 : i32
      %add3A_235 = arith.constant 112 : i32
      %add3A_236 = arith.addi %add3A_234, %add3A_235 : i32
      %get3A_237 = arith.index_cast %add3A_236 : i32 to index
      %get3A_238 = tpu.vector_load %arg6[%get3A_237] {strides = array<i32>} : memref<16384xi32, #tpu.memory_space<vmem>>, vector<16xi32>,
      %add3A_239 = arith.constant 128 : i32
      %add3A_240 = arith.addi %mul3A_190, %add3A_239 : i32
      %add3A_241 = arith.constant 0 : i32
      %add3A_242 = arith.addi %add3A_240, %add3A_241 : i32
      %get3A_243 = arith.index_cast %add3A_242 : i32 to index
      %get3A_244 = tpu.vector_load %arg6[%get3A_243] {strides = array<i32>} : memref<16384xi32, #tpu.memory_space<vmem>>, vector<16xi32>,
      %add3A_245 = arith.constant 128 : i32
      %add3A_246 = arith.addi %mul3A_190, %add3A_245 : i32
      %add3A_247 = arith.constant 16 : i32
      %add3A_248 = arith.addi %add3A_246, %add3A_247 : i32
      %get3A_249 = arith.index_cast %add3A_248 : i32 to index
      %get3A_250 = tpu.vector_load %arg6[%get3A_249] {strides = array<i32>} : memref<16384xi32, #tpu.memory_space<vmem>>, vector<16xi32>,
      %add3A_251 = arith.constant 128 : i32
      %add3A_252 = arith.addi %mul3A_190, %add3A_251 : i32
      %add3A_253 = arith.constant 32 : i32
      %add3A_254 = arith.addi %add3A_252, %add3A_253 : i32
      %get3A_255 = arith.index_cast %add3A_254 : i32 to index
      %get3A_256 = tpu.vector_load %arg6[%get3A_255] {strides = array<i32>} : memref<16384xi32, #tpu.memory_space<vmem>>, vector<16xi32>,
      %add3A_257 = arith.constant 128 : i32
      %add3A_258 = arith.addi %mul3A_190, %add3A_257 : i32
      %add3A_259 = arith.constant 48 : i32
      %add3A_260 = arith.addi %add3A_258, %add3A_259 : i32
      %get3A_261 = arith.index_cast %add3A_260 : i32 to index
      %get3A_262 = tpu.vector_load %arg6[%get3A_261] {strides = array<i32>} : memref<16384xi32, #tpu.memory_space<vmem>>, vector<16xi32>,
      %add3A_263 = arith.constant 128 : i32
      %add3A_264 = arith.addi %mul3A_190, %add3A_263 : i32
      %add3A_265 = arith.constant 64 : i32
      %add3A_266 = arith.addi %add3A_264, %add3A_265 : i32
      %get3A_267 = arith.index_cast %add3A_266 : i32 to index
      %get3A_268 = tpu.vector_load %arg6[%get3A_267] {strides = array<i32>} : memref<16384xi32, #tpu.memory_space<vmem>>, vector<16xi32>,
      %add3A_269 = arith.constant 128 : i32
      %add3A_270 = arith.addi %mul3A_190, %add3A_269 : i32
      %add3A_271 = arith.constant 80 : i32
      %add3A_272 = arith.addi %add3A_270, %add3A_271 : i32
      %get3A_273 = arith.index_cast %add3A_272 : i32 to index
      %get3A_274 = tpu.vector_load %arg6[%get3A_273] {strides = array<i32>} : memref<16384xi32, #tpu.memory_space<vmem>>, vector<16xi32>,
      %add3A_275 = arith.constant 128 : i32
      %add3A_276 = arith.addi %mul3A_190, %add3A_275 : i32
      %add3A_277 = arith.constant 96 : i32
      %add3A_278 = arith.addi %add3A_276, %add3A_277 : i32
      %get3A_279 = arith.index_cast %add3A_278 : i32 to index
      %get3A_280 = tpu.vector_load %arg6[%get3A_279] {strides = array<i32>} : memref<16384xi32, #tpu.memory_space<vmem>>, vector<16xi32>,
      %add3A_281 = arith.constant 128 : i32
      %add3A_282 = arith.addi %mul3A_190, %add3A_281 : i32
      %add3A_283 = arith.constant 112 : i32
      %add3A_284 = arith.addi %add3A_282, %add3A_283 : i32
      %get3A_285 = arith.index_cast %add3A_284 : i32 to index
      %get3A_286 = tpu.vector_load %arg6[%get3A_285] {strides = array<i32>} : memref<16384xi32, #tpu.memory_space<vmem>>, vector<16xi32>,
      %add3A_287 = arith.constant 256 : i32
      %add3A_288 = arith.addi %mul3A_190, %add3A_287 : i32
      %add3A_289 = arith.constant 0 : i32
      %add3A_290 = arith.addi %add3A_288, %add3A_289 : i32
      %get3A_291 = arith.index_cast %add3A_290 : i32 to index
      %get3A_292 = tpu.vector_load %arg6[%get3A_291] {strides = array<i32>} : memref<16384xi32, #tpu.memory_space<vmem>>, vector<16xi32>,
      %add3A_293 = arith.constant 256 : i32
      %add3A_294 = arith.addi %mul3A_190, %add3A_293 : i32
      %add3A_295 = arith.constant 16 : i32
      %add3A_296 = arith.addi %add3A_294, %add3A_295 : i32
      %get3A_297 = arith.index_cast %add3A_296 : i32 to index
      %get3A_298 = tpu.vector_load %arg6[%get3A_297] {strides = array<i32>} : memref<16384xi32, #tpu.memory_space<vmem>>, vector<16xi32>,
      %add3A_299 = arith.constant 256 : i32
      %add3A_300 = arith.addi %mul3A_190, %add3A_299 : i32
      %add3A_301 = arith.constant 32 : i32
      %add3A_302 = arith.addi %add3A_300, %add3A_301 : i32
      %get3A_303 = arith.index_cast %add3A_302 : i32 to index
      %get3A_304 = tpu.vector_load %arg6[%get3A_303] {strides = array<i32>} : memref<16384xi32, #tpu.memory_space<vmem>>, vector<16xi32>,
      %add3A_305 = arith.constant 256 : i32
      %add3A_306 = arith.addi %mul3A_190, %add3A_305 : i32
      %add3A_307 = arith.constant 48 : i32
      %add3A_308 = arith.addi %add3A_306, %add3A_307 : i32
      %get3A_309 = arith.index_cast %add3A_308 : i32 to index
      %get3A_310 = tpu.vector_load %arg6[%get3A_309] {strides = array<i32>} : memref<16384xi32, #tpu.memory_space<vmem>>, vector<16xi32>,
      %add3A_311 = arith.constant 256 : i32
      %add3A_312 = arith.addi %mul3A_190, %add3A_311 : i32
      %add3A_313 = arith.constant 64 : i32
      %add3A_314 = arith.addi %add3A_312, %add3A_313 : i32
      %get3A_315 = arith.index_cast %add3A_314 : i32 to index
      %get3A_316 = tpu.vector_load %arg6[%get3A_315] {strides = array<i32>} : memref<16384xi32, #tpu.memory_space<vmem>>, vector<16xi32>,
      %add3A_317 = arith.constant 256 : i32
      %add3A_318 = arith.addi %mul3A_190, %add3A_317 : i32
      %add3A_319 = arith.constant 80 : i32
      %add3A_320 = arith.addi %add3A_318, %add3A_319 : i32
      %get3A_321 = arith.index_cast %add3A_320 : i32 to index
      %get3A_322 = tpu.vector_load %arg6[%get3A_321] {strides = array<i32>} : memref<16384xi32, #tpu.memory_space<vmem>>, vector<16xi32>,
      %add3A_323 = arith.constant 256 : i32
      %add3A_324 = arith.addi %mul3A_190, %add3A_323 : i32
      %add3A_325 = arith.constant 96 : i32
      %add3A_326 = arith.addi %add3A_324, %add3A_325 : i32
      %get3A_327 = arith.index_cast %add3A_326 : i32 to index
      %get3A_328 = tpu.vector_load %arg6[%get3A_327] {strides = array<i32>} : memref<16384xi32, #tpu.memory_space<vmem>>, vector<16xi32>,
      %add3A_329 = arith.constant 256 : i32
      %add3A_330 = arith.addi %mul3A_190, %add3A_329 : i32
      %add3A_331 = arith.constant 112 : i32
      %add3A_332 = arith.addi %add3A_330, %add3A_331 : i32
      %get3A_333 = arith.index_cast %add3A_332 : i32 to index
      %get3A_334 = tpu.vector_load %arg6[%get3A_333] {strides = array<i32>} : memref<16384xi32, #tpu.memory_space<vmem>>, vector<16xi32>,
      %add3A_335 = arith.constant 384 : i32
      %add3A_336 = arith.addi %mul3A_190, %add3A_335 : i32
      %add3A_337 = arith.constant 0 : i32
      %add3A_338 = arith.addi %add3A_336, %add3A_337 : i32
      %get3A_339 = arith.index_cast %add3A_338 : i32 to index
      %get3A_340 = tpu.vector_load %arg6[%get3A_339] {strides = array<i32>} : memref<16384xi32, #tpu.memory_space<vmem>>, vector<16xi32>,
      %add3A_341 = arith.constant 384 : i32
      %add3A_342 = arith.addi %mul3A_190, %add3A_341 : i32
      %add3A_343 = arith.constant 16 : i32
      %add3A_344 = arith.addi %add3A_342, %add3A_343 : i32
      %get3A_345 = arith.index_cast %add3A_344 : i32 to index
      %get3A_346 = tpu.vector_load %arg6[%get3A_345] {strides = array<i32>} : memref<16384xi32, #tpu.memory_space<vmem>>, vector<16xi32>,
      %add3A_347 = arith.constant 384 : i32
      %add3A_348 = arith.addi %mul3A_190, %add3A_347 : i32
      %add3A_349 = arith.constant 32 : i32
      %add3A_350 = arith.addi %add3A_348, %add3A_349 : i32
      %get3A_351 = arith.index_cast %add3A_350 : i32 to index
      %get3A_352 = tpu.vector_load %arg6[%get3A_351] {strides = array<i32>} : memref<16384xi32, #tpu.memory_space<vmem>>, vector<16xi32>,
      %add3A_353 = arith.constant 384 : i32
      %add3A_354 = arith.addi %mul3A_190, %add3A_353 : i32
      %add3A_355 = arith.constant 48 : i32
      %add3A_356 = arith.addi %add3A_354, %add3A_355 : i32
      %get3A_357 = arith.index_cast %add3A_356 : i32 to index
      %get3A_358 = tpu.vector_load %arg6[%get3A_357] {strides = array<i32>} : memref<16384xi32, #tpu.memory_space<vmem>>, vector<16xi32>,
      %add3A_359 = arith.constant 384 : i32
      %add3A_360 = arith.addi %mul3A_190, %add3A_359 : i32
      %add3A_361 = arith.constant 64 : i32
      %add3A_362 = arith.addi %add3A_360, %add3A_361 : i32
      %get3A_363 = arith.index_cast %add3A_362 : i32 to index
      %get3A_364 = tpu.vector_load %arg6[%get3A_363] {strides = array<i32>} : memref<16384xi32, #tpu.memory_space<vmem>>, vector<16xi32>,
      %add3A_365 = arith.constant 384 : i32
      %add3A_366 = arith.addi %mul3A_190, %add3A_365 : i32
      %add3A_367 = arith.constant 80 : i32
      %add3A_368 = arith.addi %add3A_366, %add3A_367 : i32
      %get3A_369 = arith.index_cast %add3A_368 : i32 to index
      %get3A_370 = tpu.vector_load %arg6[%get3A_369] {strides = array<i32>} : memref<16384xi32, #tpu.memory_space<vmem>>, vector<16xi32>,
      %add3A_371 = arith.constant 384 : i32
      %add3A_372 = arith.addi %mul3A_190, %add3A_371 : i32
      %add3A_373 = arith.constant 96 : i32
      %add3A_374 = arith.addi %add3A_372, %add3A_373 : i32
      %get3A_375 = arith.index_cast %add3A_374 : i32 to index
      %get3A_376 = tpu.vector_load %arg6[%get3A_375] {strides = array<i32>} : memref<16384xi32, #tpu.memory_space<vmem>>, vector<16xi32>,
      %add3A_377 = arith.constant 384 : i32
      %add3A_378 = arith.addi %mul3A_190, %add3A_377 : i32
      %add3A_379 = arith.constant 112 : i32
      %add3A_380 = arith.addi %add3A_378, %add3A_379 : i32
      %get3A_381 = arith.index_cast %add3A_380 : i32 to index
      %get3A_382 = tpu.vector_load %arg6[%get3A_381] {strides = array<i32>} : memref<16384xi32, #tpu.memory_space<vmem>>, vector<16xi32>,
      %add3A_383 = arith.constant 512 : i32
      %add3A_384 = arith.addi %mul3A_190, %add3A_383 : i32
      %add3A_385 = arith.constant 0 : i32
      %add3A_386 = arith.addi %add3A_384, %add3A_385 : i32
      %get3A_387 = arith.index_cast %add3A_386 : i32 to index
      %get3A_388 = tpu.vector_load %arg6[%get3A_387] {strides = array<i32>} : memref<16384xi32, #tpu.memory_space<vmem>>, vector<16xi32>,
      %add3A_389 = arith.constant 512 : i32
      %add3A_390 = arith.addi %mul3A_190, %add3A_389 : i32
      %add3A_391 = arith.constant 16 : i32
      %add3A_392 = arith.addi %add3A_390, %add3A_391 : i32
      %get3A_393 = arith.index_cast %add3A_392 : i32 to index
      %get3A_394 = tpu.vector_load %arg6[%get3A_393] {strides = array<i32>} : memref<16384xi32, #tpu.memory_space<vmem>>, vector<16xi32>,
      %add3A_395 = arith.constant 512 : i32
      %add3A_396 = arith.addi %mul3A_190, %add3A_395 : i32
      %add3A_397 = arith.constant 32 : i32
      %add3A_398 = arith.addi %add3A_396, %add3A_397 : i32
      %get3A_399 = arith.index_cast %add3A_398 : i32 to index
      %get3A_400 = tpu.vector_load %arg6[%get3A_399] {strides = array<i32>} : memref<16384xi32, #tpu.memory_space<vmem>>, vector<16xi32>,
      %add3A_401 = arith.constant 512 : i32
      %add3A_402 = arith.addi %mul3A_190, %add3A_401 : i32
      %add3A_403 = arith.constant 48 : i32
      %add3A_404 = arith.addi %add3A_402, %add3A_403 : i32
      %get3A_405 = arith.index_cast %add3A_404 : i32 to index
      %get3A_406 = tpu.vector_load %arg6[%get3A_405] {strides = array<i32>} : memref<16384xi32, #tpu.memory_space<vmem>>, vector<16xi32>,
      %add3A_407 = arith.constant 512 : i32
      %add3A_408 = arith.addi %mul3A_190, %add3A_407 : i32
      %add3A_409 = arith.constant 64 : i32
      %add3A_410 = arith.addi %add3A_408, %add3A_409 : i32
      %get3A_411 = arith.index_cast %add3A_410 : i32 to index
      %get3A_412 = tpu.vector_load %arg6[%get3A_411] {strides = array<i32>} : memref<16384xi32, #tpu.memory_space<vmem>>, vector<16xi32>,
      %add3A_413 = arith.constant 512 : i32
      %add3A_414 = arith.addi %mul3A_190, %add3A_413 : i32
      %add3A_415 = arith.constant 80 : i32
      %add3A_416 = arith.addi %add3A_414, %add3A_415 : i32
      %get3A_417 = arith.index_cast %add3A_416 : i32 to index
      %get3A_418 = tpu.vector_load %arg6[%get3A_417] {strides = array<i32>} : memref<16384xi32, #tpu.memory_space<vmem>>, vector<16xi32>,
      %add3A_419 = arith.constant 512 : i32
      %add3A_420 = arith.addi %mul3A_190, %add3A_419 : i32
      %add3A_421 = arith.constant 96 : i32
      %add3A_422 = arith.addi %add3A_420, %add3A_421 : i32
      %get3A_423 = arith.index_cast %add3A_422 : i32 to index
      %get3A_424 = tpu.vector_load %arg6[%get3A_423] {strides = array<i32>} : memref<16384xi32, #tpu.memory_space<vmem>>, vector<16xi32>,
      %add3A_425 = arith.constant 512 : i32
      %add3A_426 = arith.addi %mul3A_190, %add3A_425 : i32
      %add3A_427 = arith.constant 112 : i32
      %add3A_428 = arith.addi %add3A_426, %add3A_427 : i32
      %get3A_429 = arith.index_cast %add3A_428 : i32 to index
      %get3A_430 = tpu.vector_load %arg6[%get3A_429] {strides = array<i32>} : memref<16384xi32, #tpu.memory_space<vmem>>, vector<16xi32>,
      %add3A_431 = arith.constant 640 : i32
      %add3A_432 = arith.addi %mul3A_190, %add3A_431 : i32
      %add3A_433 = arith.constant 0 : i32
      %add3A_434 = arith.addi %add3A_432, %add3A_433 : i32
      %get3A_435 = arith.index_cast %add3A_434 : i32 to index
      %get3A_436 = tpu.vector_load %arg6[%get3A_435] {strides = array<i32>} : memref<16384xi32, #tpu.memory_space<vmem>>, vector<16xi32>,
      %add3A_437 = arith.constant 640 : i32
      %add3A_438 = arith.addi %mul3A_190, %add3A_437 : i32
      %add3A_439 = arith.constant 16 : i32
      %add3A_440 = arith.addi %add3A_438, %add3A_439 : i32
      %get3A_441 = arith.index_cast %add3A_440 : i32 to index
      %get3A_442 = tpu.vector_load %arg6[%get3A_441] {strides = array<i32>} : memref<16384xi32, #tpu.memory_space<vmem>>, vector<16xi32>,
      %add3A_443 = arith.constant 640 : i32
      %add3A_444 = arith.addi %mul3A_190, %add3A_443 : i32
      %add3A_445 = arith.constant 32 : i32
      %add3A_446 = arith.addi %add3A_444, %add3A_445 : i32
      %get3A_447 = arith.index_cast %add3A_446 : i32 to index
      %get3A_448 = tpu.vector_load %arg6[%get3A_447] {strides = array<i32>} : memref<16384xi32, #tpu.memory_space<vmem>>, vector<16xi32>,
      %add3A_449 = arith.constant 640 : i32
      %add3A_450 = arith.addi %mul3A_190, %add3A_449 : i32
      %add3A_451 = arith.constant 48 : i32
      %add3A_452 = arith.addi %add3A_450, %add3A_451 : i32
      %get3A_453 = arith.index_cast %add3A_452 : i32 to index
      %get3A_454 = tpu.vector_load %arg6[%get3A_453] {strides = array<i32>} : memref<16384xi32, #tpu.memory_space<vmem>>, vector<16xi32>,
      %add3A_455 = arith.constant 640 : i32
      %add3A_456 = arith.addi %mul3A_190, %add3A_455 : i32
      %add3A_457 = arith.constant 64 : i32
      %add3A_458 = arith.addi %add3A_456, %add3A_457 : i32
      %get3A_459 = arith.index_cast %add3A_458 : i32 to index
      %get3A_460 = tpu.vector_load %arg6[%get3A_459] {strides = array<i32>} : memref<16384xi32, #tpu.memory_space<vmem>>, vector<16xi32>,
      %add3A_461 = arith.constant 640 : i32
      %add3A_462 = arith.addi %mul3A_190, %add3A_461 : i32
      %add3A_463 = arith.constant 80 : i32
      %add3A_464 = arith.addi %add3A_462, %add3A_463 : i32
      %get3A_465 = arith.index_cast %add3A_464 : i32 to index
      %get3A_466 = tpu.vector_load %arg6[%get3A_465] {strides = array<i32>} : memref<16384xi32, #tpu.memory_space<vmem>>, vector<16xi32>,
      %add3A_467 = arith.constant 640 : i32
      %add3A_468 = arith.addi %mul3A_190, %add3A_467 : i32
      %add3A_469 = arith.constant 96 : i32
      %add3A_470 = arith.addi %add3A_468, %add3A_469 : i32
      %get3A_471 = arith.index_cast %add3A_470 : i32 to index
      %get3A_472 = tpu.vector_load %arg6[%get3A_471] {strides = array<i32>} : memref<16384xi32, #tpu.memory_space<vmem>>, vector<16xi32>,
      %add3A_473 = arith.constant 640 : i32
      %add3A_474 = arith.addi %mul3A_190, %add3A_473 : i32
      %add3A_475 = arith.constant 112 : i32
      %add3A_476 = arith.addi %add3A_474, %add3A_475 : i32
      %get3A_477 = arith.index_cast %add3A_476 : i32 to index
      %get3A_478 = tpu.vector_load %arg6[%get3A_477] {strides = array<i32>} : memref<16384xi32, #tpu.memory_space<vmem>>, vector<16xi32>,
      %add3A_479 = arith.constant 768 : i32
      %add3A_480 = arith.addi %mul3A_190, %add3A_479 : i32
      %add3A_481 = arith.constant 0 : i32
      %add3A_482 = arith.addi %add3A_480, %add3A_481 : i32
      %get3A_483 = arith.index_cast %add3A_482 : i32 to index
      %get3A_484 = tpu.vector_load %arg6[%get3A_483] {strides = array<i32>} : memref<16384xi32, #tpu.memory_space<vmem>>, vector<16xi32>,
      %add3A_485 = arith.constant 768 : i32
      %add3A_486 = arith.addi %mul3A_190, %add3A_485 : i32
      %add3A_487 = arith.constant 16 : i32
      %add3A_488 = arith.addi %add3A_486, %add3A_487 : i32
      %get3A_489 = arith.index_cast %add3A_488 : i32 to index
      %get3A_490 = tpu.vector_load %arg6[%get3A_489] {strides = array<i32>} : memref<16384xi32, #tpu.memory_space<vmem>>, vector<16xi32>,
      %add3A_491 = arith.constant 768 : i32
      %add3A_492 = arith.addi %mul3A_190, %add3A_491 : i32
      %add3A_493 = arith.constant 32 : i32
      %add3A_494 = arith.addi %add3A_492, %add3A_493 : i32
      %get3A_495 = arith.index_cast %add3A_494 : i32 to index
      %get3A_496 = tpu.vector_load %arg6[%get3A_495] {strides = array<i32>} : memref<16384xi32, #tpu.memory_space<vmem>>, vector<16xi32>,
      %add3A_497 = arith.constant 768 : i32
      %add3A_498 = arith.addi %mul3A_190, %add3A_497 : i32
      %add3A_499 = arith.constant 48 : i32
      %add3A_500 = arith.addi %add3A_498, %add3A_499 : i32
      %get3A_501 = arith.index_cast %add3A_500 : i32 to index
      %get3A_502 = tpu.vector_load %arg6[%get3A_501] {strides = array<i32>} : memref<16384xi32, #tpu.memory_space<vmem>>, vector<16xi32>,
      %add3A_503 = arith.constant 768 : i32
      %add3A_504 = arith.addi %mul3A_190, %add3A_503 : i32
      %add3A_505 = arith.constant 64 : i32
      %add3A_506 = arith.addi %add3A_504, %add3A_505 : i32
      %get3A_507 = arith.index_cast %add3A_506 : i32 to index
      %get3A_508 = tpu.vector_load %arg6[%get3A_507] {strides = array<i32>} : memref<16384xi32, #tpu.memory_space<vmem>>, vector<16xi32>,
      %add3A_509 = arith.constant 768 : i32
      %add3A_510 = arith.addi %mul3A_190, %add3A_509 : i32
      %add3A_511 = arith.constant 80 : i32
      %add3A_512 = arith.addi %add3A_510, %add3A_511 : i32
      %get3A_513 = arith.index_cast %add3A_512 : i32 to index
      %get3A_514 = tpu.vector_load %arg6[%get3A_513] {strides = array<i32>} : memref<16384xi32, #tpu.memory_space<vmem>>, vector<16xi32>,
      %add3A_515 = arith.constant 768 : i32
      %add3A_516 = arith.addi %mul3A_190, %add3A_515 : i32
      %add3A_517 = arith.constant 96 : i32
      %add3A_518 = arith.addi %add3A_516, %add3A_517 : i32
      %get3A_519 = arith.index_cast %add3A_518 : i32 to index
      %get3A_520 = tpu.vector_load %arg6[%get3A_519] {strides = array<i32>} : memref<16384xi32, #tpu.memory_space<vmem>>, vector<16xi32>,
      %add3A_521 = arith.constant 768 : i32
      %add3A_522 = arith.addi %mul3A_190, %add3A_521 : i32
      %add3A_523 = arith.constant 112 : i32
      %add3A_524 = arith.addi %add3A_522, %add3A_523 : i32
      %get3A_525 = arith.index_cast %add3A_524 : i32 to index
      %get3A_526 = tpu.vector_load %arg6[%get3A_525] {strides = array<i32>} : memref<16384xi32, #tpu.memory_space<vmem>>, vector<16xi32>,
      %add3A_527 = arith.constant 896 : i32
      %add3A_528 = arith.addi %mul3A_190, %add3A_527 : i32
      %add3A_529 = arith.constant 0 : i32
      %add3A_530 = arith.addi %add3A_528, %add3A_529 : i32
      %get3A_531 = arith.index_cast %add3A_530 : i32 to index
      %get3A_532 = tpu.vector_load %arg6[%get3A_531] {strides = array<i32>} : memref<16384xi32, #tpu.memory_space<vmem>>, vector<16xi32>,
      %add3A_533 = arith.constant 896 : i32
      %add3A_534 = arith.addi %mul3A_190, %add3A_533 : i32
      %add3A_535 = arith.constant 16 : i32
      %add3A_536 = arith.addi %add3A_534, %add3A_535 : i32
      %get3A_537 = arith.index_cast %add3A_536 : i32 to index
      %get3A_538 = tpu.vector_load %arg6[%get3A_537] {strides = array<i32>} : memref<16384xi32, #tpu.memory_space<vmem>>, vector<16xi32>,
      %add3A_539 = arith.constant 896 : i32
      %add3A_540 = arith.addi %mul3A_190, %add3A_539 : i32
      %add3A_541 = arith.constant 32 : i32
      %add3A_542 = arith.addi %add3A_540, %add3A_541 : i32
      %get3A_543 = arith.index_cast %add3A_542 : i32 to index
      %get3A_544 = tpu.vector_load %arg6[%get3A_543] {strides = array<i32>} : memref<16384xi32, #tpu.memory_space<vmem>>, vector<16xi32>,
      %add3A_545 = arith.constant 896 : i32
      %add3A_546 = arith.addi %mul3A_190, %add3A_545 : i32
      %add3A_547 = arith.constant 48 : i32
      %add3A_548 = arith.addi %add3A_546, %add3A_547 : i32
      %get3A_549 = arith.index_cast %add3A_548 : i32 to index
      %get3A_550 = tpu.vector_load %arg6[%get3A_549] {strides = array<i32>} : memref<16384xi32, #tpu.memory_space<vmem>>, vector<16xi32>,
      %add3A_551 = arith.constant 896 : i32
      %add3A_552 = arith.addi %mul3A_190, %add3A_551 : i32
      %add3A_553 = arith.constant 64 : i32
      %add3A_554 = arith.addi %add3A_552, %add3A_553 : i32
      %get3A_555 = arith.index_cast %add3A_554 : i32 to index
      %get3A_556 = tpu.vector_load %arg6[%get3A_555] {strides = array<i32>} : memref<16384xi32, #tpu.memory_space<vmem>>, vector<16xi32>,
      %add3A_557 = arith.constant 896 : i32
      %add3A_558 = arith.addi %mul3A_190, %add3A_557 : i32
      %add3A_559 = arith.constant 80 : i32
      %add3A_560 = arith.addi %add3A_558, %add3A_559 : i32
      %get3A_561 = arith.index_cast %add3A_560 : i32 to index
      %get3A_562 = tpu.vector_load %arg6[%get3A_561] {strides = array<i32>} : memref<16384xi32, #tpu.memory_space<vmem>>, vector<16xi32>,
      %add3A_563 = arith.constant 896 : i32
      %add3A_564 = arith.addi %mul3A_190, %add3A_563 : i32
      %add3A_565 = arith.constant 96 : i32
      %add3A_566 = arith.addi %add3A_564, %add3A_565 : i32
      %get3A_567 = arith.index_cast %add3A_566 : i32 to index
      %get3A_568 = tpu.vector_load %arg6[%get3A_567] {strides = array<i32>} : memref<16384xi32, #tpu.memory_space<vmem>>, vector<16xi32>,
      %add3A_569 = arith.constant 896 : i32
      %add3A_570 = arith.addi %mul3A_190, %add3A_569 : i32
      %add3A_571 = arith.constant 112 : i32
      %add3A_572 = arith.addi %add3A_570, %add3A_571 : i32
      %get3A_573 = arith.index_cast %add3A_572 : i32 to index
      %get3A_574 = tpu.vector_load %arg6[%get3A_573] {strides = array<i32>} : memref<16384xi32, #tpu.memory_space<vmem>>, vector<16xi32>,
      %add3A_575 = arith.addi %get3A_196, %get3A_202 : vector<16xi32>
      %add3A_576 = arith.addi %get3A_244, %get3A_250 : vector<16xi32>
      %add3A_577 = arith.addi %get3A_292, %get3A_298 : vector<16xi32>
      %add3A_578 = arith.addi %get3A_340, %get3A_346 : vector<16xi32>
      %add3A_579 = arith.addi %get3A_388, %get3A_394 : vector<16xi32>
      %add3A_580 = arith.addi %get3A_436, %get3A_442 : vector<16xi32>
      %add3A_581 = arith.addi %get3A_484, %get3A_490 : vector<16xi32>
      %add3A_582 = arith.addi %get3A_532, %get3A_538 : vector<16xi32>
      %add3A_583 = arith.addi %add3A_575, %get3A_208 : vector<16xi32>
      %add3A_584 = arith.addi %add3A_576, %get3A_256 : vector<16xi32>
      %add3A_585 = arith.addi %add3A_577, %get3A_304 : vector<16xi32>
      %add3A_586 = arith.addi %add3A_578, %get3A_352 : vector<16xi32>
      %add3A_587 = arith.addi %add3A_579, %get3A_400 : vector<16xi32>
      %add3A_588 = arith.addi %add3A_580, %get3A_448 : vector<16xi32>
      %add3A_589 = arith.addi %add3A_581, %get3A_496 : vector<16xi32>
      %add3A_590 = arith.addi %add3A_582, %get3A_544 : vector<16xi32>
      %add3A_591 = arith.addi %add3A_583, %get3A_214 : vector<16xi32>
      %add3A_592 = arith.addi %add3A_584, %get3A_262 : vector<16xi32>
      %add3A_593 = arith.addi %add3A_585, %get3A_310 : vector<16xi32>
      %add3A_594 = arith.addi %add3A_586, %get3A_358 : vector<16xi32>
      %add3A_595 = arith.addi %add3A_587, %get3A_406 : vector<16xi32>
      %add3A_596 = arith.addi %add3A_588, %get3A_454 : vector<16xi32>
      %add3A_597 = arith.addi %add3A_589, %get3A_502 : vector<16xi32>
      %add3A_598 = arith.addi %add3A_590, %get3A_550 : vector<16xi32>
      %add3A_599 = arith.addi %add3A_591, %get3A_220 : vector<16xi32>
      %add3A_600 = arith.addi %add3A_592, %get3A_268 : vector<16xi32>
      %add3A_601 = arith.addi %add3A_593, %get3A_316 : vector<16xi32>
      %add3A_602 = arith.addi %add3A_594, %get3A_364 : vector<16xi32>
      %add3A_603 = arith.addi %add3A_595, %get3A_412 : vector<16xi32>
      %add3A_604 = arith.addi %add3A_596, %get3A_460 : vector<16xi32>
      %add3A_605 = arith.addi %add3A_597, %get3A_508 : vector<16xi32>
      %add3A_606 = arith.addi %add3A_598, %get3A_556 : vector<16xi32>
      %add3A_607 = arith.addi %add3A_599, %get3A_226 : vector<16xi32>
      %add3A_608 = arith.addi %add3A_600, %get3A_274 : vector<16xi32>
      %add3A_609 = arith.addi %add3A_601, %get3A_322 : vector<16xi32>
      %add3A_610 = arith.addi %add3A_602, %get3A_370 : vector<16xi32>
      %add3A_611 = arith.addi %add3A_603, %get3A_418 : vector<16xi32>
      %add3A_612 = arith.addi %add3A_604, %get3A_466 : vector<16xi32>
      %add3A_613 = arith.addi %add3A_605, %get3A_514 : vector<16xi32>
      %add3A_614 = arith.addi %add3A_606, %get3A_562 : vector<16xi32>
      %add3A_615 = arith.addi %add3A_607, %get3A_232 : vector<16xi32>
      %add3A_616 = arith.addi %add3A_608, %get3A_280 : vector<16xi32>
      %add3A_617 = arith.addi %add3A_609, %get3A_328 : vector<16xi32>
      %add3A_618 = arith.addi %add3A_610, %get3A_376 : vector<16xi32>
      %add3A_619 = arith.addi %add3A_611, %get3A_424 : vector<16xi32>
      %add3A_620 = arith.addi %add3A_612, %get3A_472 : vector<16xi32>
      %add3A_621 = arith.addi %add3A_613, %get3A_520 : vector<16xi32>
      %add3A_622 = arith.addi %add3A_614, %get3A_568 : vector<16xi32>
      %add3A_623 = arith.addi %add3A_615, %get3A_238 : vector<16xi32>
      %add3A_624 = arith.addi %add3A_616, %get3A_286 : vector<16xi32>
      %add3A_625 = arith.addi %add3A_617, %get3A_334 : vector<16xi32>
      %add3A_626 = arith.addi %add3A_618, %get3A_382 : vector<16xi32>
      %add3A_627 = arith.addi %add3A_619, %get3A_430 : vector<16xi32>
      %add3A_628 = arith.addi %add3A_620, %get3A_478 : vector<16xi32>
      %add3A_629 = arith.addi %add3A_621, %get3A_526 : vector<16xi32>
      %add3A_630 = arith.addi %add3A_622, %get3A_574 : vector<16xi32>
      %swap3A_631 = arith.constant 0 : index
      %swap3A_632 = tpu.vector_load %arg9[%swap3A_631] {strides = array<i32>} : memref<272xi32, #tpu.memory_space<vmem>>, vector<16xi32>,
      tpu.vector_store %arg9[%swap3A_631], %add3A_623 {strides = array<i32>} : memref<272xi32, #tpu.memory_space<vmem>>, vector<16xi32>,
      %swap3A_633 = arith.constant 17 : index
      %swap3A_634 = tpu.vector_load %arg9[%swap3A_633] {strides = array<i32>} : memref<272xi32, #tpu.memory_space<vmem>>, vector<16xi32>,
      tpu.vector_store %arg9[%swap3A_633], %add3A_624 {strides = array<i32>} : memref<272xi32, #tpu.memory_space<vmem>>, vector<16xi32>,
      %swap3A_635 = arith.constant 34 : index
      %swap3A_636 = tpu.vector_load %arg9[%swap3A_635] {strides = array<i32>} : memref<272xi32, #tpu.memory_space<vmem>>, vector<16xi32>,
      tpu.vector_store %arg9[%swap3A_635], %add3A_625 {strides = array<i32>} : memref<272xi32, #tpu.memory_space<vmem>>, vector<16xi32>,
      %swap3A_637 = arith.constant 51 : index
      %swap3A_638 = tpu.vector_load %arg9[%swap3A_637] {strides = array<i32>} : memref<272xi32, #tpu.memory_space<vmem>>, vector<16xi32>,
      tpu.vector_store %arg9[%swap3A_637], %add3A_626 {strides = array<i32>} : memref<272xi32, #tpu.memory_space<vmem>>, vector<16xi32>,
      %swap3A_639 = arith.constant 68 : index
      %swap3A_640 = tpu.vector_load %arg9[%swap3A_639] {strides = array<i32>} : memref<272xi32, #tpu.memory_space<vmem>>, vector<16xi32>,
      tpu.vector_store %arg9[%swap3A_639], %add3A_627 {strides = array<i32>} : memref<272xi32, #tpu.memory_space<vmem>>, vector<16xi32>,
      %swap3A_641 = arith.constant 85 : index
      %swap3A_642 = tpu.vector_load %arg9[%swap3A_641] {strides = array<i32>} : memref<272xi32, #tpu.memory_space<vmem>>, vector<16xi32>,
      tpu.vector_store %arg9[%swap3A_641], %add3A_628 {strides = array<i32>} : memref<272xi32, #tpu.memory_space<vmem>>, vector<16xi32>,
      %swap3A_643 = arith.constant 102 : index
      %swap3A_644 = tpu.vector_load %arg9[%swap3A_643] {strides = array<i32>} : memref<272xi32, #tpu.memory_space<vmem>>, vector<16xi32>,
      tpu.vector_store %arg9[%swap3A_643], %add3A_629 {strides = array<i32>} : memref<272xi32, #tpu.memory_space<vmem>>, vector<16xi32>,
      %swap3A_645 = arith.constant 119 : index
      %swap3A_646 = tpu.vector_load %arg9[%swap3A_645] {strides = array<i32>} : memref<272xi32, #tpu.memory_space<vmem>>, vector<16xi32>,
      tpu.vector_store %arg9[%swap3A_645], %add3A_630 {strides = array<i32>} : memref<272xi32, #tpu.memory_space<vmem>>, vector<16xi32>,
      %add3A_647 = arith.constant 1024 : i32
      %add3A_648 = arith.addi %mul3A_190, %add3A_647 : i32
      %add3A_649 = arith.constant 0 : i32
      %add3A_650 = arith.addi %add3A_648, %add3A_649 : i32
      %get3A_651 = arith.index_cast %add3A_650 : i32 to index
      %get3A_652 = tpu.vector_load %arg6[%get3A_651] {strides = array<i32>} : memref<16384xi32, #tpu.memory_space<vmem>>, vector<16xi32>,
      %add3A_653 = arith.constant 1024 : i32
      %add3A_654 = arith.addi %mul3A_190, %add3A_653 : i32
      %add3A_655 = arith.constant 16 : i32
      %add3A_656 = arith.addi %add3A_654, %add3A_655 : i32
      %get3A_657 = arith.index_cast %add3A_656 : i32 to index
      %get3A_658 = tpu.vector_load %arg6[%get3A_657] {strides = array<i32>} : memref<16384xi32, #tpu.memory_space<vmem>>, vector<16xi32>,
      %add3A_659 = arith.constant 1024 : i32
      %add3A_660 = arith.addi %mul3A_190, %add3A_659 : i32
      %add3A_661 = arith.constant 32 : i32
      %add3A_662 = arith.addi %add3A_660, %add3A_661 : i32
      %get3A_663 = arith.index_cast %add3A_662 : i32 to index
      %get3A_664 = tpu.vector_load %arg6[%get3A_663] {strides = array<i32>} : memref<16384xi32, #tpu.memory_space<vmem>>, vector<16xi32>,
      %add3A_665 = arith.constant 1024 : i32
      %add3A_666 = arith.addi %mul3A_190, %add3A_665 : i32
      %add3A_667 = arith.constant 48 : i32
      %add3A_668 = arith.addi %add3A_666, %add3A_667 : i32
      %get3A_669 = arith.index_cast %add3A_668 : i32 to index
      %get3A_670 = tpu.vector_load %arg6[%get3A_669] {strides = array<i32>} : memref<16384xi32, #tpu.memory_space<vmem>>, vector<16xi32>,
      %add3A_671 = arith.constant 1024 : i32
      %add3A_672 = arith.addi %mul3A_190, %add3A_671 : i32
      %add3A_673 = arith.constant 64 : i32
      %add3A_674 = arith.addi %add3A_672, %add3A_673 : i32
      %get3A_675 = arith.index_cast %add3A_674 : i32 to index
      %get3A_676 = tpu.vector_load %arg6[%get3A_675] {strides = array<i32>} : memref<16384xi32, #tpu.memory_space<vmem>>, vector<16xi32>,
      %add3A_677 = arith.constant 1024 : i32
      %add3A_678 = arith.addi %mul3A_190, %add3A_677 : i32
      %add3A_679 = arith.constant 80 : i32
      %add3A_680 = arith.addi %add3A_678, %add3A_679 : i32
      %get3A_681 = arith.index_cast %add3A_680 : i32 to index
      %get3A_682 = tpu.vector_load %arg6[%get3A_681] {strides = array<i32>} : memref<16384xi32, #tpu.memory_space<vmem>>, vector<16xi32>,
      %add3A_683 = arith.constant 1024 : i32
      %add3A_684 = arith.addi %mul3A_190, %add3A_683 : i32
      %add3A_685 = arith.constant 96 : i32
      %add3A_686 = arith.addi %add3A_684, %add3A_685 : i32
      %get3A_687 = arith.index_cast %add3A_686 : i32 to index
      %get3A_688 = tpu.vector_load %arg6[%get3A_687] {strides = array<i32>} : memref<16384xi32, #tpu.memory_space<vmem>>, vector<16xi32>,
      %add3A_689 = arith.constant 1024 : i32
      %add3A_690 = arith.addi %mul3A_190, %add3A_689 : i32
      %add3A_691 = arith.constant 112 : i32
      %add3A_692 = arith.addi %add3A_690, %add3A_691 : i32
      %get3A_693 = arith.index_cast %add3A_692 : i32 to index
      %get3A_694 = tpu.vector_load %arg6[%get3A_693] {strides = array<i32>} : memref<16384xi32, #tpu.memory_space<vmem>>, vector<16xi32>,
      %add3A_695 = arith.constant 1152 : i32
      %add3A_696 = arith.addi %mul3A_190, %add3A_695 : i32
      %add3A_697 = arith.constant 0 : i32
      %add3A_698 = arith.addi %add3A_696, %add3A_697 : i32
      %get3A_699 = arith.index_cast %add3A_698 : i32 to index
      %get3A_700 = tpu.vector_load %arg6[%get3A_699] {strides = array<i32>} : memref<16384xi32, #tpu.memory_space<vmem>>, vector<16xi32>,
      %add3A_701 = arith.constant 1152 : i32
      %add3A_702 = arith.addi %mul3A_190, %add3A_701 : i32
      %add3A_703 = arith.constant 16 : i32
      %add3A_704 = arith.addi %add3A_702, %add3A_703 : i32
      %get3A_705 = arith.index_cast %add3A_704 : i32 to index
      %get3A_706 = tpu.vector_load %arg6[%get3A_705] {strides = array<i32>} : memref<16384xi32, #tpu.memory_space<vmem>>, vector<16xi32>,
      %add3A_707 = arith.constant 1152 : i32
      %add3A_708 = arith.addi %mul3A_190, %add3A_707 : i32
      %add3A_709 = arith.constant 32 : i32
      %add3A_710 = arith.addi %add3A_708, %add3A_709 : i32
      %get3A_711 = arith.index_cast %add3A_710 : i32 to index
      %get3A_712 = tpu.vector_load %arg6[%get3A_711] {strides = array<i32>} : memref<16384xi32, #tpu.memory_space<vmem>>, vector<16xi32>,
      %add3A_713 = arith.constant 1152 : i32
      %add3A_714 = arith.addi %mul3A_190, %add3A_713 : i32
      %add3A_715 = arith.constant 48 : i32
      %add3A_716 = arith.addi %add3A_714, %add3A_715 : i32
      %get3A_717 = arith.index_cast %add3A_716 : i32 to index
      %get3A_718 = tpu.vector_load %arg6[%get3A_717] {strides = array<i32>} : memref<16384xi32, #tpu.memory_space<vmem>>, vector<16xi32>,
      %add3A_719 = arith.constant 1152 : i32
      %add3A_720 = arith.addi %mul3A_190, %add3A_719 : i32
      %add3A_721 = arith.constant 64 : i32
      %add3A_722 = arith.addi %add3A_720, %add3A_721 : i32
      %get3A_723 = arith.index_cast %add3A_722 : i32 to index
      %get3A_724 = tpu.vector_load %arg6[%get3A_723] {strides = array<i32>} : memref<16384xi32, #tpu.memory_space<vmem>>, vector<16xi32>,
      %add3A_725 = arith.constant 1152 : i32
      %add3A_726 = arith.addi %mul3A_190, %add3A_725 : i32
      %add3A_727 = arith.constant 80 : i32
      %add3A_728 = arith.addi %add3A_726, %add3A_727 : i32
      %get3A_729 = arith.index_cast %add3A_728 : i32 to index
      %get3A_730 = tpu.vector_load %arg6[%get3A_729] {strides = array<i32>} : memref<16384xi32, #tpu.memory_space<vmem>>, vector<16xi32>,
      %add3A_731 = arith.constant 1152 : i32
      %add3A_732 = arith.addi %mul3A_190, %add3A_731 : i32
      %add3A_733 = arith.constant 96 : i32
      %add3A_734 = arith.addi %add3A_732, %add3A_733 : i32
      %get3A_735 = arith.index_cast %add3A_734 : i32 to index
      %get3A_736 = tpu.vector_load %arg6[%get3A_735] {strides = array<i32>} : memref<16384xi32, #tpu.memory_space<vmem>>, vector<16xi32>,
      %add3A_737 = arith.constant 1152 : i32
      %add3A_738 = arith.addi %mul3A_190, %add3A_737 : i32
      %add3A_739 = arith.constant 112 : i32
      %add3A_740 = arith.addi %add3A_738, %add3A_739 : i32
      %get3A_741 = arith.index_cast %add3A_740 : i32 to index
      %get3A_742 = tpu.vector_load %arg6[%get3A_741] {strides = array<i32>} : memref<16384xi32, #tpu.memory_space<vmem>>, vector<16xi32>,
      %add3A_743 = arith.constant 1280 : i32
      %add3A_744 = arith.addi %mul3A_190, %add3A_743 : i32
      %add3A_745 = arith.constant 0 : i32
      %add3A_746 = arith.addi %add3A_744, %add3A_745 : i32
      %get3A_747 = arith.index_cast %add3A_746 : i32 to index
      %get3A_748 = tpu.vector_load %arg6[%get3A_747] {strides = array<i32>} : memref<16384xi32, #tpu.memory_space<vmem>>, vector<16xi32>,
      %add3A_749 = arith.constant 1280 : i32
      %add3A_750 = arith.addi %mul3A_190, %add3A_749 : i32
      %add3A_751 = arith.constant 16 : i32
      %add3A_752 = arith.addi %add3A_750, %add3A_751 : i32
      %get3A_753 = arith.index_cast %add3A_752 : i32 to index
      %get3A_754 = tpu.vector_load %arg6[%get3A_753] {strides = array<i32>} : memref<16384xi32, #tpu.memory_space<vmem>>, vector<16xi32>,
      %add3A_755 = arith.constant 1280 : i32
      %add3A_756 = arith.addi %mul3A_190, %add3A_755 : i32
      %add3A_757 = arith.constant 32 : i32
      %add3A_758 = arith.addi %add3A_756, %add3A_757 : i32
      %get3A_759 = arith.index_cast %add3A_758 : i32 to index
      %get3A_760 = tpu.vector_load %arg6[%get3A_759] {strides = array<i32>} : memref<16384xi32, #tpu.memory_space<vmem>>, vector<16xi32>,
      %add3A_761 = arith.constant 1280 : i32
      %add3A_762 = arith.addi %mul3A_190, %add3A_761 : i32
      %add3A_763 = arith.constant 48 : i32
      %add3A_764 = arith.addi %add3A_762, %add3A_763 : i32
      %get3A_765 = arith.index_cast %add3A_764 : i32 to index
      %get3A_766 = tpu.vector_load %arg6[%get3A_765] {strides = array<i32>} : memref<16384xi32, #tpu.memory_space<vmem>>, vector<16xi32>,
      %add3A_767 = arith.constant 1280 : i32
      %add3A_768 = arith.addi %mul3A_190, %add3A_767 : i32
      %add3A_769 = arith.constant 64 : i32
      %add3A_770 = arith.addi %add3A_768, %add3A_769 : i32
      %get3A_771 = arith.index_cast %add3A_770 : i32 to index
      %get3A_772 = tpu.vector_load %arg6[%get3A_771] {strides = array<i32>} : memref<16384xi32, #tpu.memory_space<vmem>>, vector<16xi32>,
      %add3A_773 = arith.constant 1280 : i32
      %add3A_774 = arith.addi %mul3A_190, %add3A_773 : i32
      %add3A_775 = arith.constant 80 : i32
      %add3A_776 = arith.addi %add3A_774, %add3A_775 : i32
      %get3A_777 = arith.index_cast %add3A_776 : i32 to index
      %get3A_778 = tpu.vector_load %arg6[%get3A_777] {strides = array<i32>} : memref<16384xi32, #tpu.memory_space<vmem>>, vector<16xi32>,
      %add3A_779 = arith.constant 1280 : i32
      %add3A_780 = arith.addi %mul3A_190, %add3A_779 : i32
      %add3A_781 = arith.constant 96 : i32
      %add3A_782 = arith.addi %add3A_780, %add3A_781 : i32
      %get3A_783 = arith.index_cast %add3A_782 : i32 to index
      %get3A_784 = tpu.vector_load %arg6[%get3A_783] {strides = array<i32>} : memref<16384xi32, #tpu.memory_space<vmem>>, vector<16xi32>,
      %add3A_785 = arith.constant 1280 : i32
      %add3A_786 = arith.addi %mul3A_190, %add3A_785 : i32
      %add3A_787 = arith.constant 112 : i32
      %add3A_788 = arith.addi %add3A_786, %add3A_787 : i32
      %get3A_789 = arith.index_cast %add3A_788 : i32 to index
      %get3A_790 = tpu.vector_load %arg6[%get3A_789] {strides = array<i32>} : memref<16384xi32, #tpu.memory_space<vmem>>, vector<16xi32>,
      %add3A_791 = arith.constant 1408 : i32
      %add3A_792 = arith.addi %mul3A_190, %add3A_791 : i32
      %add3A_793 = arith.constant 0 : i32
      %add3A_794 = arith.addi %add3A_792, %add3A_793 : i32
      %get3A_795 = arith.index_cast %add3A_794 : i32 to index
      %get3A_796 = tpu.vector_load %arg6[%get3A_795] {strides = array<i32>} : memref<16384xi32, #tpu.memory_space<vmem>>, vector<16xi32>,
      %add3A_797 = arith.constant 1408 : i32
      %add3A_798 = arith.addi %mul3A_190, %add3A_797 : i32
      %add3A_799 = arith.constant 16 : i32
      %add3A_800 = arith.addi %add3A_798, %add3A_799 : i32
      %get3A_801 = arith.index_cast %add3A_800 : i32 to index
      %get3A_802 = tpu.vector_load %arg6[%get3A_801] {strides = array<i32>} : memref<16384xi32, #tpu.memory_space<vmem>>, vector<16xi32>,
      %add3A_803 = arith.constant 1408 : i32
      %add3A_804 = arith.addi %mul3A_190, %add3A_803 : i32
      %add3A_805 = arith.constant 32 : i32
      %add3A_806 = arith.addi %add3A_804, %add3A_805 : i32
      %get3A_807 = arith.index_cast %add3A_806 : i32 to index
      %get3A_808 = tpu.vector_load %arg6[%get3A_807] {strides = array<i32>} : memref<16384xi32, #tpu.memory_space<vmem>>, vector<16xi32>,
      %add3A_809 = arith.constant 1408 : i32
      %add3A_810 = arith.addi %mul3A_190, %add3A_809 : i32
      %add3A_811 = arith.constant 48 : i32
      %add3A_812 = arith.addi %add3A_810, %add3A_811 : i32
      %get3A_813 = arith.index_cast %add3A_812 : i32 to index
      %get3A_814 = tpu.vector_load %arg6[%get3A_813] {strides = array<i32>} : memref<16384xi32, #tpu.memory_space<vmem>>, vector<16xi32>,
      %add3A_815 = arith.constant 1408 : i32
      %add3A_816 = arith.addi %mul3A_190, %add3A_815 : i32
      %add3A_817 = arith.constant 64 : i32
      %add3A_818 = arith.addi %add3A_816, %add3A_817 : i32
      %get3A_819 = arith.index_cast %add3A_818 : i32 to index
      %get3A_820 = tpu.vector_load %arg6[%get3A_819] {strides = array<i32>} : memref<16384xi32, #tpu.memory_space<vmem>>, vector<16xi32>,
      %add3A_821 = arith.constant 1408 : i32
      %add3A_822 = arith.addi %mul3A_190, %add3A_821 : i32
      %add3A_823 = arith.constant 80 : i32
      %add3A_824 = arith.addi %add3A_822, %add3A_823 : i32
      %get3A_825 = arith.index_cast %add3A_824 : i32 to index
      %get3A_826 = tpu.vector_load %arg6[%get3A_825] {strides = array<i32>} : memref<16384xi32, #tpu.memory_space<vmem>>, vector<16xi32>,
      %add3A_827 = arith.constant 1408 : i32
      %add3A_828 = arith.addi %mul3A_190, %add3A_827 : i32
      %add3A_829 = arith.constant 96 : i32
      %add3A_830 = arith.addi %add3A_828, %add3A_829 : i32
      %get3A_831 = arith.index_cast %add3A_830 : i32 to index
      %get3A_832 = tpu.vector_load %arg6[%get3A_831] {strides = array<i32>} : memref<16384xi32, #tpu.memory_space<vmem>>, vector<16xi32>,
      %add3A_833 = arith.constant 1408 : i32
      %add3A_834 = arith.addi %mul3A_190, %add3A_833 : i32
      %add3A_835 = arith.constant 112 : i32
      %add3A_836 = arith.addi %add3A_834, %add3A_835 : i32
      %get3A_837 = arith.index_cast %add3A_836 : i32 to index
      %get3A_838 = tpu.vector_load %arg6[%get3A_837] {strides = array<i32>} : memref<16384xi32, #tpu.memory_space<vmem>>, vector<16xi32>,
      %add3A_839 = arith.constant 1536 : i32
      %add3A_840 = arith.addi %mul3A_190, %add3A_839 : i32
      %add3A_841 = arith.constant 0 : i32
      %add3A_842 = arith.addi %add3A_840, %add3A_841 : i32
      %get3A_843 = arith.index_cast %add3A_842 : i32 to index
      %get3A_844 = tpu.vector_load %arg6[%get3A_843] {strides = array<i32>} : memref<16384xi32, #tpu.memory_space<vmem>>, vector<16xi32>,
      %add3A_845 = arith.constant 1536 : i32
      %add3A_846 = arith.addi %mul3A_190, %add3A_845 : i32
      %add3A_847 = arith.constant 16 : i32
      %add3A_848 = arith.addi %add3A_846, %add3A_847 : i32
      %get3A_849 = arith.index_cast %add3A_848 : i32 to index
      %get3A_850 = tpu.vector_load %arg6[%get3A_849] {strides = array<i32>} : memref<16384xi32, #tpu.memory_space<vmem>>, vector<16xi32>,
      %add3A_851 = arith.constant 1536 : i32
      %add3A_852 = arith.addi %mul3A_190, %add3A_851 : i32
      %add3A_853 = arith.constant 32 : i32
      %add3A_854 = arith.addi %add3A_852, %add3A_853 : i32
      %get3A_855 = arith.index_cast %add3A_854 : i32 to index
      %get3A_856 = tpu.vector_load %arg6[%get3A_855] {strides = array<i32>} : memref<16384xi32, #tpu.memory_space<vmem>>, vector<16xi32>,
      %add3A_857 = arith.constant 1536 : i32
      %add3A_858 = arith.addi %mul3A_190, %add3A_857 : i32
      %add3A_859 = arith.constant 48 : i32
      %add3A_860 = arith.addi %add3A_858, %add3A_859 : i32
      %get3A_861 = arith.index_cast %add3A_860 : i32 to index
      %get3A_862 = tpu.vector_load %arg6[%get3A_861] {strides = array<i32>} : memref<16384xi32, #tpu.memory_space<vmem>>, vector<16xi32>,
      %add3A_863 = arith.constant 1536 : i32
      %add3A_864 = arith.addi %mul3A_190, %add3A_863 : i32
      %add3A_865 = arith.constant 64 : i32
      %add3A_866 = arith.addi %add3A_864, %add3A_865 : i32
      %get3A_867 = arith.index_cast %add3A_866 : i32 to index
      %get3A_868 = tpu.vector_load %arg6[%get3A_867] {strides = array<i32>} : memref<16384xi32, #tpu.memory_space<vmem>>, vector<16xi32>,
      %add3A_869 = arith.constant 1536 : i32
      %add3A_870 = arith.addi %mul3A_190, %add3A_869 : i32
      %add3A_871 = arith.constant 80 : i32
      %add3A_872 = arith.addi %add3A_870, %add3A_871 : i32
      %get3A_873 = arith.index_cast %add3A_872 : i32 to index
      %get3A_874 = tpu.vector_load %arg6[%get3A_873] {strides = array<i32>} : memref<16384xi32, #tpu.memory_space<vmem>>, vector<16xi32>,
      %add3A_875 = arith.constant 1536 : i32
      %add3A_876 = arith.addi %mul3A_190, %add3A_875 : i32
      %add3A_877 = arith.constant 96 : i32
      %add3A_878 = arith.addi %add3A_876, %add3A_877 : i32
      %get3A_879 = arith.index_cast %add3A_878 : i32 to index
      %get3A_880 = tpu.vector_load %arg6[%get3A_879] {strides = array<i32>} : memref<16384xi32, #tpu.memory_space<vmem>>, vector<16xi32>,
      %add3A_881 = arith.constant 1536 : i32
      %add3A_882 = arith.addi %mul3A_190, %add3A_881 : i32
      %add3A_883 = arith.constant 112 : i32
      %add3A_884 = arith.addi %add3A_882, %add3A_883 : i32
      %get3A_885 = arith.index_cast %add3A_884 : i32 to index
      %get3A_886 = tpu.vector_load %arg6[%get3A_885] {strides = array<i32>} : memref<16384xi32, #tpu.memory_space<vmem>>, vector<16xi32>,
      %add3A_887 = arith.constant 1664 : i32
      %add3A_888 = arith.addi %mul3A_190, %add3A_887 : i32
      %add3A_889 = arith.constant 0 : i32
      %add3A_890 = arith.addi %add3A_888, %add3A_889 : i32
      %get3A_891 = arith.index_cast %add3A_890 : i32 to index
      %get3A_892 = tpu.vector_load %arg6[%get3A_891] {strides = array<i32>} : memref<16384xi32, #tpu.memory_space<vmem>>, vector<16xi32>,
      %add3A_893 = arith.constant 1664 : i32
      %add3A_894 = arith.addi %mul3A_190, %add3A_893 : i32
      %add3A_895 = arith.constant 16 : i32
      %add3A_896 = arith.addi %add3A_894, %add3A_895 : i32
      %get3A_897 = arith.index_cast %add3A_896 : i32 to index
      %get3A_898 = tpu.vector_load %arg6[%get3A_897] {strides = array<i32>} : memref<16384xi32, #tpu.memory_space<vmem>>, vector<16xi32>,
      %add3A_899 = arith.constant 1664 : i32
      %add3A_900 = arith.addi %mul3A_190, %add3A_899 : i32
      %add3A_901 = arith.constant 32 : i32
      %add3A_902 = arith.addi %add3A_900, %add3A_901 : i32
      %get3A_903 = arith.index_cast %add3A_902 : i32 to index
      %get3A_904 = tpu.vector_load %arg6[%get3A_903] {strides = array<i32>} : memref<16384xi32, #tpu.memory_space<vmem>>, vector<16xi32>,
      %add3A_905 = arith.constant 1664 : i32
      %add3A_906 = arith.addi %mul3A_190, %add3A_905 : i32
      %add3A_907 = arith.constant 48 : i32
      %add3A_908 = arith.addi %add3A_906, %add3A_907 : i32
      %get3A_909 = arith.index_cast %add3A_908 : i32 to index
      %get3A_910 = tpu.vector_load %arg6[%get3A_909] {strides = array<i32>} : memref<16384xi32, #tpu.memory_space<vmem>>, vector<16xi32>,
      %add3A_911 = arith.constant 1664 : i32
      %add3A_912 = arith.addi %mul3A_190, %add3A_911 : i32
      %add3A_913 = arith.constant 64 : i32
      %add3A_914 = arith.addi %add3A_912, %add3A_913 : i32
      %get3A_915 = arith.index_cast %add3A_914 : i32 to index
      %get3A_916 = tpu.vector_load %arg6[%get3A_915] {strides = array<i32>} : memref<16384xi32, #tpu.memory_space<vmem>>, vector<16xi32>,
      %add3A_917 = arith.constant 1664 : i32
      %add3A_918 = arith.addi %mul3A_190, %add3A_917 : i32
      %add3A_919 = arith.constant 80 : i32
      %add3A_920 = arith.addi %add3A_918, %add3A_919 : i32
      %get3A_921 = arith.index_cast %add3A_920 : i32 to index
      %get3A_922 = tpu.vector_load %arg6[%get3A_921] {strides = array<i32>} : memref<16384xi32, #tpu.memory_space<vmem>>, vector<16xi32>,
      %add3A_923 = arith.constant 1664 : i32
      %add3A_924 = arith.addi %mul3A_190, %add3A_923 : i32
      %add3A_925 = arith.constant 96 : i32
      %add3A_926 = arith.addi %add3A_924, %add3A_925 : i32
      %get3A_927 = arith.index_cast %add3A_926 : i32 to index
      %get3A_928 = tpu.vector_load %arg6[%get3A_927] {strides = array<i32>} : memref<16384xi32, #tpu.memory_space<vmem>>, vector<16xi32>,
      %add3A_929 = arith.constant 1664 : i32
      %add3A_930 = arith.addi %mul3A_190, %add3A_929 : i32
      %add3A_931 = arith.constant 112 : i32
      %add3A_932 = arith.addi %add3A_930, %add3A_931 : i32
      %get3A_933 = arith.index_cast %add3A_932 : i32 to index
      %get3A_934 = tpu.vector_load %arg6[%get3A_933] {strides = array<i32>} : memref<16384xi32, #tpu.memory_space<vmem>>, vector<16xi32>,
      %add3A_935 = arith.constant 1792 : i32
      %add3A_936 = arith.addi %mul3A_190, %add3A_935 : i32
      %add3A_937 = arith.constant 0 : i32
      %add3A_938 = arith.addi %add3A_936, %add3A_937 : i32
      %get3A_939 = arith.index_cast %add3A_938 : i32 to index
      %get3A_940 = tpu.vector_load %arg6[%get3A_939] {strides = array<i32>} : memref<16384xi32, #tpu.memory_space<vmem>>, vector<16xi32>,
      %add3A_941 = arith.constant 1792 : i32
      %add3A_942 = arith.addi %mul3A_190, %add3A_941 : i32
      %add3A_943 = arith.constant 16 : i32
      %add3A_944 = arith.addi %add3A_942, %add3A_943 : i32
      %get3A_945 = arith.index_cast %add3A_944 : i32 to index
      %get3A_946 = tpu.vector_load %arg6[%get3A_945] {strides = array<i32>} : memref<16384xi32, #tpu.memory_space<vmem>>, vector<16xi32>,
      %add3A_947 = arith.constant 1792 : i32
      %add3A_948 = arith.addi %mul3A_190, %add3A_947 : i32
      %add3A_949 = arith.constant 32 : i32
      %add3A_950 = arith.addi %add3A_948, %add3A_949 : i32
      %get3A_951 = arith.index_cast %add3A_950 : i32 to index
      %get3A_952 = tpu.vector_load %arg6[%get3A_951] {strides = array<i32>} : memref<16384xi32, #tpu.memory_space<vmem>>, vector<16xi32>,
      %add3A_953 = arith.constant 1792 : i32
      %add3A_954 = arith.addi %mul3A_190, %add3A_953 : i32
      %add3A_955 = arith.constant 48 : i32
      %add3A_956 = arith.addi %add3A_954, %add3A_955 : i32
      %get3A_957 = arith.index_cast %add3A_956 : i32 to index
      %get3A_958 = tpu.vector_load %arg6[%get3A_957] {strides = array<i32>} : memref<16384xi32, #tpu.memory_space<vmem>>, vector<16xi32>,
      %add3A_959 = arith.constant 1792 : i32
      %add3A_960 = arith.addi %mul3A_190, %add3A_959 : i32
      %add3A_961 = arith.constant 64 : i32
      %add3A_962 = arith.addi %add3A_960, %add3A_961 : i32
      %get3A_963 = arith.index_cast %add3A_962 : i32 to index
      %get3A_964 = tpu.vector_load %arg6[%get3A_963] {strides = array<i32>} : memref<16384xi32, #tpu.memory_space<vmem>>, vector<16xi32>,
      %add3A_965 = arith.constant 1792 : i32
      %add3A_966 = arith.addi %mul3A_190, %add3A_965 : i32
      %add3A_967 = arith.constant 80 : i32
      %add3A_968 = arith.addi %add3A_966, %add3A_967 : i32
      %get3A_969 = arith.index_cast %add3A_968 : i32 to index
      %get3A_970 = tpu.vector_load %arg6[%get3A_969] {strides = array<i32>} : memref<16384xi32, #tpu.memory_space<vmem>>, vector<16xi32>,
      %add3A_971 = arith.constant 1792 : i32
      %add3A_972 = arith.addi %mul3A_190, %add3A_971 : i32
      %add3A_973 = arith.constant 96 : i32
      %add3A_974 = arith.addi %add3A_972, %add3A_973 : i32
      %get3A_975 = arith.index_cast %add3A_974 : i32 to index
      %get3A_976 = tpu.vector_load %arg6[%get3A_975] {strides = array<i32>} : memref<16384xi32, #tpu.memory_space<vmem>>, vector<16xi32>,
      %add3A_977 = arith.constant 1792 : i32
      %add3A_978 = arith.addi %mul3A_190, %add3A_977 : i32
      %add3A_979 = arith.constant 112 : i32
      %add3A_980 = arith.addi %add3A_978, %add3A_979 : i32
      %get3A_981 = arith.index_cast %add3A_980 : i32 to index
      %get3A_982 = tpu.vector_load %arg6[%get3A_981] {strides = array<i32>} : memref<16384xi32, #tpu.memory_space<vmem>>, vector<16xi32>,
      %add3A_983 = arith.constant 1920 : i32
      %add3A_984 = arith.addi %mul3A_190, %add3A_983 : i32
      %add3A_985 = arith.constant 0 : i32
      %add3A_986 = arith.addi %add3A_984, %add3A_985 : i32
      %get3A_987 = arith.index_cast %add3A_986 : i32 to index
      %get3A_988 = tpu.vector_load %arg6[%get3A_987] {strides = array<i32>} : memref<16384xi32, #tpu.memory_space<vmem>>, vector<16xi32>,
      %add3A_989 = arith.constant 1920 : i32
      %add3A_990 = arith.addi %mul3A_190, %add3A_989 : i32
      %add3A_991 = arith.constant 16 : i32
      %add3A_992 = arith.addi %add3A_990, %add3A_991 : i32
      %get3A_993 = arith.index_cast %add3A_992 : i32 to index
      %get3A_994 = tpu.vector_load %arg6[%get3A_993] {strides = array<i32>} : memref<16384xi32, #tpu.memory_space<vmem>>, vector<16xi32>,
      %add3A_995 = arith.constant 1920 : i32
      %add3A_996 = arith.addi %mul3A_190, %add3A_995 : i32
      %add3A_997 = arith.constant 32 : i32
      %add3A_998 = arith.addi %add3A_996, %add3A_997 : i32
      %get3A_999 = arith.index_cast %add3A_998 : i32 to index
      %get3A_1000 = tpu.vector_load %arg6[%get3A_999] {strides = array<i32>} : memref<16384xi32, #tpu.memory_space<vmem>>, vector<16xi32>,
      %add3A_1001 = arith.constant 1920 : i32
      %add3A_1002 = arith.addi %mul3A_190, %add3A_1001 : i32
      %add3A_1003 = arith.constant 48 : i32
      %add3A_1004 = arith.addi %add3A_1002, %add3A_1003 : i32
      %get3A_1005 = arith.index_cast %add3A_1004 : i32 to index
      %get3A_1006 = tpu.vector_load %arg6[%get3A_1005] {strides = array<i32>} : memref<16384xi32, #tpu.memory_space<vmem>>, vector<16xi32>,
      %add3A_1007 = arith.constant 1920 : i32
      %add3A_1008 = arith.addi %mul3A_190, %add3A_1007 : i32
      %add3A_1009 = arith.constant 64 : i32
      %add3A_1010 = arith.addi %add3A_1008, %add3A_1009 : i32
      %get3A_1011 = arith.index_cast %add3A_1010 : i32 to index
      %get3A_1012 = tpu.vector_load %arg6[%get3A_1011] {strides = array<i32>} : memref<16384xi32, #tpu.memory_space<vmem>>, vector<16xi32>,
      %add3A_1013 = arith.constant 1920 : i32
      %add3A_1014 = arith.addi %mul3A_190, %add3A_1013 : i32
      %add3A_1015 = arith.constant 80 : i32
      %add3A_1016 = arith.addi %add3A_1014, %add3A_1015 : i32
      %get3A_1017 = arith.index_cast %add3A_1016 : i32 to index
      %get3A_1018 = tpu.vector_load %arg6[%get3A_1017] {strides = array<i32>} : memref<16384xi32, #tpu.memory_space<vmem>>, vector<16xi32>,
      %add3A_1019 = arith.constant 1920 : i32
      %add3A_1020 = arith.addi %mul3A_190, %add3A_1019 : i32
      %add3A_1021 = arith.constant 96 : i32
      %add3A_1022 = arith.addi %add3A_1020, %add3A_1021 : i32
      %get3A_1023 = arith.index_cast %add3A_1022 : i32 to index
      %get3A_1024 = tpu.vector_load %arg6[%get3A_1023] {strides = array<i32>} : memref<16384xi32, #tpu.memory_space<vmem>>, vector<16xi32>,
      %add3A_1025 = arith.constant 1920 : i32
      %add3A_1026 = arith.addi %mul3A_190, %add3A_1025 : i32
      %add3A_1027 = arith.constant 112 : i32
      %add3A_1028 = arith.addi %add3A_1026, %add3A_1027 : i32
      %get3A_1029 = arith.index_cast %add3A_1028 : i32 to index
      %get3A_1030 = tpu.vector_load %arg6[%get3A_1029] {strides = array<i32>} : memref<16384xi32, #tpu.memory_space<vmem>>, vector<16xi32>,
      %add3A_1031 = arith.addi %get3A_652, %get3A_658 : vector<16xi32>
      %add3A_1032 = arith.addi %get3A_700, %get3A_706 : vector<16xi32>
      %add3A_1033 = arith.addi %get3A_748, %get3A_754 : vector<16xi32>
      %add3A_1034 = arith.addi %get3A_796, %get3A_802 : vector<16xi32>
      %add3A_1035 = arith.addi %get3A_844, %get3A_850 : vector<16xi32>
      %add3A_1036 = arith.addi %get3A_892, %get3A_898 : vector<16xi32>
      %add3A_1037 = arith.addi %get3A_940, %get3A_946 : vector<16xi32>
      %add3A_1038 = arith.addi %get3A_988, %get3A_994 : vector<16xi32>
      %add3A_1039 = arith.addi %add3A_1031, %get3A_664 : vector<16xi32>
      %add3A_1040 = arith.addi %add3A_1032, %get3A_712 : vector<16xi32>
      %add3A_1041 = arith.addi %add3A_1033, %get3A_760 : vector<16xi32>
      %add3A_1042 = arith.addi %add3A_1034, %get3A_808 : vector<16xi32>
      %add3A_1043 = arith.addi %add3A_1035, %get3A_856 : vector<16xi32>
      %add3A_1044 = arith.addi %add3A_1036, %get3A_904 : vector<16xi32>
      %add3A_1045 = arith.addi %add3A_1037, %get3A_952 : vector<16xi32>
      %add3A_1046 = arith.addi %add3A_1038, %get3A_1000 : vector<16xi32>
      %add3A_1047 = arith.addi %add3A_1039, %get3A_670 : vector<16xi32>
      %add3A_1048 = arith.addi %add3A_1040, %get3A_718 : vector<16xi32>
      %add3A_1049 = arith.addi %add3A_1041, %get3A_766 : vector<16xi32>
      %add3A_1050 = arith.addi %add3A_1042, %get3A_814 : vector<16xi32>
      %add3A_1051 = arith.addi %add3A_1043, %get3A_862 : vector<16xi32>
      %add3A_1052 = arith.addi %add3A_1044, %get3A_910 : vector<16xi32>
      %add3A_1053 = arith.addi %add3A_1045, %get3A_958 : vector<16xi32>
      %add3A_1054 = arith.addi %add3A_1046, %get3A_1006 : vector<16xi32>
      %add3A_1055 = arith.addi %add3A_1047, %get3A_676 : vector<16xi32>
      %add3A_1056 = arith.addi %add3A_1048, %get3A_724 : vector<16xi32>
      %add3A_1057 = arith.addi %add3A_1049, %get3A_772 : vector<16xi32>
      %add3A_1058 = arith.addi %add3A_1050, %get3A_820 : vector<16xi32>
      %add3A_1059 = arith.addi %add3A_1051, %get3A_868 : vector<16xi32>
      %add3A_1060 = arith.addi %add3A_1052, %get3A_916 : vector<16xi32>
      %add3A_1061 = arith.addi %add3A_1053, %get3A_964 : vector<16xi32>
      %add3A_1062 = arith.addi %add3A_1054, %get3A_1012 : vector<16xi32>
      %add3A_1063 = arith.addi %add3A_1055, %get3A_682 : vector<16xi32>
      %add3A_1064 = arith.addi %add3A_1056, %get3A_730 : vector<16xi32>
      %add3A_1065 = arith.addi %add3A_1057, %get3A_778 : vector<16xi32>
      %add3A_1066 = arith.addi %add3A_1058, %get3A_826 : vector<16xi32>
      %add3A_1067 = arith.addi %add3A_1059, %get3A_874 : vector<16xi32>
      %add3A_1068 = arith.addi %add3A_1060, %get3A_922 : vector<16xi32>
      %add3A_1069 = arith.addi %add3A_1061, %get3A_970 : vector<16xi32>
      %add3A_1070 = arith.addi %add3A_1062, %get3A_1018 : vector<16xi32>
      %add3A_1071 = arith.addi %add3A_1063, %get3A_688 : vector<16xi32>
      %add3A_1072 = arith.addi %add3A_1064, %get3A_736 : vector<16xi32>
      %add3A_1073 = arith.addi %add3A_1065, %get3A_784 : vector<16xi32>
      %add3A_1074 = arith.addi %add3A_1066, %get3A_832 : vector<16xi32>
      %add3A_1075 = arith.addi %add3A_1067, %get3A_880 : vector<16xi32>
      %add3A_1076 = arith.addi %add3A_1068, %get3A_928 : vector<16xi32>
      %add3A_1077 = arith.addi %add3A_1069, %get3A_976 : vector<16xi32>
      %add3A_1078 = arith.addi %add3A_1070, %get3A_1024 : vector<16xi32>
      %add3A_1079 = arith.addi %add3A_1071, %get3A_694 : vector<16xi32>
      %add3A_1080 = arith.addi %add3A_1072, %get3A_742 : vector<16xi32>
      %add3A_1081 = arith.addi %add3A_1073, %get3A_790 : vector<16xi32>
      %add3A_1082 = arith.addi %add3A_1074, %get3A_838 : vector<16xi32>
      %add3A_1083 = arith.addi %add3A_1075, %get3A_886 : vector<16xi32>
      %add3A_1084 = arith.addi %add3A_1076, %get3A_934 : vector<16xi32>
      %add3A_1085 = arith.addi %add3A_1077, %get3A_982 : vector<16xi32>
      %add3A_1086 = arith.addi %add3A_1078, %get3A_1030 : vector<16xi32>
      %swap3A_1087 = arith.constant 136 : index
      %swap3A_1088 = tpu.vector_load %arg9[%swap3A_1087] {strides = array<i32>} : memref<272xi32, #tpu.memory_space<vmem>>, vector<16xi32>,
      tpu.vector_store %arg9[%swap3A_1087], %add3A_1079 {strides = array<i32>} : memref<272xi32, #tpu.memory_space<vmem>>, vector<16xi32>,
      %swap3A_1089 = arith.constant 153 : index
      %swap3A_1090 = tpu.vector_load %arg9[%swap3A_1089] {strides = array<i32>} : memref<272xi32, #tpu.memory_space<vmem>>, vector<16xi32>,
      tpu.vector_store %arg9[%swap3A_1089], %add3A_1080 {strides = array<i32>} : memref<272xi32, #tpu.memory_space<vmem>>, vector<16xi32>,
      %swap3A_1091 = arith.constant 170 : index
      %swap3A_1092 = tpu.vector_load %arg9[%swap3A_1091] {strides = array<i32>} : memref<272xi32, #tpu.memory_space<vmem>>, vector<16xi32>,
      tpu.vector_store %arg9[%swap3A_1091], %add3A_1081 {strides = array<i32>} : memref<272xi32, #tpu.memory_space<vmem>>, vector<16xi32>,
      %swap3A_1093 = arith.constant 187 : index
      %swap3A_1094 = tpu.vector_load %arg9[%swap3A_1093] {strides = array<i32>} : memref<272xi32, #tpu.memory_space<vmem>>, vector<16xi32>,
      tpu.vector_store %arg9[%swap3A_1093], %add3A_1082 {strides = array<i32>} : memref<272xi32, #tpu.memory_space<vmem>>, vector<16xi32>,
      %swap3A_1095 = arith.constant 204 : index
      %swap3A_1096 = tpu.vector_load %arg9[%swap3A_1095] {strides = array<i32>} : memref<272xi32, #tpu.memory_space<vmem>>, vector<16xi32>,
      tpu.vector_store %arg9[%swap3A_1095], %add3A_1083 {strides = array<i32>} : memref<272xi32, #tpu.memory_space<vmem>>, vector<16xi32>,
      %swap3A_1097 = arith.constant 221 : index
      %swap3A_1098 = tpu.vector_load %arg9[%swap3A_1097] {strides = array<i32>} : memref<272xi32, #tpu.memory_space<vmem>>, vector<16xi32>,
      tpu.vector_store %arg9[%swap3A_1097], %add3A_1084 {strides = array<i32>} : memref<272xi32, #tpu.memory_space<vmem>>, vector<16xi32>,
      %swap3A_1099 = arith.constant 238 : index
      %swap3A_1100 = tpu.vector_load %arg9[%swap3A_1099] {strides = array<i32>} : memref<272xi32, #tpu.memory_space<vmem>>, vector<16xi32>,
      tpu.vector_store %arg9[%swap3A_1099], %add3A_1085 {strides = array<i32>} : memref<272xi32, #tpu.memory_space<vmem>>, vector<16xi32>,
      %swap3A_1101 = arith.constant 255 : index
      %swap3A_1102 = tpu.vector_load %arg9[%swap3A_1101] {strides = array<i32>} : memref<272xi32, #tpu.memory_space<vmem>>, vector<16xi32>,
      tpu.vector_store %arg9[%swap3A_1101], %add3A_1086 {strides = array<i32>} : memref<272xi32, #tpu.memory_space<vmem>>, vector<16xi32>,
      %broadcast_in_dim3A_1103 = arith.constant 0 : i32
      %broadcast_in_dim3A_1104 = vector.broadcast %broadcast_in_dim3A_1103 : i32 to vector<16xi32>
      %gather3A_1105 = tpu.vector_load_idx %arg9[%mul3A_93] : memref<272xi32, #tpu.memory_space<vmem>>[vector<16xi32>], vector<16xi32>,
      %add3A_1106 = arith.addi %broadcast_in_dim3A_1104, %gather3A_1105 : vector<16xi32>
      %add3A_1107 = arith.addi %mul3A_93, %broadcast_in_dim3A_12 : vector<16xi32>
      %gather3A_1108 = tpu.vector_load_idx %arg9[%add3A_1107] : memref<272xi32, #tpu.memory_space<vmem>>[vector<16xi32>], vector<16xi32>,
      %add3A_1109 = arith.addi %add3A_1106, %gather3A_1108 : vector<16xi32>
      %add3A_1110 = arith.addi %add3A_1107, %broadcast_in_dim3A_12 : vector<16xi32>
      %gather3A_1111 = tpu.vector_load_idx %arg9[%add3A_1110] : memref<272xi32, #tpu.memory_space<vmem>>[vector<16xi32>], vector<16xi32>,
      %add3A_1112 = arith.addi %add3A_1109, %gather3A_1111 : vector<16xi32>
      %add3A_1113 = arith.addi %add3A_1110, %broadcast_in_dim3A_12 : vector<16xi32>
      %gather3A_1114 = tpu.vector_load_idx %arg9[%add3A_1113] : memref<272xi32, #tpu.memory_space<vmem>>[vector<16xi32>], vector<16xi32>,
      %add3A_1115 = arith.addi %add3A_1112, %gather3A_1114 : vector<16xi32>
      %add3A_1116 = arith.addi %add3A_1113, %broadcast_in_dim3A_12 : vector<16xi32>
      %gather3A_1117 = tpu.vector_load_idx %arg9[%add3A_1116] : memref<272xi32, #tpu.memory_space<vmem>>[vector<16xi32>], vector<16xi32>,
      %add3A_1118 = arith.addi %add3A_1115, %gather3A_1117 : vector<16xi32>
      %add3A_1119 = arith.addi %add3A_1116, %broadcast_in_dim3A_12 : vector<16xi32>
      %gather3A_1120 = tpu.vector_load_idx %arg9[%add3A_1119] : memref<272xi32, #tpu.memory_space<vmem>>[vector<16xi32>], vector<16xi32>,
      %add3A_1121 = arith.addi %add3A_1118, %gather3A_1120 : vector<16xi32>
      %add3A_1122 = arith.addi %add3A_1119, %broadcast_in_dim3A_12 : vector<16xi32>
      %gather3A_1123 = tpu.vector_load_idx %arg9[%add3A_1122] : memref<272xi32, #tpu.memory_space<vmem>>[vector<16xi32>], vector<16xi32>,
      %add3A_1124 = arith.addi %add3A_1121, %gather3A_1123 : vector<16xi32>
      %add3A_1125 = arith.addi %add3A_1122, %broadcast_in_dim3A_12 : vector<16xi32>
      %gather3A_1126 = tpu.vector_load_idx %arg9[%add3A_1125] : memref<272xi32, #tpu.memory_space<vmem>>[vector<16xi32>], vector<16xi32>,
      %add3A_1127 = arith.addi %add3A_1124, %gather3A_1126 : vector<16xi32>
      %add3A_1128 = arith.addi %add3A_1125, %broadcast_in_dim3A_12 : vector<16xi32>
      %gather3A_1129 = tpu.vector_load_idx %arg9[%add3A_1128] : memref<272xi32, #tpu.memory_space<vmem>>[vector<16xi32>], vector<16xi32>,
      %add3A_1130 = arith.addi %add3A_1127, %gather3A_1129 : vector<16xi32>
      %add3A_1131 = arith.addi %add3A_1128, %broadcast_in_dim3A_12 : vector<16xi32>
      %gather3A_1132 = tpu.vector_load_idx %arg9[%add3A_1131] : memref<272xi32, #tpu.memory_space<vmem>>[vector<16xi32>], vector<16xi32>,
      %add3A_1133 = arith.addi %add3A_1130, %gather3A_1132 : vector<16xi32>
      %add3A_1134 = arith.addi %add3A_1131, %broadcast_in_dim3A_12 : vector<16xi32>
      %gather3A_1135 = tpu.vector_load_idx %arg9[%add3A_1134] : memref<272xi32, #tpu.memory_space<vmem>>[vector<16xi32>], vector<16xi32>,
      %add3A_1136 = arith.addi %add3A_1133, %gather3A_1135 : vector<16xi32>
      %add3A_1137 = arith.addi %add3A_1134, %broadcast_in_dim3A_12 : vector<16xi32>
      %gather3A_1138 = tpu.vector_load_idx %arg9[%add3A_1137] : memref<272xi32, #tpu.memory_space<vmem>>[vector<16xi32>], vector<16xi32>,
      %add3A_1139 = arith.addi %add3A_1136, %gather3A_1138 : vector<16xi32>
      %add3A_1140 = arith.addi %add3A_1137, %broadcast_in_dim3A_12 : vector<16xi32>
      %gather3A_1141 = tpu.vector_load_idx %arg9[%add3A_1140] : memref<272xi32, #tpu.memory_space<vmem>>[vector<16xi32>], vector<16xi32>,
      %add3A_1142 = arith.addi %add3A_1139, %gather3A_1141 : vector<16xi32>
      %add3A_1143 = arith.addi %add3A_1140, %broadcast_in_dim3A_12 : vector<16xi32>
      %gather3A_1144 = tpu.vector_load_idx %arg9[%add3A_1143] : memref<272xi32, #tpu.memory_space<vmem>>[vector<16xi32>], vector<16xi32>,
      %add3A_1145 = arith.addi %add3A_1142, %gather3A_1144 : vector<16xi32>
      %add3A_1146 = arith.addi %add3A_1143, %broadcast_in_dim3A_12 : vector<16xi32>
      %gather3A_1147 = tpu.vector_load_idx %arg9[%add3A_1146] : memref<272xi32, #tpu.memory_space<vmem>>[vector<16xi32>], vector<16xi32>,
      %add3A_1148 = arith.addi %add3A_1145, %gather3A_1147 : vector<16xi32>
      %add3A_1149 = arith.addi %add3A_1146, %broadcast_in_dim3A_12 : vector<16xi32>
      %gather3A_1150 = tpu.vector_load_idx %arg9[%add3A_1149] : memref<272xi32, #tpu.memory_space<vmem>>[vector<16xi32>], vector<16xi32>,
      %add3A_1151 = arith.addi %add3A_1148, %gather3A_1150 : vector<16xi32>
      %add3A_1152 = arith.addi %add3A_1149, %broadcast_in_dim3A_12 : vector<16xi32>
      %eq3A = arith.cmpi eq, %add3A_1151, %add3A_85 : vector<16xi32>
      %select_n3A = arith.select %eq3A, %bitcast_convert_type3A, %broadcast_in_dim3A_90 : vector<16xi1>, vector<16xf32>
      %mul3A_1153 = arith.constant 16 : i32
      %mul3A_1154 = arith.muli %scan3A_188, %mul3A_1153 : i32
      %add3A_1155 = arith.constant 384 : i32
      %add3A_1156 = arith.addi %add3A_1155, %mul3A_1154 : i32
      %swap3A_1157 = arith.index_cast %add3A_1156 : i32 to index
      %swap3A_1158 = tpu.vector_load %arg7[%swap3A_1157] {strides = array<i32>} : memref<512xf32, #tpu.memory_space<vmem>>, vector<16xf32>,
      tpu.vector_store %arg7[%swap3A_1157], %select_n3A {strides = array<i32>} : memref<512xf32, #tpu.memory_space<vmem>>, vector<16xf32>,
    }
    %scan3A_155 = arith.constant 8 : i32
    %add3A_156 = arith.constant 384 : i32
    %add3A_157 = arith.addi %mul3A_2, %add3A_156 : i32
    %dma_start3A_158 = arith.constant 384 : i32
    %dma_start3A_159 = tpu.memref_slice %arg7[%dma_start3A_158] : memref<512xf32, #tpu.memory_space<vmem>> -> memref<128xf32, #tpu.memory_space<vmem>>
    %dma_start3A_160 = tpu.memref_slice %arg4[%add3A_157] : memref<16384xf32, #tpu.memory_space<hbm>> -> memref<128xf32, #tpu.memory_space<hbm>>
    %dma_start3A_161 = tpu.memref_slice %arg4[%add3A_157] : memref<16384xf32, #tpu.memory_space<hbm>> -> memref<128xf32, #tpu.memory_space<hbm>>
    %dma_start3A_162 = arith.constant 384 : i32
    %dma_start3A_163 = tpu.memref_slice %arg7[%dma_start3A_162] : memref<512xf32, #tpu.memory_space<vmem>> -> memref<128xf32, #tpu.memory_space<vmem>>
    tpu.enqueue_dma source(%dma_start3A_163 : memref<128xf32, #tpu.memory_space<vmem>>) target(%dma_start3A_161 : memref<128xf32, #tpu.memory_space<hbm>>) target_semaphore(%arg13 : memref<!tpu.dma_semaphore, #tpu.memory_space<semaphore_mem>>)
    %dma_wait3A_164 = arith.constant 0 : i32
    %dma_wait3A_165 = tpu.memref_slice %arg7[%dma_wait3A_164] : memref<512xf32, #tpu.memory_space<vmem>> -> memref<128xf32, #tpu.memory_space<vmem>>
    %dma_wait3A_166 = tpu.memref_slice %arg4[%add3A_105] : memref<16384xf32, #tpu.memory_space<hbm>> -> memref<128xf32, #tpu.memory_space<hbm>>
    %dma_wait3A_167 = tpu.memref_slice %arg4[%add3A_105] : memref<16384xf32, #tpu.memory_space<hbm>> -> memref<128xf32, #tpu.memory_space<hbm>>
    %dma_wait3A_168 = arith.constant 0 : i32
    %dma_wait3A_169 = tpu.memref_slice %arg7[%dma_wait3A_168] : memref<512xf32, #tpu.memory_space<vmem>> -> memref<128xf32, #tpu.memory_space<vmem>>
    tpu.wait_dma2 semaphore(%arg13 : memref<!tpu.dma_semaphore, #tpu.memory_space<semaphore_mem>>) src(%dma_wait3A_169 : memref<128xf32, #tpu.memory_space<vmem>>) dst(%dma_wait3A_167 : memref<128xf32, #tpu.memory_space<hbm>>)
    %dma_wait3A_170 = arith.constant 128 : i32
    %dma_wait3A_171 = tpu.memref_slice %arg7[%dma_wait3A_170] : memref<512xf32, #tpu.memory_space<vmem>> -> memref<128xf32, #tpu.memory_space<vmem>>
    %dma_wait3A_172 = tpu.memref_slice %arg4[%add3A_125] : memref<16384xf32, #tpu.memory_space<hbm>> -> memref<128xf32, #tpu.memory_space<hbm>>
    %dma_wait3A_173 = tpu.memref_slice %arg4[%add3A_125] : memref<16384xf32, #tpu.memory_space<hbm>> -> memref<128xf32, #tpu.memory_space<hbm>>
    %dma_wait3A_174 = arith.constant 128 : i32
    %dma_wait3A_175 = tpu.memref_slice %arg7[%dma_wait3A_174] : memref<512xf32, #tpu.memory_space<vmem>> -> memref<128xf32, #tpu.memory_space<vmem>>
    tpu.wait_dma2 semaphore(%arg13 : memref<!tpu.dma_semaphore, #tpu.memory_space<semaphore_mem>>) src(%dma_wait3A_175 : memref<128xf32, #tpu.memory_space<vmem>>) dst(%dma_wait3A_173 : memref<128xf32, #tpu.memory_space<hbm>>)
    %dma_wait3A_176 = arith.constant 256 : i32
    %dma_wait3A_177 = tpu.memref_slice %arg7[%dma_wait3A_176] : memref<512xf32, #tpu.memory_space<vmem>> -> memref<128xf32, #tpu.memory_space<vmem>>
    %dma_wait3A_178 = tpu.memref_slice %arg4[%add3A_141] : memref<16384xf32, #tpu.memory_space<hbm>> -> memref<128xf32, #tpu.memory_space<hbm>>
    %dma_wait3A_179 = tpu.memref_slice %arg4[%add3A_141] : memref<16384xf32, #tpu.memory_space<hbm>> -> memref<128xf32, #tpu.memory_space<hbm>>
    %dma_wait3A_180 = arith.constant 256 : i32
    %dma_wait3A_181 = tpu.memref_slice %arg7[%dma_wait3A_180] : memref<512xf32, #tpu.memory_space<vmem>> -> memref<128xf32, #tpu.memory_space<vmem>>
    tpu.wait_dma2 semaphore(%arg13 : memref<!tpu.dma_semaphore, #tpu.memory_space<semaphore_mem>>) src(%dma_wait3A_181 : memref<128xf32, #tpu.memory_space<vmem>>) dst(%dma_wait3A_179 : memref<128xf32, #tpu.memory_space<hbm>>)
    %dma_wait3A_182 = arith.constant 384 : i32
    %dma_wait3A_183 = tpu.memref_slice %arg7[%dma_wait3A_182] : memref<512xf32, #tpu.memory_space<vmem>> -> memref<128xf32, #tpu.memory_space<vmem>>
    %dma_wait3A_184 = tpu.memref_slice %arg4[%add3A_157] : memref<16384xf32, #tpu.memory_space<hbm>> -> memref<128xf32, #tpu.memory_space<hbm>>
    %dma_wait3A_185 = tpu.memref_slice %arg4[%add3A_157] : memref<16384xf32, #tpu.memory_space<hbm>> -> memref<128xf32, #tpu.memory_space<hbm>>
    %dma_wait3A_186 = arith.constant 384 : i32
    %dma_wait3A_187 = tpu.memref_slice %arg7[%dma_wait3A_186] : memref<512xf32, #tpu.memory_space<vmem>> -> memref<128xf32, #tpu.memory_space<vmem>>
    tpu.wait_dma2 semaphore(%arg13 : memref<!tpu.dma_semaphore, #tpu.memory_space<semaphore_mem>>) src(%dma_wait3A_187 : memref<128xf32, #tpu.memory_space<vmem>>) dst(%dma_wait3A_185 : memref<128xf32, #tpu.memory_space<hbm>>)
    return
  }
}

</mosaic_0001>

<sc_bundles>
// kernel: kernel.3.cloned.1.call-start
scs
__scs_entry_jumppad:
0x0: {  	(pc) =	sbr.rel $0x88, $3  }
0x1: {  	(tag) =	ssettag $0x0;
	lr =	simm.s32 $0x1  }
0x2: {  	[smem:$0x3F9E] =	sst lr;
	_ =	strace $0xD0000000  }
0x3: {  	_ = 	snop  }
0x4: {  	_ = 	snop  }
0x5: {  	_ = 	snop  }
0x6: {  	_ = 	snop  }
0x7: {  	_ = 	snop  }
__scs_overlays_trampoline_lowered:
0x8: {  	[smem:$0x3FAD] =	sst s0  }
0x9: {  	[smem:$0x3FAE] =	sst s1  }
0xa: {  	[smem:$0x3FAF] =	sst s2  }
0xb: {  	[smem:$0x3FB0] =	sst s3  }
0xc: {  	[smem:$0x3FB1] =	sst s4  }
0xd: {  	[smem:$0x3FB2] =	sst s5  }
0xe: {  	[smem:$0x3FB3] =	sst s6  }
0xf: {  	[smem:$0x3FB4] =	sst s7  }
0x10: {  	[smem:$0x3FB5] =	sst s8  }
0x11: {  	[smem:$0x3FB6] =	sst s9;
	s0 =	simm.s32 @!p0 $0x0  }
0x12: {  	s1 =	sld [smem:$0x3F9C];
	s0 =	simm.s32 @p0 $0x1  }
0x13: {  	[smem:$0x3FB7] =	sst s0;
	s0 =	simm.s32 @!p1 $0x0  }
0x14: {  	s2 =	sld [smem:$0x3F9B];
	s0 =	simm.s32 @p1 $0x1  }
0x15: {  	[smem:$0x3FB8] =	sst s0;
	s0 =	simm.s32 @!p2 $0x0  }
0x16: {  	s3 =	sld [smem:$0x3FDB];
	s0 =	simm.s32 @p2 $0x1  }
0x17: {  	s4 =	simm.s32 $0x1BF5;
	[smem:$0x3FBA] =	sst s0  }
0x18: {  	s0 =	sld [smem:$0x3F9D];
	_ =	swait.ge [sflag:s4], $0x0  }
0x19: {  	s7 =	sld [smem:$0x3F9E]  }
0x1a: {  	s8 =	sadd.s32 $0xFFFFE003, lr  }
0x1b: {  	s9 =	sadd.s32 $0xFFFFFEF7, lr;
	s5 =	simm.s32 $0xFFFFFFFF;
	p2 =	slt.u32 s8, $0xFFFFF086  }
0x1c: {  	p1 =	slt.u32 s9, $0xF7A;
	s5 =	simm.s32 @!p2 $0x0  }
0x1d: {  	s5 =	simm.s32 @p1 $0x1;
	p0 =	seq.s32 s7, s2  }
0x1e: {  	s7 =	smul.u32 @!p0 $0xF7A, s2;
	p2 =	seq.s32 @!p0 s5, $0x0  }
0x1f: {  	s9 =	smul.u32 $0xF7A, s1;
	s8 =	simm.s32 @!p0 $0x1BF5;
	p2 =	por !p2, p0  }
0x20: {  	[sflag:s8] =	ssyncset.s32 @!p0 $0xFFFFF086;
	s6 =	sadd.s32 @!p0 s3, s7;
	s7 =	simm.s32 @!p0 $0x108  }
0x21: {  	s3 =	sadd.s32 s3, s9;
	s6 =	sadd.s32 @!p0 $0x88, s6;
	s7 =	simm.s32 @p2 $0x1082  }
0x22: {  	[simem:s7], [sflag:s8] =	dma.local @!p0 [hbm:s6], $0xF7A  }
0x23: {  	s9 =	sor.u32 $0xD0000000, s2;
	s6 =	simm.s32 $0x108;
	_ =	swait.ge @!p0 [sflag:s8], $0x0  }
0x24: {  	s3 =	sadd.s32 $0x88, s3;
	s6 =	simm.s32 @!p1 $0x1082;
	[sflag:s4] =	ssyncset.s32 $0xFFFFF086  }
0x25: {  	[simem:s6], [sflag:s4] =	dma.local [hbm:s3], $0xF7A  }
0x26: {  	[smem:$0x3F9E] =	sst s1;
	(tag) =	ssettag s2;
	_ =	strace s9  }
0x27: {  	s1 =	sld [smem:$0x3FAE]  }
0x28: {  	s2 =	sld [smem:$0x3FAF]  }
0x29: {  	s4 =	sld [smem:$0x3FB1]  }
0x2a: {  	p0 =	seq.s32 s5, $0x0;
	s5 =	sld [smem:$0x3FB2]  }
0x2b: {  	s6 =	sld [smem:$0x3FB3]  }
0x2c: {  	s7 =	sld [smem:$0x3FB4]  }
0x2d: {  	s3 =	simm.s32 $0x108;
	s8 =	sld [smem:$0x3FB5]  }
0x2e: {  	s3 =	simm.s32 @!p0 $0x1082;
	s9 =	sld [smem:$0x3FB6]  }
0x2f: {  	lr =	sadd.s32 s0, s3;
	s0 =	sld [smem:$0x3FAD]  }
0x30: {  	s3 =	sld [smem:$0x3FB0]  }
0x31: {  	[smem:$0x3FB9] =	sst s10  }
0x32: {  	s10 =	sld [smem:$0x3FB7];
	_ =	sdelay $0x3  }
0x33: {  	p0 =	seq.s32 s10, $0x1;
	s10 =	sld [smem:$0x3FB9];
	_ =	sdelay $0x3  }
0x34: {  	[smem:$0x3FB9] =	sst s10  }
0x35: {  	s10 =	sld [smem:$0x3FB8];
	_ =	sdelay $0x3  }
0x36: {  	p1 =	seq.s32 s10, $0x1;
	s10 =	sld [smem:$0x3FB9];
	_ =	sdelay $0x3  }
0x37: {  	[smem:$0x3FB9] =	sst s10  }
0x38: {  	s10 =	sld [smem:$0x3FBA]  }
0x39: {  	_ = 	snop;
	(pc) =	sbr.ind lr, $3  }
0x3a: {  	_ = 	snop  }
0x3b: {  	_ = 	snop  }
0x3c: {  	p2 =	seq.s32 s10, $0x1;
	s10 =	sld [smem:$0x3FB9]  }
0x3d: {  	_ =	shalt  }
0x3e: {  	_ =	shalt  }
0x3f: {  	_ =	shalt  }
0x40: {  	_ =	shalt  }
0x41: {  	_ =	shalt  }
0x42: {  	_ =	shalt  }
0x43: {  	_ =	shalt  }
0x44: {  	_ =	shalt  }
0x45: {  	_ =	shalt  }
0x46: {  	_ =	shalt  }
0x47: {  	_ =	shalt  }
0x48: {  	_ =	shalt  }
0x49: {  	_ =	shalt  }
0x4a: {  	_ =	shalt  }
0x4b: {  	_ =	shalt  }
0x4c: {  	_ =	shalt  }
0x4d: {  	_ =	shalt  }
0x4e: {  	_ =	shalt  }
0x4f: {  	_ =	shalt  }
0x50: {  	_ =	shalt  }
0x51: {  	_ =	shalt  }
0x52: {  	_ =	shalt  }
0x53: {  	_ =	shalt  }
0x54: {  	_ =	shalt  }
0x55: {  	_ =	shalt  }
0x56: {  	_ =	shalt  }
0x57: {  	_ =	shalt  }
0x58: {  	_ =	shalt  }
0x59: {  	_ =	shalt  }
0x5a: {  	_ =	shalt  }
0x5b: {  	_ =	shalt  }
0x5c: {  	_ =	shalt  }
0x5d: {  	_ =	shalt  }
0x5e: {  	_ =	shalt  }
0x5f: {  	_ =	shalt  }
0x60: {  	_ =	shalt  }
0x61: {  	_ =	shalt  }
0x62: {  	_ =	shalt  }
0x63: {  	_ =	shalt  }
0x64: {  	_ =	shalt  }
0x65: {  	_ =	shalt  }
0x66: {  	_ =	shalt  }
0x67: {  	_ =	shalt  }
0x68: {  	_ =	shalt  }
0x69: {  	_ =	shalt  }
0x6a: {  	_ =	shalt  }
0x6b: {  	_ =	shalt  }
0x6c: {  	_ =	shalt  }
0x6d: {  	_ =	shalt  }
0x6e: {  	_ =	shalt  }
0x6f: {  	_ =	shalt  }
0x70: {  	_ =	shalt  }
0x71: {  	_ =	shalt  }
0x72: {  	_ =	shalt  }
0x73: {  	_ =	shalt  }
0x74: {  	_ =	shalt  }
0x75: {  	_ =	shalt  }
0x76: {  	_ =	shalt  }
0x77: {  	_ =	shalt  }
0x78: {  	_ =	shalt  }
0x79: {  	_ =	shalt  }
0x7a: {  	_ =	shalt  }
0x7b: {  	_ =	shalt  }
0x7c: {  	_ =	shalt  }
0x7d: {  	_ =	shalt  }
0x7e: {  	_ =	shalt  }
0x7f: {  	_ =	shalt  }
0x80: {  	_ =	shalt  }
0x81: {  	_ =	shalt  }
0x82: {  	_ =	shalt  }
0x83: {  	_ =	shalt  }
0x84: {  	_ =	shalt  }
0x85: {  	_ =	shalt  }
0x86: {  	_ =	shalt  }
0x87: {  	_ =	shalt  }
.Lfunc_end0:
.L_simem_size_0:
called_computation_lowered:
.L_overlay_start_0:
0x88: {  	s2 =	sld [smem:$0x3FD9]  }
0x89: {  	s3 =	sld [smem:$0x3FFE];
	_ =	sdelay $0x1  }
0x8a: {  	s1 =	srdreg.scid  }
0x8b: {  	s0 =	sand.u32 $0x1, s1  }
0x8c: {  	s17 =	sshll.u32 s0, $0xA;
	s2 =	sadd.s32 s3, s2  }
0x8d: {  	s2 =	sadd.s32 s2, s17  }
0x8e: {  	[smem:$0x3FC5] =	sst s2  }
0x8f: {  	_ = 	snop  }
0x90: {  	s2 =	sld [smem:$0x3FC9]  }
0x91: {  	s18 =	sld [smem:$0x3FD0];
	(tm) =	ssettm $0x1  }
0x92: {  	s4 =	sld [smem:$0x3FFB];
	_ =	sdelay $0x3  }
0x93: {  	_ =	strace s4  }
0x94: {  	s4 =	sld [smem:$0x3FFC];
	_ =	sdelay $0x3  }
0x95: {  	_ =	strace s4  }
0x96: {  	s4 =	sld [smem:$0x3FFD];
	_ =	sdelay $0x3  }
0x97: {  	_ =	strace s4  }
0x98: {  	_ =	strace $0x8FFFFFFF  }
0x99: {  	s19 =	sld [smem:$0x3FDB];
	_ =	sdelay $0x1  }
0x9a: {  	s5 =	simm.s32 $_scs_section_size  }
0x9b: {  	s6 =	simm.s32 $_size__tile_overlayer_lowered;
	s7 =	simm.s32 $_tile_overlayer_lowered  }
0x9c: {  	s22 =	simm.s32 $0x1BFF;
	s21 =	sshll.u32 s7, $0x1;
	s4 =	sadd.s32 s5, s19  }
0x9d: {  	s8 =	simm.s32 $0x0;
	s20 =	sshll.u32 s6, $0x1;
	s6 =	sadd.s32 s21, s4  }
0x9e: {  	[timem:s8], [sflag:s22] =	dma.local [hbm:s6], s20  }
0x9f: {  	_ =	swait.ge [sflag:s22], s20  }
0xa0: {  	s5 =	ssub.s32 $0x0, s20;
	[sflag:s22] =	ssyncset.done $0x0  }
0xa1: {  	[sflag:s22] =	ssyncadd.s32 s5;
	_ =	sdelay $0x1  }
0xa2: {  	s23 =	simm.s32 $0x1B8B  }
0xa3: {  	_ =	swait.ge [sflag:s23], $0x1  }
0xa4: {  	[sflag:s23] =	ssyncset.done $0x0  }
0xa5: {  	s25 =	simm.s32 $0x1B8E;
	s24 =	sld [smem:$0x3FFE];
	[sflag:s23] =	ssyncadd.s32 $0xFFFFFFFF  }
0xa6: {  	s26 =	simm.s32 $execute0_lowered;
	[smem:$0x3FD2] =	sst s25  }
0xa7: {  	s6 =	sshll.u32 s26, $0x1;
	_ =	strace $0x80000046;
	[dreg:$0x1] =	wrdreg $0xFFFFFFFF  }
0xa8: {  	s28 =	simm.s32 $_size_execute0_lowered;
	s4 =	sadd.s32 s4, s6;
	[dreg:$0x0] =	wrdreg $0x0  }
0xa9: {  	s6 =	sshll.u32 s28, $0x1;
	[dreg:$0x2] =	wrdreg s4  }
0xaa: {  	[dreg:$0x3] =	wrdreg s6  }
0xab: {  	[dreg:$0x4] =	wrdreg $0xC0  }
0xac: {  	_ =	task [dreg:s8], $0x5FFFF  }
0xad: {  	[dreg:$0x1] =	wrdreg $0xFFFFFFFF  }
0xae: {  	[dreg:$0x0] =	wrdreg $0x60  }
0xaf: {  	[dreg:$0x2] =	wrdreg s2  }
0xb0: {  	[dreg:$0x3] =	wrdreg s24  }
0xb1: {  	[dreg:$0x4] =	wrdreg s18  }
0xb2: {  	[dreg:$0x5] =	wrdreg $0x9  }
0xb3: {  	_ =	task.clear_ibuf [dreg:s8], $0x6FFFF;
	_ =	strace $0x90000046  }
0xb4: {  	s29 =	simm.s32 $0x9;
	_ =	strace $0x80000048  }
0xb5: {  	_ =	swait.ge [sflag:s29], $0x1  }
0xb6: {  	[sflag:s29] =	ssyncadd.s32 $0xFFFFFFFF  }
0xb7: {  	_ =	strace $0x90000048  }
0xb8: {  	_ =	sfence  }
0xb9: {  	s30 =	sld [smem:$0x0];
	_ =	sdelay $0x2  }
0xba: {  	s31 =	sshll.u32 s1, $0xD;
	s1 =	sshrl.u32 s1, $0x2  }
0xbb: {  	s3 =	sand.u32 $0x4000, s31;
	s1 =	sadd.s32 s1, s30  }
0xbc: {  	s0 =	sor.u32 s3, s0;
	s1 =	sshll.u32 s1, $0x11  }
0xbd: {  	s0 =	sor.u32 s1, s0  }
0xbe: {  	s0 =	sadd.s32 $0x8F2B, s0  }
0xbf: {  	[sflag:s0] =	ssyncadd.remote.s32 $0x1  }
0xc0: {  	_ =	sfence.sel $0xFFFF  }
0xc1: {  	[dreg:$0x0] =	wrdreg $0xFFFFFFFF;
	(pc) =	sbr.abs _section_cstart, $3  }
0xc2: {  	[dreg:$0x1] =	wrdreg $0xFFFFFFFF  }
0xc3: {  	_ =	task.clear_ibuf [dreg:s8], $0x2FFFF;
	_ =	strace $0x9FFFFFFF  }
0xc4: {  	(tm) =	ssettm $0x7FFFFFFF  }
0xc5: {  	_ =	shalt  }
tec
execute0_lowered:
.L_overlay_start_1:
0x0: {  	(tag) =	ssettag $0x1  }
0x1: {  	s4 =	rddreg [dreg:$0x0]  }
0x2: {  	s2 =	rddreg [dreg:$0x1]  }
0x3: {  	s6 =	rddreg [dreg:$0x2]  }
0x4: {  	s0 =	rddreg [dreg:$0x3];
	s5 =	srdreg.scid  }
0x5: {  	s1 =	stileid.u32;
	s3 =	simm.s32 $0x0;
	s13 =	simm.s32 $0x8200  }
0x6: {  	s14 =	simm.s32 $0x4000;
	s15 =	simm.s32 $0x3;
	s16 =	simm.s32 $0x8300  }
0x7: {  	s17 =	simm.s32 $0x1;
	s18 =	simm.s32 $0x8000;
	s19 =	simm.s32 $0x2  }
0x8: {  	v12 =	vlaneseq.u32;
	s20 =	simm.s32 $0x8080;
	s21 =	simm.s32 $0x8100;
	s22 =	simm.s32 $0x8180  }
0x9: {  	s23 =	simm.s32 $0x4;
	s5 =	sand.u32 $0x1, s5;
	s7 =	sshll.u32 s1, $0x1;
	v6 =	vmul.u32 $0x11, v12  }
0xa: {  	s24 =	simm.s32 $0x0;
	[smem:$0x7FF] =	sst s3;
	s7 =	sor.u32 s5, s7  }
0xb: {  	_ =	strace $0x80000047;
	s5 =	ssub.s32 $0x2, s5;
	s8 =	sshll.u32 s7, $0xD;
	v7 =	vadd.s32 $0x1, v6;
	v8 =	vadd.s32 $0x2, v6;
	v9 =	vadd.s32 $0x3, v6  }
0xc: {  	s9 =	sshrl.u32 s5, $0x1;
	s7 =	sshll.u32 s7, $0x6;
	v10 =	vadd.s32 $0x4, v6;
	v11 =	vadd.s32 $0x5, v6;
	v12 =	vadd.s32 $0x6, v6;
	s4 =	sadd.s32 s4, s8  }
0xd: {  	v13 =	vadd.s32 $0x7, v6;
	v14 =	vadd.s32 $0x8, v6;
	v37 =	vadd.s32 $0xE, v6;
	[tilespmem:$0x1FFD0] =	vst v6;
	s12 =	ssub.s32 s5, s9;
	s6 =	sadd.s32 s6, s7;
	s5 =	sadd.s32 $0x800, s4  }
0xe: {  	v15 =	vadd.s32 $0x9, v6;
	v16 =	vadd.s32 $0xA, v6;
	v38 =	vadd.s32 $0xF, v6;
	[tilespmem:$0x1FFE0] =	vst v37;
	s7 =	sadd.s32 $0x1000, s4;
	s8 =	sadd.s32 $0x1800, s4;
	s9 =	sadd.s32 $0x10, s6  }
0xf: {  	v17 =	vadd.s32 $0xB, v6;
	v18 =	vadd.s32 $0xC, v6;
	v19 =	vadd.s32 $0xD, v6;
	[tilespmem:$0x1FFF0] =	vst v38;
	s10 =	sadd.s32 $0x20, s6;
	s11 =	sadd.s32 $0x30, s6;
	s12 =	smax.u32 s12, $0x1  }
.LBB2_1:
0x10: {  	[tilespmem:s13], [sflag:$0x3] =	stream.linear.gather [hbm4b:s2+s3], $0x100, $0x38;
	[tilespmem:$0x8480] =	vst v63  }
0x11: {  	_ = 	snop  }
0x12: {  	[tilespmem:s3], [sflag:$0x1] =	stream.linear.gather [hbm4b:s4+s3], $0x4000, $0x38;
	[tilespmem:$0x8480] =	vst v63  }
0x13: {  	_ = 	snop  }
0x14: {  	[tilespmem:s14], [sflag:$0x2] =	stream.linear.gather [hbm4b:s5+s3], $0x4000, $0x38;
	[tilespmem:$0x8480] =	vst v63  }
0x15: {  	_ =	swait.ge [sflag:s15], $0x100  }
0x16: {  	[sflag:s15] =	ssyncset.done $0x0  }
0x17: {  	[sflag:s15] =	ssyncadd.s32 $0xFFFFFF00  }
0x18: {  	v31 =	vld [tilespmem:$0x8200]  }
0x19: {  	v32 =	vld [tilespmem:$0x8210]  }
0x1a: {  	v33 =	vld [tilespmem:$0x8220]  }
0x1b: {  	v34 =	vld [tilespmem:$0x8230]  }
0x1c: {  	v35 =	vld [tilespmem:$0x8240]  }
0x1d: {  	v36 =	vld [tilespmem:$0x8250]  }
0x1e: {  	v21 =	vld [tilespmem:$0x8260];
	v31 =	vadd.s32 v31, v32  }
0x1f: {  	v22 =	vld [tilespmem:$0x8270];
	v31 =	vadd.s32 v33, v31  }
0x20: {  	v31 =	vadd.s32 v34, v31  }
0x21: {  	v31 =	vadd.s32 v35, v31  }
0x22: {  	v0 =	vimm.s32 $0x1;
	v31 =	vadd.s32 v36, v31  }
0x23: {  	v24 =	vimm.s32 $0x2;
	v31 =	vadd.s32 v21, v31  }
0x24: {  	v26 =	vimm.s32 $0x3;
	v31 =	vadd.s32 v22, v31  }
0x25: {  	v40 =	vimm.s32 $0x4;
	v1 =	vld [tilespmem:$0x8280];
	[tilespmem:$0x8300] =	vst v31  }
0x26: {  	v42 =	vimm.s32 $0x5;
	v31 =	vld.msk [tilespmem:s16+$0x0], $0xffff  }
0x27: {  	v44 =	vimm.s32 $0x6;
	v23 =	vld.idx.msk [tilespmem:v0+s16+$0x0], $0xffff  }
0x28: {  	v46 =	vimm.s32 $0x7;
	v25 =	vld.idx.msk [tilespmem:v24+s16+$0x0], $0xffff  }
0x29: {  	v48 =	vimm.s32 $0x8;
	v27 =	vld.idx.msk [tilespmem:v26+s16+$0x0], $0xffff  }
0x2a: {  	v50 =	vimm.s32 $0x9;
	v41 =	vld.idx.msk [tilespmem:v40+s16+$0x0], $0xffff  }
0x2b: {  	v52 =	vimm.s32 $0xA;
	v43 =	vld.idx.msk [tilespmem:v42+s16+$0x0], $0xffff  }
0x2c: {  	v54 =	vimm.s32 $0xB;
	v45 =	vld.idx.msk [tilespmem:v44+s16+$0x0], $0xffff;
	v31 =	vadd.s32 v31, v23  }
0x2d: {  	v56 =	vimm.s32 $0xC;
	v47 =	vld.idx.msk [tilespmem:v46+s16+$0x0], $0xffff;
	v31 =	vadd.s32 v25, v31  }
0x2e: {  	v58 =	vimm.s32 $0xD;
	v49 =	vld.idx.msk [tilespmem:v48+s16+$0x0], $0xffff;
	v31 =	vadd.s32 v27, v31  }
0x2f: {  	v60 =	vimm.s32 $0xE;
	v51 =	vld.idx.msk [tilespmem:v50+s16+$0x0], $0xffff;
	v31 =	vadd.s32 v41, v31  }
0x30: {  	v62 =	vimm.s32 $0xF;
	v53 =	vld.idx.msk [tilespmem:v52+s16+$0x0], $0xffff;
	v31 =	vadd.s32 v43, v31  }
0x31: {  	v55 =	vld.idx.msk [tilespmem:v54+s16+$0x0], $0xffff;
	v31 =	vadd.s32 v45, v31  }
0x32: {  	v57 =	vld.idx.msk [tilespmem:v56+s16+$0x0], $0xffff;
	v31 =	vadd.s32 v47, v31  }
0x33: {  	v59 =	vld.idx.msk [tilespmem:v58+s16+$0x0], $0xffff;
	v31 =	vadd.s32 v49, v31  }
0x34: {  	v61 =	vld.idx.msk [tilespmem:v60+s16+$0x0], $0xffff;
	v31 =	vadd.s32 v51, v31  }
0x35: {  	v63 =	vld.idx.msk [tilespmem:v62+s16+$0x0], $0xffff;
	v31 =	vadd.s32 v53, v31  }
0x36: {  	v31 =	vadd.s32 v55, v31  }
0x37: {  	v32 =	vadd.s32 v57, v31  }
0x38: {  	v32 =	vadd.s32 v59, v32  }
0x39: {  	_ =	swait.ge [sflag:s17], $0x4000;
	v32 =	vadd.s32 v61, v32  }
0x3a: {  	[sflag:s17] =	ssyncset.done $0x0;
	[tilespmem:$0x1FFB0] =	vst v1;
	v2 =	vadd.s32 v63, v32  }
0x3b: {  	s25 =	simm.s32 $0x400;
	s26 =	simm.s32 $0x0;
	[sflag:s17] =	ssyncadd.s32 $0xFFFFC000;
	[tilespmem:$0x1FFC0] =	vst v2  }
.LBB2_2:
0x3c: {  	v33 =	vld [tilespmem:s25+$0xFFFFFC00]  }
0x3d: {  	v34 =	vld [tilespmem:s25+$0xFFFFFC10]  }
0x3e: {  	v35 =	vld [tilespmem:s25+$0xFFFFFC20]  }
0x3f: {  	v36 =	vld [tilespmem:s25+$0xFFFFFC30]  }
0x40: {  	v37 =	vld [tilespmem:s25+$0xFFFFFC40]  }
0x41: {  	v38 =	vld [tilespmem:s25+$0xFFFFFC50]  }
0x42: {  	v39 =	vld [tilespmem:s25+$0xFFFFFC60]  }
0x43: {  	v40 =	vld [tilespmem:s25+$0xFFFFFC70]  }
0x44: {  	v41 =	vld [tilespmem:s25+$0xFFFFFC80]  }
0x45: {  	v42 =	vld [tilespmem:s25+$0xFFFFFC90]  }
0x46: {  	v43 =	vld [tilespmem:s25+$0xFFFFFCA0]  }
0x47: {  	v44 =	vld [tilespmem:s25+$0xFFFFFCB0]  }
0x48: {  	v45 =	vld [tilespmem:s25+$0xFFFFFCC0]  }
0x49: {  	v46 =	vld [tilespmem:s25+$0xFFFFFCD0]  }
0x4a: {  	v47 =	vld [tilespmem:s25+$0xFFFFFCE0]  }
0x4b: {  	v48 =	vld [tilespmem:s25+$0xFFFFFCF0]  }
0x4c: {  	v49 =	vld [tilespmem:s25+$0xFFFFFD00]  }
0x4d: {  	v50 =	vld [tilespmem:s25+$0xFFFFFD10]  }
0x4e: {  	v51 =	vld [tilespmem:s25+$0xFFFFFD20]  }
0x4f: {  	v52 =	vld [tilespmem:s25+$0xFFFFFD30]  }
0x50: {  	v53 =	vld [tilespmem:s25+$0xFFFFFD40]  }
0x51: {  	v54 =	vld [tilespmem:s25+$0xFFFFFD50]  }
0x52: {  	v55 =	vld [tilespmem:s25+$0xFFFFFD60]  }
0x53: {  	v56 =	vld [tilespmem:s25+$0xFFFFFD70]  }
0x54: {  	v57 =	vld [tilespmem:s25+$0xFFFFFD80]  }
0x55: {  	v58 =	vld [tilespmem:s25+$0xFFFFFD90]  }
0x56: {  	v59 =	vld [tilespmem:s25+$0xFFFFFDA0]  }
0x57: {  	v60 =	vld [tilespmem:s25+$0xFFFFFDB0]  }
0x58: {  	v61 =	vld [tilespmem:s25+$0xFFFFFDC0]  }
0x59: {  	v62 =	vld [tilespmem:s25+$0xFFFFFDD0]  }
0x5a: {  	v63 =	vld [tilespmem:s25+$0xFFFFFDE0]  }
0x5b: {  	v0 =	vld [tilespmem:s25+$0xFFFFFDF0]  }
0x5c: {  	v1 =	vld [tilespmem:s25+$0xFFFFFE00]  }
0x5d: {  	v2 =	vld [tilespmem:s25+$0xFFFFFE10]  }
0x5e: {  	v3 =	vld [tilespmem:s25+$0xFFFFFE20]  }
0x5f: {  	v4 =	vld [tilespmem:s25+$0xFFFFFE30]  }
0x60: {  	v5 =	vld [tilespmem:s25+$0xFFFFFE40]  }
0x61: {  	v6 =	vld [tilespmem:s25+$0xFFFFFE50]  }
0x62: {  	v21 =	vmov v7;
	v7 =	vld [tilespmem:s25+$0xFFFFFE60]  }
0x63: {  	v22 =	vmov v8;
	v8 =	vld [tilespmem:s25+$0xFFFFFE70]  }
0x64: {  	v23 =	vmov v9;
	v9 =	vld [tilespmem:s25+$0xFFFFFE80]  }
0x65: {  	v24 =	vmov v10;
	v10 =	vld [tilespmem:s25+$0xFFFFFE90]  }
0x66: {  	v25 =	vmov v11;
	v11 =	vld [tilespmem:s25+$0xFFFFFEA0]  }
0x67: {  	v27 =	vmov v13;
	v13 =	vld [tilespmem:s25+$0xFFFFFEB0]  }
0x68: {  	v29 =	vmov v15;
	v15 =	vld [tilespmem:s25+$0xFFFFFF00]  }
0x69: {  	v26 =	vmov v12;
	v12 =	vld [tilespmem:s25+$0xFFFFFF10]  }
0x6a: {  	v30 =	vmov v16;
	v16 =	vld [tilespmem:s25+$0xFFFFFF80]  }
0x6b: {  	v31 =	vmov v17;
	v17 =	vld [tilespmem:s25+$0xFFFFFF90]  }
0x6c: {  	v28 =	vmov v14;
	v14 =	vld [tilespmem:s25+$0xFFFFFEC0]  }
0x6d: {  	v20 =	vmov v19;
	v19 =	vld [tilespmem:s25+$0xFFFFFF20]  }
0x6e: {  	v32 =	vmovc v18;
	v18 =	vld [tilespmem:s25+$0xFFFFFED0];
	v33 =	vadd.s32 v33, v34;
	v41 =	vadd.s32 v41, v42;
	v49 =	vadd.s32 v49, v50  }
0x6f: {  	v34 =	vld [tilespmem:s25+$0xFFFFFFA0];
	v50 =	vadd.s32 v57, v58;
	v1 =	vadd.s32 v1, v2;
	v9 =	vadd.s32 v9, v10  }
0x70: {  	v42 =	vld [tilespmem:s25+$0xFFFFFEE0];
	v10 =	vadd.s32 v15, v12;
	v12 =	vadd.s32 v16, v17;
	v16 =	vadd.s32 v35, v33  }
0x71: {  	v2 =	vld [tilespmem:s25+$0xFFFFFF30];
	v17 =	vadd.s32 v43, v41;
	v57 =	vadd.s32 v51, v49;
	v49 =	vadd.s32 v59, v50  }
0x72: {  	v15 =	vld [tilespmem:s25+$0xFFFFFFB0];
	v1 =	vadd.s32 v3, v1;
	v50 =	vadd.s32 v11, v9;
	v10 =	vadd.s32 v19, v10  }
0x73: {  	v58 =	vld [tilespmem:s25+$0xFFFFFEF0];
	v17 =	vadd.s32 v44, v17;
	v1 =	vadd.s32 v4, v1;
	v3 =	vadd.s32 v13, v50  }
0x74: {  	v9 =	vld [tilespmem:s25+$0xFFFFFF40];
	v19 =	vadd.s32 v52, v57;
	v1 =	vadd.s32 v5, v1;
	v3 =	vadd.s32 v14, v3  }
0x75: {  	v51 =	vadd.s32 v60, v49;
	v52 =	vld [tilespmem:s25+$0xFFFFFF50];
	v1 =	vadd.s32 v6, v1;
	v3 =	vadd.s32 v18, v3  }
0x76: {  	v4 =	vld [tilespmem:s25+$0xFFFFFF60];
	v11 =	vadd.s32 v34, v12;
	v12 =	vadd.s32 v36, v16;
	v2 =	vadd.s32 v2, v10  }
0x77: {  	v13 =	vld [tilespmem:s25+$0xFFFFFF70];
	v1 =	vadd.s32 v7, v1;
	v3 =	vadd.s32 v42, v3;
	v10 =	vadd.s32 v15, v11  }
0x78: {  	v16 =	vld [tilespmem:s25+$0xFFFFFFC0];
	v11 =	vadd.s32 v37, v12;
	v12 =	vadd.s32 v45, v17;
	v15 =	vadd.s32 v53, v19  }
0x79: {  	v5 =	vld [tilespmem:s25+$0xFFFFFFD0];
	v17 =	vadd.s32 v61, v51;
	v2 =	vadd.s32 v9, v2;
	v1 =	vadd.s32 v8, v1  }
0x7a: {  	v14 =	vld [tilespmem:s25+$0xFFFFFFF0];
	v3 =	vadd.s32 v58, v3;
	v9 =	vadd.s32 v38, v11;
	v12 =	vadd.s32 v46, v12  }
0x7b: {  	v11 =	vld [tilespmem:s25+$0xFFFFFFE0];
	v15 =	vadd.s32 v54, v15;
	v2 =	vadd.s32 v52, v2;
	[tilespmem:$0x8344] =	vst v1;
	v9 =	vadd.s32 v39, v9  }
0x7c: {  	[tilespmem:$0x8355] =	vst v3;
	v12 =	vadd.s32 v47, v12;
	v2 =	vadd.s32 v4, v2;
	v9 =	vadd.s32 v40, v9  }
0x7d: {  	v12 =	vadd.s32 v48, v12;
	v10 =	vadd.s32 v16, v10;
	v16 =	vadd.s32 v62, v17;
	[tilespmem:$0x8300] =	vst v9  }
0x7e: {  	v15 =	vadd.s32 v55, v15;
	v57 =	vadd.s32 v13, v2;
	[tilespmem:$0x8311] =	vst v12;
	v6 =	vadd.s32 v63, v16  }
0x7f: {  	v9 =	vadd.s32 v56, v15;
	[tilespmem:$0x8366] =	vst v57;
	v56 =	vadd.s32 v5, v10;
	v0 =	vadd.s32 v0, v6  }
0x80: {  	[tilespmem:$0x8333] =	vst v0;
	v0 =	vadd.s32 v11, v56  }
0x81: {  	[tilespmem:$0x8322] =	vst v9;
	v0 =	vadd.s32 v14, v0  }
0x82: {  	[tilespmem:$0x8377] =	vst v0  }
0x83: {  	v0 =	vld [tilespmem:s25+$0x0]  }
0x84: {  	v1 =	vld [tilespmem:s25+$0x10]  }
0x85: {  	v2 =	vld [tilespmem:s25+$0x20]  }
0x86: {  	v3 =	vld [tilespmem:s25+$0x30]  }
0x87: {  	v4 =	vld [tilespmem:s25+$0x40]  }
0x88: {  	v5 =	vld [tilespmem:s25+$0x50]  }
0x89: {  	v6 =	vld [tilespmem:s25+$0x60]  }
0x8a: {  	v7 =	vld [tilespmem:s25+$0x70]  }
0x8b: {  	v8 =	vld [tilespmem:s25+$0x80]  }
0x8c: {  	v9 =	vld [tilespmem:s25+$0x90]  }
0x8d: {  	v10 =	vld [tilespmem:s25+$0xA0]  }
0x8e: {  	v11 =	vld [tilespmem:s25+$0xB0]  }
0x8f: {  	v12 =	vld [tilespmem:s25+$0xC0]  }
0x90: {  	v13 =	vld [tilespmem:s25+$0xD0]  }
0x91: {  	v14 =	vld [tilespmem:s25+$0xE0]  }
0x92: {  	v15 =	vld [tilespmem:s25+$0xF0]  }
0x93: {  	v16 =	vld [tilespmem:s25+$0x100]  }
0x94: {  	v17 =	vld [tilespmem:s25+$0x110]  }
0x95: {  	v18 =	vld [tilespmem:s25+$0x120]  }
0x96: {  	v19 =	vld [tilespmem:s25+$0x130]  }
0x97: {  	v33 =	vld [tilespmem:s25+$0x140]  }
0x98: {  	v34 =	vld [tilespmem:s25+$0x150]  }
0x99: {  	v35 =	vld [tilespmem:s25+$0x160]  }
0x9a: {  	v36 =	vld [tilespmem:s25+$0x170]  }
0x9b: {  	v37 =	vld [tilespmem:s25+$0x180]  }
0x9c: {  	v38 =	vld [tilespmem:s25+$0x190]  }
0x9d: {  	v39 =	vld [tilespmem:s25+$0x1A0]  }
0x9e: {  	v40 =	vld [tilespmem:s25+$0x1B0]  }
0x9f: {  	v41 =	vld [tilespmem:s25+$0x1C0]  }
0xa0: {  	v42 =	vld [tilespmem:s25+$0x1D0]  }
0xa1: {  	v43 =	vld [tilespmem:s25+$0x1E0]  }
0xa2: {  	v44 =	vld [tilespmem:s25+$0x1F0]  }
0xa3: {  	v45 =	vld [tilespmem:s25+$0x200]  }
0xa4: {  	v46 =	vld [tilespmem:s25+$0x210]  }
0xa5: {  	v47 =	vld [tilespmem:s25+$0x220]  }
0xa6: {  	v48 =	vld [tilespmem:s25+$0x230]  }
0xa7: {  	v49 =	vld [tilespmem:s25+$0x240]  }
0xa8: {  	v50 =	vld [tilespmem:s25+$0x250]  }
0xa9: {  	v51 =	vld [tilespmem:s25+$0x260]  }
0xaa: {  	v52 =	vld [tilespmem:s25+$0x270]  }
0xab: {  	v53 =	vld [tilespmem:s25+$0x280]  }
0xac: {  	v54 =	vld [tilespmem:s25+$0x290]  }
0xad: {  	v55 =	vld [tilespmem:s25+$0x2A0]  }
0xae: {  	v56 =	vld [tilespmem:s25+$0x2B0]  }
0xaf: {  	v58 =	vld [tilespmem:s25+$0x300]  }
0xb0: {  	v59 =	vld [tilespmem:s25+$0x310]  }
0xb1: {  	v60 =	vld [tilespmem:s25+$0x380]  }
0xb2: {  	v61 =	vld [tilespmem:s25+$0x390]  }
0xb3: {  	v57 =	vld [tilespmem:s25+$0x2C0]  }
0xb4: {  	v63 =	vld [tilespmem:s25+$0x320];
	v0 =	vadd.s32 v0, v1  }
0xb5: {  	v62 =	vld [tilespmem:s25+$0x2D0];
	v1 =	vadd.s32 v8, v9;
	v9 =	vadd.s32 v16, v17;
	v16 =	vadd.s32 v37, v38  }
0xb6: {  	v8 =	vld [tilespmem:s25+$0x3A0];
	v17 =	vadd.s32 v45, v46;
	v38 =	vadd.s32 v53, v54;
	v58 =	vadd.s32 v58, v59  }
0xb7: {  	v37 =	vld [tilespmem:s25+$0x2E0];
	v59 =	vadd.s32 v60, v61;
	v0 =	vadd.s32 v2, v0;
	v1 =	vadd.s32 v10, v1  }
0xb8: {  	v60 =	vld [tilespmem:s25+$0x330];
	v61 =	vadd.s32 v18, v9;
	v10 =	vadd.s32 v39, v16;
	v16 =	vadd.s32 v47, v17  }
0xb9: {  	v45 =	vld [tilespmem:s25+$0x340];
	v17 =	vadd.s32 v55, v38;
	v63 =	vadd.s32 v63, v58;
	v0 =	vadd.s32 v3, v0  }
0xba: {  	v9 =	vld [tilespmem:s25+$0x3B0];
	v1 =	vadd.s32 v11, v1;
	v2 =	vadd.s32 v19, v61;
	v10 =	vadd.s32 v40, v10  }
0xbb: {  	v46 =	vld [tilespmem:s25+$0x350];
	v16 =	vadd.s32 v48, v16;
	v17 =	vadd.s32 v56, v17;
	v0 =	vadd.s32 v4, v0  }
0xbc: {  	v11 =	vld [tilespmem:s25+$0x3C0];
	v1 =	vadd.s32 v12, v1;
	v2 =	vadd.s32 v33, v2;
	v0 =	vadd.s32 v5, v0  }
0xbd: {  	v5 =	vld [tilespmem:s25+$0x3D0];
	v1 =	vadd.s32 v13, v1;
	v2 =	vadd.s32 v34, v2;
	v8 =	vadd.s32 v8, v59  }
0xbe: {  	v19 =	vadd.s32 v60, v63;
	v0 =	vadd.s32 v6, v0;
	v6 =	vld [tilespmem:s25+$0x3E0];
	v1 =	vadd.s32 v14, v1  }
0xbf: {  	v18 =	vld [tilespmem:s25+$0x2F0];
	v2 =	vadd.s32 v35, v2;
	v8 =	vadd.s32 v9, v8;
	v9 =	vadd.s32 v41, v10  }
0xc0: {  	v4 =	vld [tilespmem:s25+$0x360];
	v10 =	vadd.s32 v49, v16;
	v16 =	vadd.s32 v57, v17;
	v3 =	vadd.s32 v45, v19  }
0xc1: {  	v12 =	vld [tilespmem:s25+$0x370];
	v0 =	vadd.s32 v7, v0;
	v1 =	vadd.s32 v15, v1;
	v8 =	vadd.s32 v11, v8  }
0xc2: {  	v7 =	vld [tilespmem:s25+$0x3F0];
	v2 =	vadd.s32 v36, v2;
	v9 =	vadd.s32 v42, v9;
	[tilespmem:$0x8388] =	vst v0;
	v53 =	vadd.s32 v5, v8  }
0xc3: {  	v47 =	vadd.s32 v50, v10;
	[tilespmem:$0x8399] =	vst v1;
	v9 =	vadd.s32 v43, v9;
	v54 =	vadd.s32 v6, v53;
	v6 =	vld [tilespmem:$0x1FFD0]  }
0xc4: {  	v48 =	vadd.s32 v62, v16;
	[tilespmem:$0x83AA] =	vst v2;
	v0 =	vadd.s32 v51, v47;
	v9 =	vadd.s32 v44, v9  }
0xc5: {  	v49 =	vadd.s32 v46, v3;
	v1 =	vadd.s32 v37, v48;
	v0 =	vadd.s32 v52, v0;
	[tilespmem:$0x83BB] =	vst v9  }
0xc6: {  	v2 =	vadd.s32 v4, v49;
	v1 =	vadd.s32 v18, v1;
	[tilespmem:$0x83CC] =	vst v0  }
0xc7: {  	v2 =	vadd.s32 v12, v2;
	[tilespmem:$0x83DD] =	vst v1  }
0xc8: {  	v50 =	vld [tilespmem:$0x1FFF0];
	[tilespmem:$0x83EE] =	vst v2;
	v0 =	vadd.s32 v7, v54  }
0xc9: {  	v51 =	vld [tilespmem:$0x1FFE0];
	[tilespmem:$0x83FF] =	vst v0  }
0xca: {  	v1 =	vld.idx.msk [tilespmem:v21+s16+$0x0], $0xffff  }
0xcb: {  	v0 =	vld.idx.msk [tilespmem:v6+s16+$0x0], $0xffff  }
0xcc: {  	v2 =	vld.idx.msk [tilespmem:v22+s16+$0x0], $0xffff  }
0xcd: {  	v55 =	vld.idx.msk [tilespmem:v23+s16+$0x0], $0xffff  }
0xce: {  	v4 =	vld.idx.msk [tilespmem:v24+s16+$0x0], $0xffff  }
0xcf: {  	v5 =	vld.idx.msk [tilespmem:v25+s16+$0x0], $0xffff  }
0xd0: {  	v56 =	vld.idx.msk [tilespmem:v26+s16+$0x0], $0xffff;
	v0 =	vadd.s32 v0, v1  }
0xd1: {  	v57 =	vld.idx.msk [tilespmem:v27+s16+$0x0], $0xffff;
	v0 =	vadd.s32 v2, v0  }
0xd2: {  	v58 =	vld.idx.msk [tilespmem:v28+s16+$0x0], $0xffff;
	v0 =	vadd.s32 v55, v0  }
0xd3: {  	v0 =	vadd.s32 v4, v0;
	v4 =	vld.idx.msk [tilespmem:v29+s16+$0x0], $0xffff  }
0xd4: {  	v0 =	vadd.s32 v5, v0;
	v5 =	vld.idx.msk [tilespmem:v30+s16+$0x0], $0xffff  }
0xd5: {  	v59 =	vld.idx.msk [tilespmem:v31+s16+$0x0], $0xffff;
	v0 =	vadd.s32 v56, v0  }
0xd6: {  	v60 =	vld.idx.msk [tilespmem:v32+s16+$0x0], $0xffff;
	v0 =	vadd.s32 v57, v0  }
0xd7: {  	v61 =	vld.idx.msk [tilespmem:v20+s16+$0x0], $0xffff;
	v0 =	vadd.s32 v58, v0  }
0xd8: {  	v0 =	vadd.s32 v4, v0;
	v4 =	vld.idx.msk [tilespmem:v51+s16+$0x0], $0xffff  }
0xd9: {  	v0 =	vadd.s32 v5, v0;
	v5 =	vld.idx.msk [tilespmem:v50+s16+$0x0], $0xffff  }
0xda: {  	v63 =	vld [tilespmem:$0x1FFC0];
	v0 =	vadd.s32 v59, v0  }
0xdb: {  	v62 =	vld [tilespmem:$0x1FFB0];
	v0 =	vadd.s32 v60, v0  }
0xdc: {  	p0 =	sne.s32 s26, $0x1C0;
	v0 =	vadd.s32 v61, v0  }
.Ltmp0:
0xdd: {  	v0 =	vadd.s32 v4, v0;
	(pc) =	sbr.rel @p0 .LBB2_2-.Ltmp0, $4  }
0xde: {  	v0 =	vadd.s32 v5, v0  }
0xdf: {  	v13 =	vmovc v27;
	v14 =	vmovc v28;
	v17 =	vmov v31;
	v15 =	vmov v29;
	vm0 =	veq.s32 v0, v63  }
0xe0: {  	s28 =	sshra.s32 s26, $0x2;
	v11 =	vmovc v25;
	v19 =	vmovc v20;
	v10 =	vmov v24;
	v16 =	vmov v30;
	v0 =	vnsel vm0, $0xFF800000, v62  }
0xe1: {  	s26 =	sadd.s32 $0x40, s26;
	s25 =	sadd.s32 $0x800, s25;
	v18 =	vmovc v32;
	v12 =	vmovc v26;
	v8 =	vmov v22;
	v7 =	vmov v21;
	v9 =	vmov v23;
	[tilespmem:s28+$0x8000] =	vst v0  }
0xe2: {  	s25 =	simm.s32 $0x0  }
0xe3: {  	[tilespmem:s25], [sflag:$0x1] =	stream.linear.gather [hbm4b:s7+s25], $0x4000, $0x38;
	[tilespmem:$0x8480] =	vst v63  }
0xe4: {  	_ = 	snop  }
0xe5: {  	[hbm4b:s6+s25] =	stream.linear.scatter [tilespmem:s18], [sflag:$0x4], $0x80, $0x38;
	[tilespmem:$0x8480] =	vst v63  }
0xe6: {  	_ =	swait.ge [sflag:s19], $0x4000  }
0xe7: {  	[sflag:s19] =	ssyncset.done $0x0  }
0xe8: {  	s26 =	simm.s32 $0x4400;
	[sflag:s19] =	ssyncadd.s32 $0xFFFFC000  }
.LBB2_4:
0xe9: {  	v0 =	vld [tilespmem:s26+$0xFFFFFC00]  }
0xea: {  	v1 =	vld [tilespmem:s26+$0xFFFFFC10]  }
0xeb: {  	v2 =	vld [tilespmem:s26+$0xFFFFFC20]  }
0xec: {  	v3 =	vld [tilespmem:s26+$0xFFFFFC30]  }
0xed: {  	v4 =	vld [tilespmem:s26+$0xFFFFFC40]  }
0xee: {  	v5 =	vld [tilespmem:s26+$0xFFFFFC50]  }
0xef: {  	v6 =	vld [tilespmem:s26+$0xFFFFFC60]  }
0xf0: {  	v7 =	vld [tilespmem:s26+$0xFFFFFC70]  }
0xf1: {  	v8 =	vld [tilespmem:s26+$0xFFFFFC80]  }
0xf2: {  	v9 =	vld [tilespmem:s26+$0xFFFFFC90]  }
0xf3: {  	v10 =	vld [tilespmem:s26+$0xFFFFFCA0]  }
0xf4: {  	v11 =	vld [tilespmem:s26+$0xFFFFFCB0]  }
0xf5: {  	v12 =	vld [tilespmem:s26+$0xFFFFFCC0]  }
0xf6: {  	v13 =	vld [tilespmem:s26+$0xFFFFFCD0]  }
0xf7: {  	v14 =	vld [tilespmem:s26+$0xFFFFFCE0]  }
0xf8: {  	v15 =	vld [tilespmem:s26+$0xFFFFFCF0]  }
0xf9: {  	v16 =	vld [tilespmem:s26+$0xFFFFFD00]  }
0xfa: {  	v17 =	vld [tilespmem:s26+$0xFFFFFD10]  }
0xfb: {  	v18 =	vld [tilespmem:s26+$0xFFFFFD20]  }
0xfc: {  	v19 =	vld [tilespmem:s26+$0xFFFFFD30]  }
0xfd: {  	v33 =	vld [tilespmem:s26+$0xFFFFFD40]  }
0xfe: {  	v34 =	vld [tilespmem:s26+$0xFFFFFD50]  }
0xff: {  	v35 =	vld [tilespmem:s26+$0xFFFFFD60]  }
0x100: {  	v36 =	vld [tilespmem:s26+$0xFFFFFD70]  }
0x101: {  	v37 =	vld [tilespmem:s26+$0xFFFFFD80]  }
0x102: {  	v38 =	vld [tilespmem:s26+$0xFFFFFD90]  }
0x103: {  	v39 =	vld [tilespmem:s26+$0xFFFFFDA0]  }
0x104: {  	v40 =	vld [tilespmem:s26+$0xFFFFFDB0]  }
0x105: {  	v41 =	vld [tilespmem:s26+$0xFFFFFDC0]  }
0x106: {  	v42 =	vld [tilespmem:s26+$0xFFFFFDD0]  }
0x107: {  	v43 =	vld [tilespmem:s26+$0xFFFFFDE0]  }
0x108: {  	v44 =	vld [tilespmem:s26+$0xFFFFFDF0]  }
0x109: {  	v45 =	vld [tilespmem:s26+$0xFFFFFE00]  }
0x10a: {  	v46 =	vld [tilespmem:s26+$0xFFFFFE10]  }
0x10b: {  	v47 =	vld [tilespmem:s26+$0xFFFFFE20]  }
0x10c: {  	v48 =	vld [tilespmem:s26+$0xFFFFFE30]  }
0x10d: {  	v49 =	vld [tilespmem:s26+$0xFFFFFE40]  }
0x10e: {  	v50 =	vld [tilespmem:s26+$0xFFFFFE50]  }
0x10f: {  	v51 =	vld [tilespmem:s26+$0xFFFFFE60]  }
0x110: {  	v52 =	vld [tilespmem:s26+$0xFFFFFE70]  }
0x111: {  	v53 =	vld [tilespmem:s26+$0xFFFFFE80]  }
0x112: {  	v54 =	vld [tilespmem:s26+$0xFFFFFE90]  }
0x113: {  	v55 =	vld [tilespmem:s26+$0xFFFFFEA0]  }
0x114: {  	v56 =	vld [tilespmem:s26+$0xFFFFFEB0]  }
0x115: {  	v58 =	vld [tilespmem:s26+$0xFFFFFF00]  }
0x116: {  	v59 =	vld [tilespmem:s26+$0xFFFFFF10]  }
0x117: {  	v60 =	vld [tilespmem:s26+$0xFFFFFF80]  }
0x118: {  	v61 =	vld [tilespmem:s26+$0xFFFFFF90]  }
0x119: {  	v57 =	vld [tilespmem:s26+$0xFFFFFEC0]  }
0x11a: {  	v62 =	vld [tilespmem:s26+$0xFFFFFED0]  }
0x11b: {  	v63 =	vld [tilespmem:s26+$0xFFFFFF20];
	v0 =	vadd.s32 v0, v1;
	v8 =	vadd.s32 v8, v9  }
0x11c: {  	v1 =	vld [tilespmem:s26+$0xFFFFFFA0];
	v16 =	vadd.s32 v16, v17;
	v17 =	vadd.s32 v37, v38;
	v37 =	vadd.s32 v45, v46  }
0x11d: {  	v9 =	vld [tilespmem:s26+$0xFFFFFEE0];
	v45 =	vadd.s32 v53, v54;
	v58 =	vadd.s32 v58, v59;
	v59 =	vadd.s32 v60, v61  }
0x11e: {  	v38 =	vld [tilespmem:s26+$0xFFFFFF30];
	v0 =	vadd.s32 v2, v0;
	v2 =	vadd.s32 v10, v8;
	v60 =	vadd.s32 v18, v16  }
0x11f: {  	v54 =	vld [tilespmem:s26+$0xFFFFFFB0];
	v61 =	vadd.s32 v39, v17;
	v47 =	vadd.s32 v47, v37;
	v18 =	vadd.s32 v55, v45  }
0x120: {  	v46 =	vld [tilespmem:s26+$0xFFFFFFE0];
	v58 =	vadd.s32 v63, v58;
	v0 =	vadd.s32 v3, v0;
	v2 =	vadd.s32 v11, v2  }
0x121: {  	v10 =	vld [tilespmem:s26+$0xFFFFFEF0];
	v8 =	vadd.s32 v19, v60;
	v60 =	vadd.s32 v40, v61;
	v17 =	vadd.s32 v48, v47  }
0x122: {  	v55 =	vld [tilespmem:s26+$0xFFFFFF40];
	v18 =	vadd.s32 v56, v18;
	v0 =	vadd.s32 v4, v0;
	v2 =	vadd.s32 v12, v2  }
0x123: {  	v63 =	vld [tilespmem:s26+$0xFFFFFF60];
	v8 =	vadd.s32 v33, v8;
	v11 =	vadd.s32 v41, v60;
	v41 =	vadd.s32 v49, v17  }
0x124: {  	v45 =	vld [tilespmem:s26+$0xFFFFFFD0];
	v18 =	vadd.s32 v57, v18;
	v0 =	vadd.s32 v5, v0;
	v2 =	vadd.s32 v13, v2  }
0x125: {  	v61 =	vld [tilespmem:s26+$0xFFFFFF50];
	v48 =	vadd.s32 v34, v8;
	v49 =	vadd.s32 v42, v11;
	v53 =	vadd.s32 v50, v41  }
0x126: {  	v1 =	vadd.s32 v1, v59;
	v59 =	vld [tilespmem:s26+$0xFFFFFFC0];
	v19 =	vadd.s32 v38, v58;
	v0 =	vadd.s32 v6, v0  }
0x127: {  	v40 =	vld [tilespmem:s26+$0xFFFFFF70];
	v2 =	vadd.s32 v14, v2;
	v6 =	vadd.s32 v35, v48;
	v0 =	vadd.s32 v7, v0  }
0x128: {  	v47 =	vld [tilespmem:s26+$0xFFFFFFF0];
	v1 =	vadd.s32 v54, v1;
	v19 =	vadd.s32 v55, v19;
	v2 =	vadd.s32 v15, v2;
	[tilespmem:$0x8300] =	vst v0  }
0x129: {  	v7 =	vadd.s32 v43, v49;
	v6 =	vadd.s32 v36, v6;
	v54 =	vadd.s32 v62, v18;
	[tilespmem:$0x8311] =	vst v2  }
0x12a: {  	v0 =	vadd.s32 v51, v53;
	v7 =	vadd.s32 v44, v7;
	[tilespmem:$0x8322] =	vst v6;
	v55 =	vadd.s32 v61, v19  }
0x12b: {  	v2 =	vadd.s32 v9, v54;
	v0 =	vadd.s32 v52, v0;
	[tilespmem:$0x8333] =	vst v7;
	v1 =	vadd.s32 v59, v1  }
0x12c: {  	v6 =	vadd.s32 v63, v55;
	v2 =	vadd.s32 v10, v2;
	[tilespmem:$0x8344] =	vst v0;
	v1 =	vadd.s32 v45, v1  }
0x12d: {  	v57 =	vadd.s32 v40, v6;
	[tilespmem:$0x8355] =	vst v2;
	v56 =	vadd.s32 v46, v1  }
0x12e: {  	[tilespmem:$0x8366] =	vst v57;
	v0 =	vadd.s32 v47, v56  }
0x12f: {  	[tilespmem:$0x8377] =	vst v0  }
0x130: {  	v0 =	vld [tilespmem:s26+$0x0]  }
0x131: {  	v1 =	vld [tilespmem:s26+$0x10]  }
0x132: {  	v2 =	vld [tilespmem:s26+$0x20]  }
0x133: {  	v3 =	vld [tilespmem:s26+$0x30]  }
0x134: {  	v4 =	vld [tilespmem:s26+$0x40]  }
0x135: {  	v5 =	vld [tilespmem:s26+$0x50]  }
0x136: {  	v6 =	vld [tilespmem:s26+$0x60]  }
0x137: {  	v7 =	vld [tilespmem:s26+$0x70]  }
0x138: {  	v8 =	vld [tilespmem:s26+$0x80]  }
0x139: {  	v9 =	vld [tilespmem:s26+$0x90]  }
0x13a: {  	v10 =	vld [tilespmem:s26+$0xA0]  }
0x13b: {  	v11 =	vld [tilespmem:s26+$0xB0]  }
0x13c: {  	v12 =	vld [tilespmem:s26+$0xC0]  }
0x13d: {  	v13 =	vld [tilespmem:s26+$0xD0]  }
0x13e: {  	v14 =	vld [tilespmem:s26+$0xE0]  }
0x13f: {  	v15 =	vld [tilespmem:s26+$0xF0]  }
0x140: {  	v16 =	vld [tilespmem:s26+$0x100]  }
0x141: {  	v17 =	vld [tilespmem:s26+$0x110]  }
0x142: {  	v18 =	vld [tilespmem:s26+$0x120]  }
0x143: {  	v19 =	vld [tilespmem:s26+$0x130]  }
0x144: {  	v33 =	vld [tilespmem:s26+$0x140]  }
0x145: {  	v34 =	vld [tilespmem:s26+$0x150]  }
0x146: {  	v35 =	vld [tilespmem:s26+$0x160]  }
0x147: {  	v36 =	vld [tilespmem:s26+$0x170]  }
0x148: {  	v37 =	vld [tilespmem:s26+$0x180]  }
0x149: {  	v38 =	vld [tilespmem:s26+$0x190]  }
0x14a: {  	v39 =	vld [tilespmem:s26+$0x1A0]  }
0x14b: {  	v40 =	vld [tilespmem:s26+$0x1B0]  }
0x14c: {  	v41 =	vld [tilespmem:s26+$0x1C0]  }
0x14d: {  	v42 =	vld [tilespmem:s26+$0x1D0]  }
0x14e: {  	v43 =	vld [tilespmem:s26+$0x1E0]  }
0x14f: {  	v44 =	vld [tilespmem:s26+$0x1F0]  }
0x150: {  	v45 =	vld [tilespmem:s26+$0x200]  }
0x151: {  	v46 =	vld [tilespmem:s26+$0x210]  }
0x152: {  	v47 =	vld [tilespmem:s26+$0x220]  }
0x153: {  	v48 =	vld [tilespmem:s26+$0x230]  }
0x154: {  	v49 =	vld [tilespmem:s26+$0x240]  }
0x155: {  	v50 =	vld [tilespmem:s26+$0x250]  }
0x156: {  	v51 =	vld [tilespmem:s26+$0x260]  }
0x157: {  	v52 =	vld [tilespmem:s26+$0x270]  }
0x158: {  	v53 =	vld [tilespmem:s26+$0x280]  }
0x159: {  	v54 =	vld [tilespmem:s26+$0x290]  }
0x15a: {  	v55 =	vld [tilespmem:s26+$0x2A0]  }
0x15b: {  	v56 =	vld [tilespmem:s26+$0x2B0]  }
0x15c: {  	v57 =	vld [tilespmem:s26+$0x2C0]  }
0x15d: {  	v58 =	vld [tilespmem:s26+$0x300]  }
0x15e: {  	v59 =	vld [tilespmem:s26+$0x310]  }
0x15f: {  	v60 =	vld [tilespmem:s26+$0x380]  }
0x160: {  	v61 =	vld [tilespmem:s26+$0x390]  }
0x161: {  	v62 =	vld [tilespmem:s26+$0x2D0]  }
0x162: {  	v63 =	vld [tilespmem:s26+$0x320]  }
0x163: {  	v0 =	vadd.s32 v0, v1;
	v1 =	vadd.s32 v8, v9;
	v8 =	vld [tilespmem:s26+$0x3A0]  }
0x164: {  	v9 =	vadd.s32 v16, v17;
	v16 =	vadd.s32 v37, v38;
	v17 =	vadd.s32 v45, v46;
	v37 =	vld [tilespmem:s26+$0x2E0]  }
0x165: {  	v38 =	vadd.s32 v53, v54;
	v45 =	vadd.s32 v58, v59;
	v46 =	vadd.s32 v60, v61;
	v53 =	vld [tilespmem:s26+$0x330]  }
0x166: {  	v54 =	vld [tilespmem:s26+$0x340];
	v0 =	vadd.s32 v2, v0;
	v1 =	vadd.s32 v10, v1;
	v58 =	vadd.s32 v18, v9  }
0x167: {  	v9 =	vld [tilespmem:s26+$0x3B0];
	v59 =	vadd.s32 v39, v16;
	v60 =	vadd.s32 v47, v17;
	v61 =	vadd.s32 v55, v38  }
0x168: {  	v18 =	vld [tilespmem:s26+$0x2F0];
	v47 =	vadd.s32 v63, v45;
	v0 =	vadd.s32 v3, v0;
	v1 =	vadd.s32 v11, v1  }
0x169: {  	v55 =	vld [tilespmem:s26+$0x3C0];
	v2 =	vadd.s32 v19, v58;
	v10 =	vadd.s32 v40, v59;
	v16 =	vadd.s32 v48, v60  }
0x16a: {  	v63 =	vld [tilespmem:s26+$0x370];
	v17 =	vadd.s32 v56, v61;
	v0 =	vadd.s32 v4, v0;
	v1 =	vadd.s32 v12, v1  }
0x16b: {  	v39 =	vld [tilespmem:s26+$0x3D0];
	v2 =	vadd.s32 v33, v2;
	v60 =	vadd.s32 v41, v10;
	v61 =	vadd.s32 v49, v16  }
0x16c: {  	v58 =	vld [tilespmem:s26+$0x350];
	v33 =	vadd.s32 v57, v17;
	v0 =	vadd.s32 v5, v0;
	v1 =	vadd.s32 v13, v1  }
0x16d: {  	v59 =	vld [tilespmem:s26+$0x360];
	v2 =	vadd.s32 v34, v2;
	v8 =	vadd.s32 v8, v46;
	v19 =	vadd.s32 v53, v47  }
0x16e: {  	v40 =	vld [tilespmem:s26+$0x3E0];
	v0 =	vadd.s32 v6, v0;
	v1 =	vadd.s32 v14, v1;
	v2 =	vadd.s32 v35, v2  }
0x16f: {  	v48 =	vld [tilespmem:$0x1FFD0];
	v8 =	vadd.s32 v9, v8;
	v3 =	vadd.s32 v54, v19;
	v0 =	vadd.s32 v7, v0  }
0x170: {  	v41 =	vld [tilespmem:s26+$0x3F0];
	v9 =	vadd.s32 v42, v60;
	v1 =	vadd.s32 v15, v1;
	v42 =	vadd.s32 v50, v61;
	[tilespmem:$0x8388] =	vst v0  }
0x171: {  	v2 =	vadd.s32 v36, v2;
	v8 =	vadd.s32 v55, v8;
	v9 =	vadd.s32 v43, v9;
	[tilespmem:$0x8399] =	vst v1  }
0x172: {  	v43 =	vadd.s32 v62, v33;
	v0 =	vadd.s32 v51, v42;
	[tilespmem:$0x83AA] =	vst v2;
	v9 =	vadd.s32 v44, v9  }
0x173: {  	v45 =	vadd.s32 v58, v3;
	v1 =	vadd.s32 v37, v43;
	v0 =	vadd.s32 v52, v0;
	[tilespmem:$0x83BB] =	vst v9  }
0x174: {  	v46 =	vadd.s32 v39, v8;
	v2 =	vadd.s32 v59, v45;
	v1 =	vadd.s32 v18, v1;
	[tilespmem:$0x83CC] =	vst v0  }
0x175: {  	v47 =	vadd.s32 v40, v46;
	v2 =	vadd.s32 v63, v2;
	[tilespmem:$0x83DD] =	vst v1  }
0x176: {  	v60 =	vld [tilespmem:$0x1FFE0];
	v0 =	vadd.s32 v41, v47;
	[tilespmem:$0x83EE] =	vst v2  }
0x177: {  	v61 =	vld [tilespmem:$0x1FFF0];
	[tilespmem:$0x83FF] =	vst v0  }
0x178: {  	v0 =	vld.idx.msk [tilespmem:v48+s16+$0x0], $0xffff  }
0x179: {  	v1 =	vld.idx.msk [tilespmem:v21+s16+$0x0], $0xffff  }
0x17a: {  	v2 =	vld.idx.msk [tilespmem:v22+s16+$0x0], $0xffff  }
0x17b: {  	v49 =	vld.idx.msk [tilespmem:v23+s16+$0x0], $0xffff  }
0x17c: {  	v50 =	vld.idx.msk [tilespmem:v24+s16+$0x0], $0xffff  }
0x17d: {  	v51 =	vld.idx.msk [tilespmem:v25+s16+$0x0], $0xffff  }
0x17e: {  	v52 =	vld.idx.msk [tilespmem:v26+s16+$0x0], $0xffff;
	v0 =	vadd.s32 v0, v1  }
0x17f: {  	v53 =	vld.idx.msk [tilespmem:v27+s16+$0x0], $0xffff;
	v0 =	vadd.s32 v2, v0  }
0x180: {  	v54 =	vld.idx.msk [tilespmem:v28+s16+$0x0], $0xffff;
	v0 =	vadd.s32 v49, v0  }
0x181: {  	v55 =	vld.idx.msk [tilespmem:v29+s16+$0x0], $0xffff;
	v0 =	vadd.s32 v50, v0  }
0x182: {  	v56 =	vld.idx.msk [tilespmem:v30+s16+$0x0], $0xffff;
	v0 =	vadd.s32 v51, v0  }
0x183: {  	v57 =	vld.idx.msk [tilespmem:v31+s16+$0x0], $0xffff;
	v0 =	vadd.s32 v52, v0  }
0x184: {  	v58 =	vld.idx.msk [tilespmem:v32+s16+$0x0], $0xffff;
	v0 =	vadd.s32 v53, v0  }
0x185: {  	v59 =	vld.idx.msk [tilespmem:v20+s16+$0x0], $0xffff;
	v0 =	vadd.s32 v54, v0  }
0x186: {  	v4 =	vld.idx.msk [tilespmem:v60+s16+$0x0], $0xffff;
	v0 =	vadd.s32 v55, v0  }
0x187: {  	v5 =	vld.idx.msk [tilespmem:v61+s16+$0x0], $0xffff;
	v0 =	vadd.s32 v56, v0  }
0x188: {  	v62 =	vld [tilespmem:$0x1FFC0];
	v0 =	vadd.s32 v57, v0  }
0x189: {  	v63 =	vld [tilespmem:$0x1FFB0];
	v0 =	vadd.s32 v58, v0  }
0x18a: {  	p0 =	sne.s32 s25, $0x1C0;
	v0 =	vadd.s32 v59, v0  }
.Ltmp1:
0x18b: {  	v0 =	vadd.s32 v4, v0;
	(pc) =	sbr.rel @p0 .LBB2_4-.Ltmp1, $4  }
0x18c: {  	v0 =	vadd.s32 v5, v0  }
0x18d: {  	vm0 =	veq.s32 v0, v62  }
0x18e: {  	s28 =	sshra.s32 s25, $0x2;
	v0 =	vnsel vm0, $0xFF800000, v63  }
0x18f: {  	s25 =	sadd.s32 $0x40, s25;
	s26 =	sadd.s32 $0x800, s26;
	[tilespmem:s28+$0x8080] =	vst v0  }
0x190: {  	s25 =	simm.s32 $0x0  }
0x191: {  	[tilespmem:s14], [sflag:$0x2] =	stream.linear.gather [hbm4b:s8+s25], $0x4000, $0x38;
	[tilespmem:$0x8480] =	vst v63  }
0x192: {  	_ = 	snop  }
0x193: {  	[hbm4b:s9+s25] =	stream.linear.scatter [tilespmem:s20], [sflag:$0x4], $0x80, $0x38;
	[tilespmem:$0x8480] =	vst v63  }
0x194: {  	_ =	swait.ge [sflag:s17], $0x4000  }
0x195: {  	[sflag:s17] =	ssyncset.done $0x0  }
0x196: {  	s26 =	simm.s32 $0x400;
	[sflag:s17] =	ssyncadd.s32 $0xFFFFC000  }
.LBB2_6:
0x197: {  	v0 =	vld [tilespmem:s26+$0xFFFFFC00]  }
0x198: {  	v1 =	vld [tilespmem:s26+$0xFFFFFC10]  }
0x199: {  	v2 =	vld [tilespmem:s26+$0xFFFFFC20]  }
0x19a: {  	v3 =	vld [tilespmem:s26+$0xFFFFFC30]  }
0x19b: {  	v4 =	vld [tilespmem:s26+$0xFFFFFC40]  }
0x19c: {  	v5 =	vld [tilespmem:s26+$0xFFFFFC50]  }
0x19d: {  	v6 =	vld [tilespmem:s26+$0xFFFFFC60]  }
0x19e: {  	v7 =	vld [tilespmem:s26+$0xFFFFFC70]  }
0x19f: {  	v8 =	vld [tilespmem:s26+$0xFFFFFC80]  }
0x1a0: {  	v9 =	vld [tilespmem:s26+$0xFFFFFC90]  }
0x1a1: {  	v10 =	vld [tilespmem:s26+$0xFFFFFCA0]  }
0x1a2: {  	v11 =	vld [tilespmem:s26+$0xFFFFFCB0]  }
0x1a3: {  	v12 =	vld [tilespmem:s26+$0xFFFFFCC0]  }
0x1a4: {  	v13 =	vld [tilespmem:s26+$0xFFFFFCD0]  }
0x1a5: {  	v14 =	vld [tilespmem:s26+$0xFFFFFCE0]  }
0x1a6: {  	v15 =	vld [tilespmem:s26+$0xFFFFFCF0]  }
0x1a7: {  	v16 =	vld [tilespmem:s26+$0xFFFFFD00]  }
0x1a8: {  	v17 =	vld [tilespmem:s26+$0xFFFFFD10]  }
0x1a9: {  	v18 =	vld [tilespmem:s26+$0xFFFFFD20]  }
0x1aa: {  	v19 =	vld [tilespmem:s26+$0xFFFFFD30]  }
0x1ab: {  	v33 =	vld [tilespmem:s26+$0xFFFFFD40]  }
0x1ac: {  	v34 =	vld [tilespmem:s26+$0xFFFFFD50]  }
0x1ad: {  	v35 =	vld [tilespmem:s26+$0xFFFFFD60]  }
0x1ae: {  	v36 =	vld [tilespmem:s26+$0xFFFFFD70]  }
0x1af: {  	v37 =	vld [tilespmem:s26+$0xFFFFFD80]  }
0x1b0: {  	v38 =	vld [tilespmem:s26+$0xFFFFFD90]  }
0x1b1: {  	v39 =	vld [tilespmem:s26+$0xFFFFFDA0]  }
0x1b2: {  	v40 =	vld [tilespmem:s26+$0xFFFFFDB0]  }
0x1b3: {  	v41 =	vld [tilespmem:s26+$0xFFFFFDC0]  }
0x1b4: {  	v42 =	vld [tilespmem:s26+$0xFFFFFDD0]  }
0x1b5: {  	v43 =	vld [tilespmem:s26+$0xFFFFFDE0]  }
0x1b6: {  	v44 =	vld [tilespmem:s26+$0xFFFFFDF0]  }
0x1b7: {  	v45 =	vld [tilespmem:s26+$0xFFFFFE00]  }
0x1b8: {  	v46 =	vld [tilespmem:s26+$0xFFFFFE10]  }
0x1b9: {  	v47 =	vld [tilespmem:s26+$0xFFFFFE20]  }
0x1ba: {  	v48 =	vld [tilespmem:s26+$0xFFFFFE30]  }
0x1bb: {  	v49 =	vld [tilespmem:s26+$0xFFFFFE40]  }
0x1bc: {  	v50 =	vld [tilespmem:s26+$0xFFFFFE50]  }
0x1bd: {  	v51 =	vld [tilespmem:s26+$0xFFFFFE60]  }
0x1be: {  	v52 =	vld [tilespmem:s26+$0xFFFFFE70]  }
0x1bf: {  	v53 =	vld [tilespmem:s26+$0xFFFFFE80]  }
0x1c0: {  	v54 =	vld [tilespmem:s26+$0xFFFFFE90]  }
0x1c1: {  	v55 =	vld [tilespmem:s26+$0xFFFFFEA0]  }
0x1c2: {  	v56 =	vld [tilespmem:s26+$0xFFFFFEB0]  }
0x1c3: {  	v58 =	vld [tilespmem:s26+$0xFFFFFF00]  }
0x1c4: {  	v59 =	vld [tilespmem:s26+$0xFFFFFF10]  }
0x1c5: {  	v60 =	vld [tilespmem:s26+$0xFFFFFF80]  }
0x1c6: {  	v61 =	vld [tilespmem:s26+$0xFFFFFF90]  }
0x1c7: {  	v57 =	vld [tilespmem:s26+$0xFFFFFEC0]  }
0x1c8: {  	v62 =	vld [tilespmem:s26+$0xFFFFFED0]  }
0x1c9: {  	v63 =	vld [tilespmem:s26+$0xFFFFFF20];
	v0 =	vadd.s32 v0, v1;
	v8 =	vadd.s32 v8, v9  }
0x1ca: {  	v1 =	vld [tilespmem:s26+$0xFFFFFFA0];
	v16 =	vadd.s32 v16, v17;
	v17 =	vadd.s32 v37, v38;
	v37 =	vadd.s32 v45, v46  }
0x1cb: {  	v9 =	vld [tilespmem:s26+$0xFFFFFEE0];
	v45 =	vadd.s32 v53, v54;
	v58 =	vadd.s32 v58, v59;
	v59 =	vadd.s32 v60, v61  }
0x1cc: {  	v38 =	vld [tilespmem:s26+$0xFFFFFF30];
	v0 =	vadd.s32 v2, v0;
	v2 =	vadd.s32 v10, v8;
	v60 =	vadd.s32 v18, v16  }
0x1cd: {  	v54 =	vld [tilespmem:s26+$0xFFFFFFB0];
	v61 =	vadd.s32 v39, v17;
	v47 =	vadd.s32 v47, v37;
	v18 =	vadd.s32 v55, v45  }
0x1ce: {  	v46 =	vld [tilespmem:s26+$0xFFFFFFE0];
	v58 =	vadd.s32 v63, v58;
	v0 =	vadd.s32 v3, v0;
	v2 =	vadd.s32 v11, v2  }
0x1cf: {  	v10 =	vld [tilespmem:s26+$0xFFFFFEF0];
	v8 =	vadd.s32 v19, v60;
	v60 =	vadd.s32 v40, v61;
	v17 =	vadd.s32 v48, v47  }
0x1d0: {  	v55 =	vld [tilespmem:s26+$0xFFFFFF40];
	v18 =	vadd.s32 v56, v18;
	v0 =	vadd.s32 v4, v0;
	v2 =	vadd.s32 v12, v2  }
0x1d1: {  	v63 =	vld [tilespmem:s26+$0xFFFFFF60];
	v8 =	vadd.s32 v33, v8;
	v11 =	vadd.s32 v41, v60;
	v41 =	vadd.s32 v49, v17  }
0x1d2: {  	v45 =	vld [tilespmem:s26+$0xFFFFFFD0];
	v18 =	vadd.s32 v57, v18;
	v0 =	vadd.s32 v5, v0;
	v2 =	vadd.s32 v13, v2  }
0x1d3: {  	v61 =	vld [tilespmem:s26+$0xFFFFFF50];
	v48 =	vadd.s32 v34, v8;
	v49 =	vadd.s32 v42, v11;
	v53 =	vadd.s32 v50, v41  }
0x1d4: {  	v1 =	vadd.s32 v1, v59;
	v59 =	vld [tilespmem:s26+$0xFFFFFFC0];
	v19 =	vadd.s32 v38, v58;
	v0 =	vadd.s32 v6, v0  }
0x1d5: {  	v40 =	vld [tilespmem:s26+$0xFFFFFF70];
	v2 =	vadd.s32 v14, v2;
	v6 =	vadd.s32 v35, v48;
	v0 =	vadd.s32 v7, v0  }
0x1d6: {  	v47 =	vld [tilespmem:s26+$0xFFFFFFF0];
	v1 =	vadd.s32 v54, v1;
	v19 =	vadd.s32 v55, v19;
	v2 =	vadd.s32 v15, v2;
	[tilespmem:$0x8300] =	vst v0  }
0x1d7: {  	v7 =	vadd.s32 v43, v49;
	v6 =	vadd.s32 v36, v6;
	v54 =	vadd.s32 v62, v18;
	[tilespmem:$0x8311] =	vst v2  }
0x1d8: {  	v0 =	vadd.s32 v51, v53;
	v7 =	vadd.s32 v44, v7;
	[tilespmem:$0x8322] =	vst v6;
	v55 =	vadd.s32 v61, v19  }
0x1d9: {  	v2 =	vadd.s32 v9, v54;
	v0 =	vadd.s32 v52, v0;
	[tilespmem:$0x8333] =	vst v7;
	v1 =	vadd.s32 v59, v1  }
0x1da: {  	v6 =	vadd.s32 v63, v55;
	v2 =	vadd.s32 v10, v2;
	[tilespmem:$0x8344] =	vst v0;
	v1 =	vadd.s32 v45, v1  }
0x1db: {  	v57 =	vadd.s32 v40, v6;
	[tilespmem:$0x8355] =	vst v2;
	v56 =	vadd.s32 v46, v1  }
0x1dc: {  	[tilespmem:$0x8366] =	vst v57;
	v0 =	vadd.s32 v47, v56  }
0x1dd: {  	[tilespmem:$0x8377] =	vst v0  }
0x1de: {  	v0 =	vld [tilespmem:s26+$0x0]  }
0x1df: {  	v1 =	vld [tilespmem:s26+$0x10]  }
0x1e0: {  	v2 =	vld [tilespmem:s26+$0x20]  }
0x1e1: {  	v3 =	vld [tilespmem:s26+$0x30]  }
0x1e2: {  	v4 =	vld [tilespmem:s26+$0x40]  }
0x1e3: {  	v5 =	vld [tilespmem:s26+$0x50]  }
0x1e4: {  	v6 =	vld [tilespmem:s26+$0x60]  }
0x1e5: {  	v7 =	vld [tilespmem:s26+$0x70]  }
0x1e6: {  	v8 =	vld [tilespmem:s26+$0x80]  }
0x1e7: {  	v9 =	vld [tilespmem:s26+$0x90]  }
0x1e8: {  	v10 =	vld [tilespmem:s26+$0xA0]  }
0x1e9: {  	v11 =	vld [tilespmem:s26+$0xB0]  }
0x1ea: {  	v12 =	vld [tilespmem:s26+$0xC0]  }
0x1eb: {  	v13 =	vld [tilespmem:s26+$0xD0]  }
0x1ec: {  	v14 =	vld [tilespmem:s26+$0xE0]  }
0x1ed: {  	v15 =	vld [tilespmem:s26+$0xF0]  }
0x1ee: {  	v16 =	vld [tilespmem:s26+$0x100]  }
0x1ef: {  	v17 =	vld [tilespmem:s26+$0x110]  }
0x1f0: {  	v18 =	vld [tilespmem:s26+$0x120]  }
0x1f1: {  	v19 =	vld [tilespmem:s26+$0x130]  }
0x1f2: {  	v33 =	vld [tilespmem:s26+$0x140]  }
0x1f3: {  	v34 =	vld [tilespmem:s26+$0x150]  }
0x1f4: {  	v35 =	vld [tilespmem:s26+$0x160]  }
0x1f5: {  	v36 =	vld [tilespmem:s26+$0x170]  }
0x1f6: {  	v37 =	vld [tilespmem:s26+$0x180]  }
0x1f7: {  	v38 =	vld [tilespmem:s26+$0x190]  }
0x1f8: {  	v39 =	vld [tilespmem:s26+$0x1A0]  }
0x1f9: {  	v40 =	vld [tilespmem:s26+$0x1B0]  }
0x1fa: {  	v41 =	vld [tilespmem:s26+$0x1C0]  }
0x1fb: {  	v42 =	vld [tilespmem:s26+$0x1D0]  }
0x1fc: {  	v43 =	vld [tilespmem:s26+$0x1E0]  }
0x1fd: {  	v44 =	vld [tilespmem:s26+$0x1F0]  }
0x1fe: {  	v45 =	vld [tilespmem:s26+$0x200]  }
0x1ff: {  	v46 =	vld [tilespmem:s26+$0x210]  }
0x200: {  	v47 =	vld [tilespmem:s26+$0x220]  }
0x201: {  	v48 =	vld [tilespmem:s26+$0x230]  }
0x202: {  	v49 =	vld [tilespmem:s26+$0x240]  }
0x203: {  	v50 =	vld [tilespmem:s26+$0x250]  }
0x204: {  	v51 =	vld [tilespmem:s26+$0x260]  }
0x205: {  	v52 =	vld [tilespmem:s26+$0x270]  }
0x206: {  	v53 =	vld [tilespmem:s26+$0x280]  }
0x207: {  	v54 =	vld [tilespmem:s26+$0x290]  }
0x208: {  	v55 =	vld [tilespmem:s26+$0x2A0]  }
0x209: {  	v56 =	vld [tilespmem:s26+$0x2B0]  }
0x20a: {  	v57 =	vld [tilespmem:s26+$0x2C0]  }
0x20b: {  	v58 =	vld [tilespmem:s26+$0x300]  }
0x20c: {  	v59 =	vld [tilespmem:s26+$0x310]  }
0x20d: {  	v60 =	vld [tilespmem:s26+$0x380]  }
0x20e: {  	v61 =	vld [tilespmem:s26+$0x390]  }
0x20f: {  	v62 =	vld [tilespmem:s26+$0x2D0]  }
0x210: {  	v63 =	vld [tilespmem:s26+$0x320]  }
0x211: {  	v0 =	vadd.s32 v0, v1;
	v1 =	vadd.s32 v8, v9;
	v8 =	vld [tilespmem:s26+$0x3A0]  }
0x212: {  	v9 =	vadd.s32 v16, v17;
	v16 =	vadd.s32 v37, v38;
	v17 =	vadd.s32 v45, v46;
	v37 =	vld [tilespmem:s26+$0x2E0]  }
0x213: {  	v38 =	vadd.s32 v53, v54;
	v45 =	vadd.s32 v58, v59;
	v46 =	vadd.s32 v60, v61;
	v53 =	vld [tilespmem:s26+$0x330]  }
0x214: {  	v54 =	vld [tilespmem:s26+$0x340];
	v0 =	vadd.s32 v2, v0;
	v1 =	vadd.s32 v10, v1;
	v58 =	vadd.s32 v18, v9  }
0x215: {  	v9 =	vld [tilespmem:s26+$0x3B0];
	v59 =	vadd.s32 v39, v16;
	v60 =	vadd.s32 v47, v17;
	v61 =	vadd.s32 v55, v38  }
0x216: {  	v18 =	vld [tilespmem:s26+$0x2F0];
	v47 =	vadd.s32 v63, v45;
	v0 =	vadd.s32 v3, v0;
	v1 =	vadd.s32 v11, v1  }
0x217: {  	v55 =	vld [tilespmem:s26+$0x3C0];
	v2 =	vadd.s32 v19, v58;
	v10 =	vadd.s32 v40, v59;
	v16 =	vadd.s32 v48, v60  }
0x218: {  	v63 =	vld [tilespmem:s26+$0x370];
	v17 =	vadd.s32 v56, v61;
	v0 =	vadd.s32 v4, v0;
	v1 =	vadd.s32 v12, v1  }
0x219: {  	v39 =	vld [tilespmem:s26+$0x3D0];
	v2 =	vadd.s32 v33, v2;
	v60 =	vadd.s32 v41, v10;
	v61 =	vadd.s32 v49, v16  }
0x21a: {  	v58 =	vld [tilespmem:s26+$0x350];
	v33 =	vadd.s32 v57, v17;
	v0 =	vadd.s32 v5, v0;
	v1 =	vadd.s32 v13, v1  }
0x21b: {  	v59 =	vld [tilespmem:s26+$0x360];
	v2 =	vadd.s32 v34, v2;
	v8 =	vadd.s32 v8, v46;
	v19 =	vadd.s32 v53, v47  }
0x21c: {  	v40 =	vld [tilespmem:s26+$0x3E0];
	v0 =	vadd.s32 v6, v0;
	v1 =	vadd.s32 v14, v1;
	v2 =	vadd.s32 v35, v2  }
0x21d: {  	v48 =	vld [tilespmem:$0x1FFD0];
	v8 =	vadd.s32 v9, v8;
	v3 =	vadd.s32 v54, v19;
	v0 =	vadd.s32 v7, v0  }
0x21e: {  	v41 =	vld [tilespmem:s26+$0x3F0];
	v9 =	vadd.s32 v42, v60;
	v1 =	vadd.s32 v15, v1;
	v42 =	vadd.s32 v50, v61;
	[tilespmem:$0x8388] =	vst v0  }
0x21f: {  	v2 =	vadd.s32 v36, v2;
	v8 =	vadd.s32 v55, v8;
	v9 =	vadd.s32 v43, v9;
	[tilespmem:$0x8399] =	vst v1  }
0x220: {  	v43 =	vadd.s32 v62, v33;
	v0 =	vadd.s32 v51, v42;
	[tilespmem:$0x83AA] =	vst v2;
	v9 =	vadd.s32 v44, v9  }
0x221: {  	v45 =	vadd.s32 v58, v3;
	v1 =	vadd.s32 v37, v43;
	v0 =	vadd.s32 v52, v0;
	[tilespmem:$0x83BB] =	vst v9  }
0x222: {  	v46 =	vadd.s32 v39, v8;
	v2 =	vadd.s32 v59, v45;
	v1 =	vadd.s32 v18, v1;
	[tilespmem:$0x83CC] =	vst v0  }
0x223: {  	v47 =	vadd.s32 v40, v46;
	v2 =	vadd.s32 v63, v2;
	[tilespmem:$0x83DD] =	vst v1  }
0x224: {  	v60 =	vld [tilespmem:$0x1FFE0];
	v0 =	vadd.s32 v41, v47;
	[tilespmem:$0x83EE] =	vst v2  }
0x225: {  	v61 =	vld [tilespmem:$0x1FFF0];
	[tilespmem:$0x83FF] =	vst v0  }
0x226: {  	v0 =	vld.idx.msk [tilespmem:v48+s16+$0x0], $0xffff  }
0x227: {  	v1 =	vld.idx.msk [tilespmem:v21+s16+$0x0], $0xffff  }
0x228: {  	v2 =	vld.idx.msk [tilespmem:v22+s16+$0x0], $0xffff  }
0x229: {  	v49 =	vld.idx.msk [tilespmem:v23+s16+$0x0], $0xffff  }
0x22a: {  	v50 =	vld.idx.msk [tilespmem:v24+s16+$0x0], $0xffff  }
0x22b: {  	v51 =	vld.idx.msk [tilespmem:v25+s16+$0x0], $0xffff  }
0x22c: {  	v52 =	vld.idx.msk [tilespmem:v26+s16+$0x0], $0xffff;
	v0 =	vadd.s32 v0, v1  }
0x22d: {  	v53 =	vld.idx.msk [tilespmem:v27+s16+$0x0], $0xffff;
	v0 =	vadd.s32 v2, v0  }
0x22e: {  	v54 =	vld.idx.msk [tilespmem:v28+s16+$0x0], $0xffff;
	v0 =	vadd.s32 v49, v0  }
0x22f: {  	v55 =	vld.idx.msk [tilespmem:v29+s16+$0x0], $0xffff;
	v0 =	vadd.s32 v50, v0  }
0x230: {  	v56 =	vld.idx.msk [tilespmem:v30+s16+$0x0], $0xffff;
	v0 =	vadd.s32 v51, v0  }
0x231: {  	v57 =	vld.idx.msk [tilespmem:v31+s16+$0x0], $0xffff;
	v0 =	vadd.s32 v52, v0  }
0x232: {  	v58 =	vld.idx.msk [tilespmem:v32+s16+$0x0], $0xffff;
	v0 =	vadd.s32 v53, v0  }
0x233: {  	v59 =	vld.idx.msk [tilespmem:v20+s16+$0x0], $0xffff;
	v0 =	vadd.s32 v54, v0  }
0x234: {  	v4 =	vld.idx.msk [tilespmem:v60+s16+$0x0], $0xffff;
	v0 =	vadd.s32 v55, v0  }
0x235: {  	v5 =	vld.idx.msk [tilespmem:v61+s16+$0x0], $0xffff;
	v0 =	vadd.s32 v56, v0  }
0x236: {  	v62 =	vld [tilespmem:$0x1FFC0];
	v0 =	vadd.s32 v57, v0  }
0x237: {  	v63 =	vld [tilespmem:$0x1FFB0];
	v0 =	vadd.s32 v58, v0  }
0x238: {  	p0 =	sne.s32 s25, $0x1C0;
	v0 =	vadd.s32 v59, v0  }
.Ltmp2:
0x239: {  	v0 =	vadd.s32 v4, v0;
	(pc) =	sbr.rel @p0 .LBB2_6-.Ltmp2, $4  }
0x23a: {  	v0 =	vadd.s32 v5, v0  }
0x23b: {  	vm0 =	veq.s32 v0, v62  }
0x23c: {  	s28 =	sshra.s32 s25, $0x2;
	v0 =	vnsel vm0, $0xFF800000, v63  }
0x23d: {  	s25 =	sadd.s32 $0x40, s25;
	s26 =	sadd.s32 $0x800, s26;
	[tilespmem:s28+$0x8100] =	vst v0  }
0x23e: {  	s25 =	simm.s32 $0x0  }
0x23f: {  	[hbm4b:s10+s25] =	stream.linear.scatter [tilespmem:s21], [sflag:$0x4], $0x80, $0x38;
	[tilespmem:$0x8480] =	vst v63  }
0x240: {  	_ =	swait.ge [sflag:s19], $0x4000  }
0x241: {  	[sflag:s19] =	ssyncset.done $0x0  }
0x242: {  	s26 =	simm.s32 $0x4400;
	[sflag:s19] =	ssyncadd.s32 $0xFFFFC000  }
.LBB2_8:
0x243: {  	v0 =	vld [tilespmem:s26+$0xFFFFFC00]  }
0x244: {  	v1 =	vld [tilespmem:s26+$0xFFFFFC10]  }
0x245: {  	v2 =	vld [tilespmem:s26+$0xFFFFFC20]  }
0x246: {  	v3 =	vld [tilespmem:s26+$0xFFFFFC30]  }
0x247: {  	v4 =	vld [tilespmem:s26+$0xFFFFFC40]  }
0x248: {  	v5 =	vld [tilespmem:s26+$0xFFFFFC50]  }
0x249: {  	v6 =	vld [tilespmem:s26+$0xFFFFFC60]  }
0x24a: {  	v7 =	vld [tilespmem:s26+$0xFFFFFC70]  }
0x24b: {  	v8 =	vld [tilespmem:s26+$0xFFFFFC80]  }
0x24c: {  	v9 =	vld [tilespmem:s26+$0xFFFFFC90]  }
0x24d: {  	v10 =	vld [tilespmem:s26+$0xFFFFFCA0]  }
0x24e: {  	v11 =	vld [tilespmem:s26+$0xFFFFFCB0]  }
0x24f: {  	v12 =	vld [tilespmem:s26+$0xFFFFFCC0]  }
0x250: {  	v13 =	vld [tilespmem:s26+$0xFFFFFCD0]  }
0x251: {  	v14 =	vld [tilespmem:s26+$0xFFFFFCE0]  }
0x252: {  	v15 =	vld [tilespmem:s26+$0xFFFFFCF0]  }
0x253: {  	v16 =	vld [tilespmem:s26+$0xFFFFFD00]  }
0x254: {  	v17 =	vld [tilespmem:s26+$0xFFFFFD10]  }
0x255: {  	v18 =	vld [tilespmem:s26+$0xFFFFFD20]  }
0x256: {  	v19 =	vld [tilespmem:s26+$0xFFFFFD30]  }
0x257: {  	v33 =	vld [tilespmem:s26+$0xFFFFFD40]  }
0x258: {  	v34 =	vld [tilespmem:s26+$0xFFFFFD50]  }
0x259: {  	v35 =	vld [tilespmem:s26+$0xFFFFFD60]  }
0x25a: {  	v36 =	vld [tilespmem:s26+$0xFFFFFD70]  }
0x25b: {  	v37 =	vld [tilespmem:s26+$0xFFFFFD80]  }
0x25c: {  	v38 =	vld [tilespmem:s26+$0xFFFFFD90]  }
0x25d: {  	v39 =	vld [tilespmem:s26+$0xFFFFFDA0]  }
0x25e: {  	v40 =	vld [tilespmem:s26+$0xFFFFFDB0]  }
0x25f: {  	v41 =	vld [tilespmem:s26+$0xFFFFFDC0]  }
0x260: {  	v42 =	vld [tilespmem:s26+$0xFFFFFDD0]  }
0x261: {  	v43 =	vld [tilespmem:s26+$0xFFFFFDE0]  }
0x262: {  	v44 =	vld [tilespmem:s26+$0xFFFFFDF0]  }
0x263: {  	v45 =	vld [tilespmem:s26+$0xFFFFFE00]  }
0x264: {  	v46 =	vld [tilespmem:s26+$0xFFFFFE10]  }
0x265: {  	v47 =	vld [tilespmem:s26+$0xFFFFFE20]  }
0x266: {  	v48 =	vld [tilespmem:s26+$0xFFFFFE30]  }
0x267: {  	v49 =	vld [tilespmem:s26+$0xFFFFFE40]  }
0x268: {  	v50 =	vld [tilespmem:s26+$0xFFFFFE50]  }
0x269: {  	v51 =	vld [tilespmem:s26+$0xFFFFFE60]  }
0x26a: {  	v52 =	vld [tilespmem:s26+$0xFFFFFE70]  }
0x26b: {  	v53 =	vld [tilespmem:s26+$0xFFFFFE80]  }
0x26c: {  	v54 =	vld [tilespmem:s26+$0xFFFFFE90]  }
0x26d: {  	v55 =	vld [tilespmem:s26+$0xFFFFFEA0]  }
0x26e: {  	v56 =	vld [tilespmem:s26+$0xFFFFFEB0]  }
0x26f: {  	v58 =	vld [tilespmem:s26+$0xFFFFFF00]  }
0x270: {  	v59 =	vld [tilespmem:s26+$0xFFFFFF10]  }
0x271: {  	v60 =	vld [tilespmem:s26+$0xFFFFFF80]  }
0x272: {  	v61 =	vld [tilespmem:s26+$0xFFFFFF90]  }
0x273: {  	v57 =	vld [tilespmem:s26+$0xFFFFFEC0]  }
0x274: {  	v62 =	vld [tilespmem:s26+$0xFFFFFED0]  }
0x275: {  	v63 =	vld [tilespmem:s26+$0xFFFFFF20];
	v0 =	vadd.s32 v0, v1;
	v8 =	vadd.s32 v8, v9  }
0x276: {  	v1 =	vld [tilespmem:s26+$0xFFFFFFA0];
	v16 =	vadd.s32 v16, v17;
	v17 =	vadd.s32 v37, v38;
	v37 =	vadd.s32 v45, v46  }
0x277: {  	v9 =	vld [tilespmem:s26+$0xFFFFFEE0];
	v45 =	vadd.s32 v53, v54;
	v58 =	vadd.s32 v58, v59;
	v59 =	vadd.s32 v60, v61  }
0x278: {  	v38 =	vld [tilespmem:s26+$0xFFFFFF30];
	v0 =	vadd.s32 v2, v0;
	v2 =	vadd.s32 v10, v8;
	v60 =	vadd.s32 v18, v16  }
0x279: {  	v54 =	vld [tilespmem:s26+$0xFFFFFFB0];
	v61 =	vadd.s32 v39, v17;
	v47 =	vadd.s32 v47, v37;
	v18 =	vadd.s32 v55, v45  }
0x27a: {  	v46 =	vld [tilespmem:s26+$0xFFFFFFE0];
	v58 =	vadd.s32 v63, v58;
	v0 =	vadd.s32 v3, v0;
	v2 =	vadd.s32 v11, v2  }
0x27b: {  	v10 =	vld [tilespmem:s26+$0xFFFFFEF0];
	v8 =	vadd.s32 v19, v60;
	v60 =	vadd.s32 v40, v61;
	v17 =	vadd.s32 v48, v47  }
0x27c: {  	v55 =	vld [tilespmem:s26+$0xFFFFFF40];
	v18 =	vadd.s32 v56, v18;
	v0 =	vadd.s32 v4, v0;
	v2 =	vadd.s32 v12, v2  }
0x27d: {  	v63 =	vld [tilespmem:s26+$0xFFFFFF60];
	v8 =	vadd.s32 v33, v8;
	v11 =	vadd.s32 v41, v60;
	v41 =	vadd.s32 v49, v17  }
0x27e: {  	v45 =	vld [tilespmem:s26+$0xFFFFFFD0];
	v18 =	vadd.s32 v57, v18;
	v0 =	vadd.s32 v5, v0;
	v2 =	vadd.s32 v13, v2  }
0x27f: {  	v61 =	vld [tilespmem:s26+$0xFFFFFF50];
	v48 =	vadd.s32 v34, v8;
	v49 =	vadd.s32 v42, v11;
	v53 =	vadd.s32 v50, v41  }
0x280: {  	v1 =	vadd.s32 v1, v59;
	v59 =	vld [tilespmem:s26+$0xFFFFFFC0];
	v19 =	vadd.s32 v38, v58;
	v0 =	vadd.s32 v6, v0  }
0x281: {  	v40 =	vld [tilespmem:s26+$0xFFFFFF70];
	v2 =	vadd.s32 v14, v2;
	v6 =	vadd.s32 v35, v48;
	v0 =	vadd.s32 v7, v0  }
0x282: {  	v47 =	vld [tilespmem:s26+$0xFFFFFFF0];
	v1 =	vadd.s32 v54, v1;
	v19 =	vadd.s32 v55, v19;
	v2 =	vadd.s32 v15, v2;
	[tilespmem:$0x8300] =	vst v0  }
0x283: {  	v7 =	vadd.s32 v43, v49;
	v6 =	vadd.s32 v36, v6;
	v54 =	vadd.s32 v62, v18;
	[tilespmem:$0x8311] =	vst v2  }
0x284: {  	v0 =	vadd.s32 v51, v53;
	v7 =	vadd.s32 v44, v7;
	[tilespmem:$0x8322] =	vst v6;
	v55 =	vadd.s32 v61, v19  }
0x285: {  	v2 =	vadd.s32 v9, v54;
	v0 =	vadd.s32 v52, v0;
	[tilespmem:$0x8333] =	vst v7;
	v1 =	vadd.s32 v59, v1  }
0x286: {  	v6 =	vadd.s32 v63, v55;
	v2 =	vadd.s32 v10, v2;
	[tilespmem:$0x8344] =	vst v0;
	v1 =	vadd.s32 v45, v1  }
0x287: {  	v57 =	vadd.s32 v40, v6;
	[tilespmem:$0x8355] =	vst v2;
	v56 =	vadd.s32 v46, v1  }
0x288: {  	[tilespmem:$0x8366] =	vst v57;
	v0 =	vadd.s32 v47, v56  }
0x289: {  	[tilespmem:$0x8377] =	vst v0  }
0x28a: {  	v0 =	vld [tilespmem:s26+$0x0]  }
0x28b: {  	v1 =	vld [tilespmem:s26+$0x10]  }
0x28c: {  	v2 =	vld [tilespmem:s26+$0x20]  }
0x28d: {  	v3 =	vld [tilespmem:s26+$0x30]  }
0x28e: {  	v4 =	vld [tilespmem:s26+$0x40]  }
0x28f: {  	v5 =	vld [tilespmem:s26+$0x50]  }
0x290: {  	v6 =	vld [tilespmem:s26+$0x60]  }
0x291: {  	v7 =	vld [tilespmem:s26+$0x70]  }
0x292: {  	v8 =	vld [tilespmem:s26+$0x80]  }
0x293: {  	v9 =	vld [tilespmem:s26+$0x90]  }
0x294: {  	v10 =	vld [tilespmem:s26+$0xA0]  }
0x295: {  	v11 =	vld [tilespmem:s26+$0xB0]  }
0x296: {  	v12 =	vld [tilespmem:s26+$0xC0]  }
0x297: {  	v13 =	vld [tilespmem:s26+$0xD0]  }
0x298: {  	v14 =	vld [tilespmem:s26+$0xE0]  }
0x299: {  	v15 =	vld [tilespmem:s26+$0xF0]  }
0x29a: {  	v16 =	vld [tilespmem:s26+$0x100]  }
0x29b: {  	v17 =	vld [tilespmem:s26+$0x110]  }
0x29c: {  	v18 =	vld [tilespmem:s26+$0x120]  }
0x29d: {  	v19 =	vld [tilespmem:s26+$0x130]  }
0x29e: {  	v33 =	vld [tilespmem:s26+$0x140]  }
0x29f: {  	v34 =	vld [tilespmem:s26+$0x150]  }
0x2a0: {  	v35 =	vld [tilespmem:s26+$0x160]  }
0x2a1: {  	v36 =	vld [tilespmem:s26+$0x170]  }
0x2a2: {  	v37 =	vld [tilespmem:s26+$0x180]  }
0x2a3: {  	v38 =	vld [tilespmem:s26+$0x190]  }
0x2a4: {  	v39 =	vld [tilespmem:s26+$0x1A0]  }
0x2a5: {  	v40 =	vld [tilespmem:s26+$0x1B0]  }
0x2a6: {  	v41 =	vld [tilespmem:s26+$0x1C0]  }
0x2a7: {  	v42 =	vld [tilespmem:s26+$0x1D0]  }
0x2a8: {  	v43 =	vld [tilespmem:s26+$0x1E0]  }
0x2a9: {  	v44 =	vld [tilespmem:s26+$0x1F0]  }
0x2aa: {  	v45 =	vld [tilespmem:s26+$0x200]  }
0x2ab: {  	v46 =	vld [tilespmem:s26+$0x210]  }
0x2ac: {  	v47 =	vld [tilespmem:s26+$0x220]  }
0x2ad: {  	v48 =	vld [tilespmem:s26+$0x230]  }
0x2ae: {  	v49 =	vld [tilespmem:s26+$0x240]  }
0x2af: {  	v50 =	vld [tilespmem:s26+$0x250]  }
0x2b0: {  	v51 =	vld [tilespmem:s26+$0x260]  }
0x2b1: {  	v52 =	vld [tilespmem:s26+$0x270]  }
0x2b2: {  	v53 =	vld [tilespmem:s26+$0x280]  }
0x2b3: {  	v54 =	vld [tilespmem:s26+$0x290]  }
0x2b4: {  	v55 =	vld [tilespmem:s26+$0x2A0]  }
0x2b5: {  	v56 =	vld [tilespmem:s26+$0x2B0]  }
0x2b6: {  	v57 =	vld [tilespmem:s26+$0x2C0]  }
0x2b7: {  	v58 =	vld [tilespmem:s26+$0x300]  }
0x2b8: {  	v59 =	vld [tilespmem:s26+$0x310]  }
0x2b9: {  	v60 =	vld [tilespmem:s26+$0x380]  }
0x2ba: {  	v61 =	vld [tilespmem:s26+$0x390]  }
0x2bb: {  	v62 =	vld [tilespmem:s26+$0x2D0]  }
0x2bc: {  	v63 =	vld [tilespmem:s26+$0x320]  }
0x2bd: {  	v0 =	vadd.s32 v0, v1;
	v1 =	vadd.s32 v8, v9;
	v8 =	vld [tilespmem:s26+$0x3A0]  }
0x2be: {  	v9 =	vadd.s32 v16, v17;
	v16 =	vadd.s32 v37, v38;
	v17 =	vadd.s32 v45, v46;
	v37 =	vld [tilespmem:s26+$0x2E0]  }
0x2bf: {  	v38 =	vadd.s32 v53, v54;
	v45 =	vadd.s32 v58, v59;
	v46 =	vadd.s32 v60, v61;
	v53 =	vld [tilespmem:s26+$0x330]  }
0x2c0: {  	v58 =	vld [tilespmem:s26+$0x3B0];
	v0 =	vadd.s32 v2, v0;
	v1 =	vadd.s32 v10, v1;
	v2 =	vadd.s32 v18, v9  }
0x2c1: {  	v54 =	vld [tilespmem:s26+$0x340];
	v59 =	vadd.s32 v39, v16;
	v60 =	vadd.s32 v47, v17;
	v61 =	vadd.s32 v55, v38  }
0x2c2: {  	v18 =	vld [tilespmem:s26+$0x2F0];
	v47 =	vadd.s32 v63, v45;
	v0 =	vadd.s32 v3, v0;
	v1 =	vadd.s32 v11, v1  }
0x2c3: {  	v55 =	vld [tilespmem:s26+$0x3C0];
	v2 =	vadd.s32 v19, v2;
	v10 =	vadd.s32 v40, v59;
	v16 =	vadd.s32 v48, v60  }
0x2c4: {  	v17 =	vadd.s32 v56, v61;
	v56 =	vld [tilespmem:s26+$0x350];
	v0 =	vadd.s32 v4, v0;
	v1 =	vadd.s32 v12, v1  }
0x2c5: {  	v61 =	vld [tilespmem:s26+$0x370];
	v2 =	vadd.s32 v33, v2;
	v59 =	vadd.s32 v41, v10;
	v60 =	vadd.s32 v49, v16  }
0x2c6: {  	v40 =	vld [tilespmem:s26+$0x3F0];
	v63 =	vadd.s32 v57, v17;
	v0 =	vadd.s32 v5, v0;
	v1 =	vadd.s32 v13, v1  }
0x2c7: {  	v48 =	vld [tilespmem:$0x1FFD0];
	v2 =	vadd.s32 v34, v2;
	v9 =	vadd.s32 v42, v59;
	v41 =	vadd.s32 v50, v60  }
0x2c8: {  	v17 =	vld [tilespmem:s26+$0x3D0];
	v42 =	vadd.s32 v62, v63;
	v8 =	vadd.s32 v8, v46;
	v0 =	vadd.s32 v6, v0  }
0x2c9: {  	v33 =	vld [tilespmem:s26+$0x3E0];
	v19 =	vadd.s32 v53, v47;
	v1 =	vadd.s32 v14, v1;
	v0 =	vadd.s32 v7, v0  }
0x2ca: {  	v2 =	vadd.s32 v35, v2;
	v8 =	vadd.s32 v58, v8;
	v58 =	vld [tilespmem:s26+$0x360];
	v1 =	vadd.s32 v15, v1;
	[tilespmem:$0x8388] =	vst v0  }
0x2cb: {  	v9 =	vadd.s32 v43, v9;
	v3 =	vadd.s32 v54, v19;
	v2 =	vadd.s32 v36, v2;
	[tilespmem:$0x8399] =	vst v1  }
0x2cc: {  	v9 =	vadd.s32 v44, v9;
	v8 =	vadd.s32 v55, v8;
	v0 =	vadd.s32 v51, v41;
	[tilespmem:$0x83AA] =	vst v2  }
0x2cd: {  	v1 =	vadd.s32 v37, v42;
	[tilespmem:$0x83BB] =	vst v9;
	v0 =	vadd.s32 v52, v0;
	v46 =	vadd.s32 v17, v8  }
0x2ce: {  	v43 =	vadd.s32 v56, v3;
	v1 =	vadd.s32 v18, v1;
	[tilespmem:$0x83CC] =	vst v0;
	v47 =	vadd.s32 v33, v46  }
0x2cf: {  	[tilespmem:$0x83DD] =	vst v1;
	v0 =	vadd.s32 v40, v47;
	v2 =	vadd.s32 v58, v43  }
0x2d0: {  	v45 =	vld [tilespmem:$0x1FFE0];
	[tilespmem:$0x83FF] =	vst v0;
	v2 =	vadd.s32 v61, v2  }
0x2d1: {  	v44 =	vld [tilespmem:$0x1FFF0];
	[tilespmem:$0x83EE] =	vst v2  }
0x2d2: {  	v0 =	vld.idx.msk [tilespmem:v48+s16+$0x0], $0xffff  }
0x2d3: {  	v1 =	vld.idx.msk [tilespmem:v21+s16+$0x0], $0xffff  }
0x2d4: {  	v2 =	vld.idx.msk [tilespmem:v22+s16+$0x0], $0xffff  }
0x2d5: {  	v49 =	vld.idx.msk [tilespmem:v23+s16+$0x0], $0xffff  }
0x2d6: {  	v50 =	vld.idx.msk [tilespmem:v24+s16+$0x0], $0xffff  }
0x2d7: {  	v51 =	vld.idx.msk [tilespmem:v25+s16+$0x0], $0xffff  }
0x2d8: {  	v52 =	vld.idx.msk [tilespmem:v26+s16+$0x0], $0xffff;
	v0 =	vadd.s32 v0, v1  }
0x2d9: {  	v53 =	vld.idx.msk [tilespmem:v27+s16+$0x0], $0xffff;
	v0 =	vadd.s32 v2, v0  }
0x2da: {  	v54 =	vld.idx.msk [tilespmem:v28+s16+$0x0], $0xffff;
	v0 =	vadd.s32 v49, v0  }
0x2db: {  	v55 =	vld.idx.msk [tilespmem:v29+s16+$0x0], $0xffff;
	v0 =	vadd.s32 v50, v0  }
0x2dc: {  	v56 =	vld.idx.msk [tilespmem:v30+s16+$0x0], $0xffff;
	v0 =	vadd.s32 v51, v0  }
0x2dd: {  	v57 =	vld.idx.msk [tilespmem:v31+s16+$0x0], $0xffff;
	v0 =	vadd.s32 v52, v0  }
0x2de: {  	v58 =	vld.idx.msk [tilespmem:v32+s16+$0x0], $0xffff;
	v0 =	vadd.s32 v53, v0  }
0x2df: {  	v59 =	vld.idx.msk [tilespmem:v20+s16+$0x0], $0xffff;
	v0 =	vadd.s32 v54, v0  }
0x2e0: {  	v60 =	vld.idx.msk [tilespmem:v45+s16+$0x0], $0xffff;
	v0 =	vadd.s32 v55, v0  }
0x2e1: {  	v61 =	vld.idx.msk [tilespmem:v44+s16+$0x0], $0xffff;
	v0 =	vadd.s32 v56, v0  }
0x2e2: {  	v62 =	vld [tilespmem:$0x1FFC0];
	v0 =	vadd.s32 v57, v0  }
0x2e3: {  	v63 =	vld [tilespmem:$0x1FFB0];
	v0 =	vadd.s32 v58, v0  }
0x2e4: {  	p0 =	sne.s32 s25, $0x1C0;
	v0 =	vadd.s32 v59, v0  }
.Ltmp3:
0x2e5: {  	v0 =	vadd.s32 v60, v0;
	(pc) =	sbr.rel @p0 .LBB2_8-.Ltmp3, $4  }
0x2e6: {  	v0 =	vadd.s32 v61, v0  }
0x2e7: {  	vm0 =	veq.s32 v0, v62  }
0x2e8: {  	s28 =	sshra.s32 s25, $0x2;
	v0 =	vnsel vm0, $0xFF800000, v63  }
0x2e9: {  	s25 =	sadd.s32 $0x40, s25;
	s26 =	sadd.s32 $0x800, s26;
	[tilespmem:s28+$0x8180] =	vst v0  }
0x2ea: {  	[hbm4b:s11+s3] =	stream.linear.scatter [tilespmem:s22], [sflag:$0x4], $0x80, $0x38;
	[tilespmem:$0x8480] =	vst v63  }
0x2eb: {  	_ =	swait.ge [sflag:s23], $0x80  }
0x2ec: {  	[sflag:s23] =	ssyncset.done $0x0  }
0x2ed: {  	[sflag:s23] =	ssyncadd.s32 $0xFFFFFF80  }
0x2ee: {  	_ =	swait.ge [sflag:s23], $0x80  }
0x2ef: {  	[sflag:s23] =	ssyncset.done $0x0  }
0x2f0: {  	s24 =	sadd.s32 $0x1, s24;
	[sflag:s23] =	ssyncadd.s32 $0xFFFFFF80  }
0x2f1: {  	p0 =	sne.s32 s24, s12;
	_ =	swait.ge [sflag:s23], $0x80  }
.Ltmp4:
0x2f2: {  	[sflag:s23] =	ssyncset.done $0x0;
	(pc) =	sbr.rel @p0 .LBB2_1-.Ltmp4, $4  }
0x2f3: {  	[sflag:s23] =	ssyncadd.s32 $0xFFFFFF80  }
0x2f4: {  	v17 =	vmov v31;
	v19 =	vmov v20;
	v11 =	vmov v25;
	_ =	swait.ge [sflag:s23], $0x80  }
0x2f5: {  	v13 =	vmovc v27;
	v14 =	vmovc v28;
	v15 =	vmov v29;
	v10 =	vmov v24;
	v16 =	vmov v30;
	[sflag:s23] =	ssyncset.done $0x0  }
0x2f6: {  	v9 =	vmovc v23;
	v8 =	vmovc v22;
	v18 =	vmov v32;
	v12 =	vmov v26;
	v7 =	vmov v21;
	[sflag:s23] =	ssyncadd.s32 $0xFFFFFF80  }
0x2f7: {  	_ =	sfence.sel $0x180000  }
0x2f8: {  	[bflag:$0x0] =	sbarrier.arrive $0xFFFF  }
0x2f9: {  	p0 =	sne.s32 s1, $0x0;
	_ =	strace $0x90000047  }
0x2fa: {  	s0 =	sadd.s32 @!p0 $0x100000, s0;
	[bflag:$0x2] =	sbarrier.arrive $0xFFFF  }
0x2fb: {  	[sflag:s0] =	ssyncadd.tile.s32 @!p0 $0x1;
	_ =	shalt  }
.Lfunc_end2:
_tile_overlayer_lowered:
.L_overlay_start_2:
0x2fc: {  	(tag) =	ssettag $0x2  }
0x2fd: {  	s0 =	rddreg [dreg:$0x0];
	s2 =	stileid.u32  }
0x2fe: {  	s1 =	rddreg [dreg:$0x1];
	p0 =	sne.s32 s2, $0x0  }
0x2ff: {  	s3 =	rddreg [dreg:$0x2];
	[bflag:$0x3] =	sbarrier.arrive $0xFFFF;
	s2 =	simm.s32 @!p0 $0x1C05  }
0x300: {  	[timem:s3], [sflag:s2] =	dma.local @!p0 [hbm:s0], s1  }
0x301: {  	s0 =	simm.s32 @!p0 $0x5  }
0x302: {  	_ =	swait.ge @!p0 [sflag:s0], s1  }
0x303: {  	s1 =	ssub.s32 @!p0 $0x0, s1;
	[sflag:s0] =	ssyncset.done @!p0 $0x0  }
0x304: {  	[sflag:s0] =	ssyncadd.s32 @!p0 s1  }
0x305: {  	[bflag:$0x3] =	sbarrier.arrive $0xFFFF  }
0x306: {  	_ =	shalt  }

</sc_bundles>
